<compile_context>
chip_gen: v7x
topology: tpu7x:2x2x1
jax: 0.10.2.dev20260603
libtpu: 0.0.44.dev20260713+nightly
codegen_flags: <defaults>
</compile_context>

<pallas_src>
import functools

import jax
import jax.numpy as jnp
from jax import lax
from jax.experimental import pallas as pl
from jax.experimental.pallas import tpu as pltpu
from jax.experimental.pallas import tpu_sc as plsc

_B, _H = 16384, 200
_HPW = 7
_ROW = _B
_OUT_ROW = 2 * _B


def _sc_kernel(x_hbm, y_hbm, f_hbm, xv0, yv0, xv1, yv1, ov, sem0, sem1):
    nc = 2
    wid = lax.axis_index("s") * nc + lax.axis_index("c")
    scale = jnp.float32(2.0 / 3.0)
    h0 = wid * _HPW
    xbufs, ybufs, sems = (xv0, xv1), (yv0, yv1), (sem0, sem1)

    def start_in(h, slot):
        cx = pltpu.make_async_copy(x_hbm.at[h], xbufs[slot], sems[slot])
        cy = pltpu.make_async_copy(y_hbm.at[h], ybufs[slot], sems[slot])
        cx.start()
        cy.start()
        return cx, cy

    def compute(slot):
        xv, yv = xbufs[slot], ybufs[slot]

        def tb_body(tb, carry):
            for j in range(8):
                b = tb * 128 + j * 16
                v = xv[pl.ds(b, 16)].astype(jnp.float32) * scale - 1.0
                ov[pl.ds(tb * 256 + j * 16, 16)] = v
            for j in range(8):
                b = tb * 128 + j * 16
                v = yv[pl.ds(b, 16)].astype(jnp.float32) * scale - 1.0
                ov[pl.ds(tb * 256 + 128 + j * 16, 16)] = v
            return carry

        lax.fori_loop(0, 128, tb_body, 0)

    @pl.when(h0 < _H)
    def _():
        pend = start_in(h0, 0)
        for i in range(_HPW):
            slot = i % 2
            h = h0 + i

            @pl.when(h < _H)
            def _(pend=pend, slot=slot, h=h):
                if i + 1 < _HPW:

                    @pl.when(h + 1 < _H)
                    def _():
                        start_in(h + 1, 1 - slot)

                pend[0].wait()
                pend[1].wait()
                compute(slot)
                pltpu.sync_copy(ov, f_hbm.at[pl.ds(h * _OUT_ROW, _OUT_ROW)])

            if i + 1 < _HPW:
                pend = (
                    pltpu.make_async_copy(x_hbm.at[h0], xbufs[1 - slot], sems[1 - slot]),
                    pltpu.make_async_copy(y_hbm.at[h0], ybufs[1 - slot], sems[1 - slot]),
                )


def _make_sc_call():
    mesh = plsc.VectorSubcoreMesh(core_axis_name="c", subcore_axis_name="s")
    return functools.partial(
        pl.kernel,
        mesh=mesh,
        out_type=jax.ShapeDtypeStruct((_H * _OUT_ROW,), jnp.float32),
        scratch_types=[
            pltpu.VMEM((_ROW,), jnp.int32),
            pltpu.VMEM((_ROW,), jnp.int32),
            pltpu.VMEM((_ROW,), jnp.int32),
            pltpu.VMEM((_ROW,), jnp.int32),
            pltpu.VMEM((_OUT_ROW,), jnp.float32),
            pltpu.SemaphoreType.DMA,
            pltpu.SemaphoreType.DMA,
        ],
    )(_sc_kernel)


def kernel(x_x, x_y):
    xt = x_x.T
    yt = x_y.T
    f1 = _make_sc_call()(xt, yt)
    f = f1.reshape(_H * 256, 128)
    cf = f.astype(jnp.complex64)
    out = cf.reshape(_H, 128, 2, 128).transpose(1, 3, 0, 2)
    return out.reshape(_B, _H, 2)

# --- scband reference (transcript-rebuilt; emitter-appended) ---
"""Pipeline reference for scband-ammodulator-17884243821058 (READ-ONLY COPY).

The authoritative reference and input builder live on the scoring server;
editing this copy changes nothing except your own understanding.
"""

import jax, jax.numpy as jnp
import numpy as np

NUM_CONSTELLATION_POINTS = 4
BATCH = 16384
HIST = 200


def setup_inputs(seed: int = 0) -> dict:
    key = jax.random.key(seed)
    k1, k2 = jax.random.split(key)
    x_x = jax.random.randint(k1, (BATCH, HIST), 0, NUM_CONSTELLATION_POINTS, dtype=jnp.int32)
    x_y = jax.random.randint(k2, (BATCH, HIST), 0, NUM_CONSTELLATION_POINTS, dtype=jnp.int32)
    return {"x_x": x_x, "x_y": x_y}


def reference(x_x, x_y):
    # levels = torch.linspace(-1, 1, num_constellation_points)
    levels = jnp.linspace(-1.0, 1.0, NUM_CONSTELLATION_POINTS, dtype=jnp.float32)
    # x_x_mod = levels[x_x.long()]  (embedding-style gather)
    x_x_mod = jnp.take(levels, x_x.astype(jnp.int32), axis=0)
    x_y_mod = jnp.take(levels, x_y.astype(jnp.int32), axis=0)
    # torch.stack((x_x_mod, x_y_mod), dim=-1).to(torch.complex64)
    out = jnp.stack((x_x_mod, x_y_mod), axis=-1).astype(jnp.complex64)
    return out

if __name__ == "__main__":
    import jax
    _d = setup_inputs()
    print(jax.jit(kernel)(*tuple(_d.values())))

</pallas_src>

<mosaic_0001>
#map = affine_map<(d0, d1) -> (0, 0)>
#map1 = affine_map<(d0, d1) -> (0)>
module attributes {stable_mosaic.version = 14 : i64} {
  func.func @_sc_kernel(%arg0: i32, %arg1: i32, %arg2: memref<200x16384xi32, #tpu.memory_space<hbm>>, %arg3: memref<200x16384xi32, #tpu.memory_space<hbm>>, %arg4: memref<6553600xf32, #tpu.memory_space<hbm>>, %arg5: memref<16384xi32, #tpu.memory_space<vmem>>, %arg6: memref<16384xi32, #tpu.memory_space<vmem>>, %arg7: memref<16384xi32, #tpu.memory_space<vmem>>, %arg8: memref<16384xi32, #tpu.memory_space<vmem>>, %arg9: memref<32768xf32, #tpu.memory_space<vmem>>, %arg10: memref<!tpu.dma_semaphore, #tpu.memory_space<semaphore_mem>>, %arg11: memref<!tpu.dma_semaphore, #tpu.memory_space<semaphore_mem>>) attributes {dimension_semantics = [#tpu.dimension_semantics<core_parallel>, #tpu.dimension_semantics<subcore_parallel>], iteration_bounds = array<i64: 2, 16>, scalar_prefetch = 0 : i64, scratch_operands = 7 : i64, tpu.core_type = #tpu.core_type<sc_vector_subcore>, window_params = [{transform_indices = #map}, {transform_indices = #map}, {transform_indices = #map1}]} {
    %mul3A = arith.constant 2 : i32
    %mul3A_0 = arith.muli %arg1, %mul3A : i32
    %add3A = arith.addi %mul3A_0, %arg0 : i32
    %mul3A_1 = arith.constant 7 : i32
    %mul3A_2 = arith.muli %add3A, %mul3A_1 : i32
    %lt3A = arith.constant 200 : i32
    %lt3A_3 = arith.cmpi slt, %mul3A_2, %lt3A : i32
    %convert_element_type3A = arith.extui %lt3A_3 : i1 to i32
    %cond3A = arith.constant 0.666666686 : f32
    %cond3A_4 = arith.constant 0 : i32
    %cond3A_5 = arith.cmpi ne, %convert_element_type3A, %cond3A_4 : i32
    scf.if %cond3A_5 {
      %dma_start3A = arith.constant 0 : i32
      %dma_start3A_6 = tpu.memref_slice %arg2[%mul3A_2, %dma_start3A] : memref<200x16384xi32, #tpu.memory_space<hbm>> -> memref<1x16384xi32, #tpu.memory_space<hbm>>
      %dma_start3A_7 = tpu.memref_squeeze %dma_start3A_6 : memref<1x16384xi32, #tpu.memory_space<hbm>> -> memref<16384xi32, #tpu.memory_space<hbm>>
      %dma_start3A_8 = arith.constant 0 : i32
      %dma_start3A_9 = tpu.memref_slice %arg2[%mul3A_2, %dma_start3A_8] : memref<200x16384xi32, #tpu.memory_space<hbm>> -> memref<1x16384xi32, #tpu.memory_space<hbm>>
      %dma_start3A_10 = tpu.memref_squeeze %dma_start3A_9 : memref<1x16384xi32, #tpu.memory_space<hbm>> -> memref<16384xi32, #tpu.memory_space<hbm>>
      tpu.enqueue_dma source(%dma_start3A_10 : memref<16384xi32, #tpu.memory_space<hbm>>) target(%arg5 : memref<16384xi32, #tpu.memory_space<vmem>>) target_semaphore(%arg10 : memref<!tpu.dma_semaphore, #tpu.memory_space<semaphore_mem>>)
      %dma_start3A_11 = arith.constant 0 : i32
      %dma_start3A_12 = tpu.memref_slice %arg3[%mul3A_2, %dma_start3A_11] : memref<200x16384xi32, #tpu.memory_space<hbm>> -> memref<1x16384xi32, #tpu.memory_space<hbm>>
      %dma_start3A_13 = tpu.memref_squeeze %dma_start3A_12 : memref<1x16384xi32, #tpu.memory_space<hbm>> -> memref<16384xi32, #tpu.memory_space<hbm>>
      %dma_start3A_14 = arith.constant 0 : i32
      %dma_start3A_15 = tpu.memref_slice %arg3[%mul3A_2, %dma_start3A_14] : memref<200x16384xi32, #tpu.memory_space<hbm>> -> memref<1x16384xi32, #tpu.memory_space<hbm>>
      %dma_start3A_16 = tpu.memref_squeeze %dma_start3A_15 : memref<1x16384xi32, #tpu.memory_space<hbm>> -> memref<16384xi32, #tpu.memory_space<hbm>>
      tpu.enqueue_dma source(%dma_start3A_16 : memref<16384xi32, #tpu.memory_space<hbm>>) target(%arg6 : memref<16384xi32, #tpu.memory_space<vmem>>) target_semaphore(%arg10 : memref<!tpu.dma_semaphore, #tpu.memory_space<semaphore_mem>>)
      %add3A_17 = arith.constant 0 : i32
      %add3A_18 = arith.addi %mul3A_2, %add3A_17 : i32
      %lt3A_19 = arith.constant 200 : i32
      %lt3A_20 = arith.cmpi slt, %add3A_18, %lt3A_19 : i32
      %convert_element_type3A_21 = arith.extui %lt3A_20 : i1 to i32
      %cond3A_22 = arith.constant 0 : i32
      %cond3A_23 = arith.cmpi ne, %convert_element_type3A_21, %cond3A_22 : i32
      scf.if %cond3A_23 {
        %add3A_66 = arith.constant 1 : i32
        %add3A_67 = arith.addi %add3A_18, %add3A_66 : i32
        %lt3A_68 = arith.constant 200 : i32
        %lt3A_69 = arith.cmpi slt, %add3A_67, %lt3A_68 : i32
        %convert_element_type3A_70 = arith.extui %lt3A_69 : i1 to i32
        %cond3A_71 = arith.constant 0 : i32
        %cond3A_72 = arith.cmpi ne, %convert_element_type3A_70, %cond3A_71 : i32
        scf.if %cond3A_72 {
          %add3A_91 = arith.constant 1 : i32
          %add3A_92 = arith.addi %add3A_18, %add3A_91 : i32
          %dma_start3A_93 = arith.constant 0 : i32
          %dma_start3A_94 = tpu.memref_slice %arg2[%add3A_92, %dma_start3A_93] : memref<200x16384xi32, #tpu.memory_space<hbm>> -> memref<1x16384xi32, #tpu.memory_space<hbm>>
          %dma_start3A_95 = tpu.memref_squeeze %dma_start3A_94 : memref<1x16384xi32, #tpu.memory_space<hbm>> -> memref<16384xi32, #tpu.memory_space<hbm>>
          %dma_start3A_96 = arith.constant 0 : i32
          %dma_start3A_97 = tpu.memref_slice %arg2[%add3A_92, %dma_start3A_96] : memref<200x16384xi32, #tpu.memory_space<hbm>> -> memref<1x16384xi32, #tpu.memory_space<hbm>>
          %dma_start3A_98 = tpu.memref_squeeze %dma_start3A_97 : memref<1x16384xi32, #tpu.memory_space<hbm>> -> memref<16384xi32, #tpu.memory_space<hbm>>
          tpu.enqueue_dma source(%dma_start3A_98 : memref<16384xi32, #tpu.memory_space<hbm>>) target(%arg7 : memref<16384xi32, #tpu.memory_space<vmem>>) target_semaphore(%arg11 : memref<!tpu.dma_semaphore, #tpu.memory_space<semaphore_mem>>)
          %dma_start3A_99 = arith.constant 0 : i32
          %dma_start3A_100 = tpu.memref_slice %arg3[%add3A_92, %dma_start3A_99] : memref<200x16384xi32, #tpu.memory_space<hbm>> -> memref<1x16384xi32, #tpu.memory_space<hbm>>
          %dma_start3A_101 = tpu.memref_squeeze %dma_start3A_100 : memref<1x16384xi32, #tpu.memory_space<hbm>> -> memref<16384xi32, #tpu.memory_space<hbm>>
          %dma_start3A_102 = arith.constant 0 : i32
          %dma_start3A_103 = tpu.memref_slice %arg3[%add3A_92, %dma_start3A_102] : memref<200x16384xi32, #tpu.memory_space<hbm>> -> memref<1x16384xi32, #tpu.memory_space<hbm>>
          %dma_start3A_104 = tpu.memref_squeeze %dma_start3A_103 : memref<1x16384xi32, #tpu.memory_space<hbm>> -> memref<16384xi32, #tpu.memory_space<hbm>>
          tpu.enqueue_dma source(%dma_start3A_104 : memref<16384xi32, #tpu.memory_space<hbm>>) target(%arg8 : memref<16384xi32, #tpu.memory_space<vmem>>) target_semaphore(%arg11 : memref<!tpu.dma_semaphore, #tpu.memory_space<semaphore_mem>>)
        } else {
        }
        %dma_wait3A = arith.constant 0 : i32
        %dma_wait3A_73 = tpu.memref_slice %arg2[%mul3A_2, %dma_wait3A] : memref<200x16384xi32, #tpu.memory_space<hbm>> -> memref<1x16384xi32, #tpu.memory_space<hbm>>
        %dma_wait3A_74 = tpu.memref_squeeze %dma_wait3A_73 : memref<1x16384xi32, #tpu.memory_space<hbm>> -> memref<16384xi32, #tpu.memory_space<hbm>>
        %dma_wait3A_75 = arith.constant 0 : i32
        %dma_wait3A_76 = tpu.memref_slice %arg2[%mul3A_2, %dma_wait3A_75] : memref<200x16384xi32, #tpu.memory_space<hbm>> -> memref<1x16384xi32, #tpu.memory_space<hbm>>
        %dma_wait3A_77 = tpu.memref_squeeze %dma_wait3A_76 : memref<1x16384xi32, #tpu.memory_space<hbm>> -> memref<16384xi32, #tpu.memory_space<hbm>>
        tpu.wait_dma2 semaphore(%arg10 : memref<!tpu.dma_semaphore, #tpu.memory_space<semaphore_mem>>) src(%dma_wait3A_77 : memref<16384xi32, #tpu.memory_space<hbm>>) dst(%arg5 : memref<16384xi32, #tpu.memory_space<vmem>>)
        %dma_wait3A_78 = arith.constant 0 : i32
        %dma_wait3A_79 = tpu.memref_slice %arg3[%mul3A_2, %dma_wait3A_78] : memref<200x16384xi32, #tpu.memory_space<hbm>> -> memref<1x16384xi32, #tpu.memory_space<hbm>>
        %dma_wait3A_80 = tpu.memref_squeeze %dma_wait3A_79 : memref<1x16384xi32, #tpu.memory_space<hbm>> -> memref<16384xi32, #tpu.memory_space<hbm>>
        %dma_wait3A_81 = arith.constant 0 : i32
        %dma_wait3A_82 = tpu.memref_slice %arg3[%mul3A_2, %dma_wait3A_81] : memref<200x16384xi32, #tpu.memory_space<hbm>> -> memref<1x16384xi32, #tpu.memory_space<hbm>>
        %dma_wait3A_83 = tpu.memref_squeeze %dma_wait3A_82 : memref<1x16384xi32, #tpu.memory_space<hbm>> -> memref<16384xi32, #tpu.memory_space<hbm>>
        tpu.wait_dma2 semaphore(%arg10 : memref<!tpu.dma_semaphore, #tpu.memory_space<semaphore_mem>>) src(%dma_wait3A_83 : memref<16384xi32, #tpu.memory_space<hbm>>) dst(%arg6 : memref<16384xi32, #tpu.memory_space<vmem>>)
        %scan3A = arith.constant 0 : i32
        %scan3A_84 = arith.constant 0 : i32
        %scan3A_85 = arith.constant 128 : i32
        %scan3A_86 = arith.addi %scan3A_84, %scan3A_85 : i32
        %scan3A_87 = arith.constant 1 : i32
        scf.for %scan3A_91 = %scan3A_84 to %scan3A_86 step %scan3A_87  : i32 {
          %mul3A_92 = arith.constant 128 : i32
          %mul3A_93 = arith.muli %scan3A_91, %mul3A_92 : i32
          %add3A_94 = arith.constant 0 : i32
          %add3A_95 = arith.addi %mul3A_93, %add3A_94 : i32
          %get3A = arith.index_cast %add3A_95 : i32 to index
          %get3A_96 = tpu.vector_load %arg5[%get3A] {strides = array<i32>} : memref<16384xi32, #tpu.memory_space<vmem>>, vector<16xi32>,
          %get3A_97 = vector.shape_cast %get3A_96 : vector<16xi32> to vector<16xi32>
          %convert_element_type3A_98 = arith.sitofp %get3A_97 : vector<16xi32> to vector<16xf32>
          %mul3A_99 = vector.broadcast %cond3A : f32 to vector<16xf32>
          %mul3A_100 = arith.mulf %convert_element_type3A_98, %mul3A_99 : vector<16xf32>
          %sub3A = arith.constant 1.000000e+00 : f32
          %sub3A_101 = vector.broadcast %sub3A : f32 to vector<16xf32>
          %sub3A_102 = arith.subf %mul3A_100, %sub3A_101 : vector<16xf32>
          %mul3A_103 = arith.constant 256 : i32
          %mul3A_104 = arith.muli %scan3A_91, %mul3A_103 : i32
          %add3A_105 = arith.constant 0 : i32
          %add3A_106 = arith.addi %mul3A_104, %add3A_105 : i32
          %swap3A = arith.index_cast %add3A_106 : i32 to index
          %swap3A_107 = tpu.vector_load %arg9[%swap3A] {strides = array<i32>} : memref<32768xf32, #tpu.memory_space<vmem>>, vector<16xf32>,
          %swap3A_108 = vector.shape_cast %swap3A_107 : vector<16xf32> to vector<16xf32>
          %swap3A_109 = vector.shape_cast %sub3A_102 : vector<16xf32> to vector<16xf32>
          tpu.vector_store %arg9[%swap3A], %swap3A_109 {strides = array<i32>} : memref<32768xf32, #tpu.memory_space<vmem>>, vector<16xf32>,
          %mul3A_110 = arith.constant 128 : i32
          %mul3A_111 = arith.muli %scan3A_91, %mul3A_110 : i32
          %add3A_112 = arith.constant 16 : i32
          %add3A_113 = arith.addi %mul3A_111, %add3A_112 : i32
          %get3A_114 = arith.index_cast %add3A_113 : i32 to index
          %get3A_115 = tpu.vector_load %arg5[%get3A_114] {strides = array<i32>} : memref<16384xi32, #tpu.memory_space<vmem>>, vector<16xi32>,
          %get3A_116 = vector.shape_cast %get3A_115 : vector<16xi32> to vector<16xi32>
          %convert_element_type3A_117 = arith.sitofp %get3A_116 : vector<16xi32> to vector<16xf32>
          %mul3A_118 = vector.broadcast %cond3A : f32 to vector<16xf32>
          %mul3A_119 = arith.mulf %convert_element_type3A_117, %mul3A_118 : vector<16xf32>
          %sub3A_120 = arith.constant 1.000000e+00 : f32
          %sub3A_121 = vector.broadcast %sub3A_120 : f32 to vector<16xf32>
          %sub3A_122 = arith.subf %mul3A_119, %sub3A_121 : vector<16xf32>
          %mul3A_123 = arith.constant 256 : i32
          %mul3A_124 = arith.muli %scan3A_91, %mul3A_123 : i32
          %add3A_125 = arith.constant 16 : i32
          %add3A_126 = arith.addi %mul3A_124, %add3A_125 : i32
          %swap3A_127 = arith.index_cast %add3A_126 : i32 to index
          %swap3A_128 = tpu.vector_load %arg9[%swap3A_127] {strides = array<i32>} : memref<32768xf32, #tpu.memory_space<vmem>>, vector<16xf32>,
          %swap3A_129 = vector.shape_cast %swap3A_128 : vector<16xf32> to vector<16xf32>
          %swap3A_130 = vector.shape_cast %sub3A_122 : vector<16xf32> to vector<16xf32>
          tpu.vector_store %arg9[%swap3A_127], %swap3A_130 {strides = array<i32>} : memref<32768xf32, #tpu.memory_space<vmem>>, vector<16xf32>,
          %mul3A_131 = arith.constant 128 : i32
          %mul3A_132 = arith.muli %scan3A_91, %mul3A_131 : i32
          %add3A_133 = arith.constant 32 : i32
          %add3A_134 = arith.addi %mul3A_132, %add3A_133 : i32
          %get3A_135 = arith.index_cast %add3A_134 : i32 to index
          %get3A_136 = tpu.vector_load %arg5[%get3A_135] {strides = array<i32>} : memref<16384xi32, #tpu.memory_space<vmem>>, vector<16xi32>,
          %get3A_137 = vector.shape_cast %get3A_136 : vector<16xi32> to vector<16xi32>
          %convert_element_type3A_138 = arith.sitofp %get3A_137 : vector<16xi32> to vector<16xf32>
          %mul3A_139 = vector.broadcast %cond3A : f32 to vector<16xf32>
          %mul3A_140 = arith.mulf %convert_element_type3A_138, %mul3A_139 : vector<16xf32>
          %sub3A_141 = arith.constant 1.000000e+00 : f32
          %sub3A_142 = vector.broadcast %sub3A_141 : f32 to vector<16xf32>
          %sub3A_143 = arith.subf %mul3A_140, %sub3A_142 : vector<16xf32>
          %mul3A_144 = arith.constant 256 : i32
          %mul3A_145 = arith.muli %scan3A_91, %mul3A_144 : i32
          %add3A_146 = arith.constant 32 : i32
          %add3A_147 = arith.addi %mul3A_145, %add3A_146 : i32
          %swap3A_148 = arith.index_cast %add3A_147 : i32 to index
          %swap3A_149 = tpu.vector_load %arg9[%swap3A_148] {strides = array<i32>} : memref<32768xf32, #tpu.memory_space<vmem>>, vector<16xf32>,
          %swap3A_150 = vector.shape_cast %swap3A_149 : vector<16xf32> to vector<16xf32>
          %swap3A_151 = vector.shape_cast %sub3A_143 : vector<16xf32> to vector<16xf32>
          tpu.vector_store %arg9[%swap3A_148], %swap3A_151 {strides = array<i32>} : memref<32768xf32, #tpu.memory_space<vmem>>, vector<16xf32>,
          %mul3A_152 = arith.constant 128 : i32
          %mul3A_153 = arith.muli %scan3A_91, %mul3A_152 : i32
          %add3A_154 = arith.constant 48 : i32
          %add3A_155 = arith.addi %mul3A_153, %add3A_154 : i32
          %get3A_156 = arith.index_cast %add3A_155 : i32 to index
          %get3A_157 = tpu.vector_load %arg5[%get3A_156] {strides = array<i32>} : memref<16384xi32, #tpu.memory_space<vmem>>, vector<16xi32>,
          %get3A_158 = vector.shape_cast %get3A_157 : vector<16xi32> to vector<16xi32>
          %convert_element_type3A_159 = arith.sitofp %get3A_158 : vector<16xi32> to vector<16xf32>
          %mul3A_160 = vector.broadcast %cond3A : f32 to vector<16xf32>
          %mul3A_161 = arith.mulf %convert_element_type3A_159, %mul3A_160 : vector<16xf32>
          %sub3A_162 = arith.constant 1.000000e+00 : f32
          %sub3A_163 = vector.broadcast %sub3A_162 : f32 to vector<16xf32>
          %sub3A_164 = arith.subf %mul3A_161, %sub3A_163 : vector<16xf32>
          %mul3A_165 = arith.constant 256 : i32
          %mul3A_166 = arith.muli %scan3A_91, %mul3A_165 : i32
          %add3A_167 = arith.constant 48 : i32
          %add3A_168 = arith.addi %mul3A_166, %add3A_167 : i32
          %swap3A_169 = arith.index_cast %add3A_168 : i32 to index
          %swap3A_170 = tpu.vector_load %arg9[%swap3A_169] {strides = array<i32>} : memref<32768xf32, #tpu.memory_space<vmem>>, vector<16xf32>,
          %swap3A_171 = vector.shape_cast %swap3A_170 : vector<16xf32> to vector<16xf32>
          %swap3A_172 = vector.shape_cast %sub3A_164 : vector<16xf32> to vector<16xf32>
          tpu.vector_store %arg9[%swap3A_169], %swap3A_172 {strides = array<i32>} : memref<32768xf32, #tpu.memory_space<vmem>>, vector<16xf32>,
          %mul3A_173 = arith.constant 128 : i32
          %mul3A_174 = arith.muli %scan3A_91, %mul3A_173 : i32
          %add3A_175 = arith.constant 64 : i32
          %add3A_176 = arith.addi %mul3A_174, %add3A_175 : i32
          %get3A_177 = arith.index_cast %add3A_176 : i32 to index
          %get3A_178 = tpu.vector_load %arg5[%get3A_177] {strides = array<i32>} : memref<16384xi32, #tpu.memory_space<vmem>>, vector<16xi32>,
          %get3A_179 = vector.shape_cast %get3A_178 : vector<16xi32> to vector<16xi32>
          %convert_element_type3A_180 = arith.sitofp %get3A_179 : vector<16xi32> to vector<16xf32>
          %mul3A_181 = vector.broadcast %cond3A : f32 to vector<16xf32>
          %mul3A_182 = arith.mulf %convert_element_type3A_180, %mul3A_181 : vector<16xf32>
          %sub3A_183 = arith.constant 1.000000e+00 : f32
          %sub3A_184 = vector.broadcast %sub3A_183 : f32 to vector<16xf32>
          %sub3A_185 = arith.subf %mul3A_182, %sub3A_184 : vector<16xf32>
          %mul3A_186 = arith.constant 256 : i32
          %mul3A_187 = arith.muli %scan3A_91, %mul3A_186 : i32
          %add3A_188 = arith.constant 64 : i32
          %add3A_189 = arith.addi %mul3A_187, %add3A_188 : i32
          %swap3A_190 = arith.index_cast %add3A_189 : i32 to index
          %swap3A_191 = tpu.vector_load %arg9[%swap3A_190] {strides = array<i32>} : memref<32768xf32, #tpu.memory_space<vmem>>, vector<16xf32>,
          %swap3A_192 = vector.shape_cast %swap3A_191 : vector<16xf32> to vector<16xf32>
          %swap3A_193 = vector.shape_cast %sub3A_185 : vector<16xf32> to vector<16xf32>
          tpu.vector_store %arg9[%swap3A_190], %swap3A_193 {strides = array<i32>} : memref<32768xf32, #tpu.memory_space<vmem>>, vector<16xf32>,
          %mul3A_194 = arith.constant 128 : i32
          %mul3A_195 = arith.muli %scan3A_91, %mul3A_194 : i32
          %add3A_196 = arith.constant 80 : i32
          %add3A_197 = arith.addi %mul3A_195, %add3A_196 : i32
          %get3A_198 = arith.index_cast %add3A_197 : i32 to index
          %get3A_199 = tpu.vector_load %arg5[%get3A_198] {strides = array<i32>} : memref<16384xi32, #tpu.memory_space<vmem>>, vector<16xi32>,
          %get3A_200 = vector.shape_cast %get3A_199 : vector<16xi32> to vector<16xi32>
          %convert_element_type3A_201 = arith.sitofp %get3A_200 : vector<16xi32> to vector<16xf32>
          %mul3A_202 = vector.broadcast %cond3A : f32 to vector<16xf32>
          %mul3A_203 = arith.mulf %convert_element_type3A_201, %mul3A_202 : vector<16xf32>
          %sub3A_204 = arith.constant 1.000000e+00 : f32
          %sub3A_205 = vector.broadcast %sub3A_204 : f32 to vector<16xf32>
          %sub3A_206 = arith.subf %mul3A_203, %sub3A_205 : vector<16xf32>
          %mul3A_207 = arith.constant 256 : i32
          %mul3A_208 = arith.muli %scan3A_91, %mul3A_207 : i32
          %add3A_209 = arith.constant 80 : i32
          %add3A_210 = arith.addi %mul3A_208, %add3A_209 : i32
          %swap3A_211 = arith.index_cast %add3A_210 : i32 to index
          %swap3A_212 = tpu.vector_load %arg9[%swap3A_211] {strides = array<i32>} : memref<32768xf32, #tpu.memory_space<vmem>>, vector<16xf32>,
          %swap3A_213 = vector.shape_cast %swap3A_212 : vector<16xf32> to vector<16xf32>
          %swap3A_214 = vector.shape_cast %sub3A_206 : vector<16xf32> to vector<16xf32>
          tpu.vector_store %arg9[%swap3A_211], %swap3A_214 {strides = array<i32>} : memref<32768xf32, #tpu.memory_space<vmem>>, vector<16xf32>,
          %mul3A_215 = arith.constant 128 : i32
          %mul3A_216 = arith.muli %scan3A_91, %mul3A_215 : i32
          %add3A_217 = arith.constant 96 : i32
          %add3A_218 = arith.addi %mul3A_216, %add3A_217 : i32
          %get3A_219 = arith.index_cast %add3A_218 : i32 to index
          %get3A_220 = tpu.vector_load %arg5[%get3A_219] {strides = array<i32>} : memref<16384xi32, #tpu.memory_space<vmem>>, vector<16xi32>,
          %get3A_221 = vector.shape_cast %get3A_220 : vector<16xi32> to vector<16xi32>
          %convert_element_type3A_222 = arith.sitofp %get3A_221 : vector<16xi32> to vector<16xf32>
          %mul3A_223 = vector.broadcast %cond3A : f32 to vector<16xf32>
          %mul3A_224 = arith.mulf %convert_element_type3A_222, %mul3A_223 : vector<16xf32>
          %sub3A_225 = arith.constant 1.000000e+00 : f32
          %sub3A_226 = vector.broadcast %sub3A_225 : f32 to vector<16xf32>
          %sub3A_227 = arith.subf %mul3A_224, %sub3A_226 : vector<16xf32>
          %mul3A_228 = arith.constant 256 : i32
          %mul3A_229 = arith.muli %scan3A_91, %mul3A_228 : i32
          %add3A_230 = arith.constant 96 : i32
          %add3A_231 = arith.addi %mul3A_229, %add3A_230 : i32
          %swap3A_232 = arith.index_cast %add3A_231 : i32 to index
          %swap3A_233 = tpu.vector_load %arg9[%swap3A_232] {strides = array<i32>} : memref<32768xf32, #tpu.memory_space<vmem>>, vector<16xf32>,
          %swap3A_234 = vector.shape_cast %swap3A_233 : vector<16xf32> to vector<16xf32>
          %swap3A_235 = vector.shape_cast %sub3A_227 : vector<16xf32> to vector<16xf32>
          tpu.vector_store %arg9[%swap3A_232], %swap3A_235 {strides = array<i32>} : memref<32768xf32, #tpu.memory_space<vmem>>, vector<16xf32>,
          %mul3A_236 = arith.constant 128 : i32
          %mul3A_237 = arith.muli %scan3A_91, %mul3A_236 : i32
          %add3A_238 = arith.constant 112 : i32
          %add3A_239 = arith.addi %mul3A_237, %add3A_238 : i32
          %get3A_240 = arith.index_cast %add3A_239 : i32 to index
          %get3A_241 = tpu.vector_load %arg5[%get3A_240] {strides = array<i32>} : memref<16384xi32, #tpu.memory_space<vmem>>, vector<16xi32>,
          %get3A_242 = vector.shape_cast %get3A_241 : vector<16xi32> to vector<16xi32>
          %convert_element_type3A_243 = arith.sitofp %get3A_242 : vector<16xi32> to vector<16xf32>
          %mul3A_244 = vector.broadcast %cond3A : f32 to vector<16xf32>
          %mul3A_245 = arith.mulf %convert_element_type3A_243, %mul3A_244 : vector<16xf32>
          %sub3A_246 = arith.constant 1.000000e+00 : f32
          %sub3A_247 = vector.broadcast %sub3A_246 : f32 to vector<16xf32>
          %sub3A_248 = arith.subf %mul3A_245, %sub3A_247 : vector<16xf32>
          %mul3A_249 = arith.constant 256 : i32
          %mul3A_250 = arith.muli %scan3A_91, %mul3A_249 : i32
          %add3A_251 = arith.constant 112 : i32
          %add3A_252 = arith.addi %mul3A_250, %add3A_251 : i32
          %swap3A_253 = arith.index_cast %add3A_252 : i32 to index
          %swap3A_254 = tpu.vector_load %arg9[%swap3A_253] {strides = array<i32>} : memref<32768xf32, #tpu.memory_space<vmem>>, vector<16xf32>,
          %swap3A_255 = vector.shape_cast %swap3A_254 : vector<16xf32> to vector<16xf32>
          %swap3A_256 = vector.shape_cast %sub3A_248 : vector<16xf32> to vector<16xf32>
          tpu.vector_store %arg9[%swap3A_253], %swap3A_256 {strides = array<i32>} : memref<32768xf32, #tpu.memory_space<vmem>>, vector<16xf32>,
          %mul3A_257 = arith.constant 128 : i32
          %mul3A_258 = arith.muli %scan3A_91, %mul3A_257 : i32
          %add3A_259 = arith.constant 0 : i32
          %add3A_260 = arith.addi %mul3A_258, %add3A_259 : i32
          %get3A_261 = arith.index_cast %add3A_260 : i32 to index
          %get3A_262 = tpu.vector_load %arg6[%get3A_261] {strides = array<i32>} : memref<16384xi32, #tpu.memory_space<vmem>>, vector<16xi32>,
          %get3A_263 = vector.shape_cast %get3A_262 : vector<16xi32> to vector<16xi32>
          %convert_element_type3A_264 = arith.sitofp %get3A_263 : vector<16xi32> to vector<16xf32>
          %mul3A_265 = vector.broadcast %cond3A : f32 to vector<16xf32>
          %mul3A_266 = arith.mulf %convert_element_type3A_264, %mul3A_265 : vector<16xf32>
          %sub3A_267 = arith.constant 1.000000e+00 : f32
          %sub3A_268 = vector.broadcast %sub3A_267 : f32 to vector<16xf32>
          %sub3A_269 = arith.subf %mul3A_266, %sub3A_268 : vector<16xf32>
          %mul3A_270 = arith.constant 256 : i32
          %mul3A_271 = arith.muli %scan3A_91, %mul3A_270 : i32
          %add3A_272 = arith.constant 128 : i32
          %add3A_273 = arith.addi %mul3A_271, %add3A_272 : i32
          %add3A_274 = arith.constant 0 : i32
          %add3A_275 = arith.addi %add3A_273, %add3A_274 : i32
          %swap3A_276 = arith.index_cast %add3A_275 : i32 to index
          %swap3A_277 = tpu.vector_load %arg9[%swap3A_276] {strides = array<i32>} : memref<32768xf32, #tpu.memory_space<vmem>>, vector<16xf32>,
          %swap3A_278 = vector.shape_cast %swap3A_277 : vector<16xf32> to vector<16xf32>
          %swap3A_279 = vector.shape_cast %sub3A_269 : vector<16xf32> to vector<16xf32>
          tpu.vector_store %arg9[%swap3A_276], %swap3A_279 {strides = array<i32>} : memref<32768xf32, #tpu.memory_space<vmem>>, vector<16xf32>,
          %mul3A_280 = arith.constant 128 : i32
          %mul3A_281 = arith.muli %scan3A_91, %mul3A_280 : i32
          %add3A_282 = arith.constant 16 : i32
          %add3A_283 = arith.addi %mul3A_281, %add3A_282 : i32
          %get3A_284 = arith.index_cast %add3A_283 : i32 to index
          %get3A_285 = tpu.vector_load %arg6[%get3A_284] {strides = array<i32>} : memref<16384xi32, #tpu.memory_space<vmem>>, vector<16xi32>,
          %get3A_286 = vector.shape_cast %get3A_285 : vector<16xi32> to vector<16xi32>
          %convert_element_type3A_287 = arith.sitofp %get3A_286 : vector<16xi32> to vector<16xf32>
          %mul3A_288 = vector.broadcast %cond3A : f32 to vector<16xf32>
          %mul3A_289 = arith.mulf %convert_element_type3A_287, %mul3A_288 : vector<16xf32>
          %sub3A_290 = arith.constant 1.000000e+00 : f32
          %sub3A_291 = vector.broadcast %sub3A_290 : f32 to vector<16xf32>
          %sub3A_292 = arith.subf %mul3A_289, %sub3A_291 : vector<16xf32>
          %mul3A_293 = arith.constant 256 : i32
          %mul3A_294 = arith.muli %scan3A_91, %mul3A_293 : i32
          %add3A_295 = arith.constant 128 : i32
          %add3A_296 = arith.addi %mul3A_294, %add3A_295 : i32
          %add3A_297 = arith.constant 16 : i32
          %add3A_298 = arith.addi %add3A_296, %add3A_297 : i32
          %swap3A_299 = arith.index_cast %add3A_298 : i32 to index
          %swap3A_300 = tpu.vector_load %arg9[%swap3A_299] {strides = array<i32>} : memref<32768xf32, #tpu.memory_space<vmem>>, vector<16xf32>,
          %swap3A_301 = vector.shape_cast %swap3A_300 : vector<16xf32> to vector<16xf32>
          %swap3A_302 = vector.shape_cast %sub3A_292 : vector<16xf32> to vector<16xf32>
          tpu.vector_store %arg9[%swap3A_299], %swap3A_302 {strides = array<i32>} : memref<32768xf32, #tpu.memory_space<vmem>>, vector<16xf32>,
          %mul3A_303 = arith.constant 128 : i32
          %mul3A_304 = arith.muli %scan3A_91, %mul3A_303 : i32
          %add3A_305 = arith.constant 32 : i32
          %add3A_306 = arith.addi %mul3A_304, %add3A_305 : i32
          %get3A_307 = arith.index_cast %add3A_306 : i32 to index
          %get3A_308 = tpu.vector_load %arg6[%get3A_307] {strides = array<i32>} : memref<16384xi32, #tpu.memory_space<vmem>>, vector<16xi32>,
          %get3A_309 = vector.shape_cast %get3A_308 : vector<16xi32> to vector<16xi32>
          %convert_element_type3A_310 = arith.sitofp %get3A_309 : vector<16xi32> to vector<16xf32>
          %mul3A_311 = vector.broadcast %cond3A : f32 to vector<16xf32>
          %mul3A_312 = arith.mulf %convert_element_type3A_310, %mul3A_311 : vector<16xf32>
          %sub3A_313 = arith.constant 1.000000e+00 : f32
          %sub3A_314 = vector.broadcast %sub3A_313 : f32 to vector<16xf32>
          %sub3A_315 = arith.subf %mul3A_312, %sub3A_314 : vector<16xf32>
          %mul3A_316 = arith.constant 256 : i32
          %mul3A_317 = arith.muli %scan3A_91, %mul3A_316 : i32
          %add3A_318 = arith.constant 128 : i32
          %add3A_319 = arith.addi %mul3A_317, %add3A_318 : i32
          %add3A_320 = arith.constant 32 : i32
          %add3A_321 = arith.addi %add3A_319, %add3A_320 : i32
          %swap3A_322 = arith.index_cast %add3A_321 : i32 to index
          %swap3A_323 = tpu.vector_load %arg9[%swap3A_322] {strides = array<i32>} : memref<32768xf32, #tpu.memory_space<vmem>>, vector<16xf32>,
          %swap3A_324 = vector.shape_cast %swap3A_323 : vector<16xf32> to vector<16xf32>
          %swap3A_325 = vector.shape_cast %sub3A_315 : vector<16xf32> to vector<16xf32>
          tpu.vector_store %arg9[%swap3A_322], %swap3A_325 {strides = array<i32>} : memref<32768xf32, #tpu.memory_space<vmem>>, vector<16xf32>,
          %mul3A_326 = arith.constant 128 : i32
          %mul3A_327 = arith.muli %scan3A_91, %mul3A_326 : i32
          %add3A_328 = arith.constant 48 : i32
          %add3A_329 = arith.addi %mul3A_327, %add3A_328 : i32
          %get3A_330 = arith.index_cast %add3A_329 : i32 to index
          %get3A_331 = tpu.vector_load %arg6[%get3A_330] {strides = array<i32>} : memref<16384xi32, #tpu.memory_space<vmem>>, vector<16xi32>,
          %get3A_332 = vector.shape_cast %get3A_331 : vector<16xi32> to vector<16xi32>
          %convert_element_type3A_333 = arith.sitofp %get3A_332 : vector<16xi32> to vector<16xf32>
          %mul3A_334 = vector.broadcast %cond3A : f32 to vector<16xf32>
          %mul3A_335 = arith.mulf %convert_element_type3A_333, %mul3A_334 : vector<16xf32>
          %sub3A_336 = arith.constant 1.000000e+00 : f32
          %sub3A_337 = vector.broadcast %sub3A_336 : f32 to vector<16xf32>
          %sub3A_338 = arith.subf %mul3A_335, %sub3A_337 : vector<16xf32>
          %mul3A_339 = arith.constant 256 : i32
          %mul3A_340 = arith.muli %scan3A_91, %mul3A_339 : i32
          %add3A_341 = arith.constant 128 : i32
          %add3A_342 = arith.addi %mul3A_340, %add3A_341 : i32
          %add3A_343 = arith.constant 48 : i32
          %add3A_344 = arith.addi %add3A_342, %add3A_343 : i32
          %swap3A_345 = arith.index_cast %add3A_344 : i32 to index
          %swap3A_346 = tpu.vector_load %arg9[%swap3A_345] {strides = array<i32>} : memref<32768xf32, #tpu.memory_space<vmem>>, vector<16xf32>,
          %swap3A_347 = vector.shape_cast %swap3A_346 : vector<16xf32> to vector<16xf32>
          %swap3A_348 = vector.shape_cast %sub3A_338 : vector<16xf32> to vector<16xf32>
          tpu.vector_store %arg9[%swap3A_345], %swap3A_348 {strides = array<i32>} : memref<32768xf32, #tpu.memory_space<vmem>>, vector<16xf32>,
          %mul3A_349 = arith.constant 128 : i32
          %mul3A_350 = arith.muli %scan3A_91, %mul3A_349 : i32
          %add3A_351 = arith.constant 64 : i32
          %add3A_352 = arith.addi %mul3A_350, %add3A_351 : i32
          %get3A_353 = arith.index_cast %add3A_352 : i32 to index
          %get3A_354 = tpu.vector_load %arg6[%get3A_353] {strides = array<i32>} : memref<16384xi32, #tpu.memory_space<vmem>>, vector<16xi32>,
          %get3A_355 = vector.shape_cast %get3A_354 : vector<16xi32> to vector<16xi32>
          %convert_element_type3A_356 = arith.sitofp %get3A_355 : vector<16xi32> to vector<16xf32>
          %mul3A_357 = vector.broadcast %cond3A : f32 to vector<16xf32>
          %mul3A_358 = arith.mulf %convert_element_type3A_356, %mul3A_357 : vector<16xf32>
          %sub3A_359 = arith.constant 1.000000e+00 : f32
          %sub3A_360 = vector.broadcast %sub3A_359 : f32 to vector<16xf32>
          %sub3A_361 = arith.subf %mul3A_358, %sub3A_360 : vector<16xf32>
          %mul3A_362 = arith.constant 256 : i32
          %mul3A_363 = arith.muli %scan3A_91, %mul3A_362 : i32
          %add3A_364 = arith.constant 128 : i32
          %add3A_365 = arith.addi %mul3A_363, %add3A_364 : i32
          %add3A_366 = arith.constant 64 : i32
          %add3A_367 = arith.addi %add3A_365, %add3A_366 : i32
          %swap3A_368 = arith.index_cast %add3A_367 : i32 to index
          %swap3A_369 = tpu.vector_load %arg9[%swap3A_368] {strides = array<i32>} : memref<32768xf32, #tpu.memory_space<vmem>>, vector<16xf32>,
          %swap3A_370 = vector.shape_cast %swap3A_369 : vector<16xf32> to vector<16xf32>
          %swap3A_371 = vector.shape_cast %sub3A_361 : vector<16xf32> to vector<16xf32>
          tpu.vector_store %arg9[%swap3A_368], %swap3A_371 {strides = array<i32>} : memref<32768xf32, #tpu.memory_space<vmem>>, vector<16xf32>,
          %mul3A_372 = arith.constant 128 : i32
          %mul3A_373 = arith.muli %scan3A_91, %mul3A_372 : i32
          %add3A_374 = arith.constant 80 : i32
          %add3A_375 = arith.addi %mul3A_373, %add3A_374 : i32
          %get3A_376 = arith.index_cast %add3A_375 : i32 to index
          %get3A_377 = tpu.vector_load %arg6[%get3A_376] {strides = array<i32>} : memref<16384xi32, #tpu.memory_space<vmem>>, vector<16xi32>,
          %get3A_378 = vector.shape_cast %get3A_377 : vector<16xi32> to vector<16xi32>
          %convert_element_type3A_379 = arith.sitofp %get3A_378 : vector<16xi32> to vector<16xf32>
          %mul3A_380 = vector.broadcast %cond3A : f32 to vector<16xf32>
          %mul3A_381 = arith.mulf %convert_element_type3A_379, %mul3A_380 : vector<16xf32>
          %sub3A_382 = arith.constant 1.000000e+00 : f32
          %sub3A_383 = vector.broadcast %sub3A_382 : f32 to vector<16xf32>
          %sub3A_384 = arith.subf %mul3A_381, %sub3A_383 : vector<16xf32>
          %mul3A_385 = arith.constant 256 : i32
          %mul3A_386 = arith.muli %scan3A_91, %mul3A_385 : i32
          %add3A_387 = arith.constant 128 : i32
          %add3A_388 = arith.addi %mul3A_386, %add3A_387 : i32
          %add3A_389 = arith.constant 80 : i32
          %add3A_390 = arith.addi %add3A_388, %add3A_389 : i32
          %swap3A_391 = arith.index_cast %add3A_390 : i32 to index
          %swap3A_392 = tpu.vector_load %arg9[%swap3A_391] {strides = array<i32>} : memref<32768xf32, #tpu.memory_space<vmem>>, vector<16xf32>,
          %swap3A_393 = vector.shape_cast %swap3A_392 : vector<16xf32> to vector<16xf32>
          %swap3A_394 = vector.shape_cast %sub3A_384 : vector<16xf32> to vector<16xf32>
          tpu.vector_store %arg9[%swap3A_391], %swap3A_394 {strides = array<i32>} : memref<32768xf32, #tpu.memory_space<vmem>>, vector<16xf32>,
          %mul3A_395 = arith.constant 128 : i32
          %mul3A_396 = arith.muli %scan3A_91, %mul3A_395 : i32
          %add3A_397 = arith.constant 96 : i32
          %add3A_398 = arith.addi %mul3A_396, %add3A_397 : i32
          %get3A_399 = arith.index_cast %add3A_398 : i32 to index
          %get3A_400 = tpu.vector_load %arg6[%get3A_399] {strides = array<i32>} : memref<16384xi32, #tpu.memory_space<vmem>>, vector<16xi32>,
          %get3A_401 = vector.shape_cast %get3A_400 : vector<16xi32> to vector<16xi32>
          %convert_element_type3A_402 = arith.sitofp %get3A_401 : vector<16xi32> to vector<16xf32>
          %mul3A_403 = vector.broadcast %cond3A : f32 to vector<16xf32>
          %mul3A_404 = arith.mulf %convert_element_type3A_402, %mul3A_403 : vector<16xf32>
          %sub3A_405 = arith.constant 1.000000e+00 : f32
          %sub3A_406 = vector.broadcast %sub3A_405 : f32 to vector<16xf32>
          %sub3A_407 = arith.subf %mul3A_404, %sub3A_406 : vector<16xf32>
          %mul3A_408 = arith.constant 256 : i32
          %mul3A_409 = arith.muli %scan3A_91, %mul3A_408 : i32
          %add3A_410 = arith.constant 128 : i32
          %add3A_411 = arith.addi %mul3A_409, %add3A_410 : i32
          %add3A_412 = arith.constant 96 : i32
          %add3A_413 = arith.addi %add3A_411, %add3A_412 : i32
          %swap3A_414 = arith.index_cast %add3A_413 : i32 to index
          %swap3A_415 = tpu.vector_load %arg9[%swap3A_414] {strides = array<i32>} : memref<32768xf32, #tpu.memory_space<vmem>>, vector<16xf32>,
          %swap3A_416 = vector.shape_cast %swap3A_415 : vector<16xf32> to vector<16xf32>
          %swap3A_417 = vector.shape_cast %sub3A_407 : vector<16xf32> to vector<16xf32>
          tpu.vector_store %arg9[%swap3A_414], %swap3A_417 {strides = array<i32>} : memref<32768xf32, #tpu.memory_space<vmem>>, vector<16xf32>,
          %mul3A_418 = arith.constant 128 : i32
          %mul3A_419 = arith.muli %scan3A_91, %mul3A_418 : i32
          %add3A_420 = arith.constant 112 : i32
          %add3A_421 = arith.addi %mul3A_419, %add3A_420 : i32
          %get3A_422 = arith.index_cast %add3A_421 : i32 to index
          %get3A_423 = tpu.vector_load %arg6[%get3A_422] {strides = array<i32>} : memref<16384xi32, #tpu.memory_space<vmem>>, vector<16xi32>,
          %get3A_424 = vector.shape_cast %get3A_423 : vector<16xi32> to vector<16xi32>
          %convert_element_type3A_425 = arith.sitofp %get3A_424 : vector<16xi32> to vector<16xf32>
          %mul3A_426 = vector.broadcast %cond3A : f32 to vector<16xf32>
          %mul3A_427 = arith.mulf %convert_element_type3A_425, %mul3A_426 : vector<16xf32>
          %sub3A_428 = arith.constant 1.000000e+00 : f32
          %sub3A_429 = vector.broadcast %sub3A_428 : f32 to vector<16xf32>
          %sub3A_430 = arith.subf %mul3A_427, %sub3A_429 : vector<16xf32>
          %mul3A_431 = arith.constant 256 : i32
          %mul3A_432 = arith.muli %scan3A_91, %mul3A_431 : i32
          %add3A_433 = arith.constant 128 : i32
          %add3A_434 = arith.addi %mul3A_432, %add3A_433 : i32
          %add3A_435 = arith.constant 112 : i32
          %add3A_436 = arith.addi %add3A_434, %add3A_435 : i32
          %swap3A_437 = arith.index_cast %add3A_436 : i32 to index
          %swap3A_438 = tpu.vector_load %arg9[%swap3A_437] {strides = array<i32>} : memref<32768xf32, #tpu.memory_space<vmem>>, vector<16xf32>,
          %swap3A_439 = vector.shape_cast %swap3A_438 : vector<16xf32> to vector<16xf32>
          %swap3A_440 = vector.shape_cast %sub3A_430 : vector<16xf32> to vector<16xf32>
          tpu.vector_store %arg9[%swap3A_437], %swap3A_440 {strides = array<i32>} : memref<32768xf32, #tpu.memory_space<vmem>>, vector<16xf32>,
        }
        %scan3A_88 = arith.constant 128 : i32
        %mul3A_89 = arith.constant 32768 : i32
        %mul3A_90 = arith.muli %add3A_18, %mul3A_89 : i32
        "tpu.region"() ({
          %run_scoped3A = tpu.sem_alloc : memref<!tpu.dma_semaphore, #tpu.memory_space<semaphore_mem>>
          %dma_start3A_91 = tpu.memref_slice %arg4[%mul3A_90] : memref<6553600xf32, #tpu.memory_space<hbm>> -> memref<32768xf32, #tpu.memory_space<hbm>>
          %dma_start3A_92 = tpu.memref_slice %arg4[%mul3A_90] : memref<6553600xf32, #tpu.memory_space<hbm>> -> memref<32768xf32, #tpu.memory_space<hbm>>
          tpu.enqueue_dma source(%arg9 : memref<32768xf32, #tpu.memory_space<vmem>>) target(%dma_start3A_92 : memref<32768xf32, #tpu.memory_space<hbm>>) target_semaphore(%run_scoped3A : memref<!tpu.dma_semaphore, #tpu.memory_space<semaphore_mem>>)
          %dma_wait3A_93 = tpu.memref_slice %arg4[%mul3A_90] : memref<6553600xf32, #tpu.memory_space<hbm>> -> memref<32768xf32, #tpu.memory_space<hbm>>
          %dma_wait3A_94 = tpu.memref_slice %arg4[%mul3A_90] : memref<6553600xf32, #tpu.memory_space<hbm>> -> memref<32768xf32, #tpu.memory_space<hbm>>
          tpu.wait_dma2 semaphore(%run_scoped3A : memref<!tpu.dma_semaphore, #tpu.memory_space<semaphore_mem>>) src(%arg9 : memref<32768xf32, #tpu.memory_space<vmem>>) dst(%dma_wait3A_94 : memref<32768xf32, #tpu.memory_space<hbm>>)
          tpu.yield
        }) : () -> ()
      } else {
      }
      %add3A_24 = arith.constant 1 : i32
      %add3A_25 = arith.addi %mul3A_2, %add3A_24 : i32
      %lt3A_26 = arith.constant 200 : i32
      %lt3A_27 = arith.cmpi slt, %add3A_25, %lt3A_26 : i32
      %convert_element_type3A_28 = arith.extui %lt3A_27 : i1 to i32
      %cond3A_29 = arith.constant 0 : i32
      %cond3A_30 = arith.cmpi ne, %convert_element_type3A_28, %cond3A_29 : i32
      scf.if %cond3A_30 {
        %add3A_66 = arith.constant 1 : i32
        %add3A_67 = arith.addi %add3A_25, %add3A_66 : i32
        %lt3A_68 = arith.constant 200 : i32
        %lt3A_69 = arith.cmpi slt, %add3A_67, %lt3A_68 : i32
        %convert_element_type3A_70 = arith.extui %lt3A_69 : i1 to i32
        %cond3A_71 = arith.constant 0 : i32
        %cond3A_72 = arith.cmpi ne, %convert_element_type3A_70, %cond3A_71 : i32
        scf.if %cond3A_72 {
          %add3A_91 = arith.constant 1 : i32
          %add3A_92 = arith.addi %add3A_25, %add3A_91 : i32
          %dma_start3A_93 = arith.constant 0 : i32
          %dma_start3A_94 = tpu.memref_slice %arg2[%add3A_92, %dma_start3A_93] : memref<200x16384xi32, #tpu.memory_space<hbm>> -> memref<1x16384xi32, #tpu.memory_space<hbm>>
          %dma_start3A_95 = tpu.memref_squeeze %dma_start3A_94 : memref<1x16384xi32, #tpu.memory_space<hbm>> -> memref<16384xi32, #tpu.memory_space<hbm>>
          %dma_start3A_96 = arith.constant 0 : i32
          %dma_start3A_97 = tpu.memref_slice %arg2[%add3A_92, %dma_start3A_96] : memref<200x16384xi32, #tpu.memory_space<hbm>> -> memref<1x16384xi32, #tpu.memory_space<hbm>>
          %dma_start3A_98 = tpu.memref_squeeze %dma_start3A_97 : memref<1x16384xi32, #tpu.memory_space<hbm>> -> memref<16384xi32, #tpu.memory_space<hbm>>
          tpu.enqueue_dma source(%dma_start3A_98 : memref<16384xi32, #tpu.memory_space<hbm>>) target(%arg5 : memref<16384xi32, #tpu.memory_space<vmem>>) target_semaphore(%arg10 : memref<!tpu.dma_semaphore, #tpu.memory_space<semaphore_mem>>)
          %dma_start3A_99 = arith.constant 0 : i32
          %dma_start3A_100 = tpu.memref_slice %arg3[%add3A_92, %dma_start3A_99] : memref<200x16384xi32, #tpu.memory_space<hbm>> -> memref<1x16384xi32, #tpu.memory_space<hbm>>
          %dma_start3A_101 = tpu.memref_squeeze %dma_start3A_100 : memref<1x16384xi32, #tpu.memory_space<hbm>> -> memref<16384xi32, #tpu.memory_space<hbm>>
          %dma_start3A_102 = arith.constant 0 : i32
          %dma_start3A_103 = tpu.memref_slice %arg3[%add3A_92, %dma_start3A_102] : memref<200x16384xi32, #tpu.memory_space<hbm>> -> memref<1x16384xi32, #tpu.memory_space<hbm>>
          %dma_start3A_104 = tpu.memref_squeeze %dma_start3A_103 : memref<1x16384xi32, #tpu.memory_space<hbm>> -> memref<16384xi32, #tpu.memory_space<hbm>>
          tpu.enqueue_dma source(%dma_start3A_104 : memref<16384xi32, #tpu.memory_space<hbm>>) target(%arg6 : memref<16384xi32, #tpu.memory_space<vmem>>) target_semaphore(%arg10 : memref<!tpu.dma_semaphore, #tpu.memory_space<semaphore_mem>>)
        } else {
        }
        %dma_wait3A = arith.constant 0 : i32
        %dma_wait3A_73 = tpu.memref_slice %arg2[%mul3A_2, %dma_wait3A] : memref<200x16384xi32, #tpu.memory_space<hbm>> -> memref<1x16384xi32, #tpu.memory_space<hbm>>
        %dma_wait3A_74 = tpu.memref_squeeze %dma_wait3A_73 : memref<1x16384xi32, #tpu.memory_space<hbm>> -> memref<16384xi32, #tpu.memory_space<hbm>>
        %dma_wait3A_75 = arith.constant 0 : i32
        %dma_wait3A_76 = tpu.memref_slice %arg2[%mul3A_2, %dma_wait3A_75] : memref<200x16384xi32, #tpu.memory_space<hbm>> -> memref<1x16384xi32, #tpu.memory_space<hbm>>
        %dma_wait3A_77 = tpu.memref_squeeze %dma_wait3A_76 : memref<1x16384xi32, #tpu.memory_space<hbm>> -> memref<16384xi32, #tpu.memory_space<hbm>>
        tpu.wait_dma2 semaphore(%arg11 : memref<!tpu.dma_semaphore, #tpu.memory_space<semaphore_mem>>) src(%dma_wait3A_77 : memref<16384xi32, #tpu.memory_space<hbm>>) dst(%arg7 : memref<16384xi32, #tpu.memory_space<vmem>>)
        %dma_wait3A_78 = arith.constant 0 : i32
        %dma_wait3A_79 = tpu.memref_slice %arg3[%mul3A_2, %dma_wait3A_78] : memref<200x16384xi32, #tpu.memory_space<hbm>> -> memref<1x16384xi32, #tpu.memory_space<hbm>>
        %dma_wait3A_80 = tpu.memref_squeeze %dma_wait3A_79 : memref<1x16384xi32, #tpu.memory_space<hbm>> -> memref<16384xi32, #tpu.memory_space<hbm>>
        %dma_wait3A_81 = arith.constant 0 : i32
        %dma_wait3A_82 = tpu.memref_slice %arg3[%mul3A_2, %dma_wait3A_81] : memref<200x16384xi32, #tpu.memory_space<hbm>> -> memref<1x16384xi32, #tpu.memory_space<hbm>>
        %dma_wait3A_83 = tpu.memref_squeeze %dma_wait3A_82 : memref<1x16384xi32, #tpu.memory_space<hbm>> -> memref<16384xi32, #tpu.memory_space<hbm>>
        tpu.wait_dma2 semaphore(%arg11 : memref<!tpu.dma_semaphore, #tpu.memory_space<semaphore_mem>>) src(%dma_wait3A_83 : memref<16384xi32, #tpu.memory_space<hbm>>) dst(%arg8 : memref<16384xi32, #tpu.memory_space<vmem>>)
        %scan3A = arith.constant 0 : i32
        %scan3A_84 = arith.constant 0 : i32
        %scan3A_85 = arith.constant 128 : i32
        %scan3A_86 = arith.addi %scan3A_84, %scan3A_85 : i32
        %scan3A_87 = arith.constant 1 : i32
        scf.for %scan3A_91 = %scan3A_84 to %scan3A_86 step %scan3A_87  : i32 {
          %mul3A_92 = arith.constant 128 : i32
          %mul3A_93 = arith.muli %scan3A_91, %mul3A_92 : i32
          %add3A_94 = arith.constant 0 : i32
          %add3A_95 = arith.addi %mul3A_93, %add3A_94 : i32
          %get3A = arith.index_cast %add3A_95 : i32 to index
          %get3A_96 = tpu.vector_load %arg7[%get3A] {strides = array<i32>} : memref<16384xi32, #tpu.memory_space<vmem>>, vector<16xi32>,
          %get3A_97 = vector.shape_cast %get3A_96 : vector<16xi32> to vector<16xi32>
          %convert_element_type3A_98 = arith.sitofp %get3A_97 : vector<16xi32> to vector<16xf32>
          %mul3A_99 = vector.broadcast %cond3A : f32 to vector<16xf32>
          %mul3A_100 = arith.mulf %convert_element_type3A_98, %mul3A_99 : vector<16xf32>
          %sub3A = arith.constant 1.000000e+00 : f32
          %sub3A_101 = vector.broadcast %sub3A : f32 to vector<16xf32>
          %sub3A_102 = arith.subf %mul3A_100, %sub3A_101 : vector<16xf32>
          %mul3A_103 = arith.constant 256 : i32
          %mul3A_104 = arith.muli %scan3A_91, %mul3A_103 : i32
          %add3A_105 = arith.constant 0 : i32
          %add3A_106 = arith.addi %mul3A_104, %add3A_105 : i32
          %swap3A = arith.index_cast %add3A_106 : i32 to index
          %swap3A_107 = tpu.vector_load %arg9[%swap3A] {strides = array<i32>} : memref<32768xf32, #tpu.memory_space<vmem>>, vector<16xf32>,
          %swap3A_108 = vector.shape_cast %swap3A_107 : vector<16xf32> to vector<16xf32>
          %swap3A_109 = vector.shape_cast %sub3A_102 : vector<16xf32> to vector<16xf32>
          tpu.vector_store %arg9[%swap3A], %swap3A_109 {strides = array<i32>} : memref<32768xf32, #tpu.memory_space<vmem>>, vector<16xf32>,
          %mul3A_110 = arith.constant 128 : i32
          %mul3A_111 = arith.muli %scan3A_91, %mul3A_110 : i32
          %add3A_112 = arith.constant 16 : i32
          %add3A_113 = arith.addi %mul3A_111, %add3A_112 : i32
          %get3A_114 = arith.index_cast %add3A_113 : i32 to index
          %get3A_115 = tpu.vector_load %arg7[%get3A_114] {strides = array<i32>} : memref<16384xi32, #tpu.memory_space<vmem>>, vector<16xi32>,
          %get3A_116 = vector.shape_cast %get3A_115 : vector<16xi32> to vector<16xi32>
          %convert_element_type3A_117 = arith.sitofp %get3A_116 : vector<16xi32> to vector<16xf32>
          %mul3A_118 = vector.broadcast %cond3A : f32 to vector<16xf32>
          %mul3A_119 = arith.mulf %convert_element_type3A_117, %mul3A_118 : vector<16xf32>
          %sub3A_120 = arith.constant 1.000000e+00 : f32
          %sub3A_121 = vector.broadcast %sub3A_120 : f32 to vector<16xf32>
          %sub3A_122 = arith.subf %mul3A_119, %sub3A_121 : vector<16xf32>
          %mul3A_123 = arith.constant 256 : i32
          %mul3A_124 = arith.muli %scan3A_91, %mul3A_123 : i32
          %add3A_125 = arith.constant 16 : i32
          %add3A_126 = arith.addi %mul3A_124, %add3A_125 : i32
          %swap3A_127 = arith.index_cast %add3A_126 : i32 to index
          %swap3A_128 = tpu.vector_load %arg9[%swap3A_127] {strides = array<i32>} : memref<32768xf32, #tpu.memory_space<vmem>>, vector<16xf32>,
          %swap3A_129 = vector.shape_cast %swap3A_128 : vector<16xf32> to vector<16xf32>
          %swap3A_130 = vector.shape_cast %sub3A_122 : vector<16xf32> to vector<16xf32>
          tpu.vector_store %arg9[%swap3A_127], %swap3A_130 {strides = array<i32>} : memref<32768xf32, #tpu.memory_space<vmem>>, vector<16xf32>,
          %mul3A_131 = arith.constant 128 : i32
          %mul3A_132 = arith.muli %scan3A_91, %mul3A_131 : i32
          %add3A_133 = arith.constant 32 : i32
          %add3A_134 = arith.addi %mul3A_132, %add3A_133 : i32
          %get3A_135 = arith.index_cast %add3A_134 : i32 to index
          %get3A_136 = tpu.vector_load %arg7[%get3A_135] {strides = array<i32>} : memref<16384xi32, #tpu.memory_space<vmem>>, vector<16xi32>,
          %get3A_137 = vector.shape_cast %get3A_136 : vector<16xi32> to vector<16xi32>
          %convert_element_type3A_138 = arith.sitofp %get3A_137 : vector<16xi32> to vector<16xf32>
          %mul3A_139 = vector.broadcast %cond3A : f32 to vector<16xf32>
          %mul3A_140 = arith.mulf %convert_element_type3A_138, %mul3A_139 : vector<16xf32>
          %sub3A_141 = arith.constant 1.000000e+00 : f32
          %sub3A_142 = vector.broadcast %sub3A_141 : f32 to vector<16xf32>
          %sub3A_143 = arith.subf %mul3A_140, %sub3A_142 : vector<16xf32>
          %mul3A_144 = arith.constant 256 : i32
          %mul3A_145 = arith.muli %scan3A_91, %mul3A_144 : i32
          %add3A_146 = arith.constant 32 : i32
          %add3A_147 = arith.addi %mul3A_145, %add3A_146 : i32
          %swap3A_148 = arith.index_cast %add3A_147 : i32 to index
          %swap3A_149 = tpu.vector_load %arg9[%swap3A_148] {strides = array<i32>} : memref<32768xf32, #tpu.memory_space<vmem>>, vector<16xf32>,
          %swap3A_150 = vector.shape_cast %swap3A_149 : vector<16xf32> to vector<16xf32>
          %swap3A_151 = vector.shape_cast %sub3A_143 : vector<16xf32> to vector<16xf32>
          tpu.vector_store %arg9[%swap3A_148], %swap3A_151 {strides = array<i32>} : memref<32768xf32, #tpu.memory_space<vmem>>, vector<16xf32>,
          %mul3A_152 = arith.constant 128 : i32
          %mul3A_153 = arith.muli %scan3A_91, %mul3A_152 : i32
          %add3A_154 = arith.constant 48 : i32
          %add3A_155 = arith.addi %mul3A_153, %add3A_154 : i32
          %get3A_156 = arith.index_cast %add3A_155 : i32 to index
          %get3A_157 = tpu.vector_load %arg7[%get3A_156] {strides = array<i32>} : memref<16384xi32, #tpu.memory_space<vmem>>, vector<16xi32>,
          %get3A_158 = vector.shape_cast %get3A_157 : vector<16xi32> to vector<16xi32>
          %convert_element_type3A_159 = arith.sitofp %get3A_158 : vector<16xi32> to vector<16xf32>
          %mul3A_160 = vector.broadcast %cond3A : f32 to vector<16xf32>
          %mul3A_161 = arith.mulf %convert_element_type3A_159, %mul3A_160 : vector<16xf32>
          %sub3A_162 = arith.constant 1.000000e+00 : f32
          %sub3A_163 = vector.broadcast %sub3A_162 : f32 to vector<16xf32>
          %sub3A_164 = arith.subf %mul3A_161, %sub3A_163 : vector<16xf32>
          %mul3A_165 = arith.constant 256 : i32
          %mul3A_166 = arith.muli %scan3A_91, %mul3A_165 : i32
          %add3A_167 = arith.constant 48 : i32
          %add3A_168 = arith.addi %mul3A_166, %add3A_167 : i32
          %swap3A_169 = arith.index_cast %add3A_168 : i32 to index
          %swap3A_170 = tpu.vector_load %arg9[%swap3A_169] {strides = array<i32>} : memref<32768xf32, #tpu.memory_space<vmem>>, vector<16xf32>,
          %swap3A_171 = vector.shape_cast %swap3A_170 : vector<16xf32> to vector<16xf32>
          %swap3A_172 = vector.shape_cast %sub3A_164 : vector<16xf32> to vector<16xf32>
          tpu.vector_store %arg9[%swap3A_169], %swap3A_172 {strides = array<i32>} : memref<32768xf32, #tpu.memory_space<vmem>>, vector<16xf32>,
          %mul3A_173 = arith.constant 128 : i32
          %mul3A_174 = arith.muli %scan3A_91, %mul3A_173 : i32
          %add3A_175 = arith.constant 64 : i32
          %add3A_176 = arith.addi %mul3A_174, %add3A_175 : i32
          %get3A_177 = arith.index_cast %add3A_176 : i32 to index
          %get3A_178 = tpu.vector_load %arg7[%get3A_177] {strides = array<i32>} : memref<16384xi32, #tpu.memory_space<vmem>>, vector<16xi32>,
          %get3A_179 = vector.shape_cast %get3A_178 : vector<16xi32> to vector<16xi32>
          %convert_element_type3A_180 = arith.sitofp %get3A_179 : vector<16xi32> to vector<16xf32>
          %mul3A_181 = vector.broadcast %cond3A : f32 to vector<16xf32>
          %mul3A_182 = arith.mulf %convert_element_type3A_180, %mul3A_181 : vector<16xf32>
          %sub3A_183 = arith.constant 1.000000e+00 : f32
          %sub3A_184 = vector.broadcast %sub3A_183 : f32 to vector<16xf32>
          %sub3A_185 = arith.subf %mul3A_182, %sub3A_184 : vector<16xf32>
          %mul3A_186 = arith.constant 256 : i32
          %mul3A_187 = arith.muli %scan3A_91, %mul3A_186 : i32
          %add3A_188 = arith.constant 64 : i32
          %add3A_189 = arith.addi %mul3A_187, %add3A_188 : i32
          %swap3A_190 = arith.index_cast %add3A_189 : i32 to index
          %swap3A_191 = tpu.vector_load %arg9[%swap3A_190] {strides = array<i32>} : memref<32768xf32, #tpu.memory_space<vmem>>, vector<16xf32>,
          %swap3A_192 = vector.shape_cast %swap3A_191 : vector<16xf32> to vector<16xf32>
          %swap3A_193 = vector.shape_cast %sub3A_185 : vector<16xf32> to vector<16xf32>
          tpu.vector_store %arg9[%swap3A_190], %swap3A_193 {strides = array<i32>} : memref<32768xf32, #tpu.memory_space<vmem>>, vector<16xf32>,
          %mul3A_194 = arith.constant 128 : i32
          %mul3A_195 = arith.muli %scan3A_91, %mul3A_194 : i32
          %add3A_196 = arith.constant 80 : i32
          %add3A_197 = arith.addi %mul3A_195, %add3A_196 : i32
          %get3A_198 = arith.index_cast %add3A_197 : i32 to index
          %get3A_199 = tpu.vector_load %arg7[%get3A_198] {strides = array<i32>} : memref<16384xi32, #tpu.memory_space<vmem>>, vector<16xi32>,
          %get3A_200 = vector.shape_cast %get3A_199 : vector<16xi32> to vector<16xi32>
          %convert_element_type3A_201 = arith.sitofp %get3A_200 : vector<16xi32> to vector<16xf32>
          %mul3A_202 = vector.broadcast %cond3A : f32 to vector<16xf32>
          %mul3A_203 = arith.mulf %convert_element_type3A_201, %mul3A_202 : vector<16xf32>
          %sub3A_204 = arith.constant 1.000000e+00 : f32
          %sub3A_205 = vector.broadcast %sub3A_204 : f32 to vector<16xf32>
          %sub3A_206 = arith.subf %mul3A_203, %sub3A_205 : vector<16xf32>
          %mul3A_207 = arith.constant 256 : i32
          %mul3A_208 = arith.muli %scan3A_91, %mul3A_207 : i32
          %add3A_209 = arith.constant 80 : i32
          %add3A_210 = arith.addi %mul3A_208, %add3A_209 : i32
          %swap3A_211 = arith.index_cast %add3A_210 : i32 to index
          %swap3A_212 = tpu.vector_load %arg9[%swap3A_211] {strides = array<i32>} : memref<32768xf32, #tpu.memory_space<vmem>>, vector<16xf32>,
          %swap3A_213 = vector.shape_cast %swap3A_212 : vector<16xf32> to vector<16xf32>
          %swap3A_214 = vector.shape_cast %sub3A_206 : vector<16xf32> to vector<16xf32>
          tpu.vector_store %arg9[%swap3A_211], %swap3A_214 {strides = array<i32>} : memref<32768xf32, #tpu.memory_space<vmem>>, vector<16xf32>,
          %mul3A_215 = arith.constant 128 : i32
          %mul3A_216 = arith.muli %scan3A_91, %mul3A_215 : i32
          %add3A_217 = arith.constant 96 : i32
          %add3A_218 = arith.addi %mul3A_216, %add3A_217 : i32
          %get3A_219 = arith.index_cast %add3A_218 : i32 to index
          %get3A_220 = tpu.vector_load %arg7[%get3A_219] {strides = array<i32>} : memref<16384xi32, #tpu.memory_space<vmem>>, vector<16xi32>,
          %get3A_221 = vector.shape_cast %get3A_220 : vector<16xi32> to vector<16xi32>
          %convert_element_type3A_222 = arith.sitofp %get3A_221 : vector<16xi32> to vector<16xf32>
          %mul3A_223 = vector.broadcast %cond3A : f32 to vector<16xf32>
          %mul3A_224 = arith.mulf %convert_element_type3A_222, %mul3A_223 : vector<16xf32>
          %sub3A_225 = arith.constant 1.000000e+00 : f32
          %sub3A_226 = vector.broadcast %sub3A_225 : f32 to vector<16xf32>
          %sub3A_227 = arith.subf %mul3A_224, %sub3A_226 : vector<16xf32>
          %mul3A_228 = arith.constant 256 : i32
          %mul3A_229 = arith.muli %scan3A_91, %mul3A_228 : i32
          %add3A_230 = arith.constant 96 : i32
          %add3A_231 = arith.addi %mul3A_229, %add3A_230 : i32
          %swap3A_232 = arith.index_cast %add3A_231 : i32 to index
          %swap3A_233 = tpu.vector_load %arg9[%swap3A_232] {strides = array<i32>} : memref<32768xf32, #tpu.memory_space<vmem>>, vector<16xf32>,
          %swap3A_234 = vector.shape_cast %swap3A_233 : vector<16xf32> to vector<16xf32>
          %swap3A_235 = vector.shape_cast %sub3A_227 : vector<16xf32> to vector<16xf32>
          tpu.vector_store %arg9[%swap3A_232], %swap3A_235 {strides = array<i32>} : memref<32768xf32, #tpu.memory_space<vmem>>, vector<16xf32>,
          %mul3A_236 = arith.constant 128 : i32
          %mul3A_237 = arith.muli %scan3A_91, %mul3A_236 : i32
          %add3A_238 = arith.constant 112 : i32
          %add3A_239 = arith.addi %mul3A_237, %add3A_238 : i32
          %get3A_240 = arith.index_cast %add3A_239 : i32 to index
          %get3A_241 = tpu.vector_load %arg7[%get3A_240] {strides = array<i32>} : memref<16384xi32, #tpu.memory_space<vmem>>, vector<16xi32>,
          %get3A_242 = vector.shape_cast %get3A_241 : vector<16xi32> to vector<16xi32>
          %convert_element_type3A_243 = arith.sitofp %get3A_242 : vector<16xi32> to vector<16xf32>
          %mul3A_244 = vector.broadcast %cond3A : f32 to vector<16xf32>
          %mul3A_245 = arith.mulf %convert_element_type3A_243, %mul3A_244 : vector<16xf32>
          %sub3A_246 = arith.constant 1.000000e+00 : f32
          %sub3A_247 = vector.broadcast %sub3A_246 : f32 to vector<16xf32>
          %sub3A_248 = arith.subf %mul3A_245, %sub3A_247 : vector<16xf32>
          %mul3A_249 = arith.constant 256 : i32
          %mul3A_250 = arith.muli %scan3A_91, %mul3A_249 : i32
          %add3A_251 = arith.constant 112 : i32
          %add3A_252 = arith.addi %mul3A_250, %add3A_251 : i32
          %swap3A_253 = arith.index_cast %add3A_252 : i32 to index
          %swap3A_254 = tpu.vector_load %arg9[%swap3A_253] {strides = array<i32>} : memref<32768xf32, #tpu.memory_space<vmem>>, vector<16xf32>,
          %swap3A_255 = vector.shape_cast %swap3A_254 : vector<16xf32> to vector<16xf32>
          %swap3A_256 = vector.shape_cast %sub3A_248 : vector<16xf32> to vector<16xf32>
          tpu.vector_store %arg9[%swap3A_253], %swap3A_256 {strides = array<i32>} : memref<32768xf32, #tpu.memory_space<vmem>>, vector<16xf32>,
          %mul3A_257 = arith.constant 128 : i32
          %mul3A_258 = arith.muli %scan3A_91, %mul3A_257 : i32
          %add3A_259 = arith.constant 0 : i32
          %add3A_260 = arith.addi %mul3A_258, %add3A_259 : i32
          %get3A_261 = arith.index_cast %add3A_260 : i32 to index
          %get3A_262 = tpu.vector_load %arg8[%get3A_261] {strides = array<i32>} : memref<16384xi32, #tpu.memory_space<vmem>>, vector<16xi32>,
          %get3A_263 = vector.shape_cast %get3A_262 : vector<16xi32> to vector<16xi32>
          %convert_element_type3A_264 = arith.sitofp %get3A_263 : vector<16xi32> to vector<16xf32>
          %mul3A_265 = vector.broadcast %cond3A : f32 to vector<16xf32>
          %mul3A_266 = arith.mulf %convert_element_type3A_264, %mul3A_265 : vector<16xf32>
          %sub3A_267 = arith.constant 1.000000e+00 : f32
          %sub3A_268 = vector.broadcast %sub3A_267 : f32 to vector<16xf32>
          %sub3A_269 = arith.subf %mul3A_266, %sub3A_268 : vector<16xf32>
          %mul3A_270 = arith.constant 256 : i32
          %mul3A_271 = arith.muli %scan3A_91, %mul3A_270 : i32
          %add3A_272 = arith.constant 128 : i32
          %add3A_273 = arith.addi %mul3A_271, %add3A_272 : i32
          %add3A_274 = arith.constant 0 : i32
          %add3A_275 = arith.addi %add3A_273, %add3A_274 : i32
          %swap3A_276 = arith.index_cast %add3A_275 : i32 to index
          %swap3A_277 = tpu.vector_load %arg9[%swap3A_276] {strides = array<i32>} : memref<32768xf32, #tpu.memory_space<vmem>>, vector<16xf32>,
          %swap3A_278 = vector.shape_cast %swap3A_277 : vector<16xf32> to vector<16xf32>
          %swap3A_279 = vector.shape_cast %sub3A_269 : vector<16xf32> to vector<16xf32>
          tpu.vector_store %arg9[%swap3A_276], %swap3A_279 {strides = array<i32>} : memref<32768xf32, #tpu.memory_space<vmem>>, vector<16xf32>,
          %mul3A_280 = arith.constant 128 : i32
          %mul3A_281 = arith.muli %scan3A_91, %mul3A_280 : i32
          %add3A_282 = arith.constant 16 : i32
          %add3A_283 = arith.addi %mul3A_281, %add3A_282 : i32
          %get3A_284 = arith.index_cast %add3A_283 : i32 to index
          %get3A_285 = tpu.vector_load %arg8[%get3A_284] {strides = array<i32>} : memref<16384xi32, #tpu.memory_space<vmem>>, vector<16xi32>,
          %get3A_286 = vector.shape_cast %get3A_285 : vector<16xi32> to vector<16xi32>
          %convert_element_type3A_287 = arith.sitofp %get3A_286 : vector<16xi32> to vector<16xf32>
          %mul3A_288 = vector.broadcast %cond3A : f32 to vector<16xf32>
          %mul3A_289 = arith.mulf %convert_element_type3A_287, %mul3A_288 : vector<16xf32>
          %sub3A_290 = arith.constant 1.000000e+00 : f32
          %sub3A_291 = vector.broadcast %sub3A_290 : f32 to vector<16xf32>
          %sub3A_292 = arith.subf %mul3A_289, %sub3A_291 : vector<16xf32>
          %mul3A_293 = arith.constant 256 : i32
          %mul3A_294 = arith.muli %scan3A_91, %mul3A_293 : i32
          %add3A_295 = arith.constant 128 : i32
          %add3A_296 = arith.addi %mul3A_294, %add3A_295 : i32
          %add3A_297 = arith.constant 16 : i32
          %add3A_298 = arith.addi %add3A_296, %add3A_297 : i32
          %swap3A_299 = arith.index_cast %add3A_298 : i32 to index
          %swap3A_300 = tpu.vector_load %arg9[%swap3A_299] {strides = array<i32>} : memref<32768xf32, #tpu.memory_space<vmem>>, vector<16xf32>,
          %swap3A_301 = vector.shape_cast %swap3A_300 : vector<16xf32> to vector<16xf32>
          %swap3A_302 = vector.shape_cast %sub3A_292 : vector<16xf32> to vector<16xf32>
          tpu.vector_store %arg9[%swap3A_299], %swap3A_302 {strides = array<i32>} : memref<32768xf32, #tpu.memory_space<vmem>>, vector<16xf32>,
          %mul3A_303 = arith.constant 128 : i32
          %mul3A_304 = arith.muli %scan3A_91, %mul3A_303 : i32
          %add3A_305 = arith.constant 32 : i32
          %add3A_306 = arith.addi %mul3A_304, %add3A_305 : i32
          %get3A_307 = arith.index_cast %add3A_306 : i32 to index
          %get3A_308 = tpu.vector_load %arg8[%get3A_307] {strides = array<i32>} : memref<16384xi32, #tpu.memory_space<vmem>>, vector<16xi32>,
          %get3A_309 = vector.shape_cast %get3A_308 : vector<16xi32> to vector<16xi32>
          %convert_element_type3A_310 = arith.sitofp %get3A_309 : vector<16xi32> to vector<16xf32>
          %mul3A_311 = vector.broadcast %cond3A : f32 to vector<16xf32>
          %mul3A_312 = arith.mulf %convert_element_type3A_310, %mul3A_311 : vector<16xf32>
          %sub3A_313 = arith.constant 1.000000e+00 : f32
          %sub3A_314 = vector.broadcast %sub3A_313 : f32 to vector<16xf32>
          %sub3A_315 = arith.subf %mul3A_312, %sub3A_314 : vector<16xf32>
          %mul3A_316 = arith.constant 256 : i32
          %mul3A_317 = arith.muli %scan3A_91, %mul3A_316 : i32
          %add3A_318 = arith.constant 128 : i32
          %add3A_319 = arith.addi %mul3A_317, %add3A_318 : i32
          %add3A_320 = arith.constant 32 : i32
          %add3A_321 = arith.addi %add3A_319, %add3A_320 : i32
          %swap3A_322 = arith.index_cast %add3A_321 : i32 to index
          %swap3A_323 = tpu.vector_load %arg9[%swap3A_322] {strides = array<i32>} : memref<32768xf32, #tpu.memory_space<vmem>>, vector<16xf32>,
          %swap3A_324 = vector.shape_cast %swap3A_323 : vector<16xf32> to vector<16xf32>
          %swap3A_325 = vector.shape_cast %sub3A_315 : vector<16xf32> to vector<16xf32>
          tpu.vector_store %arg9[%swap3A_322], %swap3A_325 {strides = array<i32>} : memref<32768xf32, #tpu.memory_space<vmem>>, vector<16xf32>,
          %mul3A_326 = arith.constant 128 : i32
          %mul3A_327 = arith.muli %scan3A_91, %mul3A_326 : i32
          %add3A_328 = arith.constant 48 : i32
          %add3A_329 = arith.addi %mul3A_327, %add3A_328 : i32
          %get3A_330 = arith.index_cast %add3A_329 : i32 to index
          %get3A_331 = tpu.vector_load %arg8[%get3A_330] {strides = array<i32>} : memref<16384xi32, #tpu.memory_space<vmem>>, vector<16xi32>,
          %get3A_332 = vector.shape_cast %get3A_331 : vector<16xi32> to vector<16xi32>
          %convert_element_type3A_333 = arith.sitofp %get3A_332 : vector<16xi32> to vector<16xf32>
          %mul3A_334 = vector.broadcast %cond3A : f32 to vector<16xf32>
          %mul3A_335 = arith.mulf %convert_element_type3A_333, %mul3A_334 : vector<16xf32>
          %sub3A_336 = arith.constant 1.000000e+00 : f32
          %sub3A_337 = vector.broadcast %sub3A_336 : f32 to vector<16xf32>
          %sub3A_338 = arith.subf %mul3A_335, %sub3A_337 : vector<16xf32>
          %mul3A_339 = arith.constant 256 : i32
          %mul3A_340 = arith.muli %scan3A_91, %mul3A_339 : i32
          %add3A_341 = arith.constant 128 : i32
          %add3A_342 = arith.addi %mul3A_340, %add3A_341 : i32
          %add3A_343 = arith.constant 48 : i32
          %add3A_344 = arith.addi %add3A_342, %add3A_343 : i32
          %swap3A_345 = arith.index_cast %add3A_344 : i32 to index
          %swap3A_346 = tpu.vector_load %arg9[%swap3A_345] {strides = array<i32>} : memref<32768xf32, #tpu.memory_space<vmem>>, vector<16xf32>,
          %swap3A_347 = vector.shape_cast %swap3A_346 : vector<16xf32> to vector<16xf32>
          %swap3A_348 = vector.shape_cast %sub3A_338 : vector<16xf32> to vector<16xf32>
          tpu.vector_store %arg9[%swap3A_345], %swap3A_348 {strides = array<i32>} : memref<32768xf32, #tpu.memory_space<vmem>>, vector<16xf32>,
          %mul3A_349 = arith.constant 128 : i32
          %mul3A_350 = arith.muli %scan3A_91, %mul3A_349 : i32
          %add3A_351 = arith.constant 64 : i32
          %add3A_352 = arith.addi %mul3A_350, %add3A_351 : i32
          %get3A_353 = arith.index_cast %add3A_352 : i32 to index
          %get3A_354 = tpu.vector_load %arg8[%get3A_353] {strides = array<i32>} : memref<16384xi32, #tpu.memory_space<vmem>>, vector<16xi32>,
          %get3A_355 = vector.shape_cast %get3A_354 : vector<16xi32> to vector<16xi32>
          %convert_element_type3A_356 = arith.sitofp %get3A_355 : vector<16xi32> to vector<16xf32>
          %mul3A_357 = vector.broadcast %cond3A : f32 to vector<16xf32>
          %mul3A_358 = arith.mulf %convert_element_type3A_356, %mul3A_357 : vector<16xf32>
          %sub3A_359 = arith.constant 1.000000e+00 : f32
          %sub3A_360 = vector.broadcast %sub3A_359 : f32 to vector<16xf32>
          %sub3A_361 = arith.subf %mul3A_358, %sub3A_360 : vector<16xf32>
          %mul3A_362 = arith.constant 256 : i32
          %mul3A_363 = arith.muli %scan3A_91, %mul3A_362 : i32
          %add3A_364 = arith.constant 128 : i32
          %add3A_365 = arith.addi %mul3A_363, %add3A_364 : i32
          %add3A_366 = arith.constant 64 : i32
          %add3A_367 = arith.addi %add3A_365, %add3A_366 : i32
          %swap3A_368 = arith.index_cast %add3A_367 : i32 to index
          %swap3A_369 = tpu.vector_load %arg9[%swap3A_368] {strides = array<i32>} : memref<32768xf32, #tpu.memory_space<vmem>>, vector<16xf32>,
          %swap3A_370 = vector.shape_cast %swap3A_369 : vector<16xf32> to vector<16xf32>
          %swap3A_371 = vector.shape_cast %sub3A_361 : vector<16xf32> to vector<16xf32>
          tpu.vector_store %arg9[%swap3A_368], %swap3A_371 {strides = array<i32>} : memref<32768xf32, #tpu.memory_space<vmem>>, vector<16xf32>,
          %mul3A_372 = arith.constant 128 : i32
          %mul3A_373 = arith.muli %scan3A_91, %mul3A_372 : i32
          %add3A_374 = arith.constant 80 : i32
          %add3A_375 = arith.addi %mul3A_373, %add3A_374 : i32
          %get3A_376 = arith.index_cast %add3A_375 : i32 to index
          %get3A_377 = tpu.vector_load %arg8[%get3A_376] {strides = array<i32>} : memref<16384xi32, #tpu.memory_space<vmem>>, vector<16xi32>,
          %get3A_378 = vector.shape_cast %get3A_377 : vector<16xi32> to vector<16xi32>
          %convert_element_type3A_379 = arith.sitofp %get3A_378 : vector<16xi32> to vector<16xf32>
          %mul3A_380 = vector.broadcast %cond3A : f32 to vector<16xf32>
          %mul3A_381 = arith.mulf %convert_element_type3A_379, %mul3A_380 : vector<16xf32>
          %sub3A_382 = arith.constant 1.000000e+00 : f32
          %sub3A_383 = vector.broadcast %sub3A_382 : f32 to vector<16xf32>
          %sub3A_384 = arith.subf %mul3A_381, %sub3A_383 : vector<16xf32>
          %mul3A_385 = arith.constant 256 : i32
          %mul3A_386 = arith.muli %scan3A_91, %mul3A_385 : i32
          %add3A_387 = arith.constant 128 : i32
          %add3A_388 = arith.addi %mul3A_386, %add3A_387 : i32
          %add3A_389 = arith.constant 80 : i32
          %add3A_390 = arith.addi %add3A_388, %add3A_389 : i32
          %swap3A_391 = arith.index_cast %add3A_390 : i32 to index
          %swap3A_392 = tpu.vector_load %arg9[%swap3A_391] {strides = array<i32>} : memref<32768xf32, #tpu.memory_space<vmem>>, vector<16xf32>,
          %swap3A_393 = vector.shape_cast %swap3A_392 : vector<16xf32> to vector<16xf32>
          %swap3A_394 = vector.shape_cast %sub3A_384 : vector<16xf32> to vector<16xf32>
          tpu.vector_store %arg9[%swap3A_391], %swap3A_394 {strides = array<i32>} : memref<32768xf32, #tpu.memory_space<vmem>>, vector<16xf32>,
          %mul3A_395 = arith.constant 128 : i32
          %mul3A_396 = arith.muli %scan3A_91, %mul3A_395 : i32
          %add3A_397 = arith.constant 96 : i32
          %add3A_398 = arith.addi %mul3A_396, %add3A_397 : i32
          %get3A_399 = arith.index_cast %add3A_398 : i32 to index
          %get3A_400 = tpu.vector_load %arg8[%get3A_399] {strides = array<i32>} : memref<16384xi32, #tpu.memory_space<vmem>>, vector<16xi32>,
          %get3A_401 = vector.shape_cast %get3A_400 : vector<16xi32> to vector<16xi32>
          %convert_element_type3A_402 = arith.sitofp %get3A_401 : vector<16xi32> to vector<16xf32>
          %mul3A_403 = vector.broadcast %cond3A : f32 to vector<16xf32>
          %mul3A_404 = arith.mulf %convert_element_type3A_402, %mul3A_403 : vector<16xf32>
          %sub3A_405 = arith.constant 1.000000e+00 : f32
          %sub3A_406 = vector.broadcast %sub3A_405 : f32 to vector<16xf32>
          %sub3A_407 = arith.subf %mul3A_404, %sub3A_406 : vector<16xf32>
          %mul3A_408 = arith.constant 256 : i32
          %mul3A_409 = arith.muli %scan3A_91, %mul3A_408 : i32
          %add3A_410 = arith.constant 128 : i32
          %add3A_411 = arith.addi %mul3A_409, %add3A_410 : i32
          %add3A_412 = arith.constant 96 : i32
          %add3A_413 = arith.addi %add3A_411, %add3A_412 : i32
          %swap3A_414 = arith.index_cast %add3A_413 : i32 to index
          %swap3A_415 = tpu.vector_load %arg9[%swap3A_414] {strides = array<i32>} : memref<32768xf32, #tpu.memory_space<vmem>>, vector<16xf32>,
          %swap3A_416 = vector.shape_cast %swap3A_415 : vector<16xf32> to vector<16xf32>
          %swap3A_417 = vector.shape_cast %sub3A_407 : vector<16xf32> to vector<16xf32>
          tpu.vector_store %arg9[%swap3A_414], %swap3A_417 {strides = array<i32>} : memref<32768xf32, #tpu.memory_space<vmem>>, vector<16xf32>,
          %mul3A_418 = arith.constant 128 : i32
          %mul3A_419 = arith.muli %scan3A_91, %mul3A_418 : i32
          %add3A_420 = arith.constant 112 : i32
          %add3A_421 = arith.addi %mul3A_419, %add3A_420 : i32
          %get3A_422 = arith.index_cast %add3A_421 : i32 to index
          %get3A_423 = tpu.vector_load %arg8[%get3A_422] {strides = array<i32>} : memref<16384xi32, #tpu.memory_space<vmem>>, vector<16xi32>,
          %get3A_424 = vector.shape_cast %get3A_423 : vector<16xi32> to vector<16xi32>
          %convert_element_type3A_425 = arith.sitofp %get3A_424 : vector<16xi32> to vector<16xf32>
          %mul3A_426 = vector.broadcast %cond3A : f32 to vector<16xf32>
          %mul3A_427 = arith.mulf %convert_element_type3A_425, %mul3A_426 : vector<16xf32>
          %sub3A_428 = arith.constant 1.000000e+00 : f32
          %sub3A_429 = vector.broadcast %sub3A_428 : f32 to vector<16xf32>
          %sub3A_430 = arith.subf %mul3A_427, %sub3A_429 : vector<16xf32>
          %mul3A_431 = arith.constant 256 : i32
          %mul3A_432 = arith.muli %scan3A_91, %mul3A_431 : i32
          %add3A_433 = arith.constant 128 : i32
          %add3A_434 = arith.addi %mul3A_432, %add3A_433 : i32
          %add3A_435 = arith.constant 112 : i32
          %add3A_436 = arith.addi %add3A_434, %add3A_435 : i32
          %swap3A_437 = arith.index_cast %add3A_436 : i32 to index
          %swap3A_438 = tpu.vector_load %arg9[%swap3A_437] {strides = array<i32>} : memref<32768xf32, #tpu.memory_space<vmem>>, vector<16xf32>,
          %swap3A_439 = vector.shape_cast %swap3A_438 : vector<16xf32> to vector<16xf32>
          %swap3A_440 = vector.shape_cast %sub3A_430 : vector<16xf32> to vector<16xf32>
          tpu.vector_store %arg9[%swap3A_437], %swap3A_440 {strides = array<i32>} : memref<32768xf32, #tpu.memory_space<vmem>>, vector<16xf32>,
        }
        %scan3A_88 = arith.constant 128 : i32
        %mul3A_89 = arith.constant 32768 : i32
        %mul3A_90 = arith.muli %add3A_25, %mul3A_89 : i32
        "tpu.region"() ({
          %run_scoped3A = tpu.sem_alloc : memref<!tpu.dma_semaphore, #tpu.memory_space<semaphore_mem>>
          %dma_start3A_91 = tpu.memref_slice %arg4[%mul3A_90] : memref<6553600xf32, #tpu.memory_space<hbm>> -> memref<32768xf32, #tpu.memory_space<hbm>>
          %dma_start3A_92 = tpu.memref_slice %arg4[%mul3A_90] : memref<6553600xf32, #tpu.memory_space<hbm>> -> memref<32768xf32, #tpu.memory_space<hbm>>
          tpu.enqueue_dma source(%arg9 : memref<32768xf32, #tpu.memory_space<vmem>>) target(%dma_start3A_92 : memref<32768xf32, #tpu.memory_space<hbm>>) target_semaphore(%run_scoped3A : memref<!tpu.dma_semaphore, #tpu.memory_space<semaphore_mem>>)
          %dma_wait3A_93 = tpu.memref_slice %arg4[%mul3A_90] : memref<6553600xf32, #tpu.memory_space<hbm>> -> memref<32768xf32, #tpu.memory_space<hbm>>
          %dma_wait3A_94 = tpu.memref_slice %arg4[%mul3A_90] : memref<6553600xf32, #tpu.memory_space<hbm>> -> memref<32768xf32, #tpu.memory_space<hbm>>
          tpu.wait_dma2 semaphore(%run_scoped3A : memref<!tpu.dma_semaphore, #tpu.memory_space<semaphore_mem>>) src(%arg9 : memref<32768xf32, #tpu.memory_space<vmem>>) dst(%dma_wait3A_94 : memref<32768xf32, #tpu.memory_space<hbm>>)
          tpu.yield
        }) : () -> ()
      } else {
      }
      %add3A_31 = arith.constant 2 : i32
      %add3A_32 = arith.addi %mul3A_2, %add3A_31 : i32
      %lt3A_33 = arith.constant 200 : i32
      %lt3A_34 = arith.cmpi slt, %add3A_32, %lt3A_33 : i32
      %convert_element_type3A_35 = arith.extui %lt3A_34 : i1 to i32
      %cond3A_36 = arith.constant 0 : i32
      %cond3A_37 = arith.cmpi ne, %convert_element_type3A_35, %cond3A_36 : i32
      scf.if %cond3A_37 {
        %add3A_66 = arith.constant 1 : i32
        %add3A_67 = arith.addi %add3A_32, %add3A_66 : i32
        %lt3A_68 = arith.constant 200 : i32
        %lt3A_69 = arith.cmpi slt, %add3A_67, %lt3A_68 : i32
        %convert_element_type3A_70 = arith.extui %lt3A_69 : i1 to i32
        %cond3A_71 = arith.constant 0 : i32
        %cond3A_72 = arith.cmpi ne, %convert_element_type3A_70, %cond3A_71 : i32
        scf.if %cond3A_72 {
          %add3A_91 = arith.constant 1 : i32
          %add3A_92 = arith.addi %add3A_32, %add3A_91 : i32
          %dma_start3A_93 = arith.constant 0 : i32
          %dma_start3A_94 = tpu.memref_slice %arg2[%add3A_92, %dma_start3A_93] : memref<200x16384xi32, #tpu.memory_space<hbm>> -> memref<1x16384xi32, #tpu.memory_space<hbm>>
          %dma_start3A_95 = tpu.memref_squeeze %dma_start3A_94 : memref<1x16384xi32, #tpu.memory_space<hbm>> -> memref<16384xi32, #tpu.memory_space<hbm>>
          %dma_start3A_96 = arith.constant 0 : i32
          %dma_start3A_97 = tpu.memref_slice %arg2[%add3A_92, %dma_start3A_96] : memref<200x16384xi32, #tpu.memory_space<hbm>> -> memref<1x16384xi32, #tpu.memory_space<hbm>>
          %dma_start3A_98 = tpu.memref_squeeze %dma_start3A_97 : memref<1x16384xi32, #tpu.memory_space<hbm>> -> memref<16384xi32, #tpu.memory_space<hbm>>
          tpu.enqueue_dma source(%dma_start3A_98 : memref<16384xi32, #tpu.memory_space<hbm>>) target(%arg7 : memref<16384xi32, #tpu.memory_space<vmem>>) target_semaphore(%arg11 : memref<!tpu.dma_semaphore, #tpu.memory_space<semaphore_mem>>)
          %dma_start3A_99 = arith.constant 0 : i32
          %dma_start3A_100 = tpu.memref_slice %arg3[%add3A_92, %dma_start3A_99] : memref<200x16384xi32, #tpu.memory_space<hbm>> -> memref<1x16384xi32, #tpu.memory_space<hbm>>
          %dma_start3A_101 = tpu.memref_squeeze %dma_start3A_100 : memref<1x16384xi32, #tpu.memory_space<hbm>> -> memref<16384xi32, #tpu.memory_space<hbm>>
          %dma_start3A_102 = arith.constant 0 : i32
          %dma_start3A_103 = tpu.memref_slice %arg3[%add3A_92, %dma_start3A_102] : memref<200x16384xi32, #tpu.memory_space<hbm>> -> memref<1x16384xi32, #tpu.memory_space<hbm>>
          %dma_start3A_104 = tpu.memref_squeeze %dma_start3A_103 : memref<1x16384xi32, #tpu.memory_space<hbm>> -> memref<16384xi32, #tpu.memory_space<hbm>>
          tpu.enqueue_dma source(%dma_start3A_104 : memref<16384xi32, #tpu.memory_space<hbm>>) target(%arg8 : memref<16384xi32, #tpu.memory_space<vmem>>) target_semaphore(%arg11 : memref<!tpu.dma_semaphore, #tpu.memory_space<semaphore_mem>>)
        } else {
        }
        %dma_wait3A = arith.constant 0 : i32
        %dma_wait3A_73 = tpu.memref_slice %arg2[%mul3A_2, %dma_wait3A] : memref<200x16384xi32, #tpu.memory_space<hbm>> -> memref<1x16384xi32, #tpu.memory_space<hbm>>
        %dma_wait3A_74 = tpu.memref_squeeze %dma_wait3A_73 : memref<1x16384xi32, #tpu.memory_space<hbm>> -> memref<16384xi32, #tpu.memory_space<hbm>>
        %dma_wait3A_75 = arith.constant 0 : i32
        %dma_wait3A_76 = tpu.memref_slice %arg2[%mul3A_2, %dma_wait3A_75] : memref<200x16384xi32, #tpu.memory_space<hbm>> -> memref<1x16384xi32, #tpu.memory_space<hbm>>
        %dma_wait3A_77 = tpu.memref_squeeze %dma_wait3A_76 : memref<1x16384xi32, #tpu.memory_space<hbm>> -> memref<16384xi32, #tpu.memory_space<hbm>>
        tpu.wait_dma2 semaphore(%arg10 : memref<!tpu.dma_semaphore, #tpu.memory_space<semaphore_mem>>) src(%dma_wait3A_77 : memref<16384xi32, #tpu.memory_space<hbm>>) dst(%arg5 : memref<16384xi32, #tpu.memory_space<vmem>>)
        %dma_wait3A_78 = arith.constant 0 : i32
        %dma_wait3A_79 = tpu.memref_slice %arg3[%mul3A_2, %dma_wait3A_78] : memref<200x16384xi32, #tpu.memory_space<hbm>> -> memref<1x16384xi32, #tpu.memory_space<hbm>>
        %dma_wait3A_80 = tpu.memref_squeeze %dma_wait3A_79 : memref<1x16384xi32, #tpu.memory_space<hbm>> -> memref<16384xi32, #tpu.memory_space<hbm>>
        %dma_wait3A_81 = arith.constant 0 : i32
        %dma_wait3A_82 = tpu.memref_slice %arg3[%mul3A_2, %dma_wait3A_81] : memref<200x16384xi32, #tpu.memory_space<hbm>> -> memref<1x16384xi32, #tpu.memory_space<hbm>>
        %dma_wait3A_83 = tpu.memref_squeeze %dma_wait3A_82 : memref<1x16384xi32, #tpu.memory_space<hbm>> -> memref<16384xi32, #tpu.memory_space<hbm>>
        tpu.wait_dma2 semaphore(%arg10 : memref<!tpu.dma_semaphore, #tpu.memory_space<semaphore_mem>>) src(%dma_wait3A_83 : memref<16384xi32, #tpu.memory_space<hbm>>) dst(%arg6 : memref<16384xi32, #tpu.memory_space<vmem>>)
        %scan3A = arith.constant 0 : i32
        %scan3A_84 = arith.constant 0 : i32
        %scan3A_85 = arith.constant 128 : i32
        %scan3A_86 = arith.addi %scan3A_84, %scan3A_85 : i32
        %scan3A_87 = arith.constant 1 : i32
        scf.for %scan3A_91 = %scan3A_84 to %scan3A_86 step %scan3A_87  : i32 {
          %mul3A_92 = arith.constant 128 : i32
          %mul3A_93 = arith.muli %scan3A_91, %mul3A_92 : i32
          %add3A_94 = arith.constant 0 : i32
          %add3A_95 = arith.addi %mul3A_93, %add3A_94 : i32
          %get3A = arith.index_cast %add3A_95 : i32 to index
          %get3A_96 = tpu.vector_load %arg5[%get3A] {strides = array<i32>} : memref<16384xi32, #tpu.memory_space<vmem>>, vector<16xi32>,
          %get3A_97 = vector.shape_cast %get3A_96 : vector<16xi32> to vector<16xi32>
          %convert_element_type3A_98 = arith.sitofp %get3A_97 : vector<16xi32> to vector<16xf32>
          %mul3A_99 = vector.broadcast %cond3A : f32 to vector<16xf32>
          %mul3A_100 = arith.mulf %convert_element_type3A_98, %mul3A_99 : vector<16xf32>
          %sub3A = arith.constant 1.000000e+00 : f32
          %sub3A_101 = vector.broadcast %sub3A : f32 to vector<16xf32>
          %sub3A_102 = arith.subf %mul3A_100, %sub3A_101 : vector<16xf32>
          %mul3A_103 = arith.constant 256 : i32
          %mul3A_104 = arith.muli %scan3A_91, %mul3A_103 : i32
          %add3A_105 = arith.constant 0 : i32
          %add3A_106 = arith.addi %mul3A_104, %add3A_105 : i32
          %swap3A = arith.index_cast %add3A_106 : i32 to index
          %swap3A_107 = tpu.vector_load %arg9[%swap3A] {strides = array<i32>} : memref<32768xf32, #tpu.memory_space<vmem>>, vector<16xf32>,
          %swap3A_108 = vector.shape_cast %swap3A_107 : vector<16xf32> to vector<16xf32>
          %swap3A_109 = vector.shape_cast %sub3A_102 : vector<16xf32> to vector<16xf32>
          tpu.vector_store %arg9[%swap3A], %swap3A_109 {strides = array<i32>} : memref<32768xf32, #tpu.memory_space<vmem>>, vector<16xf32>,
          %mul3A_110 = arith.constant 128 : i32
          %mul3A_111 = arith.muli %scan3A_91, %mul3A_110 : i32
          %add3A_112 = arith.constant 16 : i32
          %add3A_113 = arith.addi %mul3A_111, %add3A_112 : i32
          %get3A_114 = arith.index_cast %add3A_113 : i32 to index
          %get3A_115 = tpu.vector_load %arg5[%get3A_114] {strides = array<i32>} : memref<16384xi32, #tpu.memory_space<vmem>>, vector<16xi32>,
          %get3A_116 = vector.shape_cast %get3A_115 : vector<16xi32> to vector<16xi32>
          %convert_element_type3A_117 = arith.sitofp %get3A_116 : vector<16xi32> to vector<16xf32>
          %mul3A_118 = vector.broadcast %cond3A : f32 to vector<16xf32>
          %mul3A_119 = arith.mulf %convert_element_type3A_117, %mul3A_118 : vector<16xf32>
          %sub3A_120 = arith.constant 1.000000e+00 : f32
          %sub3A_121 = vector.broadcast %sub3A_120 : f32 to vector<16xf32>
          %sub3A_122 = arith.subf %mul3A_119, %sub3A_121 : vector<16xf32>
          %mul3A_123 = arith.constant 256 : i32
          %mul3A_124 = arith.muli %scan3A_91, %mul3A_123 : i32
          %add3A_125 = arith.constant 16 : i32
          %add3A_126 = arith.addi %mul3A_124, %add3A_125 : i32
          %swap3A_127 = arith.index_cast %add3A_126 : i32 to index
          %swap3A_128 = tpu.vector_load %arg9[%swap3A_127] {strides = array<i32>} : memref<32768xf32, #tpu.memory_space<vmem>>, vector<16xf32>,
          %swap3A_129 = vector.shape_cast %swap3A_128 : vector<16xf32> to vector<16xf32>
          %swap3A_130 = vector.shape_cast %sub3A_122 : vector<16xf32> to vector<16xf32>
          tpu.vector_store %arg9[%swap3A_127], %swap3A_130 {strides = array<i32>} : memref<32768xf32, #tpu.memory_space<vmem>>, vector<16xf32>,
          %mul3A_131 = arith.constant 128 : i32
          %mul3A_132 = arith.muli %scan3A_91, %mul3A_131 : i32
          %add3A_133 = arith.constant 32 : i32
          %add3A_134 = arith.addi %mul3A_132, %add3A_133 : i32
          %get3A_135 = arith.index_cast %add3A_134 : i32 to index
          %get3A_136 = tpu.vector_load %arg5[%get3A_135] {strides = array<i32>} : memref<16384xi32, #tpu.memory_space<vmem>>, vector<16xi32>,
          %get3A_137 = vector.shape_cast %get3A_136 : vector<16xi32> to vector<16xi32>
          %convert_element_type3A_138 = arith.sitofp %get3A_137 : vector<16xi32> to vector<16xf32>
          %mul3A_139 = vector.broadcast %cond3A : f32 to vector<16xf32>
          %mul3A_140 = arith.mulf %convert_element_type3A_138, %mul3A_139 : vector<16xf32>
          %sub3A_141 = arith.constant 1.000000e+00 : f32
          %sub3A_142 = vector.broadcast %sub3A_141 : f32 to vector<16xf32>
          %sub3A_143 = arith.subf %mul3A_140, %sub3A_142 : vector<16xf32>
          %mul3A_144 = arith.constant 256 : i32
          %mul3A_145 = arith.muli %scan3A_91, %mul3A_144 : i32
          %add3A_146 = arith.constant 32 : i32
          %add3A_147 = arith.addi %mul3A_145, %add3A_146 : i32
          %swap3A_148 = arith.index_cast %add3A_147 : i32 to index
          %swap3A_149 = tpu.vector_load %arg9[%swap3A_148] {strides = array<i32>} : memref<32768xf32, #tpu.memory_space<vmem>>, vector<16xf32>,
          %swap3A_150 = vector.shape_cast %swap3A_149 : vector<16xf32> to vector<16xf32>
          %swap3A_151 = vector.shape_cast %sub3A_143 : vector<16xf32> to vector<16xf32>
          tpu.vector_store %arg9[%swap3A_148], %swap3A_151 {strides = array<i32>} : memref<32768xf32, #tpu.memory_space<vmem>>, vector<16xf32>,
          %mul3A_152 = arith.constant 128 : i32
          %mul3A_153 = arith.muli %scan3A_91, %mul3A_152 : i32
          %add3A_154 = arith.constant 48 : i32
          %add3A_155 = arith.addi %mul3A_153, %add3A_154 : i32
          %get3A_156 = arith.index_cast %add3A_155 : i32 to index
          %get3A_157 = tpu.vector_load %arg5[%get3A_156] {strides = array<i32>} : memref<16384xi32, #tpu.memory_space<vmem>>, vector<16xi32>,
          %get3A_158 = vector.shape_cast %get3A_157 : vector<16xi32> to vector<16xi32>
          %convert_element_type3A_159 = arith.sitofp %get3A_158 : vector<16xi32> to vector<16xf32>
          %mul3A_160 = vector.broadcast %cond3A : f32 to vector<16xf32>
          %mul3A_161 = arith.mulf %convert_element_type3A_159, %mul3A_160 : vector<16xf32>
          %sub3A_162 = arith.constant 1.000000e+00 : f32
          %sub3A_163 = vector.broadcast %sub3A_162 : f32 to vector<16xf32>
          %sub3A_164 = arith.subf %mul3A_161, %sub3A_163 : vector<16xf32>
          %mul3A_165 = arith.constant 256 : i32
          %mul3A_166 = arith.muli %scan3A_91, %mul3A_165 : i32
          %add3A_167 = arith.constant 48 : i32
          %add3A_168 = arith.addi %mul3A_166, %add3A_167 : i32
          %swap3A_169 = arith.index_cast %add3A_168 : i32 to index
          %swap3A_170 = tpu.vector_load %arg9[%swap3A_169] {strides = array<i32>} : memref<32768xf32, #tpu.memory_space<vmem>>, vector<16xf32>,
          %swap3A_171 = vector.shape_cast %swap3A_170 : vector<16xf32> to vector<16xf32>
          %swap3A_172 = vector.shape_cast %sub3A_164 : vector<16xf32> to vector<16xf32>
          tpu.vector_store %arg9[%swap3A_169], %swap3A_172 {strides = array<i32>} : memref<32768xf32, #tpu.memory_space<vmem>>, vector<16xf32>,
          %mul3A_173 = arith.constant 128 : i32
          %mul3A_174 = arith.muli %scan3A_91, %mul3A_173 : i32
          %add3A_175 = arith.constant 64 : i32
          %add3A_176 = arith.addi %mul3A_174, %add3A_175 : i32
          %get3A_177 = arith.index_cast %add3A_176 : i32 to index
          %get3A_178 = tpu.vector_load %arg5[%get3A_177] {strides = array<i32>} : memref<16384xi32, #tpu.memory_space<vmem>>, vector<16xi32>,
          %get3A_179 = vector.shape_cast %get3A_178 : vector<16xi32> to vector<16xi32>
          %convert_element_type3A_180 = arith.sitofp %get3A_179 : vector<16xi32> to vector<16xf32>
          %mul3A_181 = vector.broadcast %cond3A : f32 to vector<16xf32>
          %mul3A_182 = arith.mulf %convert_element_type3A_180, %mul3A_181 : vector<16xf32>
          %sub3A_183 = arith.constant 1.000000e+00 : f32
          %sub3A_184 = vector.broadcast %sub3A_183 : f32 to vector<16xf32>
          %sub3A_185 = arith.subf %mul3A_182, %sub3A_184 : vector<16xf32>
          %mul3A_186 = arith.constant 256 : i32
          %mul3A_187 = arith.muli %scan3A_91, %mul3A_186 : i32
          %add3A_188 = arith.constant 64 : i32
          %add3A_189 = arith.addi %mul3A_187, %add3A_188 : i32
          %swap3A_190 = arith.index_cast %add3A_189 : i32 to index
          %swap3A_191 = tpu.vector_load %arg9[%swap3A_190] {strides = array<i32>} : memref<32768xf32, #tpu.memory_space<vmem>>, vector<16xf32>,
          %swap3A_192 = vector.shape_cast %swap3A_191 : vector<16xf32> to vector<16xf32>
          %swap3A_193 = vector.shape_cast %sub3A_185 : vector<16xf32> to vector<16xf32>
          tpu.vector_store %arg9[%swap3A_190], %swap3A_193 {strides = array<i32>} : memref<32768xf32, #tpu.memory_space<vmem>>, vector<16xf32>,
          %mul3A_194 = arith.constant 128 : i32
          %mul3A_195 = arith.muli %scan3A_91, %mul3A_194 : i32
          %add3A_196 = arith.constant 80 : i32
          %add3A_197 = arith.addi %mul3A_195, %add3A_196 : i32
          %get3A_198 = arith.index_cast %add3A_197 : i32 to index
          %get3A_199 = tpu.vector_load %arg5[%get3A_198] {strides = array<i32>} : memref<16384xi32, #tpu.memory_space<vmem>>, vector<16xi32>,
          %get3A_200 = vector.shape_cast %get3A_199 : vector<16xi32> to vector<16xi32>
          %convert_element_type3A_201 = arith.sitofp %get3A_200 : vector<16xi32> to vector<16xf32>
          %mul3A_202 = vector.broadcast %cond3A : f32 to vector<16xf32>
          %mul3A_203 = arith.mulf %convert_element_type3A_201, %mul3A_202 : vector<16xf32>
          %sub3A_204 = arith.constant 1.000000e+00 : f32
          %sub3A_205 = vector.broadcast %sub3A_204 : f32 to vector<16xf32>
          %sub3A_206 = arith.subf %mul3A_203, %sub3A_205 : vector<16xf32>
          %mul3A_207 = arith.constant 256 : i32
          %mul3A_208 = arith.muli %scan3A_91, %mul3A_207 : i32
          %add3A_209 = arith.constant 80 : i32
          %add3A_210 = arith.addi %mul3A_208, %add3A_209 : i32
          %swap3A_211 = arith.index_cast %add3A_210 : i32 to index
          %swap3A_212 = tpu.vector_load %arg9[%swap3A_211] {strides = array<i32>} : memref<32768xf32, #tpu.memory_space<vmem>>, vector<16xf32>,
          %swap3A_213 = vector.shape_cast %swap3A_212 : vector<16xf32> to vector<16xf32>
          %swap3A_214 = vector.shape_cast %sub3A_206 : vector<16xf32> to vector<16xf32>
          tpu.vector_store %arg9[%swap3A_211], %swap3A_214 {strides = array<i32>} : memref<32768xf32, #tpu.memory_space<vmem>>, vector<16xf32>,
          %mul3A_215 = arith.constant 128 : i32
          %mul3A_216 = arith.muli %scan3A_91, %mul3A_215 : i32
          %add3A_217 = arith.constant 96 : i32
          %add3A_218 = arith.addi %mul3A_216, %add3A_217 : i32
          %get3A_219 = arith.index_cast %add3A_218 : i32 to index
          %get3A_220 = tpu.vector_load %arg5[%get3A_219] {strides = array<i32>} : memref<16384xi32, #tpu.memory_space<vmem>>, vector<16xi32>,
          %get3A_221 = vector.shape_cast %get3A_220 : vector<16xi32> to vector<16xi32>
          %convert_element_type3A_222 = arith.sitofp %get3A_221 : vector<16xi32> to vector<16xf32>
          %mul3A_223 = vector.broadcast %cond3A : f32 to vector<16xf32>
          %mul3A_224 = arith.mulf %convert_element_type3A_222, %mul3A_223 : vector<16xf32>
          %sub3A_225 = arith.constant 1.000000e+00 : f32
          %sub3A_226 = vector.broadcast %sub3A_225 : f32 to vector<16xf32>
          %sub3A_227 = arith.subf %mul3A_224, %sub3A_226 : vector<16xf32>
          %mul3A_228 = arith.constant 256 : i32
          %mul3A_229 = arith.muli %scan3A_91, %mul3A_228 : i32
          %add3A_230 = arith.constant 96 : i32
          %add3A_231 = arith.addi %mul3A_229, %add3A_230 : i32
          %swap3A_232 = arith.index_cast %add3A_231 : i32 to index
          %swap3A_233 = tpu.vector_load %arg9[%swap3A_232] {strides = array<i32>} : memref<32768xf32, #tpu.memory_space<vmem>>, vector<16xf32>,
          %swap3A_234 = vector.shape_cast %swap3A_233 : vector<16xf32> to vector<16xf32>
          %swap3A_235 = vector.shape_cast %sub3A_227 : vector<16xf32> to vector<16xf32>
          tpu.vector_store %arg9[%swap3A_232], %swap3A_235 {strides = array<i32>} : memref<32768xf32, #tpu.memory_space<vmem>>, vector<16xf32>,
          %mul3A_236 = arith.constant 128 : i32
          %mul3A_237 = arith.muli %scan3A_91, %mul3A_236 : i32
          %add3A_238 = arith.constant 112 : i32
          %add3A_239 = arith.addi %mul3A_237, %add3A_238 : i32
          %get3A_240 = arith.index_cast %add3A_239 : i32 to index
          %get3A_241 = tpu.vector_load %arg5[%get3A_240] {strides = array<i32>} : memref<16384xi32, #tpu.memory_space<vmem>>, vector<16xi32>,
          %get3A_242 = vector.shape_cast %get3A_241 : vector<16xi32> to vector<16xi32>
          %convert_element_type3A_243 = arith.sitofp %get3A_242 : vector<16xi32> to vector<16xf32>
          %mul3A_244 = vector.broadcast %cond3A : f32 to vector<16xf32>
          %mul3A_245 = arith.mulf %convert_element_type3A_243, %mul3A_244 : vector<16xf32>
          %sub3A_246 = arith.constant 1.000000e+00 : f32
          %sub3A_247 = vector.broadcast %sub3A_246 : f32 to vector<16xf32>
          %sub3A_248 = arith.subf %mul3A_245, %sub3A_247 : vector<16xf32>
          %mul3A_249 = arith.constant 256 : i32
          %mul3A_250 = arith.muli %scan3A_91, %mul3A_249 : i32
          %add3A_251 = arith.constant 112 : i32
          %add3A_252 = arith.addi %mul3A_250, %add3A_251 : i32
          %swap3A_253 = arith.index_cast %add3A_252 : i32 to index
          %swap3A_254 = tpu.vector_load %arg9[%swap3A_253] {strides = array<i32>} : memref<32768xf32, #tpu.memory_space<vmem>>, vector<16xf32>,
          %swap3A_255 = vector.shape_cast %swap3A_254 : vector<16xf32> to vector<16xf32>
          %swap3A_256 = vector.shape_cast %sub3A_248 : vector<16xf32> to vector<16xf32>
          tpu.vector_store %arg9[%swap3A_253], %swap3A_256 {strides = array<i32>} : memref<32768xf32, #tpu.memory_space<vmem>>, vector<16xf32>,
          %mul3A_257 = arith.constant 128 : i32
          %mul3A_258 = arith.muli %scan3A_91, %mul3A_257 : i32
          %add3A_259 = arith.constant 0 : i32
          %add3A_260 = arith.addi %mul3A_258, %add3A_259 : i32
          %get3A_261 = arith.index_cast %add3A_260 : i32 to index
          %get3A_262 = tpu.vector_load %arg6[%get3A_261] {strides = array<i32>} : memref<16384xi32, #tpu.memory_space<vmem>>, vector<16xi32>,
          %get3A_263 = vector.shape_cast %get3A_262 : vector<16xi32> to vector<16xi32>
          %convert_element_type3A_264 = arith.sitofp %get3A_263 : vector<16xi32> to vector<16xf32>
          %mul3A_265 = vector.broadcast %cond3A : f32 to vector<16xf32>
          %mul3A_266 = arith.mulf %convert_element_type3A_264, %mul3A_265 : vector<16xf32>
          %sub3A_267 = arith.constant 1.000000e+00 : f32
          %sub3A_268 = vector.broadcast %sub3A_267 : f32 to vector<16xf32>
          %sub3A_269 = arith.subf %mul3A_266, %sub3A_268 : vector<16xf32>
          %mul3A_270 = arith.constant 256 : i32
          %mul3A_271 = arith.muli %scan3A_91, %mul3A_270 : i32
          %add3A_272 = arith.constant 128 : i32
          %add3A_273 = arith.addi %mul3A_271, %add3A_272 : i32
          %add3A_274 = arith.constant 0 : i32
          %add3A_275 = arith.addi %add3A_273, %add3A_274 : i32
          %swap3A_276 = arith.index_cast %add3A_275 : i32 to index
          %swap3A_277 = tpu.vector_load %arg9[%swap3A_276] {strides = array<i32>} : memref<32768xf32, #tpu.memory_space<vmem>>, vector<16xf32>,
          %swap3A_278 = vector.shape_cast %swap3A_277 : vector<16xf32> to vector<16xf32>
          %swap3A_279 = vector.shape_cast %sub3A_269 : vector<16xf32> to vector<16xf32>
          tpu.vector_store %arg9[%swap3A_276], %swap3A_279 {strides = array<i32>} : memref<32768xf32, #tpu.memory_space<vmem>>, vector<16xf32>,
          %mul3A_280 = arith.constant 128 : i32
          %mul3A_281 = arith.muli %scan3A_91, %mul3A_280 : i32
          %add3A_282 = arith.constant 16 : i32
          %add3A_283 = arith.addi %mul3A_281, %add3A_282 : i32
          %get3A_284 = arith.index_cast %add3A_283 : i32 to index
          %get3A_285 = tpu.vector_load %arg6[%get3A_284] {strides = array<i32>} : memref<16384xi32, #tpu.memory_space<vmem>>, vector<16xi32>,
          %get3A_286 = vector.shape_cast %get3A_285 : vector<16xi32> to vector<16xi32>
          %convert_element_type3A_287 = arith.sitofp %get3A_286 : vector<16xi32> to vector<16xf32>
          %mul3A_288 = vector.broadcast %cond3A : f32 to vector<16xf32>
          %mul3A_289 = arith.mulf %convert_element_type3A_287, %mul3A_288 : vector<16xf32>
          %sub3A_290 = arith.constant 1.000000e+00 : f32
          %sub3A_291 = vector.broadcast %sub3A_290 : f32 to vector<16xf32>
          %sub3A_292 = arith.subf %mul3A_289, %sub3A_291 : vector<16xf32>
          %mul3A_293 = arith.constant 256 : i32
          %mul3A_294 = arith.muli %scan3A_91, %mul3A_293 : i32
          %add3A_295 = arith.constant 128 : i32
          %add3A_296 = arith.addi %mul3A_294, %add3A_295 : i32
          %add3A_297 = arith.constant 16 : i32
          %add3A_298 = arith.addi %add3A_296, %add3A_297 : i32
          %swap3A_299 = arith.index_cast %add3A_298 : i32 to index
          %swap3A_300 = tpu.vector_load %arg9[%swap3A_299] {strides = array<i32>} : memref<32768xf32, #tpu.memory_space<vmem>>, vector<16xf32>,
          %swap3A_301 = vector.shape_cast %swap3A_300 : vector<16xf32> to vector<16xf32>
          %swap3A_302 = vector.shape_cast %sub3A_292 : vector<16xf32> to vector<16xf32>
          tpu.vector_store %arg9[%swap3A_299], %swap3A_302 {strides = array<i32>} : memref<32768xf32, #tpu.memory_space<vmem>>, vector<16xf32>,
          %mul3A_303 = arith.constant 128 : i32
          %mul3A_304 = arith.muli %scan3A_91, %mul3A_303 : i32
          %add3A_305 = arith.constant 32 : i32
          %add3A_306 = arith.addi %mul3A_304, %add3A_305 : i32
          %get3A_307 = arith.index_cast %add3A_306 : i32 to index
          %get3A_308 = tpu.vector_load %arg6[%get3A_307] {strides = array<i32>} : memref<16384xi32, #tpu.memory_space<vmem>>, vector<16xi32>,
          %get3A_309 = vector.shape_cast %get3A_308 : vector<16xi32> to vector<16xi32>
          %convert_element_type3A_310 = arith.sitofp %get3A_309 : vector<16xi32> to vector<16xf32>
          %mul3A_311 = vector.broadcast %cond3A : f32 to vector<16xf32>
          %mul3A_312 = arith.mulf %convert_element_type3A_310, %mul3A_311 : vector<16xf32>
          %sub3A_313 = arith.constant 1.000000e+00 : f32
          %sub3A_314 = vector.broadcast %sub3A_313 : f32 to vector<16xf32>
          %sub3A_315 = arith.subf %mul3A_312, %sub3A_314 : vector<16xf32>
          %mul3A_316 = arith.constant 256 : i32
          %mul3A_317 = arith.muli %scan3A_91, %mul3A_316 : i32
          %add3A_318 = arith.constant 128 : i32
          %add3A_319 = arith.addi %mul3A_317, %add3A_318 : i32
          %add3A_320 = arith.constant 32 : i32
          %add3A_321 = arith.addi %add3A_319, %add3A_320 : i32
          %swap3A_322 = arith.index_cast %add3A_321 : i32 to index
          %swap3A_323 = tpu.vector_load %arg9[%swap3A_322] {strides = array<i32>} : memref<32768xf32, #tpu.memory_space<vmem>>, vector<16xf32>,
          %swap3A_324 = vector.shape_cast %swap3A_323 : vector<16xf32> to vector<16xf32>
          %swap3A_325 = vector.shape_cast %sub3A_315 : vector<16xf32> to vector<16xf32>
          tpu.vector_store %arg9[%swap3A_322], %swap3A_325 {strides = array<i32>} : memref<32768xf32, #tpu.memory_space<vmem>>, vector<16xf32>,
          %mul3A_326 = arith.constant 128 : i32
          %mul3A_327 = arith.muli %scan3A_91, %mul3A_326 : i32
          %add3A_328 = arith.constant 48 : i32
          %add3A_329 = arith.addi %mul3A_327, %add3A_328 : i32
          %get3A_330 = arith.index_cast %add3A_329 : i32 to index
          %get3A_331 = tpu.vector_load %arg6[%get3A_330] {strides = array<i32>} : memref<16384xi32, #tpu.memory_space<vmem>>, vector<16xi32>,
          %get3A_332 = vector.shape_cast %get3A_331 : vector<16xi32> to vector<16xi32>
          %convert_element_type3A_333 = arith.sitofp %get3A_332 : vector<16xi32> to vector<16xf32>
          %mul3A_334 = vector.broadcast %cond3A : f32 to vector<16xf32>
          %mul3A_335 = arith.mulf %convert_element_type3A_333, %mul3A_334 : vector<16xf32>
          %sub3A_336 = arith.constant 1.000000e+00 : f32
          %sub3A_337 = vector.broadcast %sub3A_336 : f32 to vector<16xf32>
          %sub3A_338 = arith.subf %mul3A_335, %sub3A_337 : vector<16xf32>
          %mul3A_339 = arith.constant 256 : i32
          %mul3A_340 = arith.muli %scan3A_91, %mul3A_339 : i32
          %add3A_341 = arith.constant 128 : i32
          %add3A_342 = arith.addi %mul3A_340, %add3A_341 : i32
          %add3A_343 = arith.constant 48 : i32
          %add3A_344 = arith.addi %add3A_342, %add3A_343 : i32
          %swap3A_345 = arith.index_cast %add3A_344 : i32 to index
          %swap3A_346 = tpu.vector_load %arg9[%swap3A_345] {strides = array<i32>} : memref<32768xf32, #tpu.memory_space<vmem>>, vector<16xf32>,
          %swap3A_347 = vector.shape_cast %swap3A_346 : vector<16xf32> to vector<16xf32>
          %swap3A_348 = vector.shape_cast %sub3A_338 : vector<16xf32> to vector<16xf32>
          tpu.vector_store %arg9[%swap3A_345], %swap3A_348 {strides = array<i32>} : memref<32768xf32, #tpu.memory_space<vmem>>, vector<16xf32>,
          %mul3A_349 = arith.constant 128 : i32
          %mul3A_350 = arith.muli %scan3A_91, %mul3A_349 : i32
          %add3A_351 = arith.constant 64 : i32
          %add3A_352 = arith.addi %mul3A_350, %add3A_351 : i32
          %get3A_353 = arith.index_cast %add3A_352 : i32 to index
          %get3A_354 = tpu.vector_load %arg6[%get3A_353] {strides = array<i32>} : memref<16384xi32, #tpu.memory_space<vmem>>, vector<16xi32>,
          %get3A_355 = vector.shape_cast %get3A_354 : vector<16xi32> to vector<16xi32>
          %convert_element_type3A_356 = arith.sitofp %get3A_355 : vector<16xi32> to vector<16xf32>
          %mul3A_357 = vector.broadcast %cond3A : f32 to vector<16xf32>
          %mul3A_358 = arith.mulf %convert_element_type3A_356, %mul3A_357 : vector<16xf32>
          %sub3A_359 = arith.constant 1.000000e+00 : f32
          %sub3A_360 = vector.broadcast %sub3A_359 : f32 to vector<16xf32>
          %sub3A_361 = arith.subf %mul3A_358, %sub3A_360 : vector<16xf32>
          %mul3A_362 = arith.constant 256 : i32
          %mul3A_363 = arith.muli %scan3A_91, %mul3A_362 : i32
          %add3A_364 = arith.constant 128 : i32
          %add3A_365 = arith.addi %mul3A_363, %add3A_364 : i32
          %add3A_366 = arith.constant 64 : i32
          %add3A_367 = arith.addi %add3A_365, %add3A_366 : i32
          %swap3A_368 = arith.index_cast %add3A_367 : i32 to index
          %swap3A_369 = tpu.vector_load %arg9[%swap3A_368] {strides = array<i32>} : memref<32768xf32, #tpu.memory_space<vmem>>, vector<16xf32>,
          %swap3A_370 = vector.shape_cast %swap3A_369 : vector<16xf32> to vector<16xf32>
          %swap3A_371 = vector.shape_cast %sub3A_361 : vector<16xf32> to vector<16xf32>
          tpu.vector_store %arg9[%swap3A_368], %swap3A_371 {strides = array<i32>} : memref<32768xf32, #tpu.memory_space<vmem>>, vector<16xf32>,
          %mul3A_372 = arith.constant 128 : i32
          %mul3A_373 = arith.muli %scan3A_91, %mul3A_372 : i32
          %add3A_374 = arith.constant 80 : i32
          %add3A_375 = arith.addi %mul3A_373, %add3A_374 : i32
          %get3A_376 = arith.index_cast %add3A_375 : i32 to index
          %get3A_377 = tpu.vector_load %arg6[%get3A_376] {strides = array<i32>} : memref<16384xi32, #tpu.memory_space<vmem>>, vector<16xi32>,
          %get3A_378 = vector.shape_cast %get3A_377 : vector<16xi32> to vector<16xi32>
          %convert_element_type3A_379 = arith.sitofp %get3A_378 : vector<16xi32> to vector<16xf32>
          %mul3A_380 = vector.broadcast %cond3A : f32 to vector<16xf32>
          %mul3A_381 = arith.mulf %convert_element_type3A_379, %mul3A_380 : vector<16xf32>
          %sub3A_382 = arith.constant 1.000000e+00 : f32
          %sub3A_383 = vector.broadcast %sub3A_382 : f32 to vector<16xf32>
          %sub3A_384 = arith.subf %mul3A_381, %sub3A_383 : vector<16xf32>
          %mul3A_385 = arith.constant 256 : i32
          %mul3A_386 = arith.muli %scan3A_91, %mul3A_385 : i32
          %add3A_387 = arith.constant 128 : i32
          %add3A_388 = arith.addi %mul3A_386, %add3A_387 : i32
          %add3A_389 = arith.constant 80 : i32
          %add3A_390 = arith.addi %add3A_388, %add3A_389 : i32
          %swap3A_391 = arith.index_cast %add3A_390 : i32 to index
          %swap3A_392 = tpu.vector_load %arg9[%swap3A_391] {strides = array<i32>} : memref<32768xf32, #tpu.memory_space<vmem>>, vector<16xf32>,
          %swap3A_393 = vector.shape_cast %swap3A_392 : vector<16xf32> to vector<16xf32>
          %swap3A_394 = vector.shape_cast %sub3A_384 : vector<16xf32> to vector<16xf32>
          tpu.vector_store %arg9[%swap3A_391], %swap3A_394 {strides = array<i32>} : memref<32768xf32, #tpu.memory_space<vmem>>, vector<16xf32>,
          %mul3A_395 = arith.constant 128 : i32
          %mul3A_396 = arith.muli %scan3A_91, %mul3A_395 : i32
          %add3A_397 = arith.constant 96 : i32
          %add3A_398 = arith.addi %mul3A_396, %add3A_397 : i32
          %get3A_399 = arith.index_cast %add3A_398 : i32 to index
          %get3A_400 = tpu.vector_load %arg6[%get3A_399] {strides = array<i32>} : memref<16384xi32, #tpu.memory_space<vmem>>, vector<16xi32>,
          %get3A_401 = vector.shape_cast %get3A_400 : vector<16xi32> to vector<16xi32>
          %convert_element_type3A_402 = arith.sitofp %get3A_401 : vector<16xi32> to vector<16xf32>
          %mul3A_403 = vector.broadcast %cond3A : f32 to vector<16xf32>
          %mul3A_404 = arith.mulf %convert_element_type3A_402, %mul3A_403 : vector<16xf32>
          %sub3A_405 = arith.constant 1.000000e+00 : f32
          %sub3A_406 = vector.broadcast %sub3A_405 : f32 to vector<16xf32>
          %sub3A_407 = arith.subf %mul3A_404, %sub3A_406 : vector<16xf32>
          %mul3A_408 = arith.constant 256 : i32
          %mul3A_409 = arith.muli %scan3A_91, %mul3A_408 : i32
          %add3A_410 = arith.constant 128 : i32
          %add3A_411 = arith.addi %mul3A_409, %add3A_410 : i32
          %add3A_412 = arith.constant 96 : i32
          %add3A_413 = arith.addi %add3A_411, %add3A_412 : i32
          %swap3A_414 = arith.index_cast %add3A_413 : i32 to index
          %swap3A_415 = tpu.vector_load %arg9[%swap3A_414] {strides = array<i32>} : memref<32768xf32, #tpu.memory_space<vmem>>, vector<16xf32>,
          %swap3A_416 = vector.shape_cast %swap3A_415 : vector<16xf32> to vector<16xf32>
          %swap3A_417 = vector.shape_cast %sub3A_407 : vector<16xf32> to vector<16xf32>
          tpu.vector_store %arg9[%swap3A_414], %swap3A_417 {strides = array<i32>} : memref<32768xf32, #tpu.memory_space<vmem>>, vector<16xf32>,
          %mul3A_418 = arith.constant 128 : i32
          %mul3A_419 = arith.muli %scan3A_91, %mul3A_418 : i32
          %add3A_420 = arith.constant 112 : i32
          %add3A_421 = arith.addi %mul3A_419, %add3A_420 : i32
          %get3A_422 = arith.index_cast %add3A_421 : i32 to index
          %get3A_423 = tpu.vector_load %arg6[%get3A_422] {strides = array<i32>} : memref<16384xi32, #tpu.memory_space<vmem>>, vector<16xi32>,
          %get3A_424 = vector.shape_cast %get3A_423 : vector<16xi32> to vector<16xi32>
          %convert_element_type3A_425 = arith.sitofp %get3A_424 : vector<16xi32> to vector<16xf32>
          %mul3A_426 = vector.broadcast %cond3A : f32 to vector<16xf32>
          %mul3A_427 = arith.mulf %convert_element_type3A_425, %mul3A_426 : vector<16xf32>
          %sub3A_428 = arith.constant 1.000000e+00 : f32
          %sub3A_429 = vector.broadcast %sub3A_428 : f32 to vector<16xf32>
          %sub3A_430 = arith.subf %mul3A_427, %sub3A_429 : vector<16xf32>
          %mul3A_431 = arith.constant 256 : i32
          %mul3A_432 = arith.muli %scan3A_91, %mul3A_431 : i32
          %add3A_433 = arith.constant 128 : i32
          %add3A_434 = arith.addi %mul3A_432, %add3A_433 : i32
          %add3A_435 = arith.constant 112 : i32
          %add3A_436 = arith.addi %add3A_434, %add3A_435 : i32
          %swap3A_437 = arith.index_cast %add3A_436 : i32 to index
          %swap3A_438 = tpu.vector_load %arg9[%swap3A_437] {strides = array<i32>} : memref<32768xf32, #tpu.memory_space<vmem>>, vector<16xf32>,
          %swap3A_439 = vector.shape_cast %swap3A_438 : vector<16xf32> to vector<16xf32>
          %swap3A_440 = vector.shape_cast %sub3A_430 : vector<16xf32> to vector<16xf32>
          tpu.vector_store %arg9[%swap3A_437], %swap3A_440 {strides = array<i32>} : memref<32768xf32, #tpu.memory_space<vmem>>, vector<16xf32>,
        }
        %scan3A_88 = arith.constant 128 : i32
        %mul3A_89 = arith.constant 32768 : i32
        %mul3A_90 = arith.muli %add3A_32, %mul3A_89 : i32
        "tpu.region"() ({
          %run_scoped3A = tpu.sem_alloc : memref<!tpu.dma_semaphore, #tpu.memory_space<semaphore_mem>>
          %dma_start3A_91 = tpu.memref_slice %arg4[%mul3A_90] : memref<6553600xf32, #tpu.memory_space<hbm>> -> memref<32768xf32, #tpu.memory_space<hbm>>
          %dma_start3A_92 = tpu.memref_slice %arg4[%mul3A_90] : memref<6553600xf32, #tpu.memory_space<hbm>> -> memref<32768xf32, #tpu.memory_space<hbm>>
          tpu.enqueue_dma source(%arg9 : memref<32768xf32, #tpu.memory_space<vmem>>) target(%dma_start3A_92 : memref<32768xf32, #tpu.memory_space<hbm>>) target_semaphore(%run_scoped3A : memref<!tpu.dma_semaphore, #tpu.memory_space<semaphore_mem>>)
          %dma_wait3A_93 = tpu.memref_slice %arg4[%mul3A_90] : memref<6553600xf32, #tpu.memory_space<hbm>> -> memref<32768xf32, #tpu.memory_space<hbm>>
          %dma_wait3A_94 = tpu.memref_slice %arg4[%mul3A_90] : memref<6553600xf32, #tpu.memory_space<hbm>> -> memref<32768xf32, #tpu.memory_space<hbm>>
          tpu.wait_dma2 semaphore(%run_scoped3A : memref<!tpu.dma_semaphore, #tpu.memory_space<semaphore_mem>>) src(%arg9 : memref<32768xf32, #tpu.memory_space<vmem>>) dst(%dma_wait3A_94 : memref<32768xf32, #tpu.memory_space<hbm>>)
          tpu.yield
        }) : () -> ()
      } else {
      }
      %add3A_38 = arith.constant 3 : i32
      %add3A_39 = arith.addi %mul3A_2, %add3A_38 : i32
      %lt3A_40 = arith.constant 200 : i32
      %lt3A_41 = arith.cmpi slt, %add3A_39, %lt3A_40 : i32
      %convert_element_type3A_42 = arith.extui %lt3A_41 : i1 to i32
      %cond3A_43 = arith.constant 0 : i32
      %cond3A_44 = arith.cmpi ne, %convert_element_type3A_42, %cond3A_43 : i32
      scf.if %cond3A_44 {
        %add3A_66 = arith.constant 1 : i32
        %add3A_67 = arith.addi %add3A_39, %add3A_66 : i32
        %lt3A_68 = arith.constant 200 : i32
        %lt3A_69 = arith.cmpi slt, %add3A_67, %lt3A_68 : i32
        %convert_element_type3A_70 = arith.extui %lt3A_69 : i1 to i32
        %cond3A_71 = arith.constant 0 : i32
        %cond3A_72 = arith.cmpi ne, %convert_element_type3A_70, %cond3A_71 : i32
        scf.if %cond3A_72 {
          %add3A_91 = arith.constant 1 : i32
          %add3A_92 = arith.addi %add3A_39, %add3A_91 : i32
          %dma_start3A_93 = arith.constant 0 : i32
          %dma_start3A_94 = tpu.memref_slice %arg2[%add3A_92, %dma_start3A_93] : memref<200x16384xi32, #tpu.memory_space<hbm>> -> memref<1x16384xi32, #tpu.memory_space<hbm>>
          %dma_start3A_95 = tpu.memref_squeeze %dma_start3A_94 : memref<1x16384xi32, #tpu.memory_space<hbm>> -> memref<16384xi32, #tpu.memory_space<hbm>>
          %dma_start3A_96 = arith.constant 0 : i32
          %dma_start3A_97 = tpu.memref_slice %arg2[%add3A_92, %dma_start3A_96] : memref<200x16384xi32, #tpu.memory_space<hbm>> -> memref<1x16384xi32, #tpu.memory_space<hbm>>
          %dma_start3A_98 = tpu.memref_squeeze %dma_start3A_97 : memref<1x16384xi32, #tpu.memory_space<hbm>> -> memref<16384xi32, #tpu.memory_space<hbm>>
          tpu.enqueue_dma source(%dma_start3A_98 : memref<16384xi32, #tpu.memory_space<hbm>>) target(%arg5 : memref<16384xi32, #tpu.memory_space<vmem>>) target_semaphore(%arg10 : memref<!tpu.dma_semaphore, #tpu.memory_space<semaphore_mem>>)
          %dma_start3A_99 = arith.constant 0 : i32
          %dma_start3A_100 = tpu.memref_slice %arg3[%add3A_92, %dma_start3A_99] : memref<200x16384xi32, #tpu.memory_space<hbm>> -> memref<1x16384xi32, #tpu.memory_space<hbm>>
          %dma_start3A_101 = tpu.memref_squeeze %dma_start3A_100 : memref<1x16384xi32, #tpu.memory_space<hbm>> -> memref<16384xi32, #tpu.memory_space<hbm>>
          %dma_start3A_102 = arith.constant 0 : i32
          %dma_start3A_103 = tpu.memref_slice %arg3[%add3A_92, %dma_start3A_102] : memref<200x16384xi32, #tpu.memory_space<hbm>> -> memref<1x16384xi32, #tpu.memory_space<hbm>>
          %dma_start3A_104 = tpu.memref_squeeze %dma_start3A_103 : memref<1x16384xi32, #tpu.memory_space<hbm>> -> memref<16384xi32, #tpu.memory_space<hbm>>
          tpu.enqueue_dma source(%dma_start3A_104 : memref<16384xi32, #tpu.memory_space<hbm>>) target(%arg6 : memref<16384xi32, #tpu.memory_space<vmem>>) target_semaphore(%arg10 : memref<!tpu.dma_semaphore, #tpu.memory_space<semaphore_mem>>)
        } else {
        }
        %dma_wait3A = arith.constant 0 : i32
        %dma_wait3A_73 = tpu.memref_slice %arg2[%mul3A_2, %dma_wait3A] : memref<200x16384xi32, #tpu.memory_space<hbm>> -> memref<1x16384xi32, #tpu.memory_space<hbm>>
        %dma_wait3A_74 = tpu.memref_squeeze %dma_wait3A_73 : memref<1x16384xi32, #tpu.memory_space<hbm>> -> memref<16384xi32, #tpu.memory_space<hbm>>
        %dma_wait3A_75 = arith.constant 0 : i32
        %dma_wait3A_76 = tpu.memref_slice %arg2[%mul3A_2, %dma_wait3A_75] : memref<200x16384xi32, #tpu.memory_space<hbm>> -> memref<1x16384xi32, #tpu.memory_space<hbm>>
        %dma_wait3A_77 = tpu.memref_squeeze %dma_wait3A_76 : memref<1x16384xi32, #tpu.memory_space<hbm>> -> memref<16384xi32, #tpu.memory_space<hbm>>
        tpu.wait_dma2 semaphore(%arg11 : memref<!tpu.dma_semaphore, #tpu.memory_space<semaphore_mem>>) src(%dma_wait3A_77 : memref<16384xi32, #tpu.memory_space<hbm>>) dst(%arg7 : memref<16384xi32, #tpu.memory_space<vmem>>)
        %dma_wait3A_78 = arith.constant 0 : i32
        %dma_wait3A_79 = tpu.memref_slice %arg3[%mul3A_2, %dma_wait3A_78] : memref<200x16384xi32, #tpu.memory_space<hbm>> -> memref<1x16384xi32, #tpu.memory_space<hbm>>
        %dma_wait3A_80 = tpu.memref_squeeze %dma_wait3A_79 : memref<1x16384xi32, #tpu.memory_space<hbm>> -> memref<16384xi32, #tpu.memory_space<hbm>>
        %dma_wait3A_81 = arith.constant 0 : i32
        %dma_wait3A_82 = tpu.memref_slice %arg3[%mul3A_2, %dma_wait3A_81] : memref<200x16384xi32, #tpu.memory_space<hbm>> -> memref<1x16384xi32, #tpu.memory_space<hbm>>
        %dma_wait3A_83 = tpu.memref_squeeze %dma_wait3A_82 : memref<1x16384xi32, #tpu.memory_space<hbm>> -> memref<16384xi32, #tpu.memory_space<hbm>>
        tpu.wait_dma2 semaphore(%arg11 : memref<!tpu.dma_semaphore, #tpu.memory_space<semaphore_mem>>) src(%dma_wait3A_83 : memref<16384xi32, #tpu.memory_space<hbm>>) dst(%arg8 : memref<16384xi32, #tpu.memory_space<vmem>>)
        %scan3A = arith.constant 0 : i32
        %scan3A_84 = arith.constant 0 : i32
        %scan3A_85 = arith.constant 128 : i32
        %scan3A_86 = arith.addi %scan3A_84, %scan3A_85 : i32
        %scan3A_87 = arith.constant 1 : i32
        scf.for %scan3A_91 = %scan3A_84 to %scan3A_86 step %scan3A_87  : i32 {
          %mul3A_92 = arith.constant 128 : i32
          %mul3A_93 = arith.muli %scan3A_91, %mul3A_92 : i32
          %add3A_94 = arith.constant 0 : i32
          %add3A_95 = arith.addi %mul3A_93, %add3A_94 : i32
          %get3A = arith.index_cast %add3A_95 : i32 to index
          %get3A_96 = tpu.vector_load %arg7[%get3A] {strides = array<i32>} : memref<16384xi32, #tpu.memory_space<vmem>>, vector<16xi32>,
          %get3A_97 = vector.shape_cast %get3A_96 : vector<16xi32> to vector<16xi32>
          %convert_element_type3A_98 = arith.sitofp %get3A_97 : vector<16xi32> to vector<16xf32>
          %mul3A_99 = vector.broadcast %cond3A : f32 to vector<16xf32>
          %mul3A_100 = arith.mulf %convert_element_type3A_98, %mul3A_99 : vector<16xf32>
          %sub3A = arith.constant 1.000000e+00 : f32
          %sub3A_101 = vector.broadcast %sub3A : f32 to vector<16xf32>
          %sub3A_102 = arith.subf %mul3A_100, %sub3A_101 : vector<16xf32>
          %mul3A_103 = arith.constant 256 : i32
          %mul3A_104 = arith.muli %scan3A_91, %mul3A_103 : i32
          %add3A_105 = arith.constant 0 : i32
          %add3A_106 = arith.addi %mul3A_104, %add3A_105 : i32
          %swap3A = arith.index_cast %add3A_106 : i32 to index
          %swap3A_107 = tpu.vector_load %arg9[%swap3A] {strides = array<i32>} : memref<32768xf32, #tpu.memory_space<vmem>>, vector<16xf32>,
          %swap3A_108 = vector.shape_cast %swap3A_107 : vector<16xf32> to vector<16xf32>
          %swap3A_109 = vector.shape_cast %sub3A_102 : vector<16xf32> to vector<16xf32>
          tpu.vector_store %arg9[%swap3A], %swap3A_109 {strides = array<i32>} : memref<32768xf32, #tpu.memory_space<vmem>>, vector<16xf32>,
          %mul3A_110 = arith.constant 128 : i32
          %mul3A_111 = arith.muli %scan3A_91, %mul3A_110 : i32
          %add3A_112 = arith.constant 16 : i32
          %add3A_113 = arith.addi %mul3A_111, %add3A_112 : i32
          %get3A_114 = arith.index_cast %add3A_113 : i32 to index
          %get3A_115 = tpu.vector_load %arg7[%get3A_114] {strides = array<i32>} : memref<16384xi32, #tpu.memory_space<vmem>>, vector<16xi32>,
          %get3A_116 = vector.shape_cast %get3A_115 : vector<16xi32> to vector<16xi32>
          %convert_element_type3A_117 = arith.sitofp %get3A_116 : vector<16xi32> to vector<16xf32>
          %mul3A_118 = vector.broadcast %cond3A : f32 to vector<16xf32>
          %mul3A_119 = arith.mulf %convert_element_type3A_117, %mul3A_118 : vector<16xf32>
          %sub3A_120 = arith.constant 1.000000e+00 : f32
          %sub3A_121 = vector.broadcast %sub3A_120 : f32 to vector<16xf32>
          %sub3A_122 = arith.subf %mul3A_119, %sub3A_121 : vector<16xf32>
          %mul3A_123 = arith.constant 256 : i32
          %mul3A_124 = arith.muli %scan3A_91, %mul3A_123 : i32
          %add3A_125 = arith.constant 16 : i32
          %add3A_126 = arith.addi %mul3A_124, %add3A_125 : i32
          %swap3A_127 = arith.index_cast %add3A_126 : i32 to index
          %swap3A_128 = tpu.vector_load %arg9[%swap3A_127] {strides = array<i32>} : memref<32768xf32, #tpu.memory_space<vmem>>, vector<16xf32>,
          %swap3A_129 = vector.shape_cast %swap3A_128 : vector<16xf32> to vector<16xf32>
          %swap3A_130 = vector.shape_cast %sub3A_122 : vector<16xf32> to vector<16xf32>
          tpu.vector_store %arg9[%swap3A_127], %swap3A_130 {strides = array<i32>} : memref<32768xf32, #tpu.memory_space<vmem>>, vector<16xf32>,
          %mul3A_131 = arith.constant 128 : i32
          %mul3A_132 = arith.muli %scan3A_91, %mul3A_131 : i32
          %add3A_133 = arith.constant 32 : i32
          %add3A_134 = arith.addi %mul3A_132, %add3A_133 : i32
          %get3A_135 = arith.index_cast %add3A_134 : i32 to index
          %get3A_136 = tpu.vector_load %arg7[%get3A_135] {strides = array<i32>} : memref<16384xi32, #tpu.memory_space<vmem>>, vector<16xi32>,
          %get3A_137 = vector.shape_cast %get3A_136 : vector<16xi32> to vector<16xi32>
          %convert_element_type3A_138 = arith.sitofp %get3A_137 : vector<16xi32> to vector<16xf32>
          %mul3A_139 = vector.broadcast %cond3A : f32 to vector<16xf32>
          %mul3A_140 = arith.mulf %convert_element_type3A_138, %mul3A_139 : vector<16xf32>
          %sub3A_141 = arith.constant 1.000000e+00 : f32
          %sub3A_142 = vector.broadcast %sub3A_141 : f32 to vector<16xf32>
          %sub3A_143 = arith.subf %mul3A_140, %sub3A_142 : vector<16xf32>
          %mul3A_144 = arith.constant 256 : i32
          %mul3A_145 = arith.muli %scan3A_91, %mul3A_144 : i32
          %add3A_146 = arith.constant 32 : i32
          %add3A_147 = arith.addi %mul3A_145, %add3A_146 : i32
          %swap3A_148 = arith.index_cast %add3A_147 : i32 to index
          %swap3A_149 = tpu.vector_load %arg9[%swap3A_148] {strides = array<i32>} : memref<32768xf32, #tpu.memory_space<vmem>>, vector<16xf32>,
          %swap3A_150 = vector.shape_cast %swap3A_149 : vector<16xf32> to vector<16xf32>
          %swap3A_151 = vector.shape_cast %sub3A_143 : vector<16xf32> to vector<16xf32>
          tpu.vector_store %arg9[%swap3A_148], %swap3A_151 {strides = array<i32>} : memref<32768xf32, #tpu.memory_space<vmem>>, vector<16xf32>,
          %mul3A_152 = arith.constant 128 : i32
          %mul3A_153 = arith.muli %scan3A_91, %mul3A_152 : i32
          %add3A_154 = arith.constant 48 : i32
          %add3A_155 = arith.addi %mul3A_153, %add3A_154 : i32
          %get3A_156 = arith.index_cast %add3A_155 : i32 to index
          %get3A_157 = tpu.vector_load %arg7[%get3A_156] {strides = array<i32>} : memref<16384xi32, #tpu.memory_space<vmem>>, vector<16xi32>,
          %get3A_158 = vector.shape_cast %get3A_157 : vector<16xi32> to vector<16xi32>
          %convert_element_type3A_159 = arith.sitofp %get3A_158 : vector<16xi32> to vector<16xf32>
          %mul3A_160 = vector.broadcast %cond3A : f32 to vector<16xf32>
          %mul3A_161 = arith.mulf %convert_element_type3A_159, %mul3A_160 : vector<16xf32>
          %sub3A_162 = arith.constant 1.000000e+00 : f32
          %sub3A_163 = vector.broadcast %sub3A_162 : f32 to vector<16xf32>
          %sub3A_164 = arith.subf %mul3A_161, %sub3A_163 : vector<16xf32>
          %mul3A_165 = arith.constant 256 : i32
          %mul3A_166 = arith.muli %scan3A_91, %mul3A_165 : i32
          %add3A_167 = arith.constant 48 : i32
          %add3A_168 = arith.addi %mul3A_166, %add3A_167 : i32
          %swap3A_169 = arith.index_cast %add3A_168 : i32 to index
          %swap3A_170 = tpu.vector_load %arg9[%swap3A_169] {strides = array<i32>} : memref<32768xf32, #tpu.memory_space<vmem>>, vector<16xf32>,
          %swap3A_171 = vector.shape_cast %swap3A_170 : vector<16xf32> to vector<16xf32>
          %swap3A_172 = vector.shape_cast %sub3A_164 : vector<16xf32> to vector<16xf32>
          tpu.vector_store %arg9[%swap3A_169], %swap3A_172 {strides = array<i32>} : memref<32768xf32, #tpu.memory_space<vmem>>, vector<16xf32>,
          %mul3A_173 = arith.constant 128 : i32
          %mul3A_174 = arith.muli %scan3A_91, %mul3A_173 : i32
          %add3A_175 = arith.constant 64 : i32
          %add3A_176 = arith.addi %mul3A_174, %add3A_175 : i32
          %get3A_177 = arith.index_cast %add3A_176 : i32 to index
          %get3A_178 = tpu.vector_load %arg7[%get3A_177] {strides = array<i32>} : memref<16384xi32, #tpu.memory_space<vmem>>, vector<16xi32>,
          %get3A_179 = vector.shape_cast %get3A_178 : vector<16xi32> to vector<16xi32>
          %convert_element_type3A_180 = arith.sitofp %get3A_179 : vector<16xi32> to vector<16xf32>
          %mul3A_181 = vector.broadcast %cond3A : f32 to vector<16xf32>
          %mul3A_182 = arith.mulf %convert_element_type3A_180, %mul3A_181 : vector<16xf32>
          %sub3A_183 = arith.constant 1.000000e+00 : f32
          %sub3A_184 = vector.broadcast %sub3A_183 : f32 to vector<16xf32>
          %sub3A_185 = arith.subf %mul3A_182, %sub3A_184 : vector<16xf32>
          %mul3A_186 = arith.constant 256 : i32
          %mul3A_187 = arith.muli %scan3A_91, %mul3A_186 : i32
          %add3A_188 = arith.constant 64 : i32
          %add3A_189 = arith.addi %mul3A_187, %add3A_188 : i32
          %swap3A_190 = arith.index_cast %add3A_189 : i32 to index
          %swap3A_191 = tpu.vector_load %arg9[%swap3A_190] {strides = array<i32>} : memref<32768xf32, #tpu.memory_space<vmem>>, vector<16xf32>,
          %swap3A_192 = vector.shape_cast %swap3A_191 : vector<16xf32> to vector<16xf32>
          %swap3A_193 = vector.shape_cast %sub3A_185 : vector<16xf32> to vector<16xf32>
          tpu.vector_store %arg9[%swap3A_190], %swap3A_193 {strides = array<i32>} : memref<32768xf32, #tpu.memory_space<vmem>>, vector<16xf32>,
          %mul3A_194 = arith.constant 128 : i32
          %mul3A_195 = arith.muli %scan3A_91, %mul3A_194 : i32
          %add3A_196 = arith.constant 80 : i32
          %add3A_197 = arith.addi %mul3A_195, %add3A_196 : i32
          %get3A_198 = arith.index_cast %add3A_197 : i32 to index
          %get3A_199 = tpu.vector_load %arg7[%get3A_198] {strides = array<i32>} : memref<16384xi32, #tpu.memory_space<vmem>>, vector<16xi32>,
          %get3A_200 = vector.shape_cast %get3A_199 : vector<16xi32> to vector<16xi32>
          %convert_element_type3A_201 = arith.sitofp %get3A_200 : vector<16xi32> to vector<16xf32>
          %mul3A_202 = vector.broadcast %cond3A : f32 to vector<16xf32>
          %mul3A_203 = arith.mulf %convert_element_type3A_201, %mul3A_202 : vector<16xf32>
          %sub3A_204 = arith.constant 1.000000e+00 : f32
          %sub3A_205 = vector.broadcast %sub3A_204 : f32 to vector<16xf32>
          %sub3A_206 = arith.subf %mul3A_203, %sub3A_205 : vector<16xf32>
          %mul3A_207 = arith.constant 256 : i32
          %mul3A_208 = arith.muli %scan3A_91, %mul3A_207 : i32
          %add3A_209 = arith.constant 80 : i32
          %add3A_210 = arith.addi %mul3A_208, %add3A_209 : i32
          %swap3A_211 = arith.index_cast %add3A_210 : i32 to index
          %swap3A_212 = tpu.vector_load %arg9[%swap3A_211] {strides = array<i32>} : memref<32768xf32, #tpu.memory_space<vmem>>, vector<16xf32>,
          %swap3A_213 = vector.shape_cast %swap3A_212 : vector<16xf32> to vector<16xf32>
          %swap3A_214 = vector.shape_cast %sub3A_206 : vector<16xf32> to vector<16xf32>
          tpu.vector_store %arg9[%swap3A_211], %swap3A_214 {strides = array<i32>} : memref<32768xf32, #tpu.memory_space<vmem>>, vector<16xf32>,
          %mul3A_215 = arith.constant 128 : i32
          %mul3A_216 = arith.muli %scan3A_91, %mul3A_215 : i32
          %add3A_217 = arith.constant 96 : i32
          %add3A_218 = arith.addi %mul3A_216, %add3A_217 : i32
          %get3A_219 = arith.index_cast %add3A_218 : i32 to index
          %get3A_220 = tpu.vector_load %arg7[%get3A_219] {strides = array<i32>} : memref<16384xi32, #tpu.memory_space<vmem>>, vector<16xi32>,
          %get3A_221 = vector.shape_cast %get3A_220 : vector<16xi32> to vector<16xi32>
          %convert_element_type3A_222 = arith.sitofp %get3A_221 : vector<16xi32> to vector<16xf32>
          %mul3A_223 = vector.broadcast %cond3A : f32 to vector<16xf32>
          %mul3A_224 = arith.mulf %convert_element_type3A_222, %mul3A_223 : vector<16xf32>
          %sub3A_225 = arith.constant 1.000000e+00 : f32
          %sub3A_226 = vector.broadcast %sub3A_225 : f32 to vector<16xf32>
          %sub3A_227 = arith.subf %mul3A_224, %sub3A_226 : vector<16xf32>
          %mul3A_228 = arith.constant 256 : i32
          %mul3A_229 = arith.muli %scan3A_91, %mul3A_228 : i32
          %add3A_230 = arith.constant 96 : i32
          %add3A_231 = arith.addi %mul3A_229, %add3A_230 : i32
          %swap3A_232 = arith.index_cast %add3A_231 : i32 to index
          %swap3A_233 = tpu.vector_load %arg9[%swap3A_232] {strides = array<i32>} : memref<32768xf32, #tpu.memory_space<vmem>>, vector<16xf32>,
          %swap3A_234 = vector.shape_cast %swap3A_233 : vector<16xf32> to vector<16xf32>
          %swap3A_235 = vector.shape_cast %sub3A_227 : vector<16xf32> to vector<16xf32>
          tpu.vector_store %arg9[%swap3A_232], %swap3A_235 {strides = array<i32>} : memref<32768xf32, #tpu.memory_space<vmem>>, vector<16xf32>,
          %mul3A_236 = arith.constant 128 : i32
          %mul3A_237 = arith.muli %scan3A_91, %mul3A_236 : i32
          %add3A_238 = arith.constant 112 : i32
          %add3A_239 = arith.addi %mul3A_237, %add3A_238 : i32
          %get3A_240 = arith.index_cast %add3A_239 : i32 to index
          %get3A_241 = tpu.vector_load %arg7[%get3A_240] {strides = array<i32>} : memref<16384xi32, #tpu.memory_space<vmem>>, vector<16xi32>,
          %get3A_242 = vector.shape_cast %get3A_241 : vector<16xi32> to vector<16xi32>
          %convert_element_type3A_243 = arith.sitofp %get3A_242 : vector<16xi32> to vector<16xf32>
          %mul3A_244 = vector.broadcast %cond3A : f32 to vector<16xf32>
          %mul3A_245 = arith.mulf %convert_element_type3A_243, %mul3A_244 : vector<16xf32>
          %sub3A_246 = arith.constant 1.000000e+00 : f32
          %sub3A_247 = vector.broadcast %sub3A_246 : f32 to vector<16xf32>
          %sub3A_248 = arith.subf %mul3A_245, %sub3A_247 : vector<16xf32>
          %mul3A_249 = arith.constant 256 : i32
          %mul3A_250 = arith.muli %scan3A_91, %mul3A_249 : i32
          %add3A_251 = arith.constant 112 : i32
          %add3A_252 = arith.addi %mul3A_250, %add3A_251 : i32
          %swap3A_253 = arith.index_cast %add3A_252 : i32 to index
          %swap3A_254 = tpu.vector_load %arg9[%swap3A_253] {strides = array<i32>} : memref<32768xf32, #tpu.memory_space<vmem>>, vector<16xf32>,
          %swap3A_255 = vector.shape_cast %swap3A_254 : vector<16xf32> to vector<16xf32>
          %swap3A_256 = vector.shape_cast %sub3A_248 : vector<16xf32> to vector<16xf32>
          tpu.vector_store %arg9[%swap3A_253], %swap3A_256 {strides = array<i32>} : memref<32768xf32, #tpu.memory_space<vmem>>, vector<16xf32>,
          %mul3A_257 = arith.constant 128 : i32
          %mul3A_258 = arith.muli %scan3A_91, %mul3A_257 : i32
          %add3A_259 = arith.constant 0 : i32
          %add3A_260 = arith.addi %mul3A_258, %add3A_259 : i32
          %get3A_261 = arith.index_cast %add3A_260 : i32 to index
          %get3A_262 = tpu.vector_load %arg8[%get3A_261] {strides = array<i32>} : memref<16384xi32, #tpu.memory_space<vmem>>, vector<16xi32>,
          %get3A_263 = vector.shape_cast %get3A_262 : vector<16xi32> to vector<16xi32>
          %convert_element_type3A_264 = arith.sitofp %get3A_263 : vector<16xi32> to vector<16xf32>
          %mul3A_265 = vector.broadcast %cond3A : f32 to vector<16xf32>
          %mul3A_266 = arith.mulf %convert_element_type3A_264, %mul3A_265 : vector<16xf32>
          %sub3A_267 = arith.constant 1.000000e+00 : f32
          %sub3A_268 = vector.broadcast %sub3A_267 : f32 to vector<16xf32>
          %sub3A_269 = arith.subf %mul3A_266, %sub3A_268 : vector<16xf32>
          %mul3A_270 = arith.constant 256 : i32
          %mul3A_271 = arith.muli %scan3A_91, %mul3A_270 : i32
          %add3A_272 = arith.constant 128 : i32
          %add3A_273 = arith.addi %mul3A_271, %add3A_272 : i32
          %add3A_274 = arith.constant 0 : i32
          %add3A_275 = arith.addi %add3A_273, %add3A_274 : i32
          %swap3A_276 = arith.index_cast %add3A_275 : i32 to index
          %swap3A_277 = tpu.vector_load %arg9[%swap3A_276] {strides = array<i32>} : memref<32768xf32, #tpu.memory_space<vmem>>, vector<16xf32>,
          %swap3A_278 = vector.shape_cast %swap3A_277 : vector<16xf32> to vector<16xf32>
          %swap3A_279 = vector.shape_cast %sub3A_269 : vector<16xf32> to vector<16xf32>
          tpu.vector_store %arg9[%swap3A_276], %swap3A_279 {strides = array<i32>} : memref<32768xf32, #tpu.memory_space<vmem>>, vector<16xf32>,
          %mul3A_280 = arith.constant 128 : i32
          %mul3A_281 = arith.muli %scan3A_91, %mul3A_280 : i32
          %add3A_282 = arith.constant 16 : i32
          %add3A_283 = arith.addi %mul3A_281, %add3A_282 : i32
          %get3A_284 = arith.index_cast %add3A_283 : i32 to index
          %get3A_285 = tpu.vector_load %arg8[%get3A_284] {strides = array<i32>} : memref<16384xi32, #tpu.memory_space<vmem>>, vector<16xi32>,
          %get3A_286 = vector.shape_cast %get3A_285 : vector<16xi32> to vector<16xi32>
          %convert_element_type3A_287 = arith.sitofp %get3A_286 : vector<16xi32> to vector<16xf32>
          %mul3A_288 = vector.broadcast %cond3A : f32 to vector<16xf32>
          %mul3A_289 = arith.mulf %convert_element_type3A_287, %mul3A_288 : vector<16xf32>
          %sub3A_290 = arith.constant 1.000000e+00 : f32
          %sub3A_291 = vector.broadcast %sub3A_290 : f32 to vector<16xf32>
          %sub3A_292 = arith.subf %mul3A_289, %sub3A_291 : vector<16xf32>
          %mul3A_293 = arith.constant 256 : i32
          %mul3A_294 = arith.muli %scan3A_91, %mul3A_293 : i32
          %add3A_295 = arith.constant 128 : i32
          %add3A_296 = arith.addi %mul3A_294, %add3A_295 : i32
          %add3A_297 = arith.constant 16 : i32
          %add3A_298 = arith.addi %add3A_296, %add3A_297 : i32
          %swap3A_299 = arith.index_cast %add3A_298 : i32 to index
          %swap3A_300 = tpu.vector_load %arg9[%swap3A_299] {strides = array<i32>} : memref<32768xf32, #tpu.memory_space<vmem>>, vector<16xf32>,
          %swap3A_301 = vector.shape_cast %swap3A_300 : vector<16xf32> to vector<16xf32>
          %swap3A_302 = vector.shape_cast %sub3A_292 : vector<16xf32> to vector<16xf32>
          tpu.vector_store %arg9[%swap3A_299], %swap3A_302 {strides = array<i32>} : memref<32768xf32, #tpu.memory_space<vmem>>, vector<16xf32>,
          %mul3A_303 = arith.constant 128 : i32
          %mul3A_304 = arith.muli %scan3A_91, %mul3A_303 : i32
          %add3A_305 = arith.constant 32 : i32
          %add3A_306 = arith.addi %mul3A_304, %add3A_305 : i32
          %get3A_307 = arith.index_cast %add3A_306 : i32 to index
          %get3A_308 = tpu.vector_load %arg8[%get3A_307] {strides = array<i32>} : memref<16384xi32, #tpu.memory_space<vmem>>, vector<16xi32>,
          %get3A_309 = vector.shape_cast %get3A_308 : vector<16xi32> to vector<16xi32>
          %convert_element_type3A_310 = arith.sitofp %get3A_309 : vector<16xi32> to vector<16xf32>
          %mul3A_311 = vector.broadcast %cond3A : f32 to vector<16xf32>
          %mul3A_312 = arith.mulf %convert_element_type3A_310, %mul3A_311 : vector<16xf32>
          %sub3A_313 = arith.constant 1.000000e+00 : f32
          %sub3A_314 = vector.broadcast %sub3A_313 : f32 to vector<16xf32>
          %sub3A_315 = arith.subf %mul3A_312, %sub3A_314 : vector<16xf32>
          %mul3A_316 = arith.constant 256 : i32
          %mul3A_317 = arith.muli %scan3A_91, %mul3A_316 : i32
          %add3A_318 = arith.constant 128 : i32
          %add3A_319 = arith.addi %mul3A_317, %add3A_318 : i32
          %add3A_320 = arith.constant 32 : i32
          %add3A_321 = arith.addi %add3A_319, %add3A_320 : i32
          %swap3A_322 = arith.index_cast %add3A_321 : i32 to index
          %swap3A_323 = tpu.vector_load %arg9[%swap3A_322] {strides = array<i32>} : memref<32768xf32, #tpu.memory_space<vmem>>, vector<16xf32>,
          %swap3A_324 = vector.shape_cast %swap3A_323 : vector<16xf32> to vector<16xf32>
          %swap3A_325 = vector.shape_cast %sub3A_315 : vector<16xf32> to vector<16xf32>
          tpu.vector_store %arg9[%swap3A_322], %swap3A_325 {strides = array<i32>} : memref<32768xf32, #tpu.memory_space<vmem>>, vector<16xf32>,
          %mul3A_326 = arith.constant 128 : i32
          %mul3A_327 = arith.muli %scan3A_91, %mul3A_326 : i32
          %add3A_328 = arith.constant 48 : i32
          %add3A_329 = arith.addi %mul3A_327, %add3A_328 : i32
          %get3A_330 = arith.index_cast %add3A_329 : i32 to index
          %get3A_331 = tpu.vector_load %arg8[%get3A_330] {strides = array<i32>} : memref<16384xi32, #tpu.memory_space<vmem>>, vector<16xi32>,
          %get3A_332 = vector.shape_cast %get3A_331 : vector<16xi32> to vector<16xi32>
          %convert_element_type3A_333 = arith.sitofp %get3A_332 : vector<16xi32> to vector<16xf32>
          %mul3A_334 = vector.broadcast %cond3A : f32 to vector<16xf32>
          %mul3A_335 = arith.mulf %convert_element_type3A_333, %mul3A_334 : vector<16xf32>
          %sub3A_336 = arith.constant 1.000000e+00 : f32
          %sub3A_337 = vector.broadcast %sub3A_336 : f32 to vector<16xf32>
          %sub3A_338 = arith.subf %mul3A_335, %sub3A_337 : vector<16xf32>
          %mul3A_339 = arith.constant 256 : i32
          %mul3A_340 = arith.muli %scan3A_91, %mul3A_339 : i32
          %add3A_341 = arith.constant 128 : i32
          %add3A_342 = arith.addi %mul3A_340, %add3A_341 : i32
          %add3A_343 = arith.constant 48 : i32
          %add3A_344 = arith.addi %add3A_342, %add3A_343 : i32
          %swap3A_345 = arith.index_cast %add3A_344 : i32 to index
          %swap3A_346 = tpu.vector_load %arg9[%swap3A_345] {strides = array<i32>} : memref<32768xf32, #tpu.memory_space<vmem>>, vector<16xf32>,
          %swap3A_347 = vector.shape_cast %swap3A_346 : vector<16xf32> to vector<16xf32>
          %swap3A_348 = vector.shape_cast %sub3A_338 : vector<16xf32> to vector<16xf32>
          tpu.vector_store %arg9[%swap3A_345], %swap3A_348 {strides = array<i32>} : memref<32768xf32, #tpu.memory_space<vmem>>, vector<16xf32>,
          %mul3A_349 = arith.constant 128 : i32
          %mul3A_350 = arith.muli %scan3A_91, %mul3A_349 : i32
          %add3A_351 = arith.constant 64 : i32
          %add3A_352 = arith.addi %mul3A_350, %add3A_351 : i32
          %get3A_353 = arith.index_cast %add3A_352 : i32 to index
          %get3A_354 = tpu.vector_load %arg8[%get3A_353] {strides = array<i32>} : memref<16384xi32, #tpu.memory_space<vmem>>, vector<16xi32>,
          %get3A_355 = vector.shape_cast %get3A_354 : vector<16xi32> to vector<16xi32>
          %convert_element_type3A_356 = arith.sitofp %get3A_355 : vector<16xi32> to vector<16xf32>
          %mul3A_357 = vector.broadcast %cond3A : f32 to vector<16xf32>
          %mul3A_358 = arith.mulf %convert_element_type3A_356, %mul3A_357 : vector<16xf32>
          %sub3A_359 = arith.constant 1.000000e+00 : f32
          %sub3A_360 = vector.broadcast %sub3A_359 : f32 to vector<16xf32>
          %sub3A_361 = arith.subf %mul3A_358, %sub3A_360 : vector<16xf32>
          %mul3A_362 = arith.constant 256 : i32
          %mul3A_363 = arith.muli %scan3A_91, %mul3A_362 : i32
          %add3A_364 = arith.constant 128 : i32
          %add3A_365 = arith.addi %mul3A_363, %add3A_364 : i32
          %add3A_366 = arith.constant 64 : i32
          %add3A_367 = arith.addi %add3A_365, %add3A_366 : i32
          %swap3A_368 = arith.index_cast %add3A_367 : i32 to index
          %swap3A_369 = tpu.vector_load %arg9[%swap3A_368] {strides = array<i32>} : memref<32768xf32, #tpu.memory_space<vmem>>, vector<16xf32>,
          %swap3A_370 = vector.shape_cast %swap3A_369 : vector<16xf32> to vector<16xf32>
          %swap3A_371 = vector.shape_cast %sub3A_361 : vector<16xf32> to vector<16xf32>
          tpu.vector_store %arg9[%swap3A_368], %swap3A_371 {strides = array<i32>} : memref<32768xf32, #tpu.memory_space<vmem>>, vector<16xf32>,
          %mul3A_372 = arith.constant 128 : i32
          %mul3A_373 = arith.muli %scan3A_91, %mul3A_372 : i32
          %add3A_374 = arith.constant 80 : i32
          %add3A_375 = arith.addi %mul3A_373, %add3A_374 : i32
          %get3A_376 = arith.index_cast %add3A_375 : i32 to index
          %get3A_377 = tpu.vector_load %arg8[%get3A_376] {strides = array<i32>} : memref<16384xi32, #tpu.memory_space<vmem>>, vector<16xi32>,
          %get3A_378 = vector.shape_cast %get3A_377 : vector<16xi32> to vector<16xi32>
          %convert_element_type3A_379 = arith.sitofp %get3A_378 : vector<16xi32> to vector<16xf32>
          %mul3A_380 = vector.broadcast %cond3A : f32 to vector<16xf32>
          %mul3A_381 = arith.mulf %convert_element_type3A_379, %mul3A_380 : vector<16xf32>
          %sub3A_382 = arith.constant 1.000000e+00 : f32
          %sub3A_383 = vector.broadcast %sub3A_382 : f32 to vector<16xf32>
          %sub3A_384 = arith.subf %mul3A_381, %sub3A_383 : vector<16xf32>
          %mul3A_385 = arith.constant 256 : i32
          %mul3A_386 = arith.muli %scan3A_91, %mul3A_385 : i32
          %add3A_387 = arith.constant 128 : i32
          %add3A_388 = arith.addi %mul3A_386, %add3A_387 : i32
          %add3A_389 = arith.constant 80 : i32
          %add3A_390 = arith.addi %add3A_388, %add3A_389 : i32
          %swap3A_391 = arith.index_cast %add3A_390 : i32 to index
          %swap3A_392 = tpu.vector_load %arg9[%swap3A_391] {strides = array<i32>} : memref<32768xf32, #tpu.memory_space<vmem>>, vector<16xf32>,
          %swap3A_393 = vector.shape_cast %swap3A_392 : vector<16xf32> to vector<16xf32>
          %swap3A_394 = vector.shape_cast %sub3A_384 : vector<16xf32> to vector<16xf32>
          tpu.vector_store %arg9[%swap3A_391], %swap3A_394 {strides = array<i32>} : memref<32768xf32, #tpu.memory_space<vmem>>, vector<16xf32>,
          %mul3A_395 = arith.constant 128 : i32
          %mul3A_396 = arith.muli %scan3A_91, %mul3A_395 : i32
          %add3A_397 = arith.constant 96 : i32
          %add3A_398 = arith.addi %mul3A_396, %add3A_397 : i32
          %get3A_399 = arith.index_cast %add3A_398 : i32 to index
          %get3A_400 = tpu.vector_load %arg8[%get3A_399] {strides = array<i32>} : memref<16384xi32, #tpu.memory_space<vmem>>, vector<16xi32>,
          %get3A_401 = vector.shape_cast %get3A_400 : vector<16xi32> to vector<16xi32>
          %convert_element_type3A_402 = arith.sitofp %get3A_401 : vector<16xi32> to vector<16xf32>
          %mul3A_403 = vector.broadcast %cond3A : f32 to vector<16xf32>
          %mul3A_404 = arith.mulf %convert_element_type3A_402, %mul3A_403 : vector<16xf32>
          %sub3A_405 = arith.constant 1.000000e+00 : f32
          %sub3A_406 = vector.broadcast %sub3A_405 : f32 to vector<16xf32>
          %sub3A_407 = arith.subf %mul3A_404, %sub3A_406 : vector<16xf32>
          %mul3A_408 = arith.constant 256 : i32
          %mul3A_409 = arith.muli %scan3A_91, %mul3A_408 : i32
          %add3A_410 = arith.constant 128 : i32
          %add3A_411 = arith.addi %mul3A_409, %add3A_410 : i32
          %add3A_412 = arith.constant 96 : i32
          %add3A_413 = arith.addi %add3A_411, %add3A_412 : i32
          %swap3A_414 = arith.index_cast %add3A_413 : i32 to index
          %swap3A_415 = tpu.vector_load %arg9[%swap3A_414] {strides = array<i32>} : memref<32768xf32, #tpu.memory_space<vmem>>, vector<16xf32>,
          %swap3A_416 = vector.shape_cast %swap3A_415 : vector<16xf32> to vector<16xf32>
          %swap3A_417 = vector.shape_cast %sub3A_407 : vector<16xf32> to vector<16xf32>
          tpu.vector_store %arg9[%swap3A_414], %swap3A_417 {strides = array<i32>} : memref<32768xf32, #tpu.memory_space<vmem>>, vector<16xf32>,
          %mul3A_418 = arith.constant 128 : i32
          %mul3A_419 = arith.muli %scan3A_91, %mul3A_418 : i32
          %add3A_420 = arith.constant 112 : i32
          %add3A_421 = arith.addi %mul3A_419, %add3A_420 : i32
          %get3A_422 = arith.index_cast %add3A_421 : i32 to index
          %get3A_423 = tpu.vector_load %arg8[%get3A_422] {strides = array<i32>} : memref<16384xi32, #tpu.memory_space<vmem>>, vector<16xi32>,
          %get3A_424 = vector.shape_cast %get3A_423 : vector<16xi32> to vector<16xi32>
          %convert_element_type3A_425 = arith.sitofp %get3A_424 : vector<16xi32> to vector<16xf32>
          %mul3A_426 = vector.broadcast %cond3A : f32 to vector<16xf32>
          %mul3A_427 = arith.mulf %convert_element_type3A_425, %mul3A_426 : vector<16xf32>
          %sub3A_428 = arith.constant 1.000000e+00 : f32
          %sub3A_429 = vector.broadcast %sub3A_428 : f32 to vector<16xf32>
          %sub3A_430 = arith.subf %mul3A_427, %sub3A_429 : vector<16xf32>
          %mul3A_431 = arith.constant 256 : i32
          %mul3A_432 = arith.muli %scan3A_91, %mul3A_431 : i32
          %add3A_433 = arith.constant 128 : i32
          %add3A_434 = arith.addi %mul3A_432, %add3A_433 : i32
          %add3A_435 = arith.constant 112 : i32
          %add3A_436 = arith.addi %add3A_434, %add3A_435 : i32
          %swap3A_437 = arith.index_cast %add3A_436 : i32 to index
          %swap3A_438 = tpu.vector_load %arg9[%swap3A_437] {strides = array<i32>} : memref<32768xf32, #tpu.memory_space<vmem>>, vector<16xf32>,
          %swap3A_439 = vector.shape_cast %swap3A_438 : vector<16xf32> to vector<16xf32>
          %swap3A_440 = vector.shape_cast %sub3A_430 : vector<16xf32> to vector<16xf32>
          tpu.vector_store %arg9[%swap3A_437], %swap3A_440 {strides = array<i32>} : memref<32768xf32, #tpu.memory_space<vmem>>, vector<16xf32>,
        }
        %scan3A_88 = arith.constant 128 : i32
        %mul3A_89 = arith.constant 32768 : i32
        %mul3A_90 = arith.muli %add3A_39, %mul3A_89 : i32
        "tpu.region"() ({
          %run_scoped3A = tpu.sem_alloc : memref<!tpu.dma_semaphore, #tpu.memory_space<semaphore_mem>>
          %dma_start3A_91 = tpu.memref_slice %arg4[%mul3A_90] : memref<6553600xf32, #tpu.memory_space<hbm>> -> memref<32768xf32, #tpu.memory_space<hbm>>
          %dma_start3A_92 = tpu.memref_slice %arg4[%mul3A_90] : memref<6553600xf32, #tpu.memory_space<hbm>> -> memref<32768xf32, #tpu.memory_space<hbm>>
          tpu.enqueue_dma source(%arg9 : memref<32768xf32, #tpu.memory_space<vmem>>) target(%dma_start3A_92 : memref<32768xf32, #tpu.memory_space<hbm>>) target_semaphore(%run_scoped3A : memref<!tpu.dma_semaphore, #tpu.memory_space<semaphore_mem>>)
          %dma_wait3A_93 = tpu.memref_slice %arg4[%mul3A_90] : memref<6553600xf32, #tpu.memory_space<hbm>> -> memref<32768xf32, #tpu.memory_space<hbm>>
          %dma_wait3A_94 = tpu.memref_slice %arg4[%mul3A_90] : memref<6553600xf32, #tpu.memory_space<hbm>> -> memref<32768xf32, #tpu.memory_space<hbm>>
          tpu.wait_dma2 semaphore(%run_scoped3A : memref<!tpu.dma_semaphore, #tpu.memory_space<semaphore_mem>>) src(%arg9 : memref<32768xf32, #tpu.memory_space<vmem>>) dst(%dma_wait3A_94 : memref<32768xf32, #tpu.memory_space<hbm>>)
          tpu.yield
        }) : () -> ()
      } else {
      }
      %add3A_45 = arith.constant 4 : i32
      %add3A_46 = arith.addi %mul3A_2, %add3A_45 : i32
      %lt3A_47 = arith.constant 200 : i32
      %lt3A_48 = arith.cmpi slt, %add3A_46, %lt3A_47 : i32
      %convert_element_type3A_49 = arith.extui %lt3A_48 : i1 to i32
      %cond3A_50 = arith.constant 0 : i32
      %cond3A_51 = arith.cmpi ne, %convert_element_type3A_49, %cond3A_50 : i32
      scf.if %cond3A_51 {
        %add3A_66 = arith.constant 1 : i32
        %add3A_67 = arith.addi %add3A_46, %add3A_66 : i32
        %lt3A_68 = arith.constant 200 : i32
        %lt3A_69 = arith.cmpi slt, %add3A_67, %lt3A_68 : i32
        %convert_element_type3A_70 = arith.extui %lt3A_69 : i1 to i32
        %cond3A_71 = arith.constant 0 : i32
        %cond3A_72 = arith.cmpi ne, %convert_element_type3A_70, %cond3A_71 : i32
        scf.if %cond3A_72 {
          %add3A_91 = arith.constant 1 : i32
          %add3A_92 = arith.addi %add3A_46, %add3A_91 : i32
          %dma_start3A_93 = arith.constant 0 : i32
          %dma_start3A_94 = tpu.memref_slice %arg2[%add3A_92, %dma_start3A_93] : memref<200x16384xi32, #tpu.memory_space<hbm>> -> memref<1x16384xi32, #tpu.memory_space<hbm>>
          %dma_start3A_95 = tpu.memref_squeeze %dma_start3A_94 : memref<1x16384xi32, #tpu.memory_space<hbm>> -> memref<16384xi32, #tpu.memory_space<hbm>>
          %dma_start3A_96 = arith.constant 0 : i32
          %dma_start3A_97 = tpu.memref_slice %arg2[%add3A_92, %dma_start3A_96] : memref<200x16384xi32, #tpu.memory_space<hbm>> -> memref<1x16384xi32, #tpu.memory_space<hbm>>
          %dma_start3A_98 = tpu.memref_squeeze %dma_start3A_97 : memref<1x16384xi32, #tpu.memory_space<hbm>> -> memref<16384xi32, #tpu.memory_space<hbm>>
          tpu.enqueue_dma source(%dma_start3A_98 : memref<16384xi32, #tpu.memory_space<hbm>>) target(%arg7 : memref<16384xi32, #tpu.memory_space<vmem>>) target_semaphore(%arg11 : memref<!tpu.dma_semaphore, #tpu.memory_space<semaphore_mem>>)
          %dma_start3A_99 = arith.constant 0 : i32
          %dma_start3A_100 = tpu.memref_slice %arg3[%add3A_92, %dma_start3A_99] : memref<200x16384xi32, #tpu.memory_space<hbm>> -> memref<1x16384xi32, #tpu.memory_space<hbm>>
          %dma_start3A_101 = tpu.memref_squeeze %dma_start3A_100 : memref<1x16384xi32, #tpu.memory_space<hbm>> -> memref<16384xi32, #tpu.memory_space<hbm>>
          %dma_start3A_102 = arith.constant 0 : i32
          %dma_start3A_103 = tpu.memref_slice %arg3[%add3A_92, %dma_start3A_102] : memref<200x16384xi32, #tpu.memory_space<hbm>> -> memref<1x16384xi32, #tpu.memory_space<hbm>>
          %dma_start3A_104 = tpu.memref_squeeze %dma_start3A_103 : memref<1x16384xi32, #tpu.memory_space<hbm>> -> memref<16384xi32, #tpu.memory_space<hbm>>
          tpu.enqueue_dma source(%dma_start3A_104 : memref<16384xi32, #tpu.memory_space<hbm>>) target(%arg8 : memref<16384xi32, #tpu.memory_space<vmem>>) target_semaphore(%arg11 : memref<!tpu.dma_semaphore, #tpu.memory_space<semaphore_mem>>)
        } else {
        }
        %dma_wait3A = arith.constant 0 : i32
        %dma_wait3A_73 = tpu.memref_slice %arg2[%mul3A_2, %dma_wait3A] : memref<200x16384xi32, #tpu.memory_space<hbm>> -> memref<1x16384xi32, #tpu.memory_space<hbm>>
        %dma_wait3A_74 = tpu.memref_squeeze %dma_wait3A_73 : memref<1x16384xi32, #tpu.memory_space<hbm>> -> memref<16384xi32, #tpu.memory_space<hbm>>
        %dma_wait3A_75 = arith.constant 0 : i32
        %dma_wait3A_76 = tpu.memref_slice %arg2[%mul3A_2, %dma_wait3A_75] : memref<200x16384xi32, #tpu.memory_space<hbm>> -> memref<1x16384xi32, #tpu.memory_space<hbm>>
        %dma_wait3A_77 = tpu.memref_squeeze %dma_wait3A_76 : memref<1x16384xi32, #tpu.memory_space<hbm>> -> memref<16384xi32, #tpu.memory_space<hbm>>
        tpu.wait_dma2 semaphore(%arg10 : memref<!tpu.dma_semaphore, #tpu.memory_space<semaphore_mem>>) src(%dma_wait3A_77 : memref<16384xi32, #tpu.memory_space<hbm>>) dst(%arg5 : memref<16384xi32, #tpu.memory_space<vmem>>)
        %dma_wait3A_78 = arith.constant 0 : i32
        %dma_wait3A_79 = tpu.memref_slice %arg3[%mul3A_2, %dma_wait3A_78] : memref<200x16384xi32, #tpu.memory_space<hbm>> -> memref<1x16384xi32, #tpu.memory_space<hbm>>
        %dma_wait3A_80 = tpu.memref_squeeze %dma_wait3A_79 : memref<1x16384xi32, #tpu.memory_space<hbm>> -> memref<16384xi32, #tpu.memory_space<hbm>>
        %dma_wait3A_81 = arith.constant 0 : i32
        %dma_wait3A_82 = tpu.memref_slice %arg3[%mul3A_2, %dma_wait3A_81] : memref<200x16384xi32, #tpu.memory_space<hbm>> -> memref<1x16384xi32, #tpu.memory_space<hbm>>
        %dma_wait3A_83 = tpu.memref_squeeze %dma_wait3A_82 : memref<1x16384xi32, #tpu.memory_space<hbm>> -> memref<16384xi32, #tpu.memory_space<hbm>>
        tpu.wait_dma2 semaphore(%arg10 : memref<!tpu.dma_semaphore, #tpu.memory_space<semaphore_mem>>) src(%dma_wait3A_83 : memref<16384xi32, #tpu.memory_space<hbm>>) dst(%arg6 : memref<16384xi32, #tpu.memory_space<vmem>>)
        %scan3A = arith.constant 0 : i32
        %scan3A_84 = arith.constant 0 : i32
        %scan3A_85 = arith.constant 128 : i32
        %scan3A_86 = arith.addi %scan3A_84, %scan3A_85 : i32
        %scan3A_87 = arith.constant 1 : i32
        scf.for %scan3A_91 = %scan3A_84 to %scan3A_86 step %scan3A_87  : i32 {
          %mul3A_92 = arith.constant 128 : i32
          %mul3A_93 = arith.muli %scan3A_91, %mul3A_92 : i32
          %add3A_94 = arith.constant 0 : i32
          %add3A_95 = arith.addi %mul3A_93, %add3A_94 : i32
          %get3A = arith.index_cast %add3A_95 : i32 to index
          %get3A_96 = tpu.vector_load %arg5[%get3A] {strides = array<i32>} : memref<16384xi32, #tpu.memory_space<vmem>>, vector<16xi32>,
          %get3A_97 = vector.shape_cast %get3A_96 : vector<16xi32> to vector<16xi32>
          %convert_element_type3A_98 = arith.sitofp %get3A_97 : vector<16xi32> to vector<16xf32>
          %mul3A_99 = vector.broadcast %cond3A : f32 to vector<16xf32>
          %mul3A_100 = arith.mulf %convert_element_type3A_98, %mul3A_99 : vector<16xf32>
          %sub3A = arith.constant 1.000000e+00 : f32
          %sub3A_101 = vector.broadcast %sub3A : f32 to vector<16xf32>
          %sub3A_102 = arith.subf %mul3A_100, %sub3A_101 : vector<16xf32>
          %mul3A_103 = arith.constant 256 : i32
          %mul3A_104 = arith.muli %scan3A_91, %mul3A_103 : i32
          %add3A_105 = arith.constant 0 : i32
          %add3A_106 = arith.addi %mul3A_104, %add3A_105 : i32
          %swap3A = arith.index_cast %add3A_106 : i32 to index
          %swap3A_107 = tpu.vector_load %arg9[%swap3A] {strides = array<i32>} : memref<32768xf32, #tpu.memory_space<vmem>>, vector<16xf32>,
          %swap3A_108 = vector.shape_cast %swap3A_107 : vector<16xf32> to vector<16xf32>
          %swap3A_109 = vector.shape_cast %sub3A_102 : vector<16xf32> to vector<16xf32>
          tpu.vector_store %arg9[%swap3A], %swap3A_109 {strides = array<i32>} : memref<32768xf32, #tpu.memory_space<vmem>>, vector<16xf32>,
          %mul3A_110 = arith.constant 128 : i32
          %mul3A_111 = arith.muli %scan3A_91, %mul3A_110 : i32
          %add3A_112 = arith.constant 16 : i32
          %add3A_113 = arith.addi %mul3A_111, %add3A_112 : i32
          %get3A_114 = arith.index_cast %add3A_113 : i32 to index
          %get3A_115 = tpu.vector_load %arg5[%get3A_114] {strides = array<i32>} : memref<16384xi32, #tpu.memory_space<vmem>>, vector<16xi32>,
          %get3A_116 = vector.shape_cast %get3A_115 : vector<16xi32> to vector<16xi32>
          %convert_element_type3A_117 = arith.sitofp %get3A_116 : vector<16xi32> to vector<16xf32>
          %mul3A_118 = vector.broadcast %cond3A : f32 to vector<16xf32>
          %mul3A_119 = arith.mulf %convert_element_type3A_117, %mul3A_118 : vector<16xf32>
          %sub3A_120 = arith.constant 1.000000e+00 : f32
          %sub3A_121 = vector.broadcast %sub3A_120 : f32 to vector<16xf32>
          %sub3A_122 = arith.subf %mul3A_119, %sub3A_121 : vector<16xf32>
          %mul3A_123 = arith.constant 256 : i32
          %mul3A_124 = arith.muli %scan3A_91, %mul3A_123 : i32
          %add3A_125 = arith.constant 16 : i32
          %add3A_126 = arith.addi %mul3A_124, %add3A_125 : i32
          %swap3A_127 = arith.index_cast %add3A_126 : i32 to index
          %swap3A_128 = tpu.vector_load %arg9[%swap3A_127] {strides = array<i32>} : memref<32768xf32, #tpu.memory_space<vmem>>, vector<16xf32>,
          %swap3A_129 = vector.shape_cast %swap3A_128 : vector<16xf32> to vector<16xf32>
          %swap3A_130 = vector.shape_cast %sub3A_122 : vector<16xf32> to vector<16xf32>
          tpu.vector_store %arg9[%swap3A_127], %swap3A_130 {strides = array<i32>} : memref<32768xf32, #tpu.memory_space<vmem>>, vector<16xf32>,
          %mul3A_131 = arith.constant 128 : i32
          %mul3A_132 = arith.muli %scan3A_91, %mul3A_131 : i32
          %add3A_133 = arith.constant 32 : i32
          %add3A_134 = arith.addi %mul3A_132, %add3A_133 : i32
          %get3A_135 = arith.index_cast %add3A_134 : i32 to index
          %get3A_136 = tpu.vector_load %arg5[%get3A_135] {strides = array<i32>} : memref<16384xi32, #tpu.memory_space<vmem>>, vector<16xi32>,
          %get3A_137 = vector.shape_cast %get3A_136 : vector<16xi32> to vector<16xi32>
          %convert_element_type3A_138 = arith.sitofp %get3A_137 : vector<16xi32> to vector<16xf32>
          %mul3A_139 = vector.broadcast %cond3A : f32 to vector<16xf32>
          %mul3A_140 = arith.mulf %convert_element_type3A_138, %mul3A_139 : vector<16xf32>
          %sub3A_141 = arith.constant 1.000000e+00 : f32
          %sub3A_142 = vector.broadcast %sub3A_141 : f32 to vector<16xf32>
          %sub3A_143 = arith.subf %mul3A_140, %sub3A_142 : vector<16xf32>
          %mul3A_144 = arith.constant 256 : i32
          %mul3A_145 = arith.muli %scan3A_91, %mul3A_144 : i32
          %add3A_146 = arith.constant 32 : i32
          %add3A_147 = arith.addi %mul3A_145, %add3A_146 : i32
          %swap3A_148 = arith.index_cast %add3A_147 : i32 to index
          %swap3A_149 = tpu.vector_load %arg9[%swap3A_148] {strides = array<i32>} : memref<32768xf32, #tpu.memory_space<vmem>>, vector<16xf32>,
          %swap3A_150 = vector.shape_cast %swap3A_149 : vector<16xf32> to vector<16xf32>
          %swap3A_151 = vector.shape_cast %sub3A_143 : vector<16xf32> to vector<16xf32>
          tpu.vector_store %arg9[%swap3A_148], %swap3A_151 {strides = array<i32>} : memref<32768xf32, #tpu.memory_space<vmem>>, vector<16xf32>,
          %mul3A_152 = arith.constant 128 : i32
          %mul3A_153 = arith.muli %scan3A_91, %mul3A_152 : i32
          %add3A_154 = arith.constant 48 : i32
          %add3A_155 = arith.addi %mul3A_153, %add3A_154 : i32
          %get3A_156 = arith.index_cast %add3A_155 : i32 to index
          %get3A_157 = tpu.vector_load %arg5[%get3A_156] {strides = array<i32>} : memref<16384xi32, #tpu.memory_space<vmem>>, vector<16xi32>,
          %get3A_158 = vector.shape_cast %get3A_157 : vector<16xi32> to vector<16xi32>
          %convert_element_type3A_159 = arith.sitofp %get3A_158 : vector<16xi32> to vector<16xf32>
          %mul3A_160 = vector.broadcast %cond3A : f32 to vector<16xf32>
          %mul3A_161 = arith.mulf %convert_element_type3A_159, %mul3A_160 : vector<16xf32>
          %sub3A_162 = arith.constant 1.000000e+00 : f32
          %sub3A_163 = vector.broadcast %sub3A_162 : f32 to vector<16xf32>
          %sub3A_164 = arith.subf %mul3A_161, %sub3A_163 : vector<16xf32>
          %mul3A_165 = arith.constant 256 : i32
          %mul3A_166 = arith.muli %scan3A_91, %mul3A_165 : i32
          %add3A_167 = arith.constant 48 : i32
          %add3A_168 = arith.addi %mul3A_166, %add3A_167 : i32
          %swap3A_169 = arith.index_cast %add3A_168 : i32 to index
          %swap3A_170 = tpu.vector_load %arg9[%swap3A_169] {strides = array<i32>} : memref<32768xf32, #tpu.memory_space<vmem>>, vector<16xf32>,
          %swap3A_171 = vector.shape_cast %swap3A_170 : vector<16xf32> to vector<16xf32>
          %swap3A_172 = vector.shape_cast %sub3A_164 : vector<16xf32> to vector<16xf32>
          tpu.vector_store %arg9[%swap3A_169], %swap3A_172 {strides = array<i32>} : memref<32768xf32, #tpu.memory_space<vmem>>, vector<16xf32>,
          %mul3A_173 = arith.constant 128 : i32
          %mul3A_174 = arith.muli %scan3A_91, %mul3A_173 : i32
          %add3A_175 = arith.constant 64 : i32
          %add3A_176 = arith.addi %mul3A_174, %add3A_175 : i32
          %get3A_177 = arith.index_cast %add3A_176 : i32 to index
          %get3A_178 = tpu.vector_load %arg5[%get3A_177] {strides = array<i32>} : memref<16384xi32, #tpu.memory_space<vmem>>, vector<16xi32>,
          %get3A_179 = vector.shape_cast %get3A_178 : vector<16xi32> to vector<16xi32>
          %convert_element_type3A_180 = arith.sitofp %get3A_179 : vector<16xi32> to vector<16xf32>
          %mul3A_181 = vector.broadcast %cond3A : f32 to vector<16xf32>
          %mul3A_182 = arith.mulf %convert_element_type3A_180, %mul3A_181 : vector<16xf32>
          %sub3A_183 = arith.constant 1.000000e+00 : f32
          %sub3A_184 = vector.broadcast %sub3A_183 : f32 to vector<16xf32>
          %sub3A_185 = arith.subf %mul3A_182, %sub3A_184 : vector<16xf32>
          %mul3A_186 = arith.constant 256 : i32
          %mul3A_187 = arith.muli %scan3A_91, %mul3A_186 : i32
          %add3A_188 = arith.constant 64 : i32
          %add3A_189 = arith.addi %mul3A_187, %add3A_188 : i32
          %swap3A_190 = arith.index_cast %add3A_189 : i32 to index
          %swap3A_191 = tpu.vector_load %arg9[%swap3A_190] {strides = array<i32>} : memref<32768xf32, #tpu.memory_space<vmem>>, vector<16xf32>,
          %swap3A_192 = vector.shape_cast %swap3A_191 : vector<16xf32> to vector<16xf32>
          %swap3A_193 = vector.shape_cast %sub3A_185 : vector<16xf32> to vector<16xf32>
          tpu.vector_store %arg9[%swap3A_190], %swap3A_193 {strides = array<i32>} : memref<32768xf32, #tpu.memory_space<vmem>>, vector<16xf32>,
          %mul3A_194 = arith.constant 128 : i32
          %mul3A_195 = arith.muli %scan3A_91, %mul3A_194 : i32
          %add3A_196 = arith.constant 80 : i32
          %add3A_197 = arith.addi %mul3A_195, %add3A_196 : i32
          %get3A_198 = arith.index_cast %add3A_197 : i32 to index
          %get3A_199 = tpu.vector_load %arg5[%get3A_198] {strides = array<i32>} : memref<16384xi32, #tpu.memory_space<vmem>>, vector<16xi32>,
          %get3A_200 = vector.shape_cast %get3A_199 : vector<16xi32> to vector<16xi32>
          %convert_element_type3A_201 = arith.sitofp %get3A_200 : vector<16xi32> to vector<16xf32>
          %mul3A_202 = vector.broadcast %cond3A : f32 to vector<16xf32>
          %mul3A_203 = arith.mulf %convert_element_type3A_201, %mul3A_202 : vector<16xf32>
          %sub3A_204 = arith.constant 1.000000e+00 : f32
          %sub3A_205 = vector.broadcast %sub3A_204 : f32 to vector<16xf32>
          %sub3A_206 = arith.subf %mul3A_203, %sub3A_205 : vector<16xf32>
          %mul3A_207 = arith.constant 256 : i32
          %mul3A_208 = arith.muli %scan3A_91, %mul3A_207 : i32
          %add3A_209 = arith.constant 80 : i32
          %add3A_210 = arith.addi %mul3A_208, %add3A_209 : i32
          %swap3A_211 = arith.index_cast %add3A_210 : i32 to index
          %swap3A_212 = tpu.vector_load %arg9[%swap3A_211] {strides = array<i32>} : memref<32768xf32, #tpu.memory_space<vmem>>, vector<16xf32>,
          %swap3A_213 = vector.shape_cast %swap3A_212 : vector<16xf32> to vector<16xf32>
          %swap3A_214 = vector.shape_cast %sub3A_206 : vector<16xf32> to vector<16xf32>
          tpu.vector_store %arg9[%swap3A_211], %swap3A_214 {strides = array<i32>} : memref<32768xf32, #tpu.memory_space<vmem>>, vector<16xf32>,
          %mul3A_215 = arith.constant 128 : i32
          %mul3A_216 = arith.muli %scan3A_91, %mul3A_215 : i32
          %add3A_217 = arith.constant 96 : i32
          %add3A_218 = arith.addi %mul3A_216, %add3A_217 : i32
          %get3A_219 = arith.index_cast %add3A_218 : i32 to index
          %get3A_220 = tpu.vector_load %arg5[%get3A_219] {strides = array<i32>} : memref<16384xi32, #tpu.memory_space<vmem>>, vector<16xi32>,
          %get3A_221 = vector.shape_cast %get3A_220 : vector<16xi32> to vector<16xi32>
          %convert_element_type3A_222 = arith.sitofp %get3A_221 : vector<16xi32> to vector<16xf32>
          %mul3A_223 = vector.broadcast %cond3A : f32 to vector<16xf32>
          %mul3A_224 = arith.mulf %convert_element_type3A_222, %mul3A_223 : vector<16xf32>
          %sub3A_225 = arith.constant 1.000000e+00 : f32
          %sub3A_226 = vector.broadcast %sub3A_225 : f32 to vector<16xf32>
          %sub3A_227 = arith.subf %mul3A_224, %sub3A_226 : vector<16xf32>
          %mul3A_228 = arith.constant 256 : i32
          %mul3A_229 = arith.muli %scan3A_91, %mul3A_228 : i32
          %add3A_230 = arith.constant 96 : i32
          %add3A_231 = arith.addi %mul3A_229, %add3A_230 : i32
          %swap3A_232 = arith.index_cast %add3A_231 : i32 to index
          %swap3A_233 = tpu.vector_load %arg9[%swap3A_232] {strides = array<i32>} : memref<32768xf32, #tpu.memory_space<vmem>>, vector<16xf32>,
          %swap3A_234 = vector.shape_cast %swap3A_233 : vector<16xf32> to vector<16xf32>
          %swap3A_235 = vector.shape_cast %sub3A_227 : vector<16xf32> to vector<16xf32>
          tpu.vector_store %arg9[%swap3A_232], %swap3A_235 {strides = array<i32>} : memref<32768xf32, #tpu.memory_space<vmem>>, vector<16xf32>,
          %mul3A_236 = arith.constant 128 : i32
          %mul3A_237 = arith.muli %scan3A_91, %mul3A_236 : i32
          %add3A_238 = arith.constant 112 : i32
          %add3A_239 = arith.addi %mul3A_237, %add3A_238 : i32
          %get3A_240 = arith.index_cast %add3A_239 : i32 to index
          %get3A_241 = tpu.vector_load %arg5[%get3A_240] {strides = array<i32>} : memref<16384xi32, #tpu.memory_space<vmem>>, vector<16xi32>,
          %get3A_242 = vector.shape_cast %get3A_241 : vector<16xi32> to vector<16xi32>
          %convert_element_type3A_243 = arith.sitofp %get3A_242 : vector<16xi32> to vector<16xf32>
          %mul3A_244 = vector.broadcast %cond3A : f32 to vector<16xf32>
          %mul3A_245 = arith.mulf %convert_element_type3A_243, %mul3A_244 : vector<16xf32>
          %sub3A_246 = arith.constant 1.000000e+00 : f32
          %sub3A_247 = vector.broadcast %sub3A_246 : f32 to vector<16xf32>
          %sub3A_248 = arith.subf %mul3A_245, %sub3A_247 : vector<16xf32>
          %mul3A_249 = arith.constant 256 : i32
          %mul3A_250 = arith.muli %scan3A_91, %mul3A_249 : i32
          %add3A_251 = arith.constant 112 : i32
          %add3A_252 = arith.addi %mul3A_250, %add3A_251 : i32
          %swap3A_253 = arith.index_cast %add3A_252 : i32 to index
          %swap3A_254 = tpu.vector_load %arg9[%swap3A_253] {strides = array<i32>} : memref<32768xf32, #tpu.memory_space<vmem>>, vector<16xf32>,
          %swap3A_255 = vector.shape_cast %swap3A_254 : vector<16xf32> to vector<16xf32>
          %swap3A_256 = vector.shape_cast %sub3A_248 : vector<16xf32> to vector<16xf32>
          tpu.vector_store %arg9[%swap3A_253], %swap3A_256 {strides = array<i32>} : memref<32768xf32, #tpu.memory_space<vmem>>, vector<16xf32>,
          %mul3A_257 = arith.constant 128 : i32
          %mul3A_258 = arith.muli %scan3A_91, %mul3A_257 : i32
          %add3A_259 = arith.constant 0 : i32
          %add3A_260 = arith.addi %mul3A_258, %add3A_259 : i32
          %get3A_261 = arith.index_cast %add3A_260 : i32 to index
          %get3A_262 = tpu.vector_load %arg6[%get3A_261] {strides = array<i32>} : memref<16384xi32, #tpu.memory_space<vmem>>, vector<16xi32>,
          %get3A_263 = vector.shape_cast %get3A_262 : vector<16xi32> to vector<16xi32>
          %convert_element_type3A_264 = arith.sitofp %get3A_263 : vector<16xi32> to vector<16xf32>
          %mul3A_265 = vector.broadcast %cond3A : f32 to vector<16xf32>
          %mul3A_266 = arith.mulf %convert_element_type3A_264, %mul3A_265 : vector<16xf32>
          %sub3A_267 = arith.constant 1.000000e+00 : f32
          %sub3A_268 = vector.broadcast %sub3A_267 : f32 to vector<16xf32>
          %sub3A_269 = arith.subf %mul3A_266, %sub3A_268 : vector<16xf32>
          %mul3A_270 = arith.constant 256 : i32
          %mul3A_271 = arith.muli %scan3A_91, %mul3A_270 : i32
          %add3A_272 = arith.constant 128 : i32
          %add3A_273 = arith.addi %mul3A_271, %add3A_272 : i32
          %add3A_274 = arith.constant 0 : i32
          %add3A_275 = arith.addi %add3A_273, %add3A_274 : i32
          %swap3A_276 = arith.index_cast %add3A_275 : i32 to index
          %swap3A_277 = tpu.vector_load %arg9[%swap3A_276] {strides = array<i32>} : memref<32768xf32, #tpu.memory_space<vmem>>, vector<16xf32>,
          %swap3A_278 = vector.shape_cast %swap3A_277 : vector<16xf32> to vector<16xf32>
          %swap3A_279 = vector.shape_cast %sub3A_269 : vector<16xf32> to vector<16xf32>
          tpu.vector_store %arg9[%swap3A_276], %swap3A_279 {strides = array<i32>} : memref<32768xf32, #tpu.memory_space<vmem>>, vector<16xf32>,
          %mul3A_280 = arith.constant 128 : i32
          %mul3A_281 = arith.muli %scan3A_91, %mul3A_280 : i32
          %add3A_282 = arith.constant 16 : i32
          %add3A_283 = arith.addi %mul3A_281, %add3A_282 : i32
          %get3A_284 = arith.index_cast %add3A_283 : i32 to index
          %get3A_285 = tpu.vector_load %arg6[%get3A_284] {strides = array<i32>} : memref<16384xi32, #tpu.memory_space<vmem>>, vector<16xi32>,
          %get3A_286 = vector.shape_cast %get3A_285 : vector<16xi32> to vector<16xi32>
          %convert_element_type3A_287 = arith.sitofp %get3A_286 : vector<16xi32> to vector<16xf32>
          %mul3A_288 = vector.broadcast %cond3A : f32 to vector<16xf32>
          %mul3A_289 = arith.mulf %convert_element_type3A_287, %mul3A_288 : vector<16xf32>
          %sub3A_290 = arith.constant 1.000000e+00 : f32
          %sub3A_291 = vector.broadcast %sub3A_290 : f32 to vector<16xf32>
          %sub3A_292 = arith.subf %mul3A_289, %sub3A_291 : vector<16xf32>
          %mul3A_293 = arith.constant 256 : i32
          %mul3A_294 = arith.muli %scan3A_91, %mul3A_293 : i32
          %add3A_295 = arith.constant 128 : i32
          %add3A_296 = arith.addi %mul3A_294, %add3A_295 : i32
          %add3A_297 = arith.constant 16 : i32
          %add3A_298 = arith.addi %add3A_296, %add3A_297 : i32
          %swap3A_299 = arith.index_cast %add3A_298 : i32 to index
          %swap3A_300 = tpu.vector_load %arg9[%swap3A_299] {strides = array<i32>} : memref<32768xf32, #tpu.memory_space<vmem>>, vector<16xf32>,
          %swap3A_301 = vector.shape_cast %swap3A_300 : vector<16xf32> to vector<16xf32>
          %swap3A_302 = vector.shape_cast %sub3A_292 : vector<16xf32> to vector<16xf32>
          tpu.vector_store %arg9[%swap3A_299], %swap3A_302 {strides = array<i32>} : memref<32768xf32, #tpu.memory_space<vmem>>, vector<16xf32>,
          %mul3A_303 = arith.constant 128 : i32
          %mul3A_304 = arith.muli %scan3A_91, %mul3A_303 : i32
          %add3A_305 = arith.constant 32 : i32
          %add3A_306 = arith.addi %mul3A_304, %add3A_305 : i32
          %get3A_307 = arith.index_cast %add3A_306 : i32 to index
          %get3A_308 = tpu.vector_load %arg6[%get3A_307] {strides = array<i32>} : memref<16384xi32, #tpu.memory_space<vmem>>, vector<16xi32>,
          %get3A_309 = vector.shape_cast %get3A_308 : vector<16xi32> to vector<16xi32>
          %convert_element_type3A_310 = arith.sitofp %get3A_309 : vector<16xi32> to vector<16xf32>
          %mul3A_311 = vector.broadcast %cond3A : f32 to vector<16xf32>
          %mul3A_312 = arith.mulf %convert_element_type3A_310, %mul3A_311 : vector<16xf32>
          %sub3A_313 = arith.constant 1.000000e+00 : f32
          %sub3A_314 = vector.broadcast %sub3A_313 : f32 to vector<16xf32>
          %sub3A_315 = arith.subf %mul3A_312, %sub3A_314 : vector<16xf32>
          %mul3A_316 = arith.constant 256 : i32
          %mul3A_317 = arith.muli %scan3A_91, %mul3A_316 : i32
          %add3A_318 = arith.constant 128 : i32
          %add3A_319 = arith.addi %mul3A_317, %add3A_318 : i32
          %add3A_320 = arith.constant 32 : i32
          %add3A_321 = arith.addi %add3A_319, %add3A_320 : i32
          %swap3A_322 = arith.index_cast %add3A_321 : i32 to index
          %swap3A_323 = tpu.vector_load %arg9[%swap3A_322] {strides = array<i32>} : memref<32768xf32, #tpu.memory_space<vmem>>, vector<16xf32>,
          %swap3A_324 = vector.shape_cast %swap3A_323 : vector<16xf32> to vector<16xf32>
          %swap3A_325 = vector.shape_cast %sub3A_315 : vector<16xf32> to vector<16xf32>
          tpu.vector_store %arg9[%swap3A_322], %swap3A_325 {strides = array<i32>} : memref<32768xf32, #tpu.memory_space<vmem>>, vector<16xf32>,
          %mul3A_326 = arith.constant 128 : i32
          %mul3A_327 = arith.muli %scan3A_91, %mul3A_326 : i32
          %add3A_328 = arith.constant 48 : i32
          %add3A_329 = arith.addi %mul3A_327, %add3A_328 : i32
          %get3A_330 = arith.index_cast %add3A_329 : i32 to index
          %get3A_331 = tpu.vector_load %arg6[%get3A_330] {strides = array<i32>} : memref<16384xi32, #tpu.memory_space<vmem>>, vector<16xi32>,
          %get3A_332 = vector.shape_cast %get3A_331 : vector<16xi32> to vector<16xi32>
          %convert_element_type3A_333 = arith.sitofp %get3A_332 : vector<16xi32> to vector<16xf32>
          %mul3A_334 = vector.broadcast %cond3A : f32 to vector<16xf32>
          %mul3A_335 = arith.mulf %convert_element_type3A_333, %mul3A_334 : vector<16xf32>
          %sub3A_336 = arith.constant 1.000000e+00 : f32
          %sub3A_337 = vector.broadcast %sub3A_336 : f32 to vector<16xf32>
          %sub3A_338 = arith.subf %mul3A_335, %sub3A_337 : vector<16xf32>
          %mul3A_339 = arith.constant 256 : i32
          %mul3A_340 = arith.muli %scan3A_91, %mul3A_339 : i32
          %add3A_341 = arith.constant 128 : i32
          %add3A_342 = arith.addi %mul3A_340, %add3A_341 : i32
          %add3A_343 = arith.constant 48 : i32
          %add3A_344 = arith.addi %add3A_342, %add3A_343 : i32
          %swap3A_345 = arith.index_cast %add3A_344 : i32 to index
          %swap3A_346 = tpu.vector_load %arg9[%swap3A_345] {strides = array<i32>} : memref<32768xf32, #tpu.memory_space<vmem>>, vector<16xf32>,
          %swap3A_347 = vector.shape_cast %swap3A_346 : vector<16xf32> to vector<16xf32>
          %swap3A_348 = vector.shape_cast %sub3A_338 : vector<16xf32> to vector<16xf32>
          tpu.vector_store %arg9[%swap3A_345], %swap3A_348 {strides = array<i32>} : memref<32768xf32, #tpu.memory_space<vmem>>, vector<16xf32>,
          %mul3A_349 = arith.constant 128 : i32
          %mul3A_350 = arith.muli %scan3A_91, %mul3A_349 : i32
          %add3A_351 = arith.constant 64 : i32
          %add3A_352 = arith.addi %mul3A_350, %add3A_351 : i32
          %get3A_353 = arith.index_cast %add3A_352 : i32 to index
          %get3A_354 = tpu.vector_load %arg6[%get3A_353] {strides = array<i32>} : memref<16384xi32, #tpu.memory_space<vmem>>, vector<16xi32>,
          %get3A_355 = vector.shape_cast %get3A_354 : vector<16xi32> to vector<16xi32>
          %convert_element_type3A_356 = arith.sitofp %get3A_355 : vector<16xi32> to vector<16xf32>
          %mul3A_357 = vector.broadcast %cond3A : f32 to vector<16xf32>
          %mul3A_358 = arith.mulf %convert_element_type3A_356, %mul3A_357 : vector<16xf32>
          %sub3A_359 = arith.constant 1.000000e+00 : f32
          %sub3A_360 = vector.broadcast %sub3A_359 : f32 to vector<16xf32>
          %sub3A_361 = arith.subf %mul3A_358, %sub3A_360 : vector<16xf32>
          %mul3A_362 = arith.constant 256 : i32
          %mul3A_363 = arith.muli %scan3A_91, %mul3A_362 : i32
          %add3A_364 = arith.constant 128 : i32
          %add3A_365 = arith.addi %mul3A_363, %add3A_364 : i32
          %add3A_366 = arith.constant 64 : i32
          %add3A_367 = arith.addi %add3A_365, %add3A_366 : i32
          %swap3A_368 = arith.index_cast %add3A_367 : i32 to index
          %swap3A_369 = tpu.vector_load %arg9[%swap3A_368] {strides = array<i32>} : memref<32768xf32, #tpu.memory_space<vmem>>, vector<16xf32>,
          %swap3A_370 = vector.shape_cast %swap3A_369 : vector<16xf32> to vector<16xf32>
          %swap3A_371 = vector.shape_cast %sub3A_361 : vector<16xf32> to vector<16xf32>
          tpu.vector_store %arg9[%swap3A_368], %swap3A_371 {strides = array<i32>} : memref<32768xf32, #tpu.memory_space<vmem>>, vector<16xf32>,
          %mul3A_372 = arith.constant 128 : i32
          %mul3A_373 = arith.muli %scan3A_91, %mul3A_372 : i32
          %add3A_374 = arith.constant 80 : i32
          %add3A_375 = arith.addi %mul3A_373, %add3A_374 : i32
          %get3A_376 = arith.index_cast %add3A_375 : i32 to index
          %get3A_377 = tpu.vector_load %arg6[%get3A_376] {strides = array<i32>} : memref<16384xi32, #tpu.memory_space<vmem>>, vector<16xi32>,
          %get3A_378 = vector.shape_cast %get3A_377 : vector<16xi32> to vector<16xi32>
          %convert_element_type3A_379 = arith.sitofp %get3A_378 : vector<16xi32> to vector<16xf32>
          %mul3A_380 = vector.broadcast %cond3A : f32 to vector<16xf32>
          %mul3A_381 = arith.mulf %convert_element_type3A_379, %mul3A_380 : vector<16xf32>
          %sub3A_382 = arith.constant 1.000000e+00 : f32
          %sub3A_383 = vector.broadcast %sub3A_382 : f32 to vector<16xf32>
          %sub3A_384 = arith.subf %mul3A_381, %sub3A_383 : vector<16xf32>
          %mul3A_385 = arith.constant 256 : i32
          %mul3A_386 = arith.muli %scan3A_91, %mul3A_385 : i32
          %add3A_387 = arith.constant 128 : i32
          %add3A_388 = arith.addi %mul3A_386, %add3A_387 : i32
          %add3A_389 = arith.constant 80 : i32
          %add3A_390 = arith.addi %add3A_388, %add3A_389 : i32
          %swap3A_391 = arith.index_cast %add3A_390 : i32 to index
          %swap3A_392 = tpu.vector_load %arg9[%swap3A_391] {strides = array<i32>} : memref<32768xf32, #tpu.memory_space<vmem>>, vector<16xf32>,
          %swap3A_393 = vector.shape_cast %swap3A_392 : vector<16xf32> to vector<16xf32>
          %swap3A_394 = vector.shape_cast %sub3A_384 : vector<16xf32> to vector<16xf32>
          tpu.vector_store %arg9[%swap3A_391], %swap3A_394 {strides = array<i32>} : memref<32768xf32, #tpu.memory_space<vmem>>, vector<16xf32>,
          %mul3A_395 = arith.constant 128 : i32
          %mul3A_396 = arith.muli %scan3A_91, %mul3A_395 : i32
          %add3A_397 = arith.constant 96 : i32
          %add3A_398 = arith.addi %mul3A_396, %add3A_397 : i32
          %get3A_399 = arith.index_cast %add3A_398 : i32 to index
          %get3A_400 = tpu.vector_load %arg6[%get3A_399] {strides = array<i32>} : memref<16384xi32, #tpu.memory_space<vmem>>, vector<16xi32>,
          %get3A_401 = vector.shape_cast %get3A_400 : vector<16xi32> to vector<16xi32>
          %convert_element_type3A_402 = arith.sitofp %get3A_401 : vector<16xi32> to vector<16xf32>
          %mul3A_403 = vector.broadcast %cond3A : f32 to vector<16xf32>
          %mul3A_404 = arith.mulf %convert_element_type3A_402, %mul3A_403 : vector<16xf32>
          %sub3A_405 = arith.constant 1.000000e+00 : f32
          %sub3A_406 = vector.broadcast %sub3A_405 : f32 to vector<16xf32>
          %sub3A_407 = arith.subf %mul3A_404, %sub3A_406 : vector<16xf32>
          %mul3A_408 = arith.constant 256 : i32
          %mul3A_409 = arith.muli %scan3A_91, %mul3A_408 : i32
          %add3A_410 = arith.constant 128 : i32
          %add3A_411 = arith.addi %mul3A_409, %add3A_410 : i32
          %add3A_412 = arith.constant 96 : i32
          %add3A_413 = arith.addi %add3A_411, %add3A_412 : i32
          %swap3A_414 = arith.index_cast %add3A_413 : i32 to index
          %swap3A_415 = tpu.vector_load %arg9[%swap3A_414] {strides = array<i32>} : memref<32768xf32, #tpu.memory_space<vmem>>, vector<16xf32>,
          %swap3A_416 = vector.shape_cast %swap3A_415 : vector<16xf32> to vector<16xf32>
          %swap3A_417 = vector.shape_cast %sub3A_407 : vector<16xf32> to vector<16xf32>
          tpu.vector_store %arg9[%swap3A_414], %swap3A_417 {strides = array<i32>} : memref<32768xf32, #tpu.memory_space<vmem>>, vector<16xf32>,
          %mul3A_418 = arith.constant 128 : i32
          %mul3A_419 = arith.muli %scan3A_91, %mul3A_418 : i32
          %add3A_420 = arith.constant 112 : i32
          %add3A_421 = arith.addi %mul3A_419, %add3A_420 : i32
          %get3A_422 = arith.index_cast %add3A_421 : i32 to index
          %get3A_423 = tpu.vector_load %arg6[%get3A_422] {strides = array<i32>} : memref<16384xi32, #tpu.memory_space<vmem>>, vector<16xi32>,
          %get3A_424 = vector.shape_cast %get3A_423 : vector<16xi32> to vector<16xi32>
          %convert_element_type3A_425 = arith.sitofp %get3A_424 : vector<16xi32> to vector<16xf32>
          %mul3A_426 = vector.broadcast %cond3A : f32 to vector<16xf32>
          %mul3A_427 = arith.mulf %convert_element_type3A_425, %mul3A_426 : vector<16xf32>
          %sub3A_428 = arith.constant 1.000000e+00 : f32
          %sub3A_429 = vector.broadcast %sub3A_428 : f32 to vector<16xf32>
          %sub3A_430 = arith.subf %mul3A_427, %sub3A_429 : vector<16xf32>
          %mul3A_431 = arith.constant 256 : i32
          %mul3A_432 = arith.muli %scan3A_91, %mul3A_431 : i32
          %add3A_433 = arith.constant 128 : i32
          %add3A_434 = arith.addi %mul3A_432, %add3A_433 : i32
          %add3A_435 = arith.constant 112 : i32
          %add3A_436 = arith.addi %add3A_434, %add3A_435 : i32
          %swap3A_437 = arith.index_cast %add3A_436 : i32 to index
          %swap3A_438 = tpu.vector_load %arg9[%swap3A_437] {strides = array<i32>} : memref<32768xf32, #tpu.memory_space<vmem>>, vector<16xf32>,
          %swap3A_439 = vector.shape_cast %swap3A_438 : vector<16xf32> to vector<16xf32>
          %swap3A_440 = vector.shape_cast %sub3A_430 : vector<16xf32> to vector<16xf32>
          tpu.vector_store %arg9[%swap3A_437], %swap3A_440 {strides = array<i32>} : memref<32768xf32, #tpu.memory_space<vmem>>, vector<16xf32>,
        }
        %scan3A_88 = arith.constant 128 : i32
        %mul3A_89 = arith.constant 32768 : i32
        %mul3A_90 = arith.muli %add3A_46, %mul3A_89 : i32
        "tpu.region"() ({
          %run_scoped3A = tpu.sem_alloc : memref<!tpu.dma_semaphore, #tpu.memory_space<semaphore_mem>>
          %dma_start3A_91 = tpu.memref_slice %arg4[%mul3A_90] : memref<6553600xf32, #tpu.memory_space<hbm>> -> memref<32768xf32, #tpu.memory_space<hbm>>
          %dma_start3A_92 = tpu.memref_slice %arg4[%mul3A_90] : memref<6553600xf32, #tpu.memory_space<hbm>> -> memref<32768xf32, #tpu.memory_space<hbm>>
          tpu.enqueue_dma source(%arg9 : memref<32768xf32, #tpu.memory_space<vmem>>) target(%dma_start3A_92 : memref<32768xf32, #tpu.memory_space<hbm>>) target_semaphore(%run_scoped3A : memref<!tpu.dma_semaphore, #tpu.memory_space<semaphore_mem>>)
          %dma_wait3A_93 = tpu.memref_slice %arg4[%mul3A_90] : memref<6553600xf32, #tpu.memory_space<hbm>> -> memref<32768xf32, #tpu.memory_space<hbm>>
          %dma_wait3A_94 = tpu.memref_slice %arg4[%mul3A_90] : memref<6553600xf32, #tpu.memory_space<hbm>> -> memref<32768xf32, #tpu.memory_space<hbm>>
          tpu.wait_dma2 semaphore(%run_scoped3A : memref<!tpu.dma_semaphore, #tpu.memory_space<semaphore_mem>>) src(%arg9 : memref<32768xf32, #tpu.memory_space<vmem>>) dst(%dma_wait3A_94 : memref<32768xf32, #tpu.memory_space<hbm>>)
          tpu.yield
        }) : () -> ()
      } else {
      }
      %add3A_52 = arith.constant 5 : i32
      %add3A_53 = arith.addi %mul3A_2, %add3A_52 : i32
      %lt3A_54 = arith.constant 200 : i32
      %lt3A_55 = arith.cmpi slt, %add3A_53, %lt3A_54 : i32
      %convert_element_type3A_56 = arith.extui %lt3A_55 : i1 to i32
      %cond3A_57 = arith.constant 0 : i32
      %cond3A_58 = arith.cmpi ne, %convert_element_type3A_56, %cond3A_57 : i32
      scf.if %cond3A_58 {
        %add3A_66 = arith.constant 1 : i32
        %add3A_67 = arith.addi %add3A_53, %add3A_66 : i32
        %lt3A_68 = arith.constant 200 : i32
        %lt3A_69 = arith.cmpi slt, %add3A_67, %lt3A_68 : i32
        %convert_element_type3A_70 = arith.extui %lt3A_69 : i1 to i32
        %cond3A_71 = arith.constant 0 : i32
        %cond3A_72 = arith.cmpi ne, %convert_element_type3A_70, %cond3A_71 : i32
        scf.if %cond3A_72 {
          %add3A_91 = arith.constant 1 : i32
          %add3A_92 = arith.addi %add3A_53, %add3A_91 : i32
          %dma_start3A_93 = arith.constant 0 : i32
          %dma_start3A_94 = tpu.memref_slice %arg2[%add3A_92, %dma_start3A_93] : memref<200x16384xi32, #tpu.memory_space<hbm>> -> memref<1x16384xi32, #tpu.memory_space<hbm>>
          %dma_start3A_95 = tpu.memref_squeeze %dma_start3A_94 : memref<1x16384xi32, #tpu.memory_space<hbm>> -> memref<16384xi32, #tpu.memory_space<hbm>>
          %dma_start3A_96 = arith.constant 0 : i32
          %dma_start3A_97 = tpu.memref_slice %arg2[%add3A_92, %dma_start3A_96] : memref<200x16384xi32, #tpu.memory_space<hbm>> -> memref<1x16384xi32, #tpu.memory_space<hbm>>
          %dma_start3A_98 = tpu.memref_squeeze %dma_start3A_97 : memref<1x16384xi32, #tpu.memory_space<hbm>> -> memref<16384xi32, #tpu.memory_space<hbm>>
          tpu.enqueue_dma source(%dma_start3A_98 : memref<16384xi32, #tpu.memory_space<hbm>>) target(%arg5 : memref<16384xi32, #tpu.memory_space<vmem>>) target_semaphore(%arg10 : memref<!tpu.dma_semaphore, #tpu.memory_space<semaphore_mem>>)
          %dma_start3A_99 = arith.constant 0 : i32
          %dma_start3A_100 = tpu.memref_slice %arg3[%add3A_92, %dma_start3A_99] : memref<200x16384xi32, #tpu.memory_space<hbm>> -> memref<1x16384xi32, #tpu.memory_space<hbm>>
          %dma_start3A_101 = tpu.memref_squeeze %dma_start3A_100 : memref<1x16384xi32, #tpu.memory_space<hbm>> -> memref<16384xi32, #tpu.memory_space<hbm>>
          %dma_start3A_102 = arith.constant 0 : i32
          %dma_start3A_103 = tpu.memref_slice %arg3[%add3A_92, %dma_start3A_102] : memref<200x16384xi32, #tpu.memory_space<hbm>> -> memref<1x16384xi32, #tpu.memory_space<hbm>>
          %dma_start3A_104 = tpu.memref_squeeze %dma_start3A_103 : memref<1x16384xi32, #tpu.memory_space<hbm>> -> memref<16384xi32, #tpu.memory_space<hbm>>
          tpu.enqueue_dma source(%dma_start3A_104 : memref<16384xi32, #tpu.memory_space<hbm>>) target(%arg6 : memref<16384xi32, #tpu.memory_space<vmem>>) target_semaphore(%arg10 : memref<!tpu.dma_semaphore, #tpu.memory_space<semaphore_mem>>)
        } else {
        }
        %dma_wait3A = arith.constant 0 : i32
        %dma_wait3A_73 = tpu.memref_slice %arg2[%mul3A_2, %dma_wait3A] : memref<200x16384xi32, #tpu.memory_space<hbm>> -> memref<1x16384xi32, #tpu.memory_space<hbm>>
        %dma_wait3A_74 = tpu.memref_squeeze %dma_wait3A_73 : memref<1x16384xi32, #tpu.memory_space<hbm>> -> memref<16384xi32, #tpu.memory_space<hbm>>
        %dma_wait3A_75 = arith.constant 0 : i32
        %dma_wait3A_76 = tpu.memref_slice %arg2[%mul3A_2, %dma_wait3A_75] : memref<200x16384xi32, #tpu.memory_space<hbm>> -> memref<1x16384xi32, #tpu.memory_space<hbm>>
        %dma_wait3A_77 = tpu.memref_squeeze %dma_wait3A_76 : memref<1x16384xi32, #tpu.memory_space<hbm>> -> memref<16384xi32, #tpu.memory_space<hbm>>
        tpu.wait_dma2 semaphore(%arg11 : memref<!tpu.dma_semaphore, #tpu.memory_space<semaphore_mem>>) src(%dma_wait3A_77 : memref<16384xi32, #tpu.memory_space<hbm>>) dst(%arg7 : memref<16384xi32, #tpu.memory_space<vmem>>)
        %dma_wait3A_78 = arith.constant 0 : i32
        %dma_wait3A_79 = tpu.memref_slice %arg3[%mul3A_2, %dma_wait3A_78] : memref<200x16384xi32, #tpu.memory_space<hbm>> -> memref<1x16384xi32, #tpu.memory_space<hbm>>
        %dma_wait3A_80 = tpu.memref_squeeze %dma_wait3A_79 : memref<1x16384xi32, #tpu.memory_space<hbm>> -> memref<16384xi32, #tpu.memory_space<hbm>>
        %dma_wait3A_81 = arith.constant 0 : i32
        %dma_wait3A_82 = tpu.memref_slice %arg3[%mul3A_2, %dma_wait3A_81] : memref<200x16384xi32, #tpu.memory_space<hbm>> -> memref<1x16384xi32, #tpu.memory_space<hbm>>
        %dma_wait3A_83 = tpu.memref_squeeze %dma_wait3A_82 : memref<1x16384xi32, #tpu.memory_space<hbm>> -> memref<16384xi32, #tpu.memory_space<hbm>>
        tpu.wait_dma2 semaphore(%arg11 : memref<!tpu.dma_semaphore, #tpu.memory_space<semaphore_mem>>) src(%dma_wait3A_83 : memref<16384xi32, #tpu.memory_space<hbm>>) dst(%arg8 : memref<16384xi32, #tpu.memory_space<vmem>>)
        %scan3A = arith.constant 0 : i32
        %scan3A_84 = arith.constant 0 : i32
        %scan3A_85 = arith.constant 128 : i32
        %scan3A_86 = arith.addi %scan3A_84, %scan3A_85 : i32
        %scan3A_87 = arith.constant 1 : i32
        scf.for %scan3A_91 = %scan3A_84 to %scan3A_86 step %scan3A_87  : i32 {
          %mul3A_92 = arith.constant 128 : i32
          %mul3A_93 = arith.muli %scan3A_91, %mul3A_92 : i32
          %add3A_94 = arith.constant 0 : i32
          %add3A_95 = arith.addi %mul3A_93, %add3A_94 : i32
          %get3A = arith.index_cast %add3A_95 : i32 to index
          %get3A_96 = tpu.vector_load %arg7[%get3A] {strides = array<i32>} : memref<16384xi32, #tpu.memory_space<vmem>>, vector<16xi32>,
          %get3A_97 = vector.shape_cast %get3A_96 : vector<16xi32> to vector<16xi32>
          %convert_element_type3A_98 = arith.sitofp %get3A_97 : vector<16xi32> to vector<16xf32>
          %mul3A_99 = vector.broadcast %cond3A : f32 to vector<16xf32>
          %mul3A_100 = arith.mulf %convert_element_type3A_98, %mul3A_99 : vector<16xf32>
          %sub3A = arith.constant 1.000000e+00 : f32
          %sub3A_101 = vector.broadcast %sub3A : f32 to vector<16xf32>
          %sub3A_102 = arith.subf %mul3A_100, %sub3A_101 : vector<16xf32>
          %mul3A_103 = arith.constant 256 : i32
          %mul3A_104 = arith.muli %scan3A_91, %mul3A_103 : i32
          %add3A_105 = arith.constant 0 : i32
          %add3A_106 = arith.addi %mul3A_104, %add3A_105 : i32
          %swap3A = arith.index_cast %add3A_106 : i32 to index
          %swap3A_107 = tpu.vector_load %arg9[%swap3A] {strides = array<i32>} : memref<32768xf32, #tpu.memory_space<vmem>>, vector<16xf32>,
          %swap3A_108 = vector.shape_cast %swap3A_107 : vector<16xf32> to vector<16xf32>
          %swap3A_109 = vector.shape_cast %sub3A_102 : vector<16xf32> to vector<16xf32>
          tpu.vector_store %arg9[%swap3A], %swap3A_109 {strides = array<i32>} : memref<32768xf32, #tpu.memory_space<vmem>>, vector<16xf32>,
          %mul3A_110 = arith.constant 128 : i32
          %mul3A_111 = arith.muli %scan3A_91, %mul3A_110 : i32
          %add3A_112 = arith.constant 16 : i32
          %add3A_113 = arith.addi %mul3A_111, %add3A_112 : i32
          %get3A_114 = arith.index_cast %add3A_113 : i32 to index
          %get3A_115 = tpu.vector_load %arg7[%get3A_114] {strides = array<i32>} : memref<16384xi32, #tpu.memory_space<vmem>>, vector<16xi32>,
          %get3A_116 = vector.shape_cast %get3A_115 : vector<16xi32> to vector<16xi32>
          %convert_element_type3A_117 = arith.sitofp %get3A_116 : vector<16xi32> to vector<16xf32>
          %mul3A_118 = vector.broadcast %cond3A : f32 to vector<16xf32>
          %mul3A_119 = arith.mulf %convert_element_type3A_117, %mul3A_118 : vector<16xf32>
          %sub3A_120 = arith.constant 1.000000e+00 : f32
          %sub3A_121 = vector.broadcast %sub3A_120 : f32 to vector<16xf32>
          %sub3A_122 = arith.subf %mul3A_119, %sub3A_121 : vector<16xf32>
          %mul3A_123 = arith.constant 256 : i32
          %mul3A_124 = arith.muli %scan3A_91, %mul3A_123 : i32
          %add3A_125 = arith.constant 16 : i32
          %add3A_126 = arith.addi %mul3A_124, %add3A_125 : i32
          %swap3A_127 = arith.index_cast %add3A_126 : i32 to index
          %swap3A_128 = tpu.vector_load %arg9[%swap3A_127] {strides = array<i32>} : memref<32768xf32, #tpu.memory_space<vmem>>, vector<16xf32>,
          %swap3A_129 = vector.shape_cast %swap3A_128 : vector<16xf32> to vector<16xf32>
          %swap3A_130 = vector.shape_cast %sub3A_122 : vector<16xf32> to vector<16xf32>
          tpu.vector_store %arg9[%swap3A_127], %swap3A_130 {strides = array<i32>} : memref<32768xf32, #tpu.memory_space<vmem>>, vector<16xf32>,
          %mul3A_131 = arith.constant 128 : i32
          %mul3A_132 = arith.muli %scan3A_91, %mul3A_131 : i32
          %add3A_133 = arith.constant 32 : i32
          %add3A_134 = arith.addi %mul3A_132, %add3A_133 : i32
          %get3A_135 = arith.index_cast %add3A_134 : i32 to index
          %get3A_136 = tpu.vector_load %arg7[%get3A_135] {strides = array<i32>} : memref<16384xi32, #tpu.memory_space<vmem>>, vector<16xi32>,
          %get3A_137 = vector.shape_cast %get3A_136 : vector<16xi32> to vector<16xi32>
          %convert_element_type3A_138 = arith.sitofp %get3A_137 : vector<16xi32> to vector<16xf32>
          %mul3A_139 = vector.broadcast %cond3A : f32 to vector<16xf32>
          %mul3A_140 = arith.mulf %convert_element_type3A_138, %mul3A_139 : vector<16xf32>
          %sub3A_141 = arith.constant 1.000000e+00 : f32
          %sub3A_142 = vector.broadcast %sub3A_141 : f32 to vector<16xf32>
          %sub3A_143 = arith.subf %mul3A_140, %sub3A_142 : vector<16xf32>
          %mul3A_144 = arith.constant 256 : i32
          %mul3A_145 = arith.muli %scan3A_91, %mul3A_144 : i32
          %add3A_146 = arith.constant 32 : i32
          %add3A_147 = arith.addi %mul3A_145, %add3A_146 : i32
          %swap3A_148 = arith.index_cast %add3A_147 : i32 to index
          %swap3A_149 = tpu.vector_load %arg9[%swap3A_148] {strides = array<i32>} : memref<32768xf32, #tpu.memory_space<vmem>>, vector<16xf32>,
          %swap3A_150 = vector.shape_cast %swap3A_149 : vector<16xf32> to vector<16xf32>
          %swap3A_151 = vector.shape_cast %sub3A_143 : vector<16xf32> to vector<16xf32>
          tpu.vector_store %arg9[%swap3A_148], %swap3A_151 {strides = array<i32>} : memref<32768xf32, #tpu.memory_space<vmem>>, vector<16xf32>,
          %mul3A_152 = arith.constant 128 : i32
          %mul3A_153 = arith.muli %scan3A_91, %mul3A_152 : i32
          %add3A_154 = arith.constant 48 : i32
          %add3A_155 = arith.addi %mul3A_153, %add3A_154 : i32
          %get3A_156 = arith.index_cast %add3A_155 : i32 to index
          %get3A_157 = tpu.vector_load %arg7[%get3A_156] {strides = array<i32>} : memref<16384xi32, #tpu.memory_space<vmem>>, vector<16xi32>,
          %get3A_158 = vector.shape_cast %get3A_157 : vector<16xi32> to vector<16xi32>
          %convert_element_type3A_159 = arith.sitofp %get3A_158 : vector<16xi32> to vector<16xf32>
          %mul3A_160 = vector.broadcast %cond3A : f32 to vector<16xf32>
          %mul3A_161 = arith.mulf %convert_element_type3A_159, %mul3A_160 : vector<16xf32>
          %sub3A_162 = arith.constant 1.000000e+00 : f32
          %sub3A_163 = vector.broadcast %sub3A_162 : f32 to vector<16xf32>
          %sub3A_164 = arith.subf %mul3A_161, %sub3A_163 : vector<16xf32>
          %mul3A_165 = arith.constant 256 : i32
          %mul3A_166 = arith.muli %scan3A_91, %mul3A_165 : i32
          %add3A_167 = arith.constant 48 : i32
          %add3A_168 = arith.addi %mul3A_166, %add3A_167 : i32
          %swap3A_169 = arith.index_cast %add3A_168 : i32 to index
          %swap3A_170 = tpu.vector_load %arg9[%swap3A_169] {strides = array<i32>} : memref<32768xf32, #tpu.memory_space<vmem>>, vector<16xf32>,
          %swap3A_171 = vector.shape_cast %swap3A_170 : vector<16xf32> to vector<16xf32>
          %swap3A_172 = vector.shape_cast %sub3A_164 : vector<16xf32> to vector<16xf32>
          tpu.vector_store %arg9[%swap3A_169], %swap3A_172 {strides = array<i32>} : memref<32768xf32, #tpu.memory_space<vmem>>, vector<16xf32>,
          %mul3A_173 = arith.constant 128 : i32
          %mul3A_174 = arith.muli %scan3A_91, %mul3A_173 : i32
          %add3A_175 = arith.constant 64 : i32
          %add3A_176 = arith.addi %mul3A_174, %add3A_175 : i32
          %get3A_177 = arith.index_cast %add3A_176 : i32 to index
          %get3A_178 = tpu.vector_load %arg7[%get3A_177] {strides = array<i32>} : memref<16384xi32, #tpu.memory_space<vmem>>, vector<16xi32>,
          %get3A_179 = vector.shape_cast %get3A_178 : vector<16xi32> to vector<16xi32>
          %convert_element_type3A_180 = arith.sitofp %get3A_179 : vector<16xi32> to vector<16xf32>
          %mul3A_181 = vector.broadcast %cond3A : f32 to vector<16xf32>
          %mul3A_182 = arith.mulf %convert_element_type3A_180, %mul3A_181 : vector<16xf32>
          %sub3A_183 = arith.constant 1.000000e+00 : f32
          %sub3A_184 = vector.broadcast %sub3A_183 : f32 to vector<16xf32>
          %sub3A_185 = arith.subf %mul3A_182, %sub3A_184 : vector<16xf32>
          %mul3A_186 = arith.constant 256 : i32
          %mul3A_187 = arith.muli %scan3A_91, %mul3A_186 : i32
          %add3A_188 = arith.constant 64 : i32
          %add3A_189 = arith.addi %mul3A_187, %add3A_188 : i32
          %swap3A_190 = arith.index_cast %add3A_189 : i32 to index
          %swap3A_191 = tpu.vector_load %arg9[%swap3A_190] {strides = array<i32>} : memref<32768xf32, #tpu.memory_space<vmem>>, vector<16xf32>,
          %swap3A_192 = vector.shape_cast %swap3A_191 : vector<16xf32> to vector<16xf32>
          %swap3A_193 = vector.shape_cast %sub3A_185 : vector<16xf32> to vector<16xf32>
          tpu.vector_store %arg9[%swap3A_190], %swap3A_193 {strides = array<i32>} : memref<32768xf32, #tpu.memory_space<vmem>>, vector<16xf32>,
          %mul3A_194 = arith.constant 128 : i32
          %mul3A_195 = arith.muli %scan3A_91, %mul3A_194 : i32
          %add3A_196 = arith.constant 80 : i32
          %add3A_197 = arith.addi %mul3A_195, %add3A_196 : i32
          %get3A_198 = arith.index_cast %add3A_197 : i32 to index
          %get3A_199 = tpu.vector_load %arg7[%get3A_198] {strides = array<i32>} : memref<16384xi32, #tpu.memory_space<vmem>>, vector<16xi32>,
          %get3A_200 = vector.shape_cast %get3A_199 : vector<16xi32> to vector<16xi32>
          %convert_element_type3A_201 = arith.sitofp %get3A_200 : vector<16xi32> to vector<16xf32>
          %mul3A_202 = vector.broadcast %cond3A : f32 to vector<16xf32>
          %mul3A_203 = arith.mulf %convert_element_type3A_201, %mul3A_202 : vector<16xf32>
          %sub3A_204 = arith.constant 1.000000e+00 : f32
          %sub3A_205 = vector.broadcast %sub3A_204 : f32 to vector<16xf32>
          %sub3A_206 = arith.subf %mul3A_203, %sub3A_205 : vector<16xf32>
          %mul3A_207 = arith.constant 256 : i32
          %mul3A_208 = arith.muli %scan3A_91, %mul3A_207 : i32
          %add3A_209 = arith.constant 80 : i32
          %add3A_210 = arith.addi %mul3A_208, %add3A_209 : i32
          %swap3A_211 = arith.index_cast %add3A_210 : i32 to index
          %swap3A_212 = tpu.vector_load %arg9[%swap3A_211] {strides = array<i32>} : memref<32768xf32, #tpu.memory_space<vmem>>, vector<16xf32>,
          %swap3A_213 = vector.shape_cast %swap3A_212 : vector<16xf32> to vector<16xf32>
          %swap3A_214 = vector.shape_cast %sub3A_206 : vector<16xf32> to vector<16xf32>
          tpu.vector_store %arg9[%swap3A_211], %swap3A_214 {strides = array<i32>} : memref<32768xf32, #tpu.memory_space<vmem>>, vector<16xf32>,
          %mul3A_215 = arith.constant 128 : i32
          %mul3A_216 = arith.muli %scan3A_91, %mul3A_215 : i32
          %add3A_217 = arith.constant 96 : i32
          %add3A_218 = arith.addi %mul3A_216, %add3A_217 : i32
          %get3A_219 = arith.index_cast %add3A_218 : i32 to index
          %get3A_220 = tpu.vector_load %arg7[%get3A_219] {strides = array<i32>} : memref<16384xi32, #tpu.memory_space<vmem>>, vector<16xi32>,
          %get3A_221 = vector.shape_cast %get3A_220 : vector<16xi32> to vector<16xi32>
          %convert_element_type3A_222 = arith.sitofp %get3A_221 : vector<16xi32> to vector<16xf32>
          %mul3A_223 = vector.broadcast %cond3A : f32 to vector<16xf32>
          %mul3A_224 = arith.mulf %convert_element_type3A_222, %mul3A_223 : vector<16xf32>
          %sub3A_225 = arith.constant 1.000000e+00 : f32
          %sub3A_226 = vector.broadcast %sub3A_225 : f32 to vector<16xf32>
          %sub3A_227 = arith.subf %mul3A_224, %sub3A_226 : vector<16xf32>
          %mul3A_228 = arith.constant 256 : i32
          %mul3A_229 = arith.muli %scan3A_91, %mul3A_228 : i32
          %add3A_230 = arith.constant 96 : i32
          %add3A_231 = arith.addi %mul3A_229, %add3A_230 : i32
          %swap3A_232 = arith.index_cast %add3A_231 : i32 to index
          %swap3A_233 = tpu.vector_load %arg9[%swap3A_232] {strides = array<i32>} : memref<32768xf32, #tpu.memory_space<vmem>>, vector<16xf32>,
          %swap3A_234 = vector.shape_cast %swap3A_233 : vector<16xf32> to vector<16xf32>
          %swap3A_235 = vector.shape_cast %sub3A_227 : vector<16xf32> to vector<16xf32>
          tpu.vector_store %arg9[%swap3A_232], %swap3A_235 {strides = array<i32>} : memref<32768xf32, #tpu.memory_space<vmem>>, vector<16xf32>,
          %mul3A_236 = arith.constant 128 : i32
          %mul3A_237 = arith.muli %scan3A_91, %mul3A_236 : i32
          %add3A_238 = arith.constant 112 : i32
          %add3A_239 = arith.addi %mul3A_237, %add3A_238 : i32
          %get3A_240 = arith.index_cast %add3A_239 : i32 to index
          %get3A_241 = tpu.vector_load %arg7[%get3A_240] {strides = array<i32>} : memref<16384xi32, #tpu.memory_space<vmem>>, vector<16xi32>,
          %get3A_242 = vector.shape_cast %get3A_241 : vector<16xi32> to vector<16xi32>
          %convert_element_type3A_243 = arith.sitofp %get3A_242 : vector<16xi32> to vector<16xf32>
          %mul3A_244 = vector.broadcast %cond3A : f32 to vector<16xf32>
          %mul3A_245 = arith.mulf %convert_element_type3A_243, %mul3A_244 : vector<16xf32>
          %sub3A_246 = arith.constant 1.000000e+00 : f32
          %sub3A_247 = vector.broadcast %sub3A_246 : f32 to vector<16xf32>
          %sub3A_248 = arith.subf %mul3A_245, %sub3A_247 : vector<16xf32>
          %mul3A_249 = arith.constant 256 : i32
          %mul3A_250 = arith.muli %scan3A_91, %mul3A_249 : i32
          %add3A_251 = arith.constant 112 : i32
          %add3A_252 = arith.addi %mul3A_250, %add3A_251 : i32
          %swap3A_253 = arith.index_cast %add3A_252 : i32 to index
          %swap3A_254 = tpu.vector_load %arg9[%swap3A_253] {strides = array<i32>} : memref<32768xf32, #tpu.memory_space<vmem>>, vector<16xf32>,
          %swap3A_255 = vector.shape_cast %swap3A_254 : vector<16xf32> to vector<16xf32>
          %swap3A_256 = vector.shape_cast %sub3A_248 : vector<16xf32> to vector<16xf32>
          tpu.vector_store %arg9[%swap3A_253], %swap3A_256 {strides = array<i32>} : memref<32768xf32, #tpu.memory_space<vmem>>, vector<16xf32>,
          %mul3A_257 = arith.constant 128 : i32
          %mul3A_258 = arith.muli %scan3A_91, %mul3A_257 : i32
          %add3A_259 = arith.constant 0 : i32
          %add3A_260 = arith.addi %mul3A_258, %add3A_259 : i32
          %get3A_261 = arith.index_cast %add3A_260 : i32 to index
          %get3A_262 = tpu.vector_load %arg8[%get3A_261] {strides = array<i32>} : memref<16384xi32, #tpu.memory_space<vmem>>, vector<16xi32>,
          %get3A_263 = vector.shape_cast %get3A_262 : vector<16xi32> to vector<16xi32>
          %convert_element_type3A_264 = arith.sitofp %get3A_263 : vector<16xi32> to vector<16xf32>
          %mul3A_265 = vector.broadcast %cond3A : f32 to vector<16xf32>
          %mul3A_266 = arith.mulf %convert_element_type3A_264, %mul3A_265 : vector<16xf32>
          %sub3A_267 = arith.constant 1.000000e+00 : f32
          %sub3A_268 = vector.broadcast %sub3A_267 : f32 to vector<16xf32>
          %sub3A_269 = arith.subf %mul3A_266, %sub3A_268 : vector<16xf32>
          %mul3A_270 = arith.constant 256 : i32
          %mul3A_271 = arith.muli %scan3A_91, %mul3A_270 : i32
          %add3A_272 = arith.constant 128 : i32
          %add3A_273 = arith.addi %mul3A_271, %add3A_272 : i32
          %add3A_274 = arith.constant 0 : i32
          %add3A_275 = arith.addi %add3A_273, %add3A_274 : i32
          %swap3A_276 = arith.index_cast %add3A_275 : i32 to index
          %swap3A_277 = tpu.vector_load %arg9[%swap3A_276] {strides = array<i32>} : memref<32768xf32, #tpu.memory_space<vmem>>, vector<16xf32>,
          %swap3A_278 = vector.shape_cast %swap3A_277 : vector<16xf32> to vector<16xf32>
          %swap3A_279 = vector.shape_cast %sub3A_269 : vector<16xf32> to vector<16xf32>
          tpu.vector_store %arg9[%swap3A_276], %swap3A_279 {strides = array<i32>} : memref<32768xf32, #tpu.memory_space<vmem>>, vector<16xf32>,
          %mul3A_280 = arith.constant 128 : i32
          %mul3A_281 = arith.muli %scan3A_91, %mul3A_280 : i32
          %add3A_282 = arith.constant 16 : i32
          %add3A_283 = arith.addi %mul3A_281, %add3A_282 : i32
          %get3A_284 = arith.index_cast %add3A_283 : i32 to index
          %get3A_285 = tpu.vector_load %arg8[%get3A_284] {strides = array<i32>} : memref<16384xi32, #tpu.memory_space<vmem>>, vector<16xi32>,
          %get3A_286 = vector.shape_cast %get3A_285 : vector<16xi32> to vector<16xi32>
          %convert_element_type3A_287 = arith.sitofp %get3A_286 : vector<16xi32> to vector<16xf32>
          %mul3A_288 = vector.broadcast %cond3A : f32 to vector<16xf32>
          %mul3A_289 = arith.mulf %convert_element_type3A_287, %mul3A_288 : vector<16xf32>
          %sub3A_290 = arith.constant 1.000000e+00 : f32
          %sub3A_291 = vector.broadcast %sub3A_290 : f32 to vector<16xf32>
          %sub3A_292 = arith.subf %mul3A_289, %sub3A_291 : vector<16xf32>
          %mul3A_293 = arith.constant 256 : i32
          %mul3A_294 = arith.muli %scan3A_91, %mul3A_293 : i32
          %add3A_295 = arith.constant 128 : i32
          %add3A_296 = arith.addi %mul3A_294, %add3A_295 : i32
          %add3A_297 = arith.constant 16 : i32
          %add3A_298 = arith.addi %add3A_296, %add3A_297 : i32
          %swap3A_299 = arith.index_cast %add3A_298 : i32 to index
          %swap3A_300 = tpu.vector_load %arg9[%swap3A_299] {strides = array<i32>} : memref<32768xf32, #tpu.memory_space<vmem>>, vector<16xf32>,
          %swap3A_301 = vector.shape_cast %swap3A_300 : vector<16xf32> to vector<16xf32>
          %swap3A_302 = vector.shape_cast %sub3A_292 : vector<16xf32> to vector<16xf32>
          tpu.vector_store %arg9[%swap3A_299], %swap3A_302 {strides = array<i32>} : memref<32768xf32, #tpu.memory_space<vmem>>, vector<16xf32>,
          %mul3A_303 = arith.constant 128 : i32
          %mul3A_304 = arith.muli %scan3A_91, %mul3A_303 : i32
          %add3A_305 = arith.constant 32 : i32
          %add3A_306 = arith.addi %mul3A_304, %add3A_305 : i32
          %get3A_307 = arith.index_cast %add3A_306 : i32 to index
          %get3A_308 = tpu.vector_load %arg8[%get3A_307] {strides = array<i32>} : memref<16384xi32, #tpu.memory_space<vmem>>, vector<16xi32>,
          %get3A_309 = vector.shape_cast %get3A_308 : vector<16xi32> to vector<16xi32>
          %convert_element_type3A_310 = arith.sitofp %get3A_309 : vector<16xi32> to vector<16xf32>
          %mul3A_311 = vector.broadcast %cond3A : f32 to vector<16xf32>
          %mul3A_312 = arith.mulf %convert_element_type3A_310, %mul3A_311 : vector<16xf32>
          %sub3A_313 = arith.constant 1.000000e+00 : f32
          %sub3A_314 = vector.broadcast %sub3A_313 : f32 to vector<16xf32>
          %sub3A_315 = arith.subf %mul3A_312, %sub3A_314 : vector<16xf32>
          %mul3A_316 = arith.constant 256 : i32
          %mul3A_317 = arith.muli %scan3A_91, %mul3A_316 : i32
          %add3A_318 = arith.constant 128 : i32
          %add3A_319 = arith.addi %mul3A_317, %add3A_318 : i32
          %add3A_320 = arith.constant 32 : i32
          %add3A_321 = arith.addi %add3A_319, %add3A_320 : i32
          %swap3A_322 = arith.index_cast %add3A_321 : i32 to index
          %swap3A_323 = tpu.vector_load %arg9[%swap3A_322] {strides = array<i32>} : memref<32768xf32, #tpu.memory_space<vmem>>, vector<16xf32>,
          %swap3A_324 = vector.shape_cast %swap3A_323 : vector<16xf32> to vector<16xf32>
          %swap3A_325 = vector.shape_cast %sub3A_315 : vector<16xf32> to vector<16xf32>
          tpu.vector_store %arg9[%swap3A_322], %swap3A_325 {strides = array<i32>} : memref<32768xf32, #tpu.memory_space<vmem>>, vector<16xf32>,
          %mul3A_326 = arith.constant 128 : i32
          %mul3A_327 = arith.muli %scan3A_91, %mul3A_326 : i32
          %add3A_328 = arith.constant 48 : i32
          %add3A_329 = arith.addi %mul3A_327, %add3A_328 : i32
          %get3A_330 = arith.index_cast %add3A_329 : i32 to index
          %get3A_331 = tpu.vector_load %arg8[%get3A_330] {strides = array<i32>} : memref<16384xi32, #tpu.memory_space<vmem>>, vector<16xi32>,
          %get3A_332 = vector.shape_cast %get3A_331 : vector<16xi32> to vector<16xi32>
          %convert_element_type3A_333 = arith.sitofp %get3A_332 : vector<16xi32> to vector<16xf32>
          %mul3A_334 = vector.broadcast %cond3A : f32 to vector<16xf32>
          %mul3A_335 = arith.mulf %convert_element_type3A_333, %mul3A_334 : vector<16xf32>
          %sub3A_336 = arith.constant 1.000000e+00 : f32
          %sub3A_337 = vector.broadcast %sub3A_336 : f32 to vector<16xf32>
          %sub3A_338 = arith.subf %mul3A_335, %sub3A_337 : vector<16xf32>
          %mul3A_339 = arith.constant 256 : i32
          %mul3A_340 = arith.muli %scan3A_91, %mul3A_339 : i32
          %add3A_341 = arith.constant 128 : i32
          %add3A_342 = arith.addi %mul3A_340, %add3A_341 : i32
          %add3A_343 = arith.constant 48 : i32
          %add3A_344 = arith.addi %add3A_342, %add3A_343 : i32
          %swap3A_345 = arith.index_cast %add3A_344 : i32 to index
          %swap3A_346 = tpu.vector_load %arg9[%swap3A_345] {strides = array<i32>} : memref<32768xf32, #tpu.memory_space<vmem>>, vector<16xf32>,
          %swap3A_347 = vector.shape_cast %swap3A_346 : vector<16xf32> to vector<16xf32>
          %swap3A_348 = vector.shape_cast %sub3A_338 : vector<16xf32> to vector<16xf32>
          tpu.vector_store %arg9[%swap3A_345], %swap3A_348 {strides = array<i32>} : memref<32768xf32, #tpu.memory_space<vmem>>, vector<16xf32>,
          %mul3A_349 = arith.constant 128 : i32
          %mul3A_350 = arith.muli %scan3A_91, %mul3A_349 : i32
          %add3A_351 = arith.constant 64 : i32
          %add3A_352 = arith.addi %mul3A_350, %add3A_351 : i32
          %get3A_353 = arith.index_cast %add3A_352 : i32 to index
          %get3A_354 = tpu.vector_load %arg8[%get3A_353] {strides = array<i32>} : memref<16384xi32, #tpu.memory_space<vmem>>, vector<16xi32>,
          %get3A_355 = vector.shape_cast %get3A_354 : vector<16xi32> to vector<16xi32>
          %convert_element_type3A_356 = arith.sitofp %get3A_355 : vector<16xi32> to vector<16xf32>
          %mul3A_357 = vector.broadcast %cond3A : f32 to vector<16xf32>
          %mul3A_358 = arith.mulf %convert_element_type3A_356, %mul3A_357 : vector<16xf32>
          %sub3A_359 = arith.constant 1.000000e+00 : f32
          %sub3A_360 = vector.broadcast %sub3A_359 : f32 to vector<16xf32>
          %sub3A_361 = arith.subf %mul3A_358, %sub3A_360 : vector<16xf32>
          %mul3A_362 = arith.constant 256 : i32
          %mul3A_363 = arith.muli %scan3A_91, %mul3A_362 : i32
          %add3A_364 = arith.constant 128 : i32
          %add3A_365 = arith.addi %mul3A_363, %add3A_364 : i32
          %add3A_366 = arith.constant 64 : i32
          %add3A_367 = arith.addi %add3A_365, %add3A_366 : i32
          %swap3A_368 = arith.index_cast %add3A_367 : i32 to index
          %swap3A_369 = tpu.vector_load %arg9[%swap3A_368] {strides = array<i32>} : memref<32768xf32, #tpu.memory_space<vmem>>, vector<16xf32>,
          %swap3A_370 = vector.shape_cast %swap3A_369 : vector<16xf32> to vector<16xf32>
          %swap3A_371 = vector.shape_cast %sub3A_361 : vector<16xf32> to vector<16xf32>
          tpu.vector_store %arg9[%swap3A_368], %swap3A_371 {strides = array<i32>} : memref<32768xf32, #tpu.memory_space<vmem>>, vector<16xf32>,
          %mul3A_372 = arith.constant 128 : i32
          %mul3A_373 = arith.muli %scan3A_91, %mul3A_372 : i32
          %add3A_374 = arith.constant 80 : i32
          %add3A_375 = arith.addi %mul3A_373, %add3A_374 : i32
          %get3A_376 = arith.index_cast %add3A_375 : i32 to index
          %get3A_377 = tpu.vector_load %arg8[%get3A_376] {strides = array<i32>} : memref<16384xi32, #tpu.memory_space<vmem>>, vector<16xi32>,
          %get3A_378 = vector.shape_cast %get3A_377 : vector<16xi32> to vector<16xi32>
          %convert_element_type3A_379 = arith.sitofp %get3A_378 : vector<16xi32> to vector<16xf32>
          %mul3A_380 = vector.broadcast %cond3A : f32 to vector<16xf32>
          %mul3A_381 = arith.mulf %convert_element_type3A_379, %mul3A_380 : vector<16xf32>
          %sub3A_382 = arith.constant 1.000000e+00 : f32
          %sub3A_383 = vector.broadcast %sub3A_382 : f32 to vector<16xf32>
          %sub3A_384 = arith.subf %mul3A_381, %sub3A_383 : vector<16xf32>
          %mul3A_385 = arith.constant 256 : i32
          %mul3A_386 = arith.muli %scan3A_91, %mul3A_385 : i32
          %add3A_387 = arith.constant 128 : i32
          %add3A_388 = arith.addi %mul3A_386, %add3A_387 : i32
          %add3A_389 = arith.constant 80 : i32
          %add3A_390 = arith.addi %add3A_388, %add3A_389 : i32
          %swap3A_391 = arith.index_cast %add3A_390 : i32 to index
          %swap3A_392 = tpu.vector_load %arg9[%swap3A_391] {strides = array<i32>} : memref<32768xf32, #tpu.memory_space<vmem>>, vector<16xf32>,
          %swap3A_393 = vector.shape_cast %swap3A_392 : vector<16xf32> to vector<16xf32>
          %swap3A_394 = vector.shape_cast %sub3A_384 : vector<16xf32> to vector<16xf32>
          tpu.vector_store %arg9[%swap3A_391], %swap3A_394 {strides = array<i32>} : memref<32768xf32, #tpu.memory_space<vmem>>, vector<16xf32>,
          %mul3A_395 = arith.constant 128 : i32
          %mul3A_396 = arith.muli %scan3A_91, %mul3A_395 : i32
          %add3A_397 = arith.constant 96 : i32
          %add3A_398 = arith.addi %mul3A_396, %add3A_397 : i32
          %get3A_399 = arith.index_cast %add3A_398 : i32 to index
          %get3A_400 = tpu.vector_load %arg8[%get3A_399] {strides = array<i32>} : memref<16384xi32, #tpu.memory_space<vmem>>, vector<16xi32>,
          %get3A_401 = vector.shape_cast %get3A_400 : vector<16xi32> to vector<16xi32>
          %convert_element_type3A_402 = arith.sitofp %get3A_401 : vector<16xi32> to vector<16xf32>
          %mul3A_403 = vector.broadcast %cond3A : f32 to vector<16xf32>
          %mul3A_404 = arith.mulf %convert_element_type3A_402, %mul3A_403 : vector<16xf32>
          %sub3A_405 = arith.constant 1.000000e+00 : f32
          %sub3A_406 = vector.broadcast %sub3A_405 : f32 to vector<16xf32>
          %sub3A_407 = arith.subf %mul3A_404, %sub3A_406 : vector<16xf32>
          %mul3A_408 = arith.constant 256 : i32
          %mul3A_409 = arith.muli %scan3A_91, %mul3A_408 : i32
          %add3A_410 = arith.constant 128 : i32
          %add3A_411 = arith.addi %mul3A_409, %add3A_410 : i32
          %add3A_412 = arith.constant 96 : i32
          %add3A_413 = arith.addi %add3A_411, %add3A_412 : i32
          %swap3A_414 = arith.index_cast %add3A_413 : i32 to index
          %swap3A_415 = tpu.vector_load %arg9[%swap3A_414] {strides = array<i32>} : memref<32768xf32, #tpu.memory_space<vmem>>, vector<16xf32>,
          %swap3A_416 = vector.shape_cast %swap3A_415 : vector<16xf32> to vector<16xf32>
          %swap3A_417 = vector.shape_cast %sub3A_407 : vector<16xf32> to vector<16xf32>
          tpu.vector_store %arg9[%swap3A_414], %swap3A_417 {strides = array<i32>} : memref<32768xf32, #tpu.memory_space<vmem>>, vector<16xf32>,
          %mul3A_418 = arith.constant 128 : i32
          %mul3A_419 = arith.muli %scan3A_91, %mul3A_418 : i32
          %add3A_420 = arith.constant 112 : i32
          %add3A_421 = arith.addi %mul3A_419, %add3A_420 : i32
          %get3A_422 = arith.index_cast %add3A_421 : i32 to index
          %get3A_423 = tpu.vector_load %arg8[%get3A_422] {strides = array<i32>} : memref<16384xi32, #tpu.memory_space<vmem>>, vector<16xi32>,
          %get3A_424 = vector.shape_cast %get3A_423 : vector<16xi32> to vector<16xi32>
          %convert_element_type3A_425 = arith.sitofp %get3A_424 : vector<16xi32> to vector<16xf32>
          %mul3A_426 = vector.broadcast %cond3A : f32 to vector<16xf32>
          %mul3A_427 = arith.mulf %convert_element_type3A_425, %mul3A_426 : vector<16xf32>
          %sub3A_428 = arith.constant 1.000000e+00 : f32
          %sub3A_429 = vector.broadcast %sub3A_428 : f32 to vector<16xf32>
          %sub3A_430 = arith.subf %mul3A_427, %sub3A_429 : vector<16xf32>
          %mul3A_431 = arith.constant 256 : i32
          %mul3A_432 = arith.muli %scan3A_91, %mul3A_431 : i32
          %add3A_433 = arith.constant 128 : i32
          %add3A_434 = arith.addi %mul3A_432, %add3A_433 : i32
          %add3A_435 = arith.constant 112 : i32
          %add3A_436 = arith.addi %add3A_434, %add3A_435 : i32
          %swap3A_437 = arith.index_cast %add3A_436 : i32 to index
          %swap3A_438 = tpu.vector_load %arg9[%swap3A_437] {strides = array<i32>} : memref<32768xf32, #tpu.memory_space<vmem>>, vector<16xf32>,
          %swap3A_439 = vector.shape_cast %swap3A_438 : vector<16xf32> to vector<16xf32>
          %swap3A_440 = vector.shape_cast %sub3A_430 : vector<16xf32> to vector<16xf32>
          tpu.vector_store %arg9[%swap3A_437], %swap3A_440 {strides = array<i32>} : memref<32768xf32, #tpu.memory_space<vmem>>, vector<16xf32>,
        }
        %scan3A_88 = arith.constant 128 : i32
        %mul3A_89 = arith.constant 32768 : i32
        %mul3A_90 = arith.muli %add3A_53, %mul3A_89 : i32
        "tpu.region"() ({
          %run_scoped3A = tpu.sem_alloc : memref<!tpu.dma_semaphore, #tpu.memory_space<semaphore_mem>>
          %dma_start3A_91 = tpu.memref_slice %arg4[%mul3A_90] : memref<6553600xf32, #tpu.memory_space<hbm>> -> memref<32768xf32, #tpu.memory_space<hbm>>
          %dma_start3A_92 = tpu.memref_slice %arg4[%mul3A_90] : memref<6553600xf32, #tpu.memory_space<hbm>> -> memref<32768xf32, #tpu.memory_space<hbm>>
          tpu.enqueue_dma source(%arg9 : memref<32768xf32, #tpu.memory_space<vmem>>) target(%dma_start3A_92 : memref<32768xf32, #tpu.memory_space<hbm>>) target_semaphore(%run_scoped3A : memref<!tpu.dma_semaphore, #tpu.memory_space<semaphore_mem>>)
          %dma_wait3A_93 = tpu.memref_slice %arg4[%mul3A_90] : memref<6553600xf32, #tpu.memory_space<hbm>> -> memref<32768xf32, #tpu.memory_space<hbm>>
          %dma_wait3A_94 = tpu.memref_slice %arg4[%mul3A_90] : memref<6553600xf32, #tpu.memory_space<hbm>> -> memref<32768xf32, #tpu.memory_space<hbm>>
          tpu.wait_dma2 semaphore(%run_scoped3A : memref<!tpu.dma_semaphore, #tpu.memory_space<semaphore_mem>>) src(%arg9 : memref<32768xf32, #tpu.memory_space<vmem>>) dst(%dma_wait3A_94 : memref<32768xf32, #tpu.memory_space<hbm>>)
          tpu.yield
        }) : () -> ()
      } else {
      }
      %add3A_59 = arith.constant 6 : i32
      %add3A_60 = arith.addi %mul3A_2, %add3A_59 : i32
      %lt3A_61 = arith.constant 200 : i32
      %lt3A_62 = arith.cmpi slt, %add3A_60, %lt3A_61 : i32
      %convert_element_type3A_63 = arith.extui %lt3A_62 : i1 to i32
      %cond3A_64 = arith.constant 0 : i32
      %cond3A_65 = arith.cmpi ne, %convert_element_type3A_63, %cond3A_64 : i32
      scf.if %cond3A_65 {
        %dma_wait3A = arith.constant 0 : i32
        %dma_wait3A_66 = tpu.memref_slice %arg2[%mul3A_2, %dma_wait3A] : memref<200x16384xi32, #tpu.memory_space<hbm>> -> memref<1x16384xi32, #tpu.memory_space<hbm>>
        %dma_wait3A_67 = tpu.memref_squeeze %dma_wait3A_66 : memref<1x16384xi32, #tpu.memory_space<hbm>> -> memref<16384xi32, #tpu.memory_space<hbm>>
        %dma_wait3A_68 = arith.constant 0 : i32
        %dma_wait3A_69 = tpu.memref_slice %arg2[%mul3A_2, %dma_wait3A_68] : memref<200x16384xi32, #tpu.memory_space<hbm>> -> memref<1x16384xi32, #tpu.memory_space<hbm>>
        %dma_wait3A_70 = tpu.memref_squeeze %dma_wait3A_69 : memref<1x16384xi32, #tpu.memory_space<hbm>> -> memref<16384xi32, #tpu.memory_space<hbm>>
        tpu.wait_dma2 semaphore(%arg10 : memref<!tpu.dma_semaphore, #tpu.memory_space<semaphore_mem>>) src(%dma_wait3A_70 : memref<16384xi32, #tpu.memory_space<hbm>>) dst(%arg5 : memref<16384xi32, #tpu.memory_space<vmem>>)
        %dma_wait3A_71 = arith.constant 0 : i32
        %dma_wait3A_72 = tpu.memref_slice %arg3[%mul3A_2, %dma_wait3A_71] : memref<200x16384xi32, #tpu.memory_space<hbm>> -> memref<1x16384xi32, #tpu.memory_space<hbm>>
        %dma_wait3A_73 = tpu.memref_squeeze %dma_wait3A_72 : memref<1x16384xi32, #tpu.memory_space<hbm>> -> memref<16384xi32, #tpu.memory_space<hbm>>
        %dma_wait3A_74 = arith.constant 0 : i32
        %dma_wait3A_75 = tpu.memref_slice %arg3[%mul3A_2, %dma_wait3A_74] : memref<200x16384xi32, #tpu.memory_space<hbm>> -> memref<1x16384xi32, #tpu.memory_space<hbm>>
        %dma_wait3A_76 = tpu.memref_squeeze %dma_wait3A_75 : memref<1x16384xi32, #tpu.memory_space<hbm>> -> memref<16384xi32, #tpu.memory_space<hbm>>
        tpu.wait_dma2 semaphore(%arg10 : memref<!tpu.dma_semaphore, #tpu.memory_space<semaphore_mem>>) src(%dma_wait3A_76 : memref<16384xi32, #tpu.memory_space<hbm>>) dst(%arg6 : memref<16384xi32, #tpu.memory_space<vmem>>)
        %scan3A = arith.constant 0 : i32
        %scan3A_77 = arith.constant 0 : i32
        %scan3A_78 = arith.constant 128 : i32
        %scan3A_79 = arith.addi %scan3A_77, %scan3A_78 : i32
        %scan3A_80 = arith.constant 1 : i32
        scf.for %scan3A_84 = %scan3A_77 to %scan3A_79 step %scan3A_80  : i32 {
          %mul3A_85 = arith.constant 128 : i32
          %mul3A_86 = arith.muli %scan3A_84, %mul3A_85 : i32
          %add3A_87 = arith.constant 0 : i32
          %add3A_88 = arith.addi %mul3A_86, %add3A_87 : i32
          %get3A = arith.index_cast %add3A_88 : i32 to index
          %get3A_89 = tpu.vector_load %arg5[%get3A] {strides = array<i32>} : memref<16384xi32, #tpu.memory_space<vmem>>, vector<16xi32>,
          %get3A_90 = vector.shape_cast %get3A_89 : vector<16xi32> to vector<16xi32>
          %convert_element_type3A_91 = arith.sitofp %get3A_90 : vector<16xi32> to vector<16xf32>
          %mul3A_92 = vector.broadcast %cond3A : f32 to vector<16xf32>
          %mul3A_93 = arith.mulf %convert_element_type3A_91, %mul3A_92 : vector<16xf32>
          %sub3A = arith.constant 1.000000e+00 : f32
          %sub3A_94 = vector.broadcast %sub3A : f32 to vector<16xf32>
          %sub3A_95 = arith.subf %mul3A_93, %sub3A_94 : vector<16xf32>
          %mul3A_96 = arith.constant 256 : i32
          %mul3A_97 = arith.muli %scan3A_84, %mul3A_96 : i32
          %add3A_98 = arith.constant 0 : i32
          %add3A_99 = arith.addi %mul3A_97, %add3A_98 : i32
          %swap3A = arith.index_cast %add3A_99 : i32 to index
          %swap3A_100 = tpu.vector_load %arg9[%swap3A] {strides = array<i32>} : memref<32768xf32, #tpu.memory_space<vmem>>, vector<16xf32>,
          %swap3A_101 = vector.shape_cast %swap3A_100 : vector<16xf32> to vector<16xf32>
          %swap3A_102 = vector.shape_cast %sub3A_95 : vector<16xf32> to vector<16xf32>
          tpu.vector_store %arg9[%swap3A], %swap3A_102 {strides = array<i32>} : memref<32768xf32, #tpu.memory_space<vmem>>, vector<16xf32>,
          %mul3A_103 = arith.constant 128 : i32
          %mul3A_104 = arith.muli %scan3A_84, %mul3A_103 : i32
          %add3A_105 = arith.constant 16 : i32
          %add3A_106 = arith.addi %mul3A_104, %add3A_105 : i32
          %get3A_107 = arith.index_cast %add3A_106 : i32 to index
          %get3A_108 = tpu.vector_load %arg5[%get3A_107] {strides = array<i32>} : memref<16384xi32, #tpu.memory_space<vmem>>, vector<16xi32>,
          %get3A_109 = vector.shape_cast %get3A_108 : vector<16xi32> to vector<16xi32>
          %convert_element_type3A_110 = arith.sitofp %get3A_109 : vector<16xi32> to vector<16xf32>
          %mul3A_111 = vector.broadcast %cond3A : f32 to vector<16xf32>
          %mul3A_112 = arith.mulf %convert_element_type3A_110, %mul3A_111 : vector<16xf32>
          %sub3A_113 = arith.constant 1.000000e+00 : f32
          %sub3A_114 = vector.broadcast %sub3A_113 : f32 to vector<16xf32>
          %sub3A_115 = arith.subf %mul3A_112, %sub3A_114 : vector<16xf32>
          %mul3A_116 = arith.constant 256 : i32
          %mul3A_117 = arith.muli %scan3A_84, %mul3A_116 : i32
          %add3A_118 = arith.constant 16 : i32
          %add3A_119 = arith.addi %mul3A_117, %add3A_118 : i32
          %swap3A_120 = arith.index_cast %add3A_119 : i32 to index
          %swap3A_121 = tpu.vector_load %arg9[%swap3A_120] {strides = array<i32>} : memref<32768xf32, #tpu.memory_space<vmem>>, vector<16xf32>,
          %swap3A_122 = vector.shape_cast %swap3A_121 : vector<16xf32> to vector<16xf32>
          %swap3A_123 = vector.shape_cast %sub3A_115 : vector<16xf32> to vector<16xf32>
          tpu.vector_store %arg9[%swap3A_120], %swap3A_123 {strides = array<i32>} : memref<32768xf32, #tpu.memory_space<vmem>>, vector<16xf32>,
          %mul3A_124 = arith.constant 128 : i32
          %mul3A_125 = arith.muli %scan3A_84, %mul3A_124 : i32
          %add3A_126 = arith.constant 32 : i32
          %add3A_127 = arith.addi %mul3A_125, %add3A_126 : i32
          %get3A_128 = arith.index_cast %add3A_127 : i32 to index
          %get3A_129 = tpu.vector_load %arg5[%get3A_128] {strides = array<i32>} : memref<16384xi32, #tpu.memory_space<vmem>>, vector<16xi32>,
          %get3A_130 = vector.shape_cast %get3A_129 : vector<16xi32> to vector<16xi32>
          %convert_element_type3A_131 = arith.sitofp %get3A_130 : vector<16xi32> to vector<16xf32>
          %mul3A_132 = vector.broadcast %cond3A : f32 to vector<16xf32>
          %mul3A_133 = arith.mulf %convert_element_type3A_131, %mul3A_132 : vector<16xf32>
          %sub3A_134 = arith.constant 1.000000e+00 : f32
          %sub3A_135 = vector.broadcast %sub3A_134 : f32 to vector<16xf32>
          %sub3A_136 = arith.subf %mul3A_133, %sub3A_135 : vector<16xf32>
          %mul3A_137 = arith.constant 256 : i32
          %mul3A_138 = arith.muli %scan3A_84, %mul3A_137 : i32
          %add3A_139 = arith.constant 32 : i32
          %add3A_140 = arith.addi %mul3A_138, %add3A_139 : i32
          %swap3A_141 = arith.index_cast %add3A_140 : i32 to index
          %swap3A_142 = tpu.vector_load %arg9[%swap3A_141] {strides = array<i32>} : memref<32768xf32, #tpu.memory_space<vmem>>, vector<16xf32>,
          %swap3A_143 = vector.shape_cast %swap3A_142 : vector<16xf32> to vector<16xf32>
          %swap3A_144 = vector.shape_cast %sub3A_136 : vector<16xf32> to vector<16xf32>
          tpu.vector_store %arg9[%swap3A_141], %swap3A_144 {strides = array<i32>} : memref<32768xf32, #tpu.memory_space<vmem>>, vector<16xf32>,
          %mul3A_145 = arith.constant 128 : i32
          %mul3A_146 = arith.muli %scan3A_84, %mul3A_145 : i32
          %add3A_147 = arith.constant 48 : i32
          %add3A_148 = arith.addi %mul3A_146, %add3A_147 : i32
          %get3A_149 = arith.index_cast %add3A_148 : i32 to index
          %get3A_150 = tpu.vector_load %arg5[%get3A_149] {strides = array<i32>} : memref<16384xi32, #tpu.memory_space<vmem>>, vector<16xi32>,
          %get3A_151 = vector.shape_cast %get3A_150 : vector<16xi32> to vector<16xi32>
          %convert_element_type3A_152 = arith.sitofp %get3A_151 : vector<16xi32> to vector<16xf32>
          %mul3A_153 = vector.broadcast %cond3A : f32 to vector<16xf32>
          %mul3A_154 = arith.mulf %convert_element_type3A_152, %mul3A_153 : vector<16xf32>
          %sub3A_155 = arith.constant 1.000000e+00 : f32
          %sub3A_156 = vector.broadcast %sub3A_155 : f32 to vector<16xf32>
          %sub3A_157 = arith.subf %mul3A_154, %sub3A_156 : vector<16xf32>
          %mul3A_158 = arith.constant 256 : i32
          %mul3A_159 = arith.muli %scan3A_84, %mul3A_158 : i32
          %add3A_160 = arith.constant 48 : i32
          %add3A_161 = arith.addi %mul3A_159, %add3A_160 : i32
          %swap3A_162 = arith.index_cast %add3A_161 : i32 to index
          %swap3A_163 = tpu.vector_load %arg9[%swap3A_162] {strides = array<i32>} : memref<32768xf32, #tpu.memory_space<vmem>>, vector<16xf32>,
          %swap3A_164 = vector.shape_cast %swap3A_163 : vector<16xf32> to vector<16xf32>
          %swap3A_165 = vector.shape_cast %sub3A_157 : vector<16xf32> to vector<16xf32>
          tpu.vector_store %arg9[%swap3A_162], %swap3A_165 {strides = array<i32>} : memref<32768xf32, #tpu.memory_space<vmem>>, vector<16xf32>,
          %mul3A_166 = arith.constant 128 : i32
          %mul3A_167 = arith.muli %scan3A_84, %mul3A_166 : i32
          %add3A_168 = arith.constant 64 : i32
          %add3A_169 = arith.addi %mul3A_167, %add3A_168 : i32
          %get3A_170 = arith.index_cast %add3A_169 : i32 to index
          %get3A_171 = tpu.vector_load %arg5[%get3A_170] {strides = array<i32>} : memref<16384xi32, #tpu.memory_space<vmem>>, vector<16xi32>,
          %get3A_172 = vector.shape_cast %get3A_171 : vector<16xi32> to vector<16xi32>
          %convert_element_type3A_173 = arith.sitofp %get3A_172 : vector<16xi32> to vector<16xf32>
          %mul3A_174 = vector.broadcast %cond3A : f32 to vector<16xf32>
          %mul3A_175 = arith.mulf %convert_element_type3A_173, %mul3A_174 : vector<16xf32>
          %sub3A_176 = arith.constant 1.000000e+00 : f32
          %sub3A_177 = vector.broadcast %sub3A_176 : f32 to vector<16xf32>
          %sub3A_178 = arith.subf %mul3A_175, %sub3A_177 : vector<16xf32>
          %mul3A_179 = arith.constant 256 : i32
          %mul3A_180 = arith.muli %scan3A_84, %mul3A_179 : i32
          %add3A_181 = arith.constant 64 : i32
          %add3A_182 = arith.addi %mul3A_180, %add3A_181 : i32
          %swap3A_183 = arith.index_cast %add3A_182 : i32 to index
          %swap3A_184 = tpu.vector_load %arg9[%swap3A_183] {strides = array<i32>} : memref<32768xf32, #tpu.memory_space<vmem>>, vector<16xf32>,
          %swap3A_185 = vector.shape_cast %swap3A_184 : vector<16xf32> to vector<16xf32>
          %swap3A_186 = vector.shape_cast %sub3A_178 : vector<16xf32> to vector<16xf32>
          tpu.vector_store %arg9[%swap3A_183], %swap3A_186 {strides = array<i32>} : memref<32768xf32, #tpu.memory_space<vmem>>, vector<16xf32>,
          %mul3A_187 = arith.constant 128 : i32
          %mul3A_188 = arith.muli %scan3A_84, %mul3A_187 : i32
          %add3A_189 = arith.constant 80 : i32
          %add3A_190 = arith.addi %mul3A_188, %add3A_189 : i32
          %get3A_191 = arith.index_cast %add3A_190 : i32 to index
          %get3A_192 = tpu.vector_load %arg5[%get3A_191] {strides = array<i32>} : memref<16384xi32, #tpu.memory_space<vmem>>, vector<16xi32>,
          %get3A_193 = vector.shape_cast %get3A_192 : vector<16xi32> to vector<16xi32>
          %convert_element_type3A_194 = arith.sitofp %get3A_193 : vector<16xi32> to vector<16xf32>
          %mul3A_195 = vector.broadcast %cond3A : f32 to vector<16xf32>
          %mul3A_196 = arith.mulf %convert_element_type3A_194, %mul3A_195 : vector<16xf32>
          %sub3A_197 = arith.constant 1.000000e+00 : f32
          %sub3A_198 = vector.broadcast %sub3A_197 : f32 to vector<16xf32>
          %sub3A_199 = arith.subf %mul3A_196, %sub3A_198 : vector<16xf32>
          %mul3A_200 = arith.constant 256 : i32
          %mul3A_201 = arith.muli %scan3A_84, %mul3A_200 : i32
          %add3A_202 = arith.constant 80 : i32
          %add3A_203 = arith.addi %mul3A_201, %add3A_202 : i32
          %swap3A_204 = arith.index_cast %add3A_203 : i32 to index
          %swap3A_205 = tpu.vector_load %arg9[%swap3A_204] {strides = array<i32>} : memref<32768xf32, #tpu.memory_space<vmem>>, vector<16xf32>,
          %swap3A_206 = vector.shape_cast %swap3A_205 : vector<16xf32> to vector<16xf32>
          %swap3A_207 = vector.shape_cast %sub3A_199 : vector<16xf32> to vector<16xf32>
          tpu.vector_store %arg9[%swap3A_204], %swap3A_207 {strides = array<i32>} : memref<32768xf32, #tpu.memory_space<vmem>>, vector<16xf32>,
          %mul3A_208 = arith.constant 128 : i32
          %mul3A_209 = arith.muli %scan3A_84, %mul3A_208 : i32
          %add3A_210 = arith.constant 96 : i32
          %add3A_211 = arith.addi %mul3A_209, %add3A_210 : i32
          %get3A_212 = arith.index_cast %add3A_211 : i32 to index
          %get3A_213 = tpu.vector_load %arg5[%get3A_212] {strides = array<i32>} : memref<16384xi32, #tpu.memory_space<vmem>>, vector<16xi32>,
          %get3A_214 = vector.shape_cast %get3A_213 : vector<16xi32> to vector<16xi32>
          %convert_element_type3A_215 = arith.sitofp %get3A_214 : vector<16xi32> to vector<16xf32>
          %mul3A_216 = vector.broadcast %cond3A : f32 to vector<16xf32>
          %mul3A_217 = arith.mulf %convert_element_type3A_215, %mul3A_216 : vector<16xf32>
          %sub3A_218 = arith.constant 1.000000e+00 : f32
          %sub3A_219 = vector.broadcast %sub3A_218 : f32 to vector<16xf32>
          %sub3A_220 = arith.subf %mul3A_217, %sub3A_219 : vector<16xf32>
          %mul3A_221 = arith.constant 256 : i32
          %mul3A_222 = arith.muli %scan3A_84, %mul3A_221 : i32
          %add3A_223 = arith.constant 96 : i32
          %add3A_224 = arith.addi %mul3A_222, %add3A_223 : i32
          %swap3A_225 = arith.index_cast %add3A_224 : i32 to index
          %swap3A_226 = tpu.vector_load %arg9[%swap3A_225] {strides = array<i32>} : memref<32768xf32, #tpu.memory_space<vmem>>, vector<16xf32>,
          %swap3A_227 = vector.shape_cast %swap3A_226 : vector<16xf32> to vector<16xf32>
          %swap3A_228 = vector.shape_cast %sub3A_220 : vector<16xf32> to vector<16xf32>
          tpu.vector_store %arg9[%swap3A_225], %swap3A_228 {strides = array<i32>} : memref<32768xf32, #tpu.memory_space<vmem>>, vector<16xf32>,
          %mul3A_229 = arith.constant 128 : i32
          %mul3A_230 = arith.muli %scan3A_84, %mul3A_229 : i32
          %add3A_231 = arith.constant 112 : i32
          %add3A_232 = arith.addi %mul3A_230, %add3A_231 : i32
          %get3A_233 = arith.index_cast %add3A_232 : i32 to index
          %get3A_234 = tpu.vector_load %arg5[%get3A_233] {strides = array<i32>} : memref<16384xi32, #tpu.memory_space<vmem>>, vector<16xi32>,
          %get3A_235 = vector.shape_cast %get3A_234 : vector<16xi32> to vector<16xi32>
          %convert_element_type3A_236 = arith.sitofp %get3A_235 : vector<16xi32> to vector<16xf32>
          %mul3A_237 = vector.broadcast %cond3A : f32 to vector<16xf32>
          %mul3A_238 = arith.mulf %convert_element_type3A_236, %mul3A_237 : vector<16xf32>
          %sub3A_239 = arith.constant 1.000000e+00 : f32
          %sub3A_240 = vector.broadcast %sub3A_239 : f32 to vector<16xf32>
          %sub3A_241 = arith.subf %mul3A_238, %sub3A_240 : vector<16xf32>
          %mul3A_242 = arith.constant 256 : i32
          %mul3A_243 = arith.muli %scan3A_84, %mul3A_242 : i32
          %add3A_244 = arith.constant 112 : i32
          %add3A_245 = arith.addi %mul3A_243, %add3A_244 : i32
          %swap3A_246 = arith.index_cast %add3A_245 : i32 to index
          %swap3A_247 = tpu.vector_load %arg9[%swap3A_246] {strides = array<i32>} : memref<32768xf32, #tpu.memory_space<vmem>>, vector<16xf32>,
          %swap3A_248 = vector.shape_cast %swap3A_247 : vector<16xf32> to vector<16xf32>
          %swap3A_249 = vector.shape_cast %sub3A_241 : vector<16xf32> to vector<16xf32>
          tpu.vector_store %arg9[%swap3A_246], %swap3A_249 {strides = array<i32>} : memref<32768xf32, #tpu.memory_space<vmem>>, vector<16xf32>,
          %mul3A_250 = arith.constant 128 : i32
          %mul3A_251 = arith.muli %scan3A_84, %mul3A_250 : i32
          %add3A_252 = arith.constant 0 : i32
          %add3A_253 = arith.addi %mul3A_251, %add3A_252 : i32
          %get3A_254 = arith.index_cast %add3A_253 : i32 to index
          %get3A_255 = tpu.vector_load %arg6[%get3A_254] {strides = array<i32>} : memref<16384xi32, #tpu.memory_space<vmem>>, vector<16xi32>,
          %get3A_256 = vector.shape_cast %get3A_255 : vector<16xi32> to vector<16xi32>
          %convert_element_type3A_257 = arith.sitofp %get3A_256 : vector<16xi32> to vector<16xf32>
          %mul3A_258 = vector.broadcast %cond3A : f32 to vector<16xf32>
          %mul3A_259 = arith.mulf %convert_element_type3A_257, %mul3A_258 : vector<16xf32>
          %sub3A_260 = arith.constant 1.000000e+00 : f32
          %sub3A_261 = vector.broadcast %sub3A_260 : f32 to vector<16xf32>
          %sub3A_262 = arith.subf %mul3A_259, %sub3A_261 : vector<16xf32>
          %mul3A_263 = arith.constant 256 : i32
          %mul3A_264 = arith.muli %scan3A_84, %mul3A_263 : i32
          %add3A_265 = arith.constant 128 : i32
          %add3A_266 = arith.addi %mul3A_264, %add3A_265 : i32
          %add3A_267 = arith.constant 0 : i32
          %add3A_268 = arith.addi %add3A_266, %add3A_267 : i32
          %swap3A_269 = arith.index_cast %add3A_268 : i32 to index
          %swap3A_270 = tpu.vector_load %arg9[%swap3A_269] {strides = array<i32>} : memref<32768xf32, #tpu.memory_space<vmem>>, vector<16xf32>,
          %swap3A_271 = vector.shape_cast %swap3A_270 : vector<16xf32> to vector<16xf32>
          %swap3A_272 = vector.shape_cast %sub3A_262 : vector<16xf32> to vector<16xf32>
          tpu.vector_store %arg9[%swap3A_269], %swap3A_272 {strides = array<i32>} : memref<32768xf32, #tpu.memory_space<vmem>>, vector<16xf32>,
          %mul3A_273 = arith.constant 128 : i32
          %mul3A_274 = arith.muli %scan3A_84, %mul3A_273 : i32
          %add3A_275 = arith.constant 16 : i32
          %add3A_276 = arith.addi %mul3A_274, %add3A_275 : i32
          %get3A_277 = arith.index_cast %add3A_276 : i32 to index
          %get3A_278 = tpu.vector_load %arg6[%get3A_277] {strides = array<i32>} : memref<16384xi32, #tpu.memory_space<vmem>>, vector<16xi32>,
          %get3A_279 = vector.shape_cast %get3A_278 : vector<16xi32> to vector<16xi32>
          %convert_element_type3A_280 = arith.sitofp %get3A_279 : vector<16xi32> to vector<16xf32>
          %mul3A_281 = vector.broadcast %cond3A : f32 to vector<16xf32>
          %mul3A_282 = arith.mulf %convert_element_type3A_280, %mul3A_281 : vector<16xf32>
          %sub3A_283 = arith.constant 1.000000e+00 : f32
          %sub3A_284 = vector.broadcast %sub3A_283 : f32 to vector<16xf32>
          %sub3A_285 = arith.subf %mul3A_282, %sub3A_284 : vector<16xf32>
          %mul3A_286 = arith.constant 256 : i32
          %mul3A_287 = arith.muli %scan3A_84, %mul3A_286 : i32
          %add3A_288 = arith.constant 128 : i32
          %add3A_289 = arith.addi %mul3A_287, %add3A_288 : i32
          %add3A_290 = arith.constant 16 : i32
          %add3A_291 = arith.addi %add3A_289, %add3A_290 : i32
          %swap3A_292 = arith.index_cast %add3A_291 : i32 to index
          %swap3A_293 = tpu.vector_load %arg9[%swap3A_292] {strides = array<i32>} : memref<32768xf32, #tpu.memory_space<vmem>>, vector<16xf32>,
          %swap3A_294 = vector.shape_cast %swap3A_293 : vector<16xf32> to vector<16xf32>
          %swap3A_295 = vector.shape_cast %sub3A_285 : vector<16xf32> to vector<16xf32>
          tpu.vector_store %arg9[%swap3A_292], %swap3A_295 {strides = array<i32>} : memref<32768xf32, #tpu.memory_space<vmem>>, vector<16xf32>,
          %mul3A_296 = arith.constant 128 : i32
          %mul3A_297 = arith.muli %scan3A_84, %mul3A_296 : i32
          %add3A_298 = arith.constant 32 : i32
          %add3A_299 = arith.addi %mul3A_297, %add3A_298 : i32
          %get3A_300 = arith.index_cast %add3A_299 : i32 to index
          %get3A_301 = tpu.vector_load %arg6[%get3A_300] {strides = array<i32>} : memref<16384xi32, #tpu.memory_space<vmem>>, vector<16xi32>,
          %get3A_302 = vector.shape_cast %get3A_301 : vector<16xi32> to vector<16xi32>
          %convert_element_type3A_303 = arith.sitofp %get3A_302 : vector<16xi32> to vector<16xf32>
          %mul3A_304 = vector.broadcast %cond3A : f32 to vector<16xf32>
          %mul3A_305 = arith.mulf %convert_element_type3A_303, %mul3A_304 : vector<16xf32>
          %sub3A_306 = arith.constant 1.000000e+00 : f32
          %sub3A_307 = vector.broadcast %sub3A_306 : f32 to vector<16xf32>
          %sub3A_308 = arith.subf %mul3A_305, %sub3A_307 : vector<16xf32>
          %mul3A_309 = arith.constant 256 : i32
          %mul3A_310 = arith.muli %scan3A_84, %mul3A_309 : i32
          %add3A_311 = arith.constant 128 : i32
          %add3A_312 = arith.addi %mul3A_310, %add3A_311 : i32
          %add3A_313 = arith.constant 32 : i32
          %add3A_314 = arith.addi %add3A_312, %add3A_313 : i32
          %swap3A_315 = arith.index_cast %add3A_314 : i32 to index
          %swap3A_316 = tpu.vector_load %arg9[%swap3A_315] {strides = array<i32>} : memref<32768xf32, #tpu.memory_space<vmem>>, vector<16xf32>,
          %swap3A_317 = vector.shape_cast %swap3A_316 : vector<16xf32> to vector<16xf32>
          %swap3A_318 = vector.shape_cast %sub3A_308 : vector<16xf32> to vector<16xf32>
          tpu.vector_store %arg9[%swap3A_315], %swap3A_318 {strides = array<i32>} : memref<32768xf32, #tpu.memory_space<vmem>>, vector<16xf32>,
          %mul3A_319 = arith.constant 128 : i32
          %mul3A_320 = arith.muli %scan3A_84, %mul3A_319 : i32
          %add3A_321 = arith.constant 48 : i32
          %add3A_322 = arith.addi %mul3A_320, %add3A_321 : i32
          %get3A_323 = arith.index_cast %add3A_322 : i32 to index
          %get3A_324 = tpu.vector_load %arg6[%get3A_323] {strides = array<i32>} : memref<16384xi32, #tpu.memory_space<vmem>>, vector<16xi32>,
          %get3A_325 = vector.shape_cast %get3A_324 : vector<16xi32> to vector<16xi32>
          %convert_element_type3A_326 = arith.sitofp %get3A_325 : vector<16xi32> to vector<16xf32>
          %mul3A_327 = vector.broadcast %cond3A : f32 to vector<16xf32>
          %mul3A_328 = arith.mulf %convert_element_type3A_326, %mul3A_327 : vector<16xf32>
          %sub3A_329 = arith.constant 1.000000e+00 : f32
          %sub3A_330 = vector.broadcast %sub3A_329 : f32 to vector<16xf32>
          %sub3A_331 = arith.subf %mul3A_328, %sub3A_330 : vector<16xf32>
          %mul3A_332 = arith.constant 256 : i32
          %mul3A_333 = arith.muli %scan3A_84, %mul3A_332 : i32
          %add3A_334 = arith.constant 128 : i32
          %add3A_335 = arith.addi %mul3A_333, %add3A_334 : i32
          %add3A_336 = arith.constant 48 : i32
          %add3A_337 = arith.addi %add3A_335, %add3A_336 : i32
          %swap3A_338 = arith.index_cast %add3A_337 : i32 to index
          %swap3A_339 = tpu.vector_load %arg9[%swap3A_338] {strides = array<i32>} : memref<32768xf32, #tpu.memory_space<vmem>>, vector<16xf32>,
          %swap3A_340 = vector.shape_cast %swap3A_339 : vector<16xf32> to vector<16xf32>
          %swap3A_341 = vector.shape_cast %sub3A_331 : vector<16xf32> to vector<16xf32>
          tpu.vector_store %arg9[%swap3A_338], %swap3A_341 {strides = array<i32>} : memref<32768xf32, #tpu.memory_space<vmem>>, vector<16xf32>,
          %mul3A_342 = arith.constant 128 : i32
          %mul3A_343 = arith.muli %scan3A_84, %mul3A_342 : i32
          %add3A_344 = arith.constant 64 : i32
          %add3A_345 = arith.addi %mul3A_343, %add3A_344 : i32
          %get3A_346 = arith.index_cast %add3A_345 : i32 to index
          %get3A_347 = tpu.vector_load %arg6[%get3A_346] {strides = array<i32>} : memref<16384xi32, #tpu.memory_space<vmem>>, vector<16xi32>,
          %get3A_348 = vector.shape_cast %get3A_347 : vector<16xi32> to vector<16xi32>
          %convert_element_type3A_349 = arith.sitofp %get3A_348 : vector<16xi32> to vector<16xf32>
          %mul3A_350 = vector.broadcast %cond3A : f32 to vector<16xf32>
          %mul3A_351 = arith.mulf %convert_element_type3A_349, %mul3A_350 : vector<16xf32>
          %sub3A_352 = arith.constant 1.000000e+00 : f32
          %sub3A_353 = vector.broadcast %sub3A_352 : f32 to vector<16xf32>
          %sub3A_354 = arith.subf %mul3A_351, %sub3A_353 : vector<16xf32>
          %mul3A_355 = arith.constant 256 : i32
          %mul3A_356 = arith.muli %scan3A_84, %mul3A_355 : i32
          %add3A_357 = arith.constant 128 : i32
          %add3A_358 = arith.addi %mul3A_356, %add3A_357 : i32
          %add3A_359 = arith.constant 64 : i32
          %add3A_360 = arith.addi %add3A_358, %add3A_359 : i32
          %swap3A_361 = arith.index_cast %add3A_360 : i32 to index
          %swap3A_362 = tpu.vector_load %arg9[%swap3A_361] {strides = array<i32>} : memref<32768xf32, #tpu.memory_space<vmem>>, vector<16xf32>,
          %swap3A_363 = vector.shape_cast %swap3A_362 : vector<16xf32> to vector<16xf32>
          %swap3A_364 = vector.shape_cast %sub3A_354 : vector<16xf32> to vector<16xf32>
          tpu.vector_store %arg9[%swap3A_361], %swap3A_364 {strides = array<i32>} : memref<32768xf32, #tpu.memory_space<vmem>>, vector<16xf32>,
          %mul3A_365 = arith.constant 128 : i32
          %mul3A_366 = arith.muli %scan3A_84, %mul3A_365 : i32
          %add3A_367 = arith.constant 80 : i32
          %add3A_368 = arith.addi %mul3A_366, %add3A_367 : i32
          %get3A_369 = arith.index_cast %add3A_368 : i32 to index
          %get3A_370 = tpu.vector_load %arg6[%get3A_369] {strides = array<i32>} : memref<16384xi32, #tpu.memory_space<vmem>>, vector<16xi32>,
          %get3A_371 = vector.shape_cast %get3A_370 : vector<16xi32> to vector<16xi32>
          %convert_element_type3A_372 = arith.sitofp %get3A_371 : vector<16xi32> to vector<16xf32>
          %mul3A_373 = vector.broadcast %cond3A : f32 to vector<16xf32>
          %mul3A_374 = arith.mulf %convert_element_type3A_372, %mul3A_373 : vector<16xf32>
          %sub3A_375 = arith.constant 1.000000e+00 : f32
          %sub3A_376 = vector.broadcast %sub3A_375 : f32 to vector<16xf32>
          %sub3A_377 = arith.subf %mul3A_374, %sub3A_376 : vector<16xf32>
          %mul3A_378 = arith.constant 256 : i32
          %mul3A_379 = arith.muli %scan3A_84, %mul3A_378 : i32
          %add3A_380 = arith.constant 128 : i32
          %add3A_381 = arith.addi %mul3A_379, %add3A_380 : i32
          %add3A_382 = arith.constant 80 : i32
          %add3A_383 = arith.addi %add3A_381, %add3A_382 : i32
          %swap3A_384 = arith.index_cast %add3A_383 : i32 to index
          %swap3A_385 = tpu.vector_load %arg9[%swap3A_384] {strides = array<i32>} : memref<32768xf32, #tpu.memory_space<vmem>>, vector<16xf32>,
          %swap3A_386 = vector.shape_cast %swap3A_385 : vector<16xf32> to vector<16xf32>
          %swap3A_387 = vector.shape_cast %sub3A_377 : vector<16xf32> to vector<16xf32>
          tpu.vector_store %arg9[%swap3A_384], %swap3A_387 {strides = array<i32>} : memref<32768xf32, #tpu.memory_space<vmem>>, vector<16xf32>,
          %mul3A_388 = arith.constant 128 : i32
          %mul3A_389 = arith.muli %scan3A_84, %mul3A_388 : i32
          %add3A_390 = arith.constant 96 : i32
          %add3A_391 = arith.addi %mul3A_389, %add3A_390 : i32
          %get3A_392 = arith.index_cast %add3A_391 : i32 to index
          %get3A_393 = tpu.vector_load %arg6[%get3A_392] {strides = array<i32>} : memref<16384xi32, #tpu.memory_space<vmem>>, vector<16xi32>,
          %get3A_394 = vector.shape_cast %get3A_393 : vector<16xi32> to vector<16xi32>
          %convert_element_type3A_395 = arith.sitofp %get3A_394 : vector<16xi32> to vector<16xf32>
          %mul3A_396 = vector.broadcast %cond3A : f32 to vector<16xf32>
          %mul3A_397 = arith.mulf %convert_element_type3A_395, %mul3A_396 : vector<16xf32>
          %sub3A_398 = arith.constant 1.000000e+00 : f32
          %sub3A_399 = vector.broadcast %sub3A_398 : f32 to vector<16xf32>
          %sub3A_400 = arith.subf %mul3A_397, %sub3A_399 : vector<16xf32>
          %mul3A_401 = arith.constant 256 : i32
          %mul3A_402 = arith.muli %scan3A_84, %mul3A_401 : i32
          %add3A_403 = arith.constant 128 : i32
          %add3A_404 = arith.addi %mul3A_402, %add3A_403 : i32
          %add3A_405 = arith.constant 96 : i32
          %add3A_406 = arith.addi %add3A_404, %add3A_405 : i32
          %swap3A_407 = arith.index_cast %add3A_406 : i32 to index
          %swap3A_408 = tpu.vector_load %arg9[%swap3A_407] {strides = array<i32>} : memref<32768xf32, #tpu.memory_space<vmem>>, vector<16xf32>,
          %swap3A_409 = vector.shape_cast %swap3A_408 : vector<16xf32> to vector<16xf32>
          %swap3A_410 = vector.shape_cast %sub3A_400 : vector<16xf32> to vector<16xf32>
          tpu.vector_store %arg9[%swap3A_407], %swap3A_410 {strides = array<i32>} : memref<32768xf32, #tpu.memory_space<vmem>>, vector<16xf32>,
          %mul3A_411 = arith.constant 128 : i32
          %mul3A_412 = arith.muli %scan3A_84, %mul3A_411 : i32
          %add3A_413 = arith.constant 112 : i32
          %add3A_414 = arith.addi %mul3A_412, %add3A_413 : i32
          %get3A_415 = arith.index_cast %add3A_414 : i32 to index
          %get3A_416 = tpu.vector_load %arg6[%get3A_415] {strides = array<i32>} : memref<16384xi32, #tpu.memory_space<vmem>>, vector<16xi32>,
          %get3A_417 = vector.shape_cast %get3A_416 : vector<16xi32> to vector<16xi32>
          %convert_element_type3A_418 = arith.sitofp %get3A_417 : vector<16xi32> to vector<16xf32>
          %mul3A_419 = vector.broadcast %cond3A : f32 to vector<16xf32>
          %mul3A_420 = arith.mulf %convert_element_type3A_418, %mul3A_419 : vector<16xf32>
          %sub3A_421 = arith.constant 1.000000e+00 : f32
          %sub3A_422 = vector.broadcast %sub3A_421 : f32 to vector<16xf32>
          %sub3A_423 = arith.subf %mul3A_420, %sub3A_422 : vector<16xf32>
          %mul3A_424 = arith.constant 256 : i32
          %mul3A_425 = arith.muli %scan3A_84, %mul3A_424 : i32
          %add3A_426 = arith.constant 128 : i32
          %add3A_427 = arith.addi %mul3A_425, %add3A_426 : i32
          %add3A_428 = arith.constant 112 : i32
          %add3A_429 = arith.addi %add3A_427, %add3A_428 : i32
          %swap3A_430 = arith.index_cast %add3A_429 : i32 to index
          %swap3A_431 = tpu.vector_load %arg9[%swap3A_430] {strides = array<i32>} : memref<32768xf32, #tpu.memory_space<vmem>>, vector<16xf32>,
          %swap3A_432 = vector.shape_cast %swap3A_431 : vector<16xf32> to vector<16xf32>
          %swap3A_433 = vector.shape_cast %sub3A_423 : vector<16xf32> to vector<16xf32>
          tpu.vector_store %arg9[%swap3A_430], %swap3A_433 {strides = array<i32>} : memref<32768xf32, #tpu.memory_space<vmem>>, vector<16xf32>,
        }
        %scan3A_81 = arith.constant 128 : i32
        %mul3A_82 = arith.constant 32768 : i32
        %mul3A_83 = arith.muli %add3A_60, %mul3A_82 : i32
        "tpu.region"() ({
          %run_scoped3A = tpu.sem_alloc : memref<!tpu.dma_semaphore, #tpu.memory_space<semaphore_mem>>
          %dma_start3A_84 = tpu.memref_slice %arg4[%mul3A_83] : memref<6553600xf32, #tpu.memory_space<hbm>> -> memref<32768xf32, #tpu.memory_space<hbm>>
          %dma_start3A_85 = tpu.memref_slice %arg4[%mul3A_83] : memref<6553600xf32, #tpu.memory_space<hbm>> -> memref<32768xf32, #tpu.memory_space<hbm>>
          tpu.enqueue_dma source(%arg9 : memref<32768xf32, #tpu.memory_space<vmem>>) target(%dma_start3A_85 : memref<32768xf32, #tpu.memory_space<hbm>>) target_semaphore(%run_scoped3A : memref<!tpu.dma_semaphore, #tpu.memory_space<semaphore_mem>>)
          %dma_wait3A_86 = tpu.memref_slice %arg4[%mul3A_83] : memref<6553600xf32, #tpu.memory_space<hbm>> -> memref<32768xf32, #tpu.memory_space<hbm>>
          %dma_wait3A_87 = tpu.memref_slice %arg4[%mul3A_83] : memref<6553600xf32, #tpu.memory_space<hbm>> -> memref<32768xf32, #tpu.memory_space<hbm>>
          tpu.wait_dma2 semaphore(%run_scoped3A : memref<!tpu.dma_semaphore, #tpu.memory_space<semaphore_mem>>) src(%arg9 : memref<32768xf32, #tpu.memory_space<vmem>>) dst(%dma_wait3A_87 : memref<32768xf32, #tpu.memory_space<hbm>>)
          tpu.yield
        }) : () -> ()
      } else {
      }
    } else {
    }
    return
  }
}

</mosaic_0001>

<sc_bundles>
// kernel: kernel.3.cloned.1.call-start
scs
__scs_entry_jumppad:
0x0: {  	(pc) =	sbr.rel $0x88, $3  }
0x1: {  	(tag) =	ssettag $0x0;
	lr =	simm.s32 $0x1  }
0x2: {  	[smem:$0x3F9F] =	sst lr;
	_ =	strace $0xD0000000  }
0x3: {  	_ = 	snop  }
0x4: {  	_ = 	snop  }
0x5: {  	_ = 	snop  }
0x6: {  	_ = 	snop  }
0x7: {  	_ = 	snop  }
__scs_overlays_trampoline_lowered:
0x8: {  	[smem:$0x3FAE] =	sst s0  }
0x9: {  	[smem:$0x3FAF] =	sst s1  }
0xa: {  	[smem:$0x3FB0] =	sst s2  }
0xb: {  	[smem:$0x3FB1] =	sst s3  }
0xc: {  	[smem:$0x3FB2] =	sst s4  }
0xd: {  	[smem:$0x3FB3] =	sst s5  }
0xe: {  	[smem:$0x3FB4] =	sst s6  }
0xf: {  	[smem:$0x3FB5] =	sst s7  }
0x10: {  	[smem:$0x3FB6] =	sst s8  }
0x11: {  	[smem:$0x3FB7] =	sst s9;
	s0 =	simm.s32 @!p0 $0x0  }
0x12: {  	s1 =	sld [smem:$0x3F9D];
	s0 =	simm.s32 @p0 $0x1  }
0x13: {  	[smem:$0x3FB8] =	sst s0;
	s0 =	simm.s32 @!p1 $0x0  }
0x14: {  	s2 =	sld [smem:$0x3F9C];
	s0 =	simm.s32 @p1 $0x1  }
0x15: {  	[smem:$0x3FB9] =	sst s0;
	s0 =	simm.s32 @!p2 $0x0  }
0x16: {  	s3 =	sld [smem:$0x3FDB];
	s0 =	simm.s32 @p2 $0x1  }
0x17: {  	s4 =	simm.s32 $0x1BF5;
	[smem:$0x3FBB] =	sst s0  }
0x18: {  	s0 =	sld [smem:$0x3F9E];
	_ =	swait.ge [sflag:s4], $0x0  }
0x19: {  	s7 =	sld [smem:$0x3F9F]  }
0x1a: {  	s8 =	sadd.s32 $0xFFFFE003, lr  }
0x1b: {  	s9 =	sadd.s32 $0xFFFFFEF7, lr;
	s5 =	simm.s32 $0xFFFFFFFF;
	p2 =	slt.u32 s8, $0xFFFFF086  }
0x1c: {  	p1 =	slt.u32 s9, $0xF7A;
	s5 =	simm.s32 @!p2 $0x0  }
0x1d: {  	s5 =	simm.s32 @p1 $0x1;
	p0 =	seq.s32 s7, s2  }
0x1e: {  	s7 =	smul.u32 @!p0 $0xF7A, s2;
	p2 =	seq.s32 @!p0 s5, $0x0  }
0x1f: {  	s9 =	smul.u32 $0xF7A, s1;
	s8 =	simm.s32 @!p0 $0x1BF5;
	p2 =	por !p2, p0  }
0x20: {  	[sflag:s8] =	ssyncset.s32 @!p0 $0xFFFFF086;
	s6 =	sadd.s32 @!p0 s3, s7;
	s7 =	simm.s32 @!p0 $0x108  }
0x21: {  	s3 =	sadd.s32 s3, s9;
	s6 =	sadd.s32 @!p0 $0x88, s6;
	s7 =	simm.s32 @p2 $0x1082  }
0x22: {  	[simem:s7], [sflag:s8] =	dma.local @!p0 [hbm:s6], $0xF7A  }
0x23: {  	s9 =	sor.u32 $0xD0000000, s2;
	s6 =	simm.s32 $0x108;
	_ =	swait.ge @!p0 [sflag:s8], $0x0  }
0x24: {  	s3 =	sadd.s32 $0x88, s3;
	s6 =	simm.s32 @!p1 $0x1082;
	[sflag:s4] =	ssyncset.s32 $0xFFFFF086  }
0x25: {  	[simem:s6], [sflag:s4] =	dma.local [hbm:s3], $0xF7A  }
0x26: {  	[smem:$0x3F9F] =	sst s1;
	(tag) =	ssettag s2;
	_ =	strace s9  }
0x27: {  	s1 =	sld [smem:$0x3FAF]  }
0x28: {  	s2 =	sld [smem:$0x3FB0]  }
0x29: {  	s4 =	sld [smem:$0x3FB2]  }
0x2a: {  	p0 =	seq.s32 s5, $0x0;
	s5 =	sld [smem:$0x3FB3]  }
0x2b: {  	s6 =	sld [smem:$0x3FB4]  }
0x2c: {  	s7 =	sld [smem:$0x3FB5]  }
0x2d: {  	s3 =	simm.s32 $0x108;
	s8 =	sld [smem:$0x3FB6]  }
0x2e: {  	s3 =	simm.s32 @!p0 $0x1082;
	s9 =	sld [smem:$0x3FB7]  }
0x2f: {  	lr =	sadd.s32 s0, s3;
	s0 =	sld [smem:$0x3FAE]  }
0x30: {  	s3 =	sld [smem:$0x3FB1]  }
0x31: {  	[smem:$0x3FBA] =	sst s10  }
0x32: {  	s10 =	sld [smem:$0x3FB8];
	_ =	sdelay $0x3  }
0x33: {  	p0 =	seq.s32 s10, $0x1;
	s10 =	sld [smem:$0x3FBA];
	_ =	sdelay $0x3  }
0x34: {  	[smem:$0x3FBA] =	sst s10  }
0x35: {  	s10 =	sld [smem:$0x3FB9];
	_ =	sdelay $0x3  }
0x36: {  	p1 =	seq.s32 s10, $0x1;
	s10 =	sld [smem:$0x3FBA];
	_ =	sdelay $0x3  }
0x37: {  	[smem:$0x3FBA] =	sst s10  }
0x38: {  	s10 =	sld [smem:$0x3FBB]  }
0x39: {  	_ = 	snop;
	(pc) =	sbr.ind lr, $3  }
0x3a: {  	_ = 	snop  }
0x3b: {  	_ = 	snop  }
0x3c: {  	p2 =	seq.s32 s10, $0x1;
	s10 =	sld [smem:$0x3FBA]  }
0x3d: {  	_ =	shalt  }
0x3e: {  	_ =	shalt  }
0x3f: {  	_ =	shalt  }
0x40: {  	_ =	shalt  }
0x41: {  	_ =	shalt  }
0x42: {  	_ =	shalt  }
0x43: {  	_ =	shalt  }
0x44: {  	_ =	shalt  }
0x45: {  	_ =	shalt  }
0x46: {  	_ =	shalt  }
0x47: {  	_ =	shalt  }
0x48: {  	_ =	shalt  }
0x49: {  	_ =	shalt  }
0x4a: {  	_ =	shalt  }
0x4b: {  	_ =	shalt  }
0x4c: {  	_ =	shalt  }
0x4d: {  	_ =	shalt  }
0x4e: {  	_ =	shalt  }
0x4f: {  	_ =	shalt  }
0x50: {  	_ =	shalt  }
0x51: {  	_ =	shalt  }
0x52: {  	_ =	shalt  }
0x53: {  	_ =	shalt  }
0x54: {  	_ =	shalt  }
0x55: {  	_ =	shalt  }
0x56: {  	_ =	shalt  }
0x57: {  	_ =	shalt  }
0x58: {  	_ =	shalt  }
0x59: {  	_ =	shalt  }
0x5a: {  	_ =	shalt  }
0x5b: {  	_ =	shalt  }
0x5c: {  	_ =	shalt  }
0x5d: {  	_ =	shalt  }
0x5e: {  	_ =	shalt  }
0x5f: {  	_ =	shalt  }
0x60: {  	_ =	shalt  }
0x61: {  	_ =	shalt  }
0x62: {  	_ =	shalt  }
0x63: {  	_ =	shalt  }
0x64: {  	_ =	shalt  }
0x65: {  	_ =	shalt  }
0x66: {  	_ =	shalt  }
0x67: {  	_ =	shalt  }
0x68: {  	_ =	shalt  }
0x69: {  	_ =	shalt  }
0x6a: {  	_ =	shalt  }
0x6b: {  	_ =	shalt  }
0x6c: {  	_ =	shalt  }
0x6d: {  	_ =	shalt  }
0x6e: {  	_ =	shalt  }
0x6f: {  	_ =	shalt  }
0x70: {  	_ =	shalt  }
0x71: {  	_ =	shalt  }
0x72: {  	_ =	shalt  }
0x73: {  	_ =	shalt  }
0x74: {  	_ =	shalt  }
0x75: {  	_ =	shalt  }
0x76: {  	_ =	shalt  }
0x77: {  	_ =	shalt  }
0x78: {  	_ =	shalt  }
0x79: {  	_ =	shalt  }
0x7a: {  	_ =	shalt  }
0x7b: {  	_ =	shalt  }
0x7c: {  	_ =	shalt  }
0x7d: {  	_ =	shalt  }
0x7e: {  	_ =	shalt  }
0x7f: {  	_ =	shalt  }
0x80: {  	_ =	shalt  }
0x81: {  	_ =	shalt  }
0x82: {  	_ =	shalt  }
0x83: {  	_ =	shalt  }
0x84: {  	_ =	shalt  }
0x85: {  	_ =	shalt  }
0x86: {  	_ =	shalt  }
0x87: {  	_ =	shalt  }
.Lfunc_end0:
.L_simem_size_0:
called_computation_lowered:
.L_overlay_start_0:
0x88: {  	s2 =	sld [smem:$0x3FD9]  }
0x89: {  	s3 =	sld [smem:$0x3FFE];
	_ =	sdelay $0x1  }
0x8a: {  	s1 =	srdreg.scid  }
0x8b: {  	s0 =	sand.u32 $0x1, s1  }
0x8c: {  	s17 =	sshll.u32 s0, $0xA;
	s2 =	sadd.s32 s3, s2  }
0x8d: {  	s2 =	sadd.s32 s2, s17  }
0x8e: {  	[smem:$0x3FC6] =	sst s2  }
0x8f: {  	_ = 	snop  }
0x90: {  	s2 =	sld [smem:$0x3FC9]  }
0x91: {  	s18 =	sld [smem:$0x3FC8];
	(tm) =	ssettm $0x1  }
0x92: {  	s4 =	sld [smem:$0x3FFB];
	_ =	sdelay $0x3  }
0x93: {  	_ =	strace s4  }
0x94: {  	s4 =	sld [smem:$0x3FFC];
	_ =	sdelay $0x3  }
0x95: {  	_ =	strace s4  }
0x96: {  	s4 =	sld [smem:$0x3FFD];
	_ =	sdelay $0x3  }
0x97: {  	_ =	strace s4  }
0x98: {  	_ =	strace $0x8FFFFFFF  }
0x99: {  	s19 =	sld [smem:$0x3FDB];
	_ =	sdelay $0x1  }
0x9a: {  	s5 =	simm.s32 $_scs_section_size  }
0x9b: {  	s6 =	simm.s32 $_size__tile_overlayer_lowered;
	s7 =	simm.s32 $_tile_overlayer_lowered  }
0x9c: {  	s22 =	simm.s32 $0x1BFF;
	s21 =	sshll.u32 s7, $0x1;
	s4 =	sadd.s32 s5, s19  }
0x9d: {  	s8 =	simm.s32 $0x0;
	s20 =	sshll.u32 s6, $0x1;
	s6 =	sadd.s32 s21, s4  }
0x9e: {  	[timem:s8], [sflag:s22] =	dma.local [hbm:s6], s20  }
0x9f: {  	_ =	swait.ge [sflag:s22], s20  }
0xa0: {  	s5 =	ssub.s32 $0x0, s20;
	[sflag:s22] =	ssyncset.done $0x0  }
0xa1: {  	[sflag:s22] =	ssyncadd.s32 s5;
	_ =	sdelay $0x1  }
0xa2: {  	s23 =	simm.s32 $0x1B8B  }
0xa3: {  	_ =	swait.ge [sflag:s23], $0x1  }
0xa4: {  	[sflag:s23] =	ssyncset.done $0x0  }
0xa5: {  	s25 =	simm.s32 $0x1B8E;
	s24 =	sld [smem:$0x3FFE];
	[sflag:s23] =	ssyncadd.s32 $0xFFFFFFFF  }
0xa6: {  	s26 =	simm.s32 $execute0_lowered;
	[smem:$0x3FD2] =	sst s25  }
0xa7: {  	s6 =	sshll.u32 s26, $0x1;
	_ =	strace $0x80000046;
	[dreg:$0x1] =	wrdreg $0xFFFFFFFF  }
0xa8: {  	s28 =	simm.s32 $_size_execute0_lowered;
	s4 =	sadd.s32 s4, s6;
	[dreg:$0x0] =	wrdreg $0x0  }
0xa9: {  	s6 =	sshll.u32 s28, $0x1;
	[dreg:$0x2] =	wrdreg s4  }
0xaa: {  	[dreg:$0x3] =	wrdreg s6  }
0xab: {  	[dreg:$0x4] =	wrdreg $0xC0  }
0xac: {  	_ =	task [dreg:s8], $0x5FFFF  }
0xad: {  	[dreg:$0x1] =	wrdreg $0xFFFFFFFF  }
0xae: {  	[dreg:$0x0] =	wrdreg $0x60  }
0xaf: {  	[dreg:$0x2] =	wrdreg s2  }
0xb0: {  	[dreg:$0x3] =	wrdreg s18  }
0xb1: {  	[dreg:$0x4] =	wrdreg s24  }
0xb2: {  	[dreg:$0x5] =	wrdreg $0x9  }
0xb3: {  	_ =	task.clear_ibuf [dreg:s8], $0x6FFFF;
	_ =	strace $0x90000046  }
0xb4: {  	s29 =	simm.s32 $0x9;
	_ =	strace $0x80000048  }
0xb5: {  	_ =	swait.ge [sflag:s29], $0x1  }
0xb6: {  	[sflag:s29] =	ssyncadd.s32 $0xFFFFFFFF  }
0xb7: {  	_ =	strace $0x90000048  }
0xb8: {  	_ =	sfence  }
0xb9: {  	s30 =	sld [smem:$0x0];
	_ =	sdelay $0x2  }
0xba: {  	s31 =	sshll.u32 s1, $0xD;
	s1 =	sshrl.u32 s1, $0x2  }
0xbb: {  	s3 =	sand.u32 $0x4000, s31;
	s1 =	sadd.s32 s1, s30  }
0xbc: {  	s0 =	sor.u32 s3, s0;
	s1 =	sshll.u32 s1, $0x11  }
0xbd: {  	s0 =	sor.u32 s1, s0  }
0xbe: {  	s0 =	sadd.s32 $0x8F2B, s0  }
0xbf: {  	[sflag:s0] =	ssyncadd.remote.s32 $0x1  }
0xc0: {  	_ =	sfence.sel $0xFFFF  }
0xc1: {  	[dreg:$0x0] =	wrdreg $0xFFFFFFFF;
	(pc) =	sbr.abs _section_cstart, $3  }
0xc2: {  	[dreg:$0x1] =	wrdreg $0xFFFFFFFF  }
0xc3: {  	_ =	task.clear_ibuf [dreg:s8], $0x2FFFF;
	_ =	strace $0x9FFFFFFF  }
0xc4: {  	(tm) =	ssettm $0x7FFFFFFF  }
0xc5: {  	_ =	shalt  }
tec
execute0_lowered:
.L_overlay_start_1:
0x0: {  	(tag) =	ssettag $0x1  }
0x1: {  	s2 =	srdreg.scid;
	s4 =	stileid.u32  }
0x2: {  	s14 =	sand.u32 $0x1, s2;
	s4 =	sshll.u32 s4, $0x1  }
0x3: {  	s13 =	sor.u32 s14, s4  }
0x4: {  	p0 =	sgt.u32 s13, $0x1C  }
.Ltmp0:
0x5: {  	_ = 	snop;
	(pc) =	sbr.rel @p0 .LBB2_19-.Ltmp0, $4  }
0x6: {  	s0 =	rddreg [dreg:$0x0]  }
0x7: {  	s1 =	rddreg [dreg:$0x1];
	s2 =	simm.s32 $0x0  }
0x8: {  	[smem:$0x7FF] =	sst s2  }
0x9: {  	s3 =	rddreg [dreg:$0x2];
	_ =	strace $0x80000047  }
0xa: {  	s12 =	smul.u32 $0x7, s13  }
0xb: {  	s6 =	smul.u32 $0x7000, s13  }
0xc: {  	s24 =	smul.u32 $0x1C000, s13  }
0xd: {  	s7 =	sadd.s32 $0x400, s3;
	s25 =	smul.u32 $0x380, s13;
	s14 =	ssub.s32 $0x2, s14  }
0xe: {  	s28 =	simm.s32 $0x4000;
	p0 =	seq.s32 s13, $0x1C;
	s29 =	simm.s32 $0x8000  }
0xf: {  	s30 =	simm.s32 $0xC000;
	s31 =	simm.s32 $0x1;
	s13 =	simm.s32 $0x2  }
0x10: {  	s26 =	sshrl.u32 s14, $0x1;
	s4 =	sadd.s32 $0x2, s12;
	s15 =	sadd.s32 $0x1, s12  }
0x11: {  	s3 =	sadd.s32 s7, s6;
	s17 =	sadd.s32 $0x3, s12;
	s18 =	sadd.s32 $0x4, s12  }
0x12: {  	s16 =	sadd.s32 $0x5, s12;
	s12 =	sadd.s32 $0x6, s12;
	s14 =	ssub.s32 s14, s26  }
0x13: {  	s26 =	simm.s32 $0x400;
	s5 =	sshll.u32 s4, $0xB;
	s4 =	sshll.u32 s4, $0x4  }
0x14: {  	s8 =	sshll.u32 s17, $0xB;
	s6 =	sshll.u32 s17, $0x4;
	s9 =	sshll.u32 s15, $0xC  }
0x15: {  	s11 =	sshll.u32 s18, $0xB;
	s17 =	sshll.u32 s16, $0xB;
	s16 =	sshll.u32 s16, $0x4  }
0x16: {  	s19 =	sshll.u32 s12, $0xB;
	s22 =	sadd.s32 $0x4000, s3;
	s4 =	sor.u32 s4, s5  }
0x17: {  	s6 =	sor.u32 s6, s8;
	s8 =	sshll.u32 s18, $0x4;
	s16 =	sor.u32 s16, s17  }
0x18: {  	s18 =	sshll.u32 s12, $0x4;
	s12 =	sadd.s32 $0x3000, s3;
	[dreg:$0x6] =	wrdreg s22  }
0x19: {  	s5 =	sand.u32 $0xFC070, s4;
	s10 =	sand.u32 $0xFC070, s6;
	s6 =	sadd.s32 s7, s9  }
0x1a: {  	s11 =	sor.u32 s8, s11;
	s9 =	sadd.s32 $0x2000, s3;
	s16 =	sand.u32 $0xFC070, s16  }
0x1b: {  	s17 =	sor.u32 s18, s19;
	s18 =	sadd.s32 $0x5000, s3;
	s19 =	sadd.s32 $0x6000, s3  }
0x1c: {  	s4 =	sadd.s32 s0, s5;
	s5 =	sadd.s32 s1, s5;
	s7 =	sadd.s32 s0, s10  }
0x1d: {  	s8 =	sadd.s32 s1, s10;
	s11 =	sand.u32 $0xFC070, s11;
	s20 =	sadd.s32 s0, s16  }
0x1e: {  	s16 =	sadd.s32 s1, s16;
	s21 =	sand.u32 $0xFC070, s17;
	[dreg:$0x4] =	wrdreg s20  }
0x1f: {  	s10 =	sadd.s32 s0, s11;
	[dreg:$0x5] =	wrdreg s16;
	s23 =	sadd.s32 s0, s21  }
0x20: {  	s11 =	sadd.s32 s1, s11;
	s16 =	sadd.s32 s1, s21;
	[dreg:$0x7] =	wrdreg s23  }
0x21: {  	s20 =	sshll.u32 s15, $0xB;
	s15 =	sshll.u32 s15, $0x4;
	[dreg:$0x8] =	wrdreg s16  }
.Ltmp1:
0x22: {  	s15 =	sor.u32 s15, s20;
	s16 =	sor.u32 s25, s24;
	(pc) =	sbr.rel .LBB2_2-.Ltmp1, $4  }
0x23: {  	s24 =	smax.u32 s14, $0x1;
	s25 =	simm.s32 $0x80;
	s16 =	sand.u32 $0x3E0380, s16  }
0x24: {  	s14 =	simm.s32 $0x0;
	s15 =	sand.u32 $0xFC070, s15;
	s16 =	sshrl.u32 s16, $0x3  }
0x25: {  	s20 =	sadd.s32 s1, s15;
	s21 =	sadd.s32 s0, s15;
	s22 =	sadd.s32 s1, s16  }
0x26: {  	s23 =	sadd.s32 s0, s16;
	s1 =	simm.s32 $0x10000;
	s0 =	simm.s32 $0x3  }
.LBB2_17:
0x27: {  	v0 =	vld [tilespmem:s16+$0x0];
	_ =	sdelay $0x4  }
0x28: {  	v0 =	vcvt.s32.f32 v0;
	_ =	sdelay $0x1  }
0x29: {  	v0 =	vmul.f32 $6.666666860e-01, v0;
	_ =	sdelay $0x1  }
0x2a: {  	v0 =	vadd.f32 $-1.000000000e+00, v0  }
0x2b: {  	s15 =	sadd.s32 $0x100, s15  }
0x2c: {  	[tilespmem:s15+$0xFFFFFF80] =	vst v0  }
0x2d: {  	v0 =	vld [tilespmem:s16+$0x10];
	_ =	sdelay $0x4  }
0x2e: {  	v0 =	vcvt.s32.f32 v0;
	_ =	sdelay $0x1  }
0x2f: {  	v0 =	vmul.f32 $6.666666860e-01, v0;
	_ =	sdelay $0x1  }
0x30: {  	v0 =	vadd.f32 $-1.000000000e+00, v0;
	_ =	sdelay $0x1  }
0x31: {  	[tilespmem:s15+$0xFFFFFF90] =	vst v0  }
0x32: {  	v0 =	vld [tilespmem:s16+$0x20];
	_ =	sdelay $0x4  }
0x33: {  	v0 =	vcvt.s32.f32 v0;
	_ =	sdelay $0x1  }
0x34: {  	v0 =	vmul.f32 $6.666666860e-01, v0;
	_ =	sdelay $0x1  }
0x35: {  	v0 =	vadd.f32 $-1.000000000e+00, v0;
	_ =	sdelay $0x1  }
0x36: {  	[tilespmem:s15+$0xFFFFFFA0] =	vst v0  }
0x37: {  	v0 =	vld [tilespmem:s16+$0x30];
	_ =	sdelay $0x4  }
0x38: {  	v0 =	vcvt.s32.f32 v0;
	_ =	sdelay $0x1  }
0x39: {  	v0 =	vmul.f32 $6.666666860e-01, v0;
	_ =	sdelay $0x1  }
0x3a: {  	v0 =	vadd.f32 $-1.000000000e+00, v0;
	_ =	sdelay $0x1  }
0x3b: {  	[tilespmem:s15+$0xFFFFFFB0] =	vst v0  }
0x3c: {  	v0 =	vld [tilespmem:s16+$0x40];
	_ =	sdelay $0x4  }
0x3d: {  	v0 =	vcvt.s32.f32 v0;
	_ =	sdelay $0x1  }
0x3e: {  	v0 =	vmul.f32 $6.666666860e-01, v0;
	_ =	sdelay $0x1  }
0x3f: {  	v0 =	vadd.f32 $-1.000000000e+00, v0;
	_ =	sdelay $0x1  }
0x40: {  	[tilespmem:s15+$0xFFFFFFC0] =	vst v0  }
0x41: {  	v0 =	vld [tilespmem:s16+$0x50];
	_ =	sdelay $0x4  }
0x42: {  	v0 =	vcvt.s32.f32 v0;
	_ =	sdelay $0x1  }
0x43: {  	v0 =	vmul.f32 $6.666666860e-01, v0;
	_ =	sdelay $0x1  }
0x44: {  	v0 =	vadd.f32 $-1.000000000e+00, v0;
	_ =	sdelay $0x1  }
0x45: {  	[tilespmem:s15+$0xFFFFFFD0] =	vst v0  }
0x46: {  	v0 =	vld [tilespmem:s16+$0x60];
	_ =	sdelay $0x4  }
0x47: {  	v0 =	vcvt.s32.f32 v0;
	_ =	sdelay $0x1  }
0x48: {  	v0 =	vmul.f32 $6.666666860e-01, v0;
	_ =	sdelay $0x1  }
0x49: {  	v0 =	vadd.f32 $-1.000000000e+00, v0;
	_ =	sdelay $0x1  }
0x4a: {  	[tilespmem:s15+$0xFFFFFFE0] =	vst v0  }
0x4b: {  	v0 =	vld [tilespmem:s16+$0x70];
	_ =	sdelay $0x4  }
0x4c: {  	v0 =	vcvt.s32.f32 v0;
	_ =	sdelay $0x1  }
0x4d: {  	v0 =	vmul.f32 $6.666666860e-01, v0;
	_ =	sdelay $0x1  }
0x4e: {  	v0 =	vadd.f32 $-1.000000000e+00, v0;
	_ =	sdelay $0x1  }
0x4f: {  	[tilespmem:s15+$0xFFFFFFF0] =	vst v0  }
0x50: {  	v0 =	vld [tilespmem:s16+$0x4000];
	_ =	sdelay $0x4  }
0x51: {  	v0 =	vcvt.s32.f32 v0;
	_ =	sdelay $0x1  }
0x52: {  	v0 =	vmul.f32 $6.666666860e-01, v0;
	_ =	sdelay $0x1  }
0x53: {  	v0 =	vadd.f32 $-1.000000000e+00, v0;
	_ =	sdelay $0x1  }
0x54: {  	[tilespmem:s15+$0x0] =	vst v0  }
0x55: {  	v0 =	vld [tilespmem:s16+$0x4010];
	_ =	sdelay $0x4  }
0x56: {  	v0 =	vcvt.s32.f32 v0;
	_ =	sdelay $0x1  }
0x57: {  	v0 =	vmul.f32 $6.666666860e-01, v0;
	_ =	sdelay $0x1  }
0x58: {  	v0 =	vadd.f32 $-1.000000000e+00, v0;
	_ =	sdelay $0x1  }
0x59: {  	[tilespmem:s15+$0x10] =	vst v0  }
0x5a: {  	v0 =	vld [tilespmem:s16+$0x4020];
	_ =	sdelay $0x4  }
0x5b: {  	v0 =	vcvt.s32.f32 v0;
	_ =	sdelay $0x1  }
0x5c: {  	v0 =	vmul.f32 $6.666666860e-01, v0;
	_ =	sdelay $0x1  }
0x5d: {  	v0 =	vadd.f32 $-1.000000000e+00, v0;
	_ =	sdelay $0x1  }
0x5e: {  	[tilespmem:s15+$0x20] =	vst v0  }
0x5f: {  	v0 =	vld [tilespmem:s16+$0x4030];
	_ =	sdelay $0x4  }
0x60: {  	v0 =	vcvt.s32.f32 v0;
	_ =	sdelay $0x1  }
0x61: {  	v0 =	vmul.f32 $6.666666860e-01, v0;
	_ =	sdelay $0x1  }
0x62: {  	v0 =	vadd.f32 $-1.000000000e+00, v0;
	_ =	sdelay $0x1  }
0x63: {  	[tilespmem:s15+$0x30] =	vst v0  }
0x64: {  	v0 =	vld [tilespmem:s16+$0x4040];
	_ =	sdelay $0x4  }
0x65: {  	v0 =	vcvt.s32.f32 v0;
	_ =	sdelay $0x1  }
0x66: {  	v0 =	vmul.f32 $6.666666860e-01, v0;
	_ =	sdelay $0x1  }
0x67: {  	v0 =	vadd.f32 $-1.000000000e+00, v0;
	_ =	sdelay $0x1  }
0x68: {  	[tilespmem:s15+$0x40] =	vst v0  }
0x69: {  	v0 =	vld [tilespmem:s16+$0x4050];
	_ =	sdelay $0x4  }
0x6a: {  	v0 =	vcvt.s32.f32 v0;
	_ =	sdelay $0x1  }
0x6b: {  	v0 =	vmul.f32 $6.666666860e-01, v0;
	_ =	sdelay $0x1  }
0x6c: {  	v0 =	vadd.f32 $-1.000000000e+00, v0;
	_ =	sdelay $0x1  }
0x6d: {  	[tilespmem:s15+$0x50] =	vst v0  }
0x6e: {  	v0 =	vld [tilespmem:s16+$0x4060];
	_ =	sdelay $0x4  }
0x6f: {  	v0 =	vcvt.s32.f32 v0;
	_ =	sdelay $0x1  }
0x70: {  	v0 =	vmul.f32 $6.666666860e-01, v0;
	_ =	sdelay $0x1  }
0x71: {  	v0 =	vadd.f32 $-1.000000000e+00, v0;
	_ =	sdelay $0x1  }
0x72: {  	[tilespmem:s15+$0x60] =	vst v0  }
0x73: {  	v0 =	vld [tilespmem:s16+$0x4070];
	_ =	sdelay $0x4  }
0x74: {  	v0 =	vcvt.s32.f32 v0;
	_ =	sdelay $0x1  }
0x75: {  	v0 =	vmul.f32 $6.666666860e-01, v0;
	_ =	sdelay $0x1  }
0x76: {  	v0 =	vadd.f32 $-1.000000000e+00, v0;
	_ =	sdelay $0x1  }
0x77: {  	[tilespmem:s15+$0x70] =	vst v0  }
0x78: {  	[hbm4b:s19+s2] =	stream.linear.scatter [tilespmem:s1], [sflag:$0x3], $0x8000, $0x38;
	[tilespmem:$0x18000] =	vst v63  }
0x79: {  	_ =	swait.ge [sflag:s0], $0x8000  }
0x7a: {  	[sflag:s0] =	ssyncset.done $0x0  }
0x7b: {  	[sflag:s0] =	ssyncadd.s32 $0xFFFF8000  }
.LBB2_18:
0x7c: {  	s14 =	sadd.s32 $0x1, s14  }
0x7d: {  	p1 =	sne.s32 s14, s24  }
.Ltmp2:
0x7e: {  	_ = 	snop;
	(pc) =	sbr.rel @!p1 .LBB2_19-.Ltmp2, $1  }
0x7f: {  	_ =	sdelay $0x3  }
.LBB2_2:
0x80: {  	s15 =	simm.s32 $0x0  }
0x81: {  	[tilespmem:s15], [sflag:$0x1] =	stream.strided.gather [hbm4b:s23+s25], $0x4000, s26, s25, $0x38;
	[tilespmem:$0x18000] =	vst v63  }
0x82: {  	_ = 	snop  }
0x83: {  	[tilespmem:s28], [sflag:$0x1] =	stream.strided.gather [hbm4b:s22+s25], $0x4000, s26, s25, $0x38;
	[tilespmem:$0x18000] =	vst v63  }
0x84: {  	_ = 	snop  }
0x85: {  	[tilespmem:s29], [sflag:$0x2] =	stream.strided.gather [hbm4b:s21+s25], $0x4000, s26, s25, $0x38;
	[tilespmem:$0x18000] =	vst v63  }
0x86: {  	_ = 	snop  }
0x87: {  	[tilespmem:s30], [sflag:$0x2] =	stream.strided.gather [hbm4b:s20+s25], $0x4000, s26, s25, $0x38;
	[tilespmem:$0x18000] =	vst v63  }
0x88: {  	_ =	swait.ge [sflag:s31], $0x4000  }
0x89: {  	[sflag:s31] =	ssyncset.done $0x0  }
0x8a: {  	[sflag:s31] =	ssyncadd.s32 $0xFFFFC000  }
0x8b: {  	_ =	swait.ge [sflag:s31], $0x4000  }
0x8c: {  	[sflag:s31] =	ssyncset.done $0x0  }
0x8d: {  	s16 =	simm.s32 $0x0;
	[sflag:s31] =	ssyncadd.s32 $0xFFFFC000  }
0x8e: {  	v0 =	vld [tilespmem:s16+$0x0];
	_ =	sdelay $0x4  }
0x8f: {  	v0 =	vcvt.s32.f32 v0;
	_ =	sdelay $0x1  }
0x90: {  	v0 =	vmul.f32 $6.666666860e-01, v0;
	_ =	sdelay $0x1  }
0x91: {  	v0 =	vadd.f32 $-1.000000000e+00, v0  }
0x92: {  	s15 =	simm.s32 $0x10080  }
0x93: {  	[tilespmem:s15+$0xFFFFFF80] =	vst v0  }
0x94: {  	v0 =	vld [tilespmem:s16+$0x10];
	_ =	sdelay $0x4  }
0x95: {  	v0 =	vcvt.s32.f32 v0;
	_ =	sdelay $0x1  }
0x96: {  	v0 =	vmul.f32 $6.666666860e-01, v0;
	_ =	sdelay $0x1  }
0x97: {  	v0 =	vadd.f32 $-1.000000000e+00, v0;
	_ =	sdelay $0x1  }
0x98: {  	[tilespmem:s15+$0xFFFFFF90] =	vst v0  }
0x99: {  	v0 =	vld [tilespmem:s16+$0x20];
	_ =	sdelay $0x4  }
0x9a: {  	v0 =	vcvt.s32.f32 v0;
	_ =	sdelay $0x1  }
0x9b: {  	v0 =	vmul.f32 $6.666666860e-01, v0;
	_ =	sdelay $0x1  }
0x9c: {  	v0 =	vadd.f32 $-1.000000000e+00, v0;
	_ =	sdelay $0x1  }
0x9d: {  	[tilespmem:s15+$0xFFFFFFA0] =	vst v0  }
0x9e: {  	v0 =	vld [tilespmem:s16+$0x30];
	_ =	sdelay $0x4  }
0x9f: {  	v0 =	vcvt.s32.f32 v0;
	_ =	sdelay $0x1  }
0xa0: {  	v0 =	vmul.f32 $6.666666860e-01, v0;
	_ =	sdelay $0x1  }
0xa1: {  	v0 =	vadd.f32 $-1.000000000e+00, v0;
	_ =	sdelay $0x1  }
0xa2: {  	[tilespmem:s15+$0xFFFFFFB0] =	vst v0  }
0xa3: {  	v0 =	vld [tilespmem:s16+$0x40];
	_ =	sdelay $0x4  }
0xa4: {  	v0 =	vcvt.s32.f32 v0;
	_ =	sdelay $0x1  }
0xa5: {  	v0 =	vmul.f32 $6.666666860e-01, v0;
	_ =	sdelay $0x1  }
0xa6: {  	v0 =	vadd.f32 $-1.000000000e+00, v0;
	_ =	sdelay $0x1  }
0xa7: {  	[tilespmem:s15+$0xFFFFFFC0] =	vst v0  }
0xa8: {  	v0 =	vld [tilespmem:s16+$0x50];
	_ =	sdelay $0x4  }
0xa9: {  	v0 =	vcvt.s32.f32 v0;
	_ =	sdelay $0x1  }
0xaa: {  	v0 =	vmul.f32 $6.666666860e-01, v0;
	_ =	sdelay $0x1  }
0xab: {  	v0 =	vadd.f32 $-1.000000000e+00, v0;
	_ =	sdelay $0x1  }
0xac: {  	[tilespmem:s15+$0xFFFFFFD0] =	vst v0  }
0xad: {  	v0 =	vld [tilespmem:s16+$0x60];
	_ =	sdelay $0x4  }
0xae: {  	v0 =	vcvt.s32.f32 v0;
	_ =	sdelay $0x1  }
0xaf: {  	v0 =	vmul.f32 $6.666666860e-01, v0;
	_ =	sdelay $0x1  }
0xb0: {  	v0 =	vadd.f32 $-1.000000000e+00, v0;
	_ =	sdelay $0x1  }
0xb1: {  	[tilespmem:s15+$0xFFFFFFE0] =	vst v0  }
0xb2: {  	v0 =	vld [tilespmem:s16+$0x70];
	_ =	sdelay $0x4  }
0xb3: {  	v0 =	vcvt.s32.f32 v0;
	_ =	sdelay $0x1  }
0xb4: {  	v0 =	vmul.f32 $6.666666860e-01, v0;
	_ =	sdelay $0x1  }
0xb5: {  	v0 =	vadd.f32 $-1.000000000e+00, v0;
	_ =	sdelay $0x1  }
0xb6: {  	[tilespmem:s15+$0xFFFFFFF0] =	vst v0  }
0xb7: {  	v0 =	vld [tilespmem:s16+$0x4000];
	_ =	sdelay $0x4  }
0xb8: {  	v0 =	vcvt.s32.f32 v0;
	_ =	sdelay $0x1  }
0xb9: {  	v0 =	vmul.f32 $6.666666860e-01, v0;
	_ =	sdelay $0x1  }
0xba: {  	v0 =	vadd.f32 $-1.000000000e+00, v0;
	_ =	sdelay $0x1  }
0xbb: {  	[tilespmem:s15+$0x0] =	vst v0  }
0xbc: {  	v0 =	vld [tilespmem:s16+$0x4010];
	_ =	sdelay $0x4  }
0xbd: {  	v0 =	vcvt.s32.f32 v0;
	_ =	sdelay $0x1  }
0xbe: {  	v0 =	vmul.f32 $6.666666860e-01, v0;
	_ =	sdelay $0x1  }
0xbf: {  	v0 =	vadd.f32 $-1.000000000e+00, v0;
	_ =	sdelay $0x1  }
0xc0: {  	[tilespmem:s15+$0x10] =	vst v0  }
0xc1: {  	v0 =	vld [tilespmem:s16+$0x4020];
	_ =	sdelay $0x4  }
0xc2: {  	v0 =	vcvt.s32.f32 v0;
	_ =	sdelay $0x1  }
0xc3: {  	v0 =	vmul.f32 $6.666666860e-01, v0;
	_ =	sdelay $0x1  }
0xc4: {  	v0 =	vadd.f32 $-1.000000000e+00, v0;
	_ =	sdelay $0x1  }
0xc5: {  	[tilespmem:s15+$0x20] =	vst v0  }
0xc6: {  	v0 =	vld [tilespmem:s16+$0x4030];
	_ =	sdelay $0x4  }
0xc7: {  	v0 =	vcvt.s32.f32 v0;
	_ =	sdelay $0x1  }
0xc8: {  	v0 =	vmul.f32 $6.666666860e-01, v0;
	_ =	sdelay $0x1  }
0xc9: {  	v0 =	vadd.f32 $-1.000000000e+00, v0;
	_ =	sdelay $0x1  }
0xca: {  	[tilespmem:s15+$0x30] =	vst v0  }
0xcb: {  	v0 =	vld [tilespmem:s16+$0x4040];
	_ =	sdelay $0x4  }
0xcc: {  	v0 =	vcvt.s32.f32 v0;
	_ =	sdelay $0x1  }
0xcd: {  	v0 =	vmul.f32 $6.666666860e-01, v0;
	_ =	sdelay $0x1  }
0xce: {  	v0 =	vadd.f32 $-1.000000000e+00, v0;
	_ =	sdelay $0x1  }
0xcf: {  	[tilespmem:s15+$0x40] =	vst v0  }
0xd0: {  	v0 =	vld [tilespmem:s16+$0x4050];
	_ =	sdelay $0x4  }
0xd1: {  	v0 =	vcvt.s32.f32 v0;
	_ =	sdelay $0x1  }
0xd2: {  	v0 =	vmul.f32 $6.666666860e-01, v0;
	_ =	sdelay $0x1  }
0xd3: {  	v0 =	vadd.f32 $-1.000000000e+00, v0;
	_ =	sdelay $0x1  }
0xd4: {  	[tilespmem:s15+$0x50] =	vst v0  }
0xd5: {  	v0 =	vld [tilespmem:s16+$0x4060];
	_ =	sdelay $0x4  }
0xd6: {  	v0 =	vcvt.s32.f32 v0;
	_ =	sdelay $0x1  }
0xd7: {  	v0 =	vmul.f32 $6.666666860e-01, v0;
	_ =	sdelay $0x1  }
0xd8: {  	v0 =	vadd.f32 $-1.000000000e+00, v0;
	_ =	sdelay $0x1  }
0xd9: {  	[tilespmem:s15+$0x60] =	vst v0  }
0xda: {  	v0 =	vld [tilespmem:s16+$0x4070];
	_ =	sdelay $0x4  }
0xdb: {  	v0 =	vcvt.s32.f32 v0;
	_ =	sdelay $0x1  }
0xdc: {  	v0 =	vmul.f32 $6.666666860e-01, v0;
	_ =	sdelay $0x1  }
0xdd: {  	v0 =	vadd.f32 $-1.000000000e+00, v0;
	_ =	sdelay $0x1  }
0xde: {  	s17 =	simm.s32 $0x400;
	s16 =	simm.s32 $0x80;
	[tilespmem:s15+$0x70] =	vst v0  }
.LBB2_3:
0xdf: {  	p1 =	sne.s32 s17, $0xFE00;
	v0 =	vld [tilespmem:s16+$0x0];
	_ =	sdelay $0x4  }
0xe0: {  	v0 =	vcvt.s32.f32 v0;
	_ =	sdelay $0x1  }
0xe1: {  	v0 =	vmul.f32 $6.666666860e-01, v0;
	_ =	sdelay $0x1  }
0xe2: {  	v0 =	vadd.f32 $-1.000000000e+00, v0  }
0xe3: {  	s15 =	sadd.s32 $0x100, s15  }
0xe4: {  	[tilespmem:s15+$0xFFFFFF80] =	vst v0  }
0xe5: {  	v0 =	vld [tilespmem:s16+$0x10];
	_ =	sdelay $0x4  }
0xe6: {  	v0 =	vcvt.s32.f32 v0;
	_ =	sdelay $0x1  }
0xe7: {  	v0 =	vmul.f32 $6.666666860e-01, v0;
	_ =	sdelay $0x1  }
0xe8: {  	v0 =	vadd.f32 $-1.000000000e+00, v0;
	_ =	sdelay $0x1  }
0xe9: {  	[tilespmem:s15+$0xFFFFFF90] =	vst v0  }
0xea: {  	v0 =	vld [tilespmem:s16+$0x20];
	_ =	sdelay $0x4  }
0xeb: {  	v0 =	vcvt.s32.f32 v0;
	_ =	sdelay $0x1  }
0xec: {  	v0 =	vmul.f32 $6.666666860e-01, v0;
	_ =	sdelay $0x1  }
0xed: {  	v0 =	vadd.f32 $-1.000000000e+00, v0;
	_ =	sdelay $0x1  }
0xee: {  	[tilespmem:s15+$0xFFFFFFA0] =	vst v0  }
0xef: {  	v0 =	vld [tilespmem:s16+$0x30];
	_ =	sdelay $0x4  }
0xf0: {  	v0 =	vcvt.s32.f32 v0;
	_ =	sdelay $0x1  }
0xf1: {  	v0 =	vmul.f32 $6.666666860e-01, v0;
	_ =	sdelay $0x1  }
0xf2: {  	v0 =	vadd.f32 $-1.000000000e+00, v0;
	_ =	sdelay $0x1  }
0xf3: {  	[tilespmem:s15+$0xFFFFFFB0] =	vst v0  }
0xf4: {  	v0 =	vld [tilespmem:s16+$0x40];
	_ =	sdelay $0x4  }
0xf5: {  	v0 =	vcvt.s32.f32 v0;
	_ =	sdelay $0x1  }
0xf6: {  	v0 =	vmul.f32 $6.666666860e-01, v0;
	_ =	sdelay $0x1  }
0xf7: {  	v0 =	vadd.f32 $-1.000000000e+00, v0;
	_ =	sdelay $0x1  }
0xf8: {  	[tilespmem:s15+$0xFFFFFFC0] =	vst v0  }
0xf9: {  	v0 =	vld [tilespmem:s16+$0x50];
	_ =	sdelay $0x4  }
0xfa: {  	v0 =	vcvt.s32.f32 v0;
	_ =	sdelay $0x1  }
0xfb: {  	v0 =	vmul.f32 $6.666666860e-01, v0;
	_ =	sdelay $0x1  }
0xfc: {  	v0 =	vadd.f32 $-1.000000000e+00, v0;
	_ =	sdelay $0x1  }
0xfd: {  	[tilespmem:s15+$0xFFFFFFD0] =	vst v0  }
0xfe: {  	v0 =	vld [tilespmem:s16+$0x60];
	_ =	sdelay $0x4  }
0xff: {  	v0 =	vcvt.s32.f32 v0;
	_ =	sdelay $0x1  }
0x100: {  	v0 =	vmul.f32 $6.666666860e-01, v0;
	_ =	sdelay $0x1  }
0x101: {  	v0 =	vadd.f32 $-1.000000000e+00, v0;
	_ =	sdelay $0x1  }
0x102: {  	[tilespmem:s15+$0xFFFFFFE0] =	vst v0  }
0x103: {  	v0 =	vld [tilespmem:s16+$0x70];
	_ =	sdelay $0x4  }
0x104: {  	v0 =	vcvt.s32.f32 v0;
	_ =	sdelay $0x1  }
0x105: {  	v0 =	vmul.f32 $6.666666860e-01, v0;
	_ =	sdelay $0x1  }
0x106: {  	v0 =	vadd.f32 $-1.000000000e+00, v0;
	_ =	sdelay $0x1  }
0x107: {  	[tilespmem:s15+$0xFFFFFFF0] =	vst v0  }
0x108: {  	v0 =	vld [tilespmem:s16+$0x4000];
	_ =	sdelay $0x4  }
0x109: {  	v0 =	vcvt.s32.f32 v0;
	_ =	sdelay $0x1  }
0x10a: {  	v0 =	vmul.f32 $6.666666860e-01, v0;
	_ =	sdelay $0x1  }
0x10b: {  	v0 =	vadd.f32 $-1.000000000e+00, v0;
	_ =	sdelay $0x1  }
0x10c: {  	[tilespmem:s15+$0x0] =	vst v0  }
0x10d: {  	v0 =	vld [tilespmem:s16+$0x4010];
	_ =	sdelay $0x4  }
0x10e: {  	v0 =	vcvt.s32.f32 v0;
	_ =	sdelay $0x1  }
0x10f: {  	v0 =	vmul.f32 $6.666666860e-01, v0;
	_ =	sdelay $0x1  }
0x110: {  	v0 =	vadd.f32 $-1.000000000e+00, v0;
	_ =	sdelay $0x1  }
0x111: {  	[tilespmem:s15+$0x10] =	vst v0  }
0x112: {  	v0 =	vld [tilespmem:s16+$0x4020];
	_ =	sdelay $0x4  }
0x113: {  	v0 =	vcvt.s32.f32 v0;
	_ =	sdelay $0x1  }
0x114: {  	v0 =	vmul.f32 $6.666666860e-01, v0;
	_ =	sdelay $0x1  }
0x115: {  	v0 =	vadd.f32 $-1.000000000e+00, v0;
	_ =	sdelay $0x1  }
0x116: {  	[tilespmem:s15+$0x20] =	vst v0  }
0x117: {  	v0 =	vld [tilespmem:s16+$0x4030];
	_ =	sdelay $0x4  }
0x118: {  	v0 =	vcvt.s32.f32 v0;
	_ =	sdelay $0x1  }
0x119: {  	v0 =	vmul.f32 $6.666666860e-01, v0;
	_ =	sdelay $0x1  }
0x11a: {  	v0 =	vadd.f32 $-1.000000000e+00, v0;
	_ =	sdelay $0x1  }
0x11b: {  	[tilespmem:s15+$0x30] =	vst v0  }
0x11c: {  	v0 =	vld [tilespmem:s16+$0x4040];
	_ =	sdelay $0x4  }
0x11d: {  	v0 =	vcvt.s32.f32 v0;
	_ =	sdelay $0x1  }
0x11e: {  	v0 =	vmul.f32 $6.666666860e-01, v0;
	_ =	sdelay $0x1  }
0x11f: {  	v0 =	vadd.f32 $-1.000000000e+00, v0;
	_ =	sdelay $0x1  }
0x120: {  	[tilespmem:s15+$0x40] =	vst v0  }
0x121: {  	v0 =	vld [tilespmem:s16+$0x4050];
	_ =	sdelay $0x4  }
0x122: {  	v0 =	vcvt.s32.f32 v0;
	_ =	sdelay $0x1  }
0x123: {  	v0 =	vmul.f32 $6.666666860e-01, v0;
	_ =	sdelay $0x1  }
0x124: {  	v0 =	vadd.f32 $-1.000000000e+00, v0;
	_ =	sdelay $0x1  }
0x125: {  	[tilespmem:s15+$0x50] =	vst v0  }
0x126: {  	v0 =	vld [tilespmem:s16+$0x4060];
	_ =	sdelay $0x4  }
0x127: {  	v0 =	vcvt.s32.f32 v0;
	_ =	sdelay $0x1  }
0x128: {  	v0 =	vmul.f32 $6.666666860e-01, v0;
	_ =	sdelay $0x1  }
0x129: {  	v0 =	vadd.f32 $-1.000000000e+00, v0;
	_ =	sdelay $0x1  }
0x12a: {  	[tilespmem:s15+$0x60] =	vst v0  }
0x12b: {  	v0 =	vld [tilespmem:s16+$0x4070];
	_ =	sdelay $0x4  }
0x12c: {  	v0 =	vcvt.s32.f32 v0;
	_ =	sdelay $0x1  }
.Ltmp3:
0x12d: {  	v0 =	vmul.f32 $6.666666860e-01, v0;
	(pc) =	sbr.rel @p1 .LBB2_3-.Ltmp3, $3  }
0x12e: {  	_ = 	snop  }
0x12f: {  	v0 =	vadd.f32 $-1.000000000e+00, v0;
	_ =	sdelay $0x1  }
0x130: {  	s16 =	sshra.s32 s17, $0x2;
	s17 =	sadd.s32 $0x200, s17;
	[tilespmem:s15+$0x70] =	vst v0  }
0x131: {  	v0 =	vld [tilespmem:s16+$0x0];
	_ =	sdelay $0x4  }
0x132: {  	v0 =	vcvt.s32.f32 v0;
	_ =	sdelay $0x1  }
0x133: {  	v0 =	vmul.f32 $6.666666860e-01, v0;
	_ =	sdelay $0x1  }
0x134: {  	v0 =	vadd.f32 $-1.000000000e+00, v0  }
0x135: {  	s15 =	sadd.s32 $0x100, s15  }
0x136: {  	[tilespmem:s15+$0xFFFFFF80] =	vst v0  }
0x137: {  	v0 =	vld [tilespmem:s16+$0x10];
	_ =	sdelay $0x4  }
0x138: {  	v0 =	vcvt.s32.f32 v0;
	_ =	sdelay $0x1  }
0x139: {  	v0 =	vmul.f32 $6.666666860e-01, v0;
	_ =	sdelay $0x1  }
0x13a: {  	v0 =	vadd.f32 $-1.000000000e+00, v0;
	_ =	sdelay $0x1  }
0x13b: {  	[tilespmem:s15+$0xFFFFFF90] =	vst v0  }
0x13c: {  	v0 =	vld [tilespmem:s16+$0x20];
	_ =	sdelay $0x4  }
0x13d: {  	v0 =	vcvt.s32.f32 v0;
	_ =	sdelay $0x1  }
0x13e: {  	v0 =	vmul.f32 $6.666666860e-01, v0;
	_ =	sdelay $0x1  }
0x13f: {  	v0 =	vadd.f32 $-1.000000000e+00, v0;
	_ =	sdelay $0x1  }
0x140: {  	[tilespmem:s15+$0xFFFFFFA0] =	vst v0  }
0x141: {  	v0 =	vld [tilespmem:s16+$0x30];
	_ =	sdelay $0x4  }
0x142: {  	v0 =	vcvt.s32.f32 v0;
	_ =	sdelay $0x1  }
0x143: {  	v0 =	vmul.f32 $6.666666860e-01, v0;
	_ =	sdelay $0x1  }
0x144: {  	v0 =	vadd.f32 $-1.000000000e+00, v0;
	_ =	sdelay $0x1  }
0x145: {  	[tilespmem:s15+$0xFFFFFFB0] =	vst v0  }
0x146: {  	v0 =	vld [tilespmem:s16+$0x40];
	_ =	sdelay $0x4  }
0x147: {  	v0 =	vcvt.s32.f32 v0;
	_ =	sdelay $0x1  }
0x148: {  	v0 =	vmul.f32 $6.666666860e-01, v0;
	_ =	sdelay $0x1  }
0x149: {  	v0 =	vadd.f32 $-1.000000000e+00, v0;
	_ =	sdelay $0x1  }
0x14a: {  	[tilespmem:s15+$0xFFFFFFC0] =	vst v0  }
0x14b: {  	v0 =	vld [tilespmem:s16+$0x50];
	_ =	sdelay $0x4  }
0x14c: {  	v0 =	vcvt.s32.f32 v0;
	_ =	sdelay $0x1  }
0x14d: {  	v0 =	vmul.f32 $6.666666860e-01, v0;
	_ =	sdelay $0x1  }
0x14e: {  	v0 =	vadd.f32 $-1.000000000e+00, v0;
	_ =	sdelay $0x1  }
0x14f: {  	[tilespmem:s15+$0xFFFFFFD0] =	vst v0  }
0x150: {  	v0 =	vld [tilespmem:s16+$0x60];
	_ =	sdelay $0x4  }
0x151: {  	v0 =	vcvt.s32.f32 v0;
	_ =	sdelay $0x1  }
0x152: {  	v0 =	vmul.f32 $6.666666860e-01, v0;
	_ =	sdelay $0x1  }
0x153: {  	v0 =	vadd.f32 $-1.000000000e+00, v0;
	_ =	sdelay $0x1  }
0x154: {  	[tilespmem:s15+$0xFFFFFFE0] =	vst v0  }
0x155: {  	v0 =	vld [tilespmem:s16+$0x70];
	_ =	sdelay $0x4  }
0x156: {  	v0 =	vcvt.s32.f32 v0;
	_ =	sdelay $0x1  }
0x157: {  	v0 =	vmul.f32 $6.666666860e-01, v0;
	_ =	sdelay $0x1  }
0x158: {  	v0 =	vadd.f32 $-1.000000000e+00, v0;
	_ =	sdelay $0x1  }
0x159: {  	[tilespmem:s15+$0xFFFFFFF0] =	vst v0  }
0x15a: {  	v0 =	vld [tilespmem:s16+$0x4000];
	_ =	sdelay $0x4  }
0x15b: {  	v0 =	vcvt.s32.f32 v0;
	_ =	sdelay $0x1  }
0x15c: {  	v0 =	vmul.f32 $6.666666860e-01, v0;
	_ =	sdelay $0x1  }
0x15d: {  	v0 =	vadd.f32 $-1.000000000e+00, v0;
	_ =	sdelay $0x1  }
0x15e: {  	[tilespmem:s15+$0x0] =	vst v0  }
0x15f: {  	v0 =	vld [tilespmem:s16+$0x4010];
	_ =	sdelay $0x4  }
0x160: {  	v0 =	vcvt.s32.f32 v0;
	_ =	sdelay $0x1  }
0x161: {  	v0 =	vmul.f32 $6.666666860e-01, v0;
	_ =	sdelay $0x1  }
0x162: {  	v0 =	vadd.f32 $-1.000000000e+00, v0;
	_ =	sdelay $0x1  }
0x163: {  	[tilespmem:s15+$0x10] =	vst v0  }
0x164: {  	v0 =	vld [tilespmem:s16+$0x4020];
	_ =	sdelay $0x4  }
0x165: {  	v0 =	vcvt.s32.f32 v0;
	_ =	sdelay $0x1  }
0x166: {  	v0 =	vmul.f32 $6.666666860e-01, v0;
	_ =	sdelay $0x1  }
0x167: {  	v0 =	vadd.f32 $-1.000000000e+00, v0;
	_ =	sdelay $0x1  }
0x168: {  	[tilespmem:s15+$0x20] =	vst v0  }
0x169: {  	v0 =	vld [tilespmem:s16+$0x4030];
	_ =	sdelay $0x4  }
0x16a: {  	v0 =	vcvt.s32.f32 v0;
	_ =	sdelay $0x1  }
0x16b: {  	v0 =	vmul.f32 $6.666666860e-01, v0;
	_ =	sdelay $0x1  }
0x16c: {  	v0 =	vadd.f32 $-1.000000000e+00, v0;
	_ =	sdelay $0x1  }
0x16d: {  	[tilespmem:s15+$0x30] =	vst v0  }
0x16e: {  	v0 =	vld [tilespmem:s16+$0x4040];
	_ =	sdelay $0x4  }
0x16f: {  	v0 =	vcvt.s32.f32 v0;
	_ =	sdelay $0x1  }
0x170: {  	v0 =	vmul.f32 $6.666666860e-01, v0;
	_ =	sdelay $0x1  }
0x171: {  	v0 =	vadd.f32 $-1.000000000e+00, v0;
	_ =	sdelay $0x1  }
0x172: {  	[tilespmem:s15+$0x40] =	vst v0  }
0x173: {  	v0 =	vld [tilespmem:s16+$0x4050];
	_ =	sdelay $0x4  }
0x174: {  	v0 =	vcvt.s32.f32 v0;
	_ =	sdelay $0x1  }
0x175: {  	v0 =	vmul.f32 $6.666666860e-01, v0;
	_ =	sdelay $0x1  }
0x176: {  	v0 =	vadd.f32 $-1.000000000e+00, v0;
	_ =	sdelay $0x1  }
0x177: {  	[tilespmem:s15+$0x50] =	vst v0  }
0x178: {  	v0 =	vld [tilespmem:s16+$0x4060];
	_ =	sdelay $0x4  }
0x179: {  	v0 =	vcvt.s32.f32 v0;
	_ =	sdelay $0x1  }
0x17a: {  	v0 =	vmul.f32 $6.666666860e-01, v0;
	_ =	sdelay $0x1  }
0x17b: {  	v0 =	vadd.f32 $-1.000000000e+00, v0;
	_ =	sdelay $0x1  }
0x17c: {  	[tilespmem:s15+$0x60] =	vst v0  }
0x17d: {  	v0 =	vld [tilespmem:s16+$0x4070];
	_ =	sdelay $0x4  }
0x17e: {  	v0 =	vcvt.s32.f32 v0;
	_ =	sdelay $0x1  }
0x17f: {  	v0 =	vmul.f32 $6.666666860e-01, v0;
	_ =	sdelay $0x1  }
0x180: {  	v0 =	vadd.f32 $-1.000000000e+00, v0;
	_ =	sdelay $0x1  }
0x181: {  	s16 =	simm.s32 $0x0;
	[tilespmem:s15+$0x70] =	vst v0  }
0x182: {  	[hbm4b:s3+s16] =	stream.linear.scatter [tilespmem:s1], [sflag:$0x3], $0x8000, $0x38;
	[tilespmem:$0x18000] =	vst v63  }
0x183: {  	_ =	swait.ge [sflag:s0], $0x8000  }
0x184: {  	[sflag:s0] =	ssyncset.done $0x0  }
0x185: {  	[sflag:s0] =	ssyncadd.s32 $0xFFFF8000  }
0x186: {  	[tilespmem:s16], [sflag:$0x1] =	stream.strided.gather [hbm4b:s4+s25], $0x4000, s26, s25, $0x38;
	[tilespmem:$0x18000] =	vst v63  }
0x187: {  	_ = 	snop  }
0x188: {  	[tilespmem:s28], [sflag:$0x1] =	stream.strided.gather [hbm4b:s5+s25], $0x4000, s26, s25, $0x38;
	[tilespmem:$0x18000] =	vst v63  }
0x189: {  	_ =	swait.ge [sflag:s13], $0x4000  }
0x18a: {  	[sflag:s13] =	ssyncset.done $0x0  }
0x18b: {  	[sflag:s13] =	ssyncadd.s32 $0xFFFFC000  }
0x18c: {  	_ =	swait.ge [sflag:s13], $0x4000  }
0x18d: {  	[sflag:s13] =	ssyncset.done $0x0  }
0x18e: {  	s17 =	simm.s32 $0x0;
	[sflag:s13] =	ssyncadd.s32 $0xFFFFC000  }
0x18f: {  	v63 =	vld [tilespmem:s17+$0x8000];
	_ =	sdelay $0x4  }
0x190: {  	v0 =	vcvt.s32.f32 v63;
	_ =	sdelay $0x1  }
0x191: {  	v0 =	vmul.f32 $6.666666860e-01, v0;
	_ =	sdelay $0x1  }
0x192: {  	v0 =	vadd.f32 $-1.000000000e+00, v0  }
0x193: {  	s15 =	simm.s32 $0x10080  }
0x194: {  	[tilespmem:s15+$0xFFFFFF80] =	vst v0  }
0x195: {  	v0 =	vld [tilespmem:s17+$0x8010];
	_ =	sdelay $0x4  }
0x196: {  	v0 =	vcvt.s32.f32 v0;
	_ =	sdelay $0x1  }
0x197: {  	v0 =	vmul.f32 $6.666666860e-01, v0;
	_ =	sdelay $0x1  }
0x198: {  	v0 =	vadd.f32 $-1.000000000e+00, v0;
	_ =	sdelay $0x1  }
0x199: {  	[tilespmem:s15+$0xFFFFFF90] =	vst v0  }
0x19a: {  	v0 =	vld [tilespmem:s17+$0x8020];
	_ =	sdelay $0x4  }
0x19b: {  	v0 =	vcvt.s32.f32 v0;
	_ =	sdelay $0x1  }
0x19c: {  	v0 =	vmul.f32 $6.666666860e-01, v0;
	_ =	sdelay $0x1  }
0x19d: {  	v0 =	vadd.f32 $-1.000000000e+00, v0;
	_ =	sdelay $0x1  }
0x19e: {  	[tilespmem:s15+$0xFFFFFFA0] =	vst v0  }
0x19f: {  	v0 =	vld [tilespmem:s17+$0x8030];
	_ =	sdelay $0x4  }
0x1a0: {  	v0 =	vcvt.s32.f32 v0;
	_ =	sdelay $0x1  }
0x1a1: {  	v0 =	vmul.f32 $6.666666860e-01, v0;
	_ =	sdelay $0x1  }
0x1a2: {  	v0 =	vadd.f32 $-1.000000000e+00, v0;
	_ =	sdelay $0x1  }
0x1a3: {  	[tilespmem:s15+$0xFFFFFFB0] =	vst v0  }
0x1a4: {  	v0 =	vld [tilespmem:s17+$0x8040];
	_ =	sdelay $0x4  }
0x1a5: {  	v0 =	vcvt.s32.f32 v0;
	_ =	sdelay $0x1  }
0x1a6: {  	v0 =	vmul.f32 $6.666666860e-01, v0;
	_ =	sdelay $0x1  }
0x1a7: {  	v0 =	vadd.f32 $-1.000000000e+00, v0;
	_ =	sdelay $0x1  }
0x1a8: {  	[tilespmem:s15+$0xFFFFFFC0] =	vst v0  }
0x1a9: {  	v0 =	vld [tilespmem:s17+$0x8050];
	_ =	sdelay $0x4  }
0x1aa: {  	v0 =	vcvt.s32.f32 v0;
	_ =	sdelay $0x1  }
0x1ab: {  	v0 =	vmul.f32 $6.666666860e-01, v0;
	_ =	sdelay $0x1  }
0x1ac: {  	v0 =	vadd.f32 $-1.000000000e+00, v0;
	_ =	sdelay $0x1  }
0x1ad: {  	[tilespmem:s15+$0xFFFFFFD0] =	vst v0  }
0x1ae: {  	v0 =	vld [tilespmem:s17+$0x8060];
	_ =	sdelay $0x4  }
0x1af: {  	v0 =	vcvt.s32.f32 v0;
	_ =	sdelay $0x1  }
0x1b0: {  	v0 =	vmul.f32 $6.666666860e-01, v0;
	_ =	sdelay $0x1  }
0x1b1: {  	v0 =	vadd.f32 $-1.000000000e+00, v0;
	_ =	sdelay $0x1  }
0x1b2: {  	[tilespmem:s15+$0xFFFFFFE0] =	vst v0  }
0x1b3: {  	v0 =	vld [tilespmem:s17+$0x8070];
	_ =	sdelay $0x4  }
0x1b4: {  	v0 =	vcvt.s32.f32 v0;
	_ =	sdelay $0x1  }
0x1b5: {  	v0 =	vmul.f32 $6.666666860e-01, v0;
	_ =	sdelay $0x1  }
0x1b6: {  	v0 =	vadd.f32 $-1.000000000e+00, v0;
	_ =	sdelay $0x1  }
0x1b7: {  	[tilespmem:s15+$0xFFFFFFF0] =	vst v0  }
0x1b8: {  	v0 =	vld [tilespmem:s17+$0xC000];
	_ =	sdelay $0x4  }
0x1b9: {  	v0 =	vcvt.s32.f32 v0;
	_ =	sdelay $0x1  }
0x1ba: {  	v0 =	vmul.f32 $6.666666860e-01, v0;
	_ =	sdelay $0x1  }
0x1bb: {  	v0 =	vadd.f32 $-1.000000000e+00, v0;
	_ =	sdelay $0x1  }
0x1bc: {  	[tilespmem:s15+$0x0] =	vst v0  }
0x1bd: {  	v0 =	vld [tilespmem:s17+$0xC010];
	_ =	sdelay $0x4  }
0x1be: {  	v0 =	vcvt.s32.f32 v0;
	_ =	sdelay $0x1  }
0x1bf: {  	v0 =	vmul.f32 $6.666666860e-01, v0;
	_ =	sdelay $0x1  }
0x1c0: {  	v0 =	vadd.f32 $-1.000000000e+00, v0;
	_ =	sdelay $0x1  }
0x1c1: {  	[tilespmem:s15+$0x10] =	vst v0  }
0x1c2: {  	v0 =	vld [tilespmem:s17+$0xC020];
	_ =	sdelay $0x4  }
0x1c3: {  	v0 =	vcvt.s32.f32 v0;
	_ =	sdelay $0x1  }
0x1c4: {  	v0 =	vmul.f32 $6.666666860e-01, v0;
	_ =	sdelay $0x1  }
0x1c5: {  	v0 =	vadd.f32 $-1.000000000e+00, v0;
	_ =	sdelay $0x1  }
0x1c6: {  	[tilespmem:s15+$0x20] =	vst v0  }
0x1c7: {  	v0 =	vld [tilespmem:s17+$0xC030];
	_ =	sdelay $0x4  }
0x1c8: {  	v0 =	vcvt.s32.f32 v0;
	_ =	sdelay $0x1  }
0x1c9: {  	v0 =	vmul.f32 $6.666666860e-01, v0;
	_ =	sdelay $0x1  }
0x1ca: {  	v0 =	vadd.f32 $-1.000000000e+00, v0;
	_ =	sdelay $0x1  }
0x1cb: {  	[tilespmem:s15+$0x30] =	vst v0  }
0x1cc: {  	v0 =	vld [tilespmem:s17+$0xC040];
	_ =	sdelay $0x4  }
0x1cd: {  	v0 =	vcvt.s32.f32 v0;
	_ =	sdelay $0x1  }
0x1ce: {  	v0 =	vmul.f32 $6.666666860e-01, v0;
	_ =	sdelay $0x1  }
0x1cf: {  	v0 =	vadd.f32 $-1.000000000e+00, v0;
	_ =	sdelay $0x1  }
0x1d0: {  	[tilespmem:s15+$0x40] =	vst v0  }
0x1d1: {  	v0 =	vld [tilespmem:s17+$0xC050];
	_ =	sdelay $0x4  }
0x1d2: {  	v0 =	vcvt.s32.f32 v0;
	_ =	sdelay $0x1  }
0x1d3: {  	v0 =	vmul.f32 $6.666666860e-01, v0;
	_ =	sdelay $0x1  }
0x1d4: {  	v0 =	vadd.f32 $-1.000000000e+00, v0;
	_ =	sdelay $0x1  }
0x1d5: {  	[tilespmem:s15+$0x50] =	vst v0  }
0x1d6: {  	v0 =	vld [tilespmem:s17+$0xC060];
	_ =	sdelay $0x4  }
0x1d7: {  	v0 =	vcvt.s32.f32 v0;
	_ =	sdelay $0x1  }
0x1d8: {  	v0 =	vmul.f32 $6.666666860e-01, v0;
	_ =	sdelay $0x1  }
0x1d9: {  	v0 =	vadd.f32 $-1.000000000e+00, v0;
	_ =	sdelay $0x1  }
0x1da: {  	[tilespmem:s15+$0x60] =	vst v0  }
0x1db: {  	v0 =	vld [tilespmem:s17+$0xC070];
	_ =	sdelay $0x4  }
0x1dc: {  	v0 =	vcvt.s32.f32 v0;
	_ =	sdelay $0x1  }
0x1dd: {  	v0 =	vmul.f32 $6.666666860e-01, v0;
	_ =	sdelay $0x1  }
0x1de: {  	v0 =	vadd.f32 $-1.000000000e+00, v0;
	_ =	sdelay $0x1  }
0x1df: {  	s16 =	simm.s32 $0x80;
	s17 =	simm.s32 $0x400;
	[tilespmem:s15+$0x70] =	vst v0  }
.LBB2_5:
0x1e0: {  	p1 =	sne.s32 s17, $0xFE00;
	v0 =	vld [tilespmem:s16+$0x8000];
	_ =	sdelay $0x4  }
0x1e1: {  	v0 =	vcvt.s32.f32 v0;
	_ =	sdelay $0x1  }
0x1e2: {  	v0 =	vmul.f32 $6.666666860e-01, v0;
	_ =	sdelay $0x1  }
0x1e3: {  	v0 =	vadd.f32 $-1.000000000e+00, v0  }
0x1e4: {  	s15 =	sadd.s32 $0x100, s15  }
0x1e5: {  	[tilespmem:s15+$0xFFFFFF80] =	vst v0  }
0x1e6: {  	v0 =	vld [tilespmem:s16+$0x8010];
	_ =	sdelay $0x4  }
0x1e7: {  	v0 =	vcvt.s32.f32 v0;
	_ =	sdelay $0x1  }
0x1e8: {  	v0 =	vmul.f32 $6.666666860e-01, v0;
	_ =	sdelay $0x1  }
0x1e9: {  	v0 =	vadd.f32 $-1.000000000e+00, v0;
	_ =	sdelay $0x1  }
0x1ea: {  	[tilespmem:s15+$0xFFFFFF90] =	vst v0  }
0x1eb: {  	v0 =	vld [tilespmem:s16+$0x8020];
	_ =	sdelay $0x4  }
0x1ec: {  	v0 =	vcvt.s32.f32 v0;
	_ =	sdelay $0x1  }
0x1ed: {  	v0 =	vmul.f32 $6.666666860e-01, v0;
	_ =	sdelay $0x1  }
0x1ee: {  	v0 =	vadd.f32 $-1.000000000e+00, v0;
	_ =	sdelay $0x1  }
0x1ef: {  	[tilespmem:s15+$0xFFFFFFA0] =	vst v0  }
0x1f0: {  	v0 =	vld [tilespmem:s16+$0x8030];
	_ =	sdelay $0x4  }
0x1f1: {  	v0 =	vcvt.s32.f32 v0;
	_ =	sdelay $0x1  }
0x1f2: {  	v0 =	vmul.f32 $6.666666860e-01, v0;
	_ =	sdelay $0x1  }
0x1f3: {  	v0 =	vadd.f32 $-1.000000000e+00, v0;
	_ =	sdelay $0x1  }
0x1f4: {  	[tilespmem:s15+$0xFFFFFFB0] =	vst v0  }
0x1f5: {  	v0 =	vld [tilespmem:s16+$0x8040];
	_ =	sdelay $0x4  }
0x1f6: {  	v0 =	vcvt.s32.f32 v0;
	_ =	sdelay $0x1  }
0x1f7: {  	v0 =	vmul.f32 $6.666666860e-01, v0;
	_ =	sdelay $0x1  }
0x1f8: {  	v0 =	vadd.f32 $-1.000000000e+00, v0;
	_ =	sdelay $0x1  }
0x1f9: {  	[tilespmem:s15+$0xFFFFFFC0] =	vst v0  }
0x1fa: {  	v0 =	vld [tilespmem:s16+$0x8050];
	_ =	sdelay $0x4  }
0x1fb: {  	v0 =	vcvt.s32.f32 v0;
	_ =	sdelay $0x1  }
0x1fc: {  	v0 =	vmul.f32 $6.666666860e-01, v0;
	_ =	sdelay $0x1  }
0x1fd: {  	v0 =	vadd.f32 $-1.000000000e+00, v0;
	_ =	sdelay $0x1  }
0x1fe: {  	[tilespmem:s15+$0xFFFFFFD0] =	vst v0  }
0x1ff: {  	v0 =	vld [tilespmem:s16+$0x8060];
	_ =	sdelay $0x4  }
0x200: {  	v0 =	vcvt.s32.f32 v0;
	_ =	sdelay $0x1  }
0x201: {  	v0 =	vmul.f32 $6.666666860e-01, v0;
	_ =	sdelay $0x1  }
0x202: {  	v0 =	vadd.f32 $-1.000000000e+00, v0;
	_ =	sdelay $0x1  }
0x203: {  	[tilespmem:s15+$0xFFFFFFE0] =	vst v0  }
0x204: {  	v0 =	vld [tilespmem:s16+$0x8070];
	_ =	sdelay $0x4  }
0x205: {  	v0 =	vcvt.s32.f32 v0;
	_ =	sdelay $0x1  }
0x206: {  	v0 =	vmul.f32 $6.666666860e-01, v0;
	_ =	sdelay $0x1  }
0x207: {  	v0 =	vadd.f32 $-1.000000000e+00, v0;
	_ =	sdelay $0x1  }
0x208: {  	[tilespmem:s15+$0xFFFFFFF0] =	vst v0  }
0x209: {  	v0 =	vld [tilespmem:s16+$0xC000];
	_ =	sdelay $0x4  }
0x20a: {  	v0 =	vcvt.s32.f32 v0;
	_ =	sdelay $0x1  }
0x20b: {  	v0 =	vmul.f32 $6.666666860e-01, v0;
	_ =	sdelay $0x1  }
0x20c: {  	v0 =	vadd.f32 $-1.000000000e+00, v0;
	_ =	sdelay $0x1  }
0x20d: {  	[tilespmem:s15+$0x0] =	vst v0  }
0x20e: {  	v0 =	vld [tilespmem:s16+$0xC010];
	_ =	sdelay $0x4  }
0x20f: {  	v0 =	vcvt.s32.f32 v0;
	_ =	sdelay $0x1  }
0x210: {  	v0 =	vmul.f32 $6.666666860e-01, v0;
	_ =	sdelay $0x1  }
0x211: {  	v0 =	vadd.f32 $-1.000000000e+00, v0;
	_ =	sdelay $0x1  }
0x212: {  	[tilespmem:s15+$0x10] =	vst v0  }
0x213: {  	v0 =	vld [tilespmem:s16+$0xC020];
	_ =	sdelay $0x4  }
0x214: {  	v0 =	vcvt.s32.f32 v0;
	_ =	sdelay $0x1  }
0x215: {  	v0 =	vmul.f32 $6.666666860e-01, v0;
	_ =	sdelay $0x1  }
0x216: {  	v0 =	vadd.f32 $-1.000000000e+00, v0;
	_ =	sdelay $0x1  }
0x217: {  	[tilespmem:s15+$0x20] =	vst v0  }
0x218: {  	v0 =	vld [tilespmem:s16+$0xC030];
	_ =	sdelay $0x4  }
0x219: {  	v0 =	vcvt.s32.f32 v0;
	_ =	sdelay $0x1  }
0x21a: {  	v0 =	vmul.f32 $6.666666860e-01, v0;
	_ =	sdelay $0x1  }
0x21b: {  	v0 =	vadd.f32 $-1.000000000e+00, v0;
	_ =	sdelay $0x1  }
0x21c: {  	[tilespmem:s15+$0x30] =	vst v0  }
0x21d: {  	v0 =	vld [tilespmem:s16+$0xC040];
	_ =	sdelay $0x4  }
0x21e: {  	v0 =	vcvt.s32.f32 v0;
	_ =	sdelay $0x1  }
0x21f: {  	v0 =	vmul.f32 $6.666666860e-01, v0;
	_ =	sdelay $0x1  }
0x220: {  	v0 =	vadd.f32 $-1.000000000e+00, v0;
	_ =	sdelay $0x1  }
0x221: {  	[tilespmem:s15+$0x40] =	vst v0  }
0x222: {  	v0 =	vld [tilespmem:s16+$0xC050];
	_ =	sdelay $0x4  }
0x223: {  	v0 =	vcvt.s32.f32 v0;
	_ =	sdelay $0x1  }
0x224: {  	v0 =	vmul.f32 $6.666666860e-01, v0;
	_ =	sdelay $0x1  }
0x225: {  	v0 =	vadd.f32 $-1.000000000e+00, v0;
	_ =	sdelay $0x1  }
0x226: {  	[tilespmem:s15+$0x50] =	vst v0  }
0x227: {  	v0 =	vld [tilespmem:s16+$0xC060];
	_ =	sdelay $0x4  }
0x228: {  	v0 =	vcvt.s32.f32 v0;
	_ =	sdelay $0x1  }
0x229: {  	v0 =	vmul.f32 $6.666666860e-01, v0;
	_ =	sdelay $0x1  }
0x22a: {  	v0 =	vadd.f32 $-1.000000000e+00, v0;
	_ =	sdelay $0x1  }
0x22b: {  	[tilespmem:s15+$0x60] =	vst v0  }
0x22c: {  	v0 =	vld [tilespmem:s16+$0xC070];
	_ =	sdelay $0x4  }
0x22d: {  	v0 =	vcvt.s32.f32 v0;
	_ =	sdelay $0x1  }
.Ltmp4:
0x22e: {  	v0 =	vmul.f32 $6.666666860e-01, v0;
	(pc) =	sbr.rel @p1 .LBB2_5-.Ltmp4, $3  }
0x22f: {  	_ = 	snop  }
0x230: {  	v0 =	vadd.f32 $-1.000000000e+00, v0;
	_ =	sdelay $0x1  }
0x231: {  	s16 =	sshra.s32 s17, $0x2;
	s17 =	sadd.s32 $0x200, s17;
	[tilespmem:s15+$0x70] =	vst v0  }
0x232: {  	v0 =	vld [tilespmem:s16+$0x8000];
	_ =	sdelay $0x4  }
0x233: {  	v0 =	vcvt.s32.f32 v0;
	_ =	sdelay $0x1  }
0x234: {  	v0 =	vmul.f32 $6.666666860e-01, v0;
	_ =	sdelay $0x1  }
0x235: {  	v0 =	vadd.f32 $-1.000000000e+00, v0  }
0x236: {  	s15 =	sadd.s32 $0x100, s15  }
0x237: {  	[tilespmem:s15+$0xFFFFFF80] =	vst v0  }
0x238: {  	v0 =	vld [tilespmem:s16+$0x8010];
	_ =	sdelay $0x4  }
0x239: {  	v0 =	vcvt.s32.f32 v0;
	_ =	sdelay $0x1  }
0x23a: {  	v0 =	vmul.f32 $6.666666860e-01, v0;
	_ =	sdelay $0x1  }
0x23b: {  	v0 =	vadd.f32 $-1.000000000e+00, v0;
	_ =	sdelay $0x1  }
0x23c: {  	[tilespmem:s15+$0xFFFFFF90] =	vst v0  }
0x23d: {  	v0 =	vld [tilespmem:s16+$0x8020];
	_ =	sdelay $0x4  }
0x23e: {  	v0 =	vcvt.s32.f32 v0;
	_ =	sdelay $0x1  }
0x23f: {  	v0 =	vmul.f32 $6.666666860e-01, v0;
	_ =	sdelay $0x1  }
0x240: {  	v0 =	vadd.f32 $-1.000000000e+00, v0;
	_ =	sdelay $0x1  }
0x241: {  	[tilespmem:s15+$0xFFFFFFA0] =	vst v0  }
0x242: {  	v0 =	vld [tilespmem:s16+$0x8030];
	_ =	sdelay $0x4  }
0x243: {  	v0 =	vcvt.s32.f32 v0;
	_ =	sdelay $0x1  }
0x244: {  	v0 =	vmul.f32 $6.666666860e-01, v0;
	_ =	sdelay $0x1  }
0x245: {  	v0 =	vadd.f32 $-1.000000000e+00, v0;
	_ =	sdelay $0x1  }
0x246: {  	[tilespmem:s15+$0xFFFFFFB0] =	vst v0  }
0x247: {  	v0 =	vld [tilespmem:s16+$0x8040];
	_ =	sdelay $0x4  }
0x248: {  	v0 =	vcvt.s32.f32 v0;
	_ =	sdelay $0x1  }
0x249: {  	v0 =	vmul.f32 $6.666666860e-01, v0;
	_ =	sdelay $0x1  }
0x24a: {  	v0 =	vadd.f32 $-1.000000000e+00, v0;
	_ =	sdelay $0x1  }
0x24b: {  	[tilespmem:s15+$0xFFFFFFC0] =	vst v0  }
0x24c: {  	v0 =	vld [tilespmem:s16+$0x8050];
	_ =	sdelay $0x4  }
0x24d: {  	v0 =	vcvt.s32.f32 v0;
	_ =	sdelay $0x1  }
0x24e: {  	v0 =	vmul.f32 $6.666666860e-01, v0;
	_ =	sdelay $0x1  }
0x24f: {  	v0 =	vadd.f32 $-1.000000000e+00, v0;
	_ =	sdelay $0x1  }
0x250: {  	[tilespmem:s15+$0xFFFFFFD0] =	vst v0  }
0x251: {  	v0 =	vld [tilespmem:s16+$0x8060];
	_ =	sdelay $0x4  }
0x252: {  	v0 =	vcvt.s32.f32 v0;
	_ =	sdelay $0x1  }
0x253: {  	v0 =	vmul.f32 $6.666666860e-01, v0;
	_ =	sdelay $0x1  }
0x254: {  	v0 =	vadd.f32 $-1.000000000e+00, v0;
	_ =	sdelay $0x1  }
0x255: {  	[tilespmem:s15+$0xFFFFFFE0] =	vst v0  }
0x256: {  	v0 =	vld [tilespmem:s16+$0x8070];
	_ =	sdelay $0x4  }
0x257: {  	v0 =	vcvt.s32.f32 v0;
	_ =	sdelay $0x1  }
0x258: {  	v0 =	vmul.f32 $6.666666860e-01, v0;
	_ =	sdelay $0x1  }
0x259: {  	v0 =	vadd.f32 $-1.000000000e+00, v0;
	_ =	sdelay $0x1  }
0x25a: {  	[tilespmem:s15+$0xFFFFFFF0] =	vst v0  }
0x25b: {  	v0 =	vld [tilespmem:s16+$0xC000];
	_ =	sdelay $0x4  }
0x25c: {  	v0 =	vcvt.s32.f32 v0;
	_ =	sdelay $0x1  }
0x25d: {  	v0 =	vmul.f32 $6.666666860e-01, v0;
	_ =	sdelay $0x1  }
0x25e: {  	v0 =	vadd.f32 $-1.000000000e+00, v0;
	_ =	sdelay $0x1  }
0x25f: {  	[tilespmem:s15+$0x0] =	vst v0  }
0x260: {  	v0 =	vld [tilespmem:s16+$0xC010];
	_ =	sdelay $0x4  }
0x261: {  	v0 =	vcvt.s32.f32 v0;
	_ =	sdelay $0x1  }
0x262: {  	v0 =	vmul.f32 $6.666666860e-01, v0;
	_ =	sdelay $0x1  }
0x263: {  	v0 =	vadd.f32 $-1.000000000e+00, v0;
	_ =	sdelay $0x1  }
0x264: {  	[tilespmem:s15+$0x10] =	vst v0  }
0x265: {  	v0 =	vld [tilespmem:s16+$0xC020];
	_ =	sdelay $0x4  }
0x266: {  	v0 =	vcvt.s32.f32 v0;
	_ =	sdelay $0x1  }
0x267: {  	v0 =	vmul.f32 $6.666666860e-01, v0;
	_ =	sdelay $0x1  }
0x268: {  	v0 =	vadd.f32 $-1.000000000e+00, v0;
	_ =	sdelay $0x1  }
0x269: {  	[tilespmem:s15+$0x20] =	vst v0  }
0x26a: {  	v0 =	vld [tilespmem:s16+$0xC030];
	_ =	sdelay $0x4  }
0x26b: {  	v0 =	vcvt.s32.f32 v0;
	_ =	sdelay $0x1  }
0x26c: {  	v0 =	vmul.f32 $6.666666860e-01, v0;
	_ =	sdelay $0x1  }
0x26d: {  	v0 =	vadd.f32 $-1.000000000e+00, v0;
	_ =	sdelay $0x1  }
0x26e: {  	[tilespmem:s15+$0x30] =	vst v0  }
0x26f: {  	v0 =	vld [tilespmem:s16+$0xC040];
	_ =	sdelay $0x4  }
0x270: {  	v0 =	vcvt.s32.f32 v0;
	_ =	sdelay $0x1  }
0x271: {  	v0 =	vmul.f32 $6.666666860e-01, v0;
	_ =	sdelay $0x1  }
0x272: {  	v0 =	vadd.f32 $-1.000000000e+00, v0;
	_ =	sdelay $0x1  }
0x273: {  	[tilespmem:s15+$0x40] =	vst v0  }
0x274: {  	v0 =	vld [tilespmem:s16+$0xC050];
	_ =	sdelay $0x4  }
0x275: {  	v0 =	vcvt.s32.f32 v0;
	_ =	sdelay $0x1  }
0x276: {  	v0 =	vmul.f32 $6.666666860e-01, v0;
	_ =	sdelay $0x1  }
0x277: {  	v0 =	vadd.f32 $-1.000000000e+00, v0;
	_ =	sdelay $0x1  }
0x278: {  	[tilespmem:s15+$0x50] =	vst v0  }
0x279: {  	v0 =	vld [tilespmem:s16+$0xC060];
	_ =	sdelay $0x4  }
0x27a: {  	v0 =	vcvt.s32.f32 v0;
	_ =	sdelay $0x1  }
0x27b: {  	v0 =	vmul.f32 $6.666666860e-01, v0;
	_ =	sdelay $0x1  }
0x27c: {  	v0 =	vadd.f32 $-1.000000000e+00, v0;
	_ =	sdelay $0x1  }
0x27d: {  	[tilespmem:s15+$0x60] =	vst v0  }
0x27e: {  	v0 =	vld [tilespmem:s16+$0xC070];
	_ =	sdelay $0x4  }
0x27f: {  	v0 =	vcvt.s32.f32 v0;
	_ =	sdelay $0x1  }
0x280: {  	v0 =	vmul.f32 $6.666666860e-01, v0;
	_ =	sdelay $0x1  }
0x281: {  	v0 =	vadd.f32 $-1.000000000e+00, v0;
	_ =	sdelay $0x1  }
0x282: {  	s16 =	simm.s32 $0x0;
	[tilespmem:s15+$0x70] =	vst v0  }
0x283: {  	[hbm4b:s6+s16] =	stream.linear.scatter [tilespmem:s1], [sflag:$0x3], $0x8000, $0x38;
	[tilespmem:$0x18000] =	vst v63  }
0x284: {  	_ =	swait.ge [sflag:s0], $0x8000  }
0x285: {  	[sflag:s0] =	ssyncset.done $0x0  }
0x286: {  	[sflag:s0] =	ssyncadd.s32 $0xFFFF8000  }
0x287: {  	[tilespmem:s29], [sflag:$0x2] =	stream.strided.gather [hbm4b:s7+s25], $0x4000, s26, s25, $0x38;
	[tilespmem:$0x18000] =	vst v63  }
0x288: {  	_ = 	snop  }
0x289: {  	[tilespmem:s30], [sflag:$0x2] =	stream.strided.gather [hbm4b:s8+s25], $0x4000, s26, s25, $0x38;
	[tilespmem:$0x18000] =	vst v63  }
0x28a: {  	_ =	swait.ge [sflag:s31], $0x4000  }
0x28b: {  	[sflag:s31] =	ssyncset.done $0x0  }
0x28c: {  	[sflag:s31] =	ssyncadd.s32 $0xFFFFC000  }
0x28d: {  	_ =	swait.ge [sflag:s31], $0x4000  }
0x28e: {  	[sflag:s31] =	ssyncset.done $0x0  }
0x28f: {  	s17 =	simm.s32 $0x0;
	[sflag:s31] =	ssyncadd.s32 $0xFFFFC000  }
0x290: {  	v63 =	vld [tilespmem:s17+$0x0];
	_ =	sdelay $0x4  }
0x291: {  	v0 =	vcvt.s32.f32 v63;
	_ =	sdelay $0x1  }
0x292: {  	v0 =	vmul.f32 $6.666666860e-01, v0;
	_ =	sdelay $0x1  }
0x293: {  	v0 =	vadd.f32 $-1.000000000e+00, v0  }
0x294: {  	s15 =	simm.s32 $0x10080  }
0x295: {  	[tilespmem:s15+$0xFFFFFF80] =	vst v0  }
0x296: {  	v0 =	vld [tilespmem:s17+$0x10];
	_ =	sdelay $0x4  }
0x297: {  	v0 =	vcvt.s32.f32 v0;
	_ =	sdelay $0x1  }
0x298: {  	v0 =	vmul.f32 $6.666666860e-01, v0;
	_ =	sdelay $0x1  }
0x299: {  	v0 =	vadd.f32 $-1.000000000e+00, v0;
	_ =	sdelay $0x1  }
0x29a: {  	[tilespmem:s15+$0xFFFFFF90] =	vst v0  }
0x29b: {  	v0 =	vld [tilespmem:s17+$0x20];
	_ =	sdelay $0x4  }
0x29c: {  	v0 =	vcvt.s32.f32 v0;
	_ =	sdelay $0x1  }
0x29d: {  	v0 =	vmul.f32 $6.666666860e-01, v0;
	_ =	sdelay $0x1  }
0x29e: {  	v0 =	vadd.f32 $-1.000000000e+00, v0;
	_ =	sdelay $0x1  }
0x29f: {  	[tilespmem:s15+$0xFFFFFFA0] =	vst v0  }
0x2a0: {  	v0 =	vld [tilespmem:s17+$0x30];
	_ =	sdelay $0x4  }
0x2a1: {  	v0 =	vcvt.s32.f32 v0;
	_ =	sdelay $0x1  }
0x2a2: {  	v0 =	vmul.f32 $6.666666860e-01, v0;
	_ =	sdelay $0x1  }
0x2a3: {  	v0 =	vadd.f32 $-1.000000000e+00, v0;
	_ =	sdelay $0x1  }
0x2a4: {  	[tilespmem:s15+$0xFFFFFFB0] =	vst v0  }
0x2a5: {  	v0 =	vld [tilespmem:s17+$0x40];
	_ =	sdelay $0x4  }
0x2a6: {  	v0 =	vcvt.s32.f32 v0;
	_ =	sdelay $0x1  }
0x2a7: {  	v0 =	vmul.f32 $6.666666860e-01, v0;
	_ =	sdelay $0x1  }
0x2a8: {  	v0 =	vadd.f32 $-1.000000000e+00, v0;
	_ =	sdelay $0x1  }
0x2a9: {  	[tilespmem:s15+$0xFFFFFFC0] =	vst v0  }
0x2aa: {  	v0 =	vld [tilespmem:s17+$0x50];
	_ =	sdelay $0x4  }
0x2ab: {  	v0 =	vcvt.s32.f32 v0;
	_ =	sdelay $0x1  }
0x2ac: {  	v0 =	vmul.f32 $6.666666860e-01, v0;
	_ =	sdelay $0x1  }
0x2ad: {  	v0 =	vadd.f32 $-1.000000000e+00, v0;
	_ =	sdelay $0x1  }
0x2ae: {  	[tilespmem:s15+$0xFFFFFFD0] =	vst v0  }
0x2af: {  	v0 =	vld [tilespmem:s17+$0x60];
	_ =	sdelay $0x4  }
0x2b0: {  	v0 =	vcvt.s32.f32 v0;
	_ =	sdelay $0x1  }
0x2b1: {  	v0 =	vmul.f32 $6.666666860e-01, v0;
	_ =	sdelay $0x1  }
0x2b2: {  	v0 =	vadd.f32 $-1.000000000e+00, v0;
	_ =	sdelay $0x1  }
0x2b3: {  	[tilespmem:s15+$0xFFFFFFE0] =	vst v0  }
0x2b4: {  	v0 =	vld [tilespmem:s17+$0x70];
	_ =	sdelay $0x4  }
0x2b5: {  	v0 =	vcvt.s32.f32 v0;
	_ =	sdelay $0x1  }
0x2b6: {  	v0 =	vmul.f32 $6.666666860e-01, v0;
	_ =	sdelay $0x1  }
0x2b7: {  	v0 =	vadd.f32 $-1.000000000e+00, v0;
	_ =	sdelay $0x1  }
0x2b8: {  	[tilespmem:s15+$0xFFFFFFF0] =	vst v0  }
0x2b9: {  	v0 =	vld [tilespmem:s17+$0x4000];
	_ =	sdelay $0x4  }
0x2ba: {  	v0 =	vcvt.s32.f32 v0;
	_ =	sdelay $0x1  }
0x2bb: {  	v0 =	vmul.f32 $6.666666860e-01, v0;
	_ =	sdelay $0x1  }
0x2bc: {  	v0 =	vadd.f32 $-1.000000000e+00, v0;
	_ =	sdelay $0x1  }
0x2bd: {  	[tilespmem:s15+$0x0] =	vst v0  }
0x2be: {  	v0 =	vld [tilespmem:s17+$0x4010];
	_ =	sdelay $0x4  }
0x2bf: {  	v0 =	vcvt.s32.f32 v0;
	_ =	sdelay $0x1  }
0x2c0: {  	v0 =	vmul.f32 $6.666666860e-01, v0;
	_ =	sdelay $0x1  }
0x2c1: {  	v0 =	vadd.f32 $-1.000000000e+00, v0;
	_ =	sdelay $0x1  }
0x2c2: {  	[tilespmem:s15+$0x10] =	vst v0  }
0x2c3: {  	v0 =	vld [tilespmem:s17+$0x4020];
	_ =	sdelay $0x4  }
0x2c4: {  	v0 =	vcvt.s32.f32 v0;
	_ =	sdelay $0x1  }
0x2c5: {  	v0 =	vmul.f32 $6.666666860e-01, v0;
	_ =	sdelay $0x1  }
0x2c6: {  	v0 =	vadd.f32 $-1.000000000e+00, v0;
	_ =	sdelay $0x1  }
0x2c7: {  	[tilespmem:s15+$0x20] =	vst v0  }
0x2c8: {  	v0 =	vld [tilespmem:s17+$0x4030];
	_ =	sdelay $0x4  }
0x2c9: {  	v0 =	vcvt.s32.f32 v0;
	_ =	sdelay $0x1  }
0x2ca: {  	v0 =	vmul.f32 $6.666666860e-01, v0;
	_ =	sdelay $0x1  }
0x2cb: {  	v0 =	vadd.f32 $-1.000000000e+00, v0;
	_ =	sdelay $0x1  }
0x2cc: {  	[tilespmem:s15+$0x30] =	vst v0  }
0x2cd: {  	v0 =	vld [tilespmem:s17+$0x4040];
	_ =	sdelay $0x4  }
0x2ce: {  	v0 =	vcvt.s32.f32 v0;
	_ =	sdelay $0x1  }
0x2cf: {  	v0 =	vmul.f32 $6.666666860e-01, v0;
	_ =	sdelay $0x1  }
0x2d0: {  	v0 =	vadd.f32 $-1.000000000e+00, v0;
	_ =	sdelay $0x1  }
0x2d1: {  	[tilespmem:s15+$0x40] =	vst v0  }
0x2d2: {  	v0 =	vld [tilespmem:s17+$0x4050];
	_ =	sdelay $0x4  }
0x2d3: {  	v0 =	vcvt.s32.f32 v0;
	_ =	sdelay $0x1  }
0x2d4: {  	v0 =	vmul.f32 $6.666666860e-01, v0;
	_ =	sdelay $0x1  }
0x2d5: {  	v0 =	vadd.f32 $-1.000000000e+00, v0;
	_ =	sdelay $0x1  }
0x2d6: {  	[tilespmem:s15+$0x50] =	vst v0  }
0x2d7: {  	v0 =	vld [tilespmem:s17+$0x4060];
	_ =	sdelay $0x4  }
0x2d8: {  	v0 =	vcvt.s32.f32 v0;
	_ =	sdelay $0x1  }
0x2d9: {  	v0 =	vmul.f32 $6.666666860e-01, v0;
	_ =	sdelay $0x1  }
0x2da: {  	v0 =	vadd.f32 $-1.000000000e+00, v0;
	_ =	sdelay $0x1  }
0x2db: {  	[tilespmem:s15+$0x60] =	vst v0  }
0x2dc: {  	v0 =	vld [tilespmem:s17+$0x4070];
	_ =	sdelay $0x4  }
0x2dd: {  	v0 =	vcvt.s32.f32 v0;
	_ =	sdelay $0x1  }
0x2de: {  	v0 =	vmul.f32 $6.666666860e-01, v0;
	_ =	sdelay $0x1  }
0x2df: {  	v0 =	vadd.f32 $-1.000000000e+00, v0;
	_ =	sdelay $0x1  }
0x2e0: {  	s16 =	simm.s32 $0x80;
	s17 =	simm.s32 $0x400;
	[tilespmem:s15+$0x70] =	vst v0  }
.LBB2_7:
0x2e1: {  	p1 =	sne.s32 s17, $0xFE00;
	v0 =	vld [tilespmem:s16+$0x0];
	_ =	sdelay $0x4  }
0x2e2: {  	v0 =	vcvt.s32.f32 v0;
	_ =	sdelay $0x1  }
0x2e3: {  	v0 =	vmul.f32 $6.666666860e-01, v0;
	_ =	sdelay $0x1  }
0x2e4: {  	v0 =	vadd.f32 $-1.000000000e+00, v0  }
0x2e5: {  	s15 =	sadd.s32 $0x100, s15  }
0x2e6: {  	[tilespmem:s15+$0xFFFFFF80] =	vst v0  }
0x2e7: {  	v0 =	vld [tilespmem:s16+$0x10];
	_ =	sdelay $0x4  }
0x2e8: {  	v0 =	vcvt.s32.f32 v0;
	_ =	sdelay $0x1  }
0x2e9: {  	v0 =	vmul.f32 $6.666666860e-01, v0;
	_ =	sdelay $0x1  }
0x2ea: {  	v0 =	vadd.f32 $-1.000000000e+00, v0;
	_ =	sdelay $0x1  }
0x2eb: {  	[tilespmem:s15+$0xFFFFFF90] =	vst v0  }
0x2ec: {  	v0 =	vld [tilespmem:s16+$0x20];
	_ =	sdelay $0x4  }
0x2ed: {  	v0 =	vcvt.s32.f32 v0;
	_ =	sdelay $0x1  }
0x2ee: {  	v0 =	vmul.f32 $6.666666860e-01, v0;
	_ =	sdelay $0x1  }
0x2ef: {  	v0 =	vadd.f32 $-1.000000000e+00, v0;
	_ =	sdelay $0x1  }
0x2f0: {  	[tilespmem:s15+$0xFFFFFFA0] =	vst v0  }
0x2f1: {  	v0 =	vld [tilespmem:s16+$0x30];
	_ =	sdelay $0x4  }
0x2f2: {  	v0 =	vcvt.s32.f32 v0;
	_ =	sdelay $0x1  }
0x2f3: {  	v0 =	vmul.f32 $6.666666860e-01, v0;
	_ =	sdelay $0x1  }
0x2f4: {  	v0 =	vadd.f32 $-1.000000000e+00, v0;
	_ =	sdelay $0x1  }
0x2f5: {  	[tilespmem:s15+$0xFFFFFFB0] =	vst v0  }
0x2f6: {  	v0 =	vld [tilespmem:s16+$0x40];
	_ =	sdelay $0x4  }
0x2f7: {  	v0 =	vcvt.s32.f32 v0;
	_ =	sdelay $0x1  }
0x2f8: {  	v0 =	vmul.f32 $6.666666860e-01, v0;
	_ =	sdelay $0x1  }
0x2f9: {  	v0 =	vadd.f32 $-1.000000000e+00, v0;
	_ =	sdelay $0x1  }
0x2fa: {  	[tilespmem:s15+$0xFFFFFFC0] =	vst v0  }
0x2fb: {  	v0 =	vld [tilespmem:s16+$0x50];
	_ =	sdelay $0x4  }
0x2fc: {  	v0 =	vcvt.s32.f32 v0;
	_ =	sdelay $0x1  }
0x2fd: {  	v0 =	vmul.f32 $6.666666860e-01, v0;
	_ =	sdelay $0x1  }
0x2fe: {  	v0 =	vadd.f32 $-1.000000000e+00, v0;
	_ =	sdelay $0x1  }
0x2ff: {  	[tilespmem:s15+$0xFFFFFFD0] =	vst v0  }
0x300: {  	v0 =	vld [tilespmem:s16+$0x60];
	_ =	sdelay $0x4  }
0x301: {  	v0 =	vcvt.s32.f32 v0;
	_ =	sdelay $0x1  }
0x302: {  	v0 =	vmul.f32 $6.666666860e-01, v0;
	_ =	sdelay $0x1  }
0x303: {  	v0 =	vadd.f32 $-1.000000000e+00, v0;
	_ =	sdelay $0x1  }
0x304: {  	[tilespmem:s15+$0xFFFFFFE0] =	vst v0  }
0x305: {  	v0 =	vld [tilespmem:s16+$0x70];
	_ =	sdelay $0x4  }
0x306: {  	v0 =	vcvt.s32.f32 v0;
	_ =	sdelay $0x1  }
0x307: {  	v0 =	vmul.f32 $6.666666860e-01, v0;
	_ =	sdelay $0x1  }
0x308: {  	v0 =	vadd.f32 $-1.000000000e+00, v0;
	_ =	sdelay $0x1  }
0x309: {  	[tilespmem:s15+$0xFFFFFFF0] =	vst v0  }
0x30a: {  	v0 =	vld [tilespmem:s16+$0x4000];
	_ =	sdelay $0x4  }
0x30b: {  	v0 =	vcvt.s32.f32 v0;
	_ =	sdelay $0x1  }
0x30c: {  	v0 =	vmul.f32 $6.666666860e-01, v0;
	_ =	sdelay $0x1  }
0x30d: {  	v0 =	vadd.f32 $-1.000000000e+00, v0;
	_ =	sdelay $0x1  }
0x30e: {  	[tilespmem:s15+$0x0] =	vst v0  }
0x30f: {  	v0 =	vld [tilespmem:s16+$0x4010];
	_ =	sdelay $0x4  }
0x310: {  	v0 =	vcvt.s32.f32 v0;
	_ =	sdelay $0x1  }
0x311: {  	v0 =	vmul.f32 $6.666666860e-01, v0;
	_ =	sdelay $0x1  }
0x312: {  	v0 =	vadd.f32 $-1.000000000e+00, v0;
	_ =	sdelay $0x1  }
0x313: {  	[tilespmem:s15+$0x10] =	vst v0  }
0x314: {  	v0 =	vld [tilespmem:s16+$0x4020];
	_ =	sdelay $0x4  }
0x315: {  	v0 =	vcvt.s32.f32 v0;
	_ =	sdelay $0x1  }
0x316: {  	v0 =	vmul.f32 $6.666666860e-01, v0;
	_ =	sdelay $0x1  }
0x317: {  	v0 =	vadd.f32 $-1.000000000e+00, v0;
	_ =	sdelay $0x1  }
0x318: {  	[tilespmem:s15+$0x20] =	vst v0  }
0x319: {  	v0 =	vld [tilespmem:s16+$0x4030];
	_ =	sdelay $0x4  }
0x31a: {  	v0 =	vcvt.s32.f32 v0;
	_ =	sdelay $0x1  }
0x31b: {  	v0 =	vmul.f32 $6.666666860e-01, v0;
	_ =	sdelay $0x1  }
0x31c: {  	v0 =	vadd.f32 $-1.000000000e+00, v0;
	_ =	sdelay $0x1  }
0x31d: {  	[tilespmem:s15+$0x30] =	vst v0  }
0x31e: {  	v0 =	vld [tilespmem:s16+$0x4040];
	_ =	sdelay $0x4  }
0x31f: {  	v0 =	vcvt.s32.f32 v0;
	_ =	sdelay $0x1  }
0x320: {  	v0 =	vmul.f32 $6.666666860e-01, v0;
	_ =	sdelay $0x1  }
0x321: {  	v0 =	vadd.f32 $-1.000000000e+00, v0;
	_ =	sdelay $0x1  }
0x322: {  	[tilespmem:s15+$0x40] =	vst v0  }
0x323: {  	v0 =	vld [tilespmem:s16+$0x4050];
	_ =	sdelay $0x4  }
0x324: {  	v0 =	vcvt.s32.f32 v0;
	_ =	sdelay $0x1  }
0x325: {  	v0 =	vmul.f32 $6.666666860e-01, v0;
	_ =	sdelay $0x1  }
0x326: {  	v0 =	vadd.f32 $-1.000000000e+00, v0;
	_ =	sdelay $0x1  }
0x327: {  	[tilespmem:s15+$0x50] =	vst v0  }
0x328: {  	v0 =	vld [tilespmem:s16+$0x4060];
	_ =	sdelay $0x4  }
0x329: {  	v0 =	vcvt.s32.f32 v0;
	_ =	sdelay $0x1  }
0x32a: {  	v0 =	vmul.f32 $6.666666860e-01, v0;
	_ =	sdelay $0x1  }
0x32b: {  	v0 =	vadd.f32 $-1.000000000e+00, v0;
	_ =	sdelay $0x1  }
0x32c: {  	[tilespmem:s15+$0x60] =	vst v0  }
0x32d: {  	v0 =	vld [tilespmem:s16+$0x4070];
	_ =	sdelay $0x4  }
0x32e: {  	v0 =	vcvt.s32.f32 v0;
	_ =	sdelay $0x1  }
.Ltmp5:
0x32f: {  	v0 =	vmul.f32 $6.666666860e-01, v0;
	(pc) =	sbr.rel @p1 .LBB2_7-.Ltmp5, $3  }
0x330: {  	_ = 	snop  }
0x331: {  	v0 =	vadd.f32 $-1.000000000e+00, v0;
	_ =	sdelay $0x1  }
0x332: {  	s16 =	sshra.s32 s17, $0x2;
	s17 =	sadd.s32 $0x200, s17;
	[tilespmem:s15+$0x70] =	vst v0  }
0x333: {  	v0 =	vld [tilespmem:s16+$0x0];
	_ =	sdelay $0x4  }
0x334: {  	v0 =	vcvt.s32.f32 v0;
	_ =	sdelay $0x1  }
0x335: {  	v0 =	vmul.f32 $6.666666860e-01, v0;
	_ =	sdelay $0x1  }
0x336: {  	v0 =	vadd.f32 $-1.000000000e+00, v0  }
0x337: {  	s15 =	sadd.s32 $0x100, s15  }
0x338: {  	[tilespmem:s15+$0xFFFFFF80] =	vst v0  }
0x339: {  	v0 =	vld [tilespmem:s16+$0x10];
	_ =	sdelay $0x4  }
0x33a: {  	v0 =	vcvt.s32.f32 v0;
	_ =	sdelay $0x1  }
0x33b: {  	v0 =	vmul.f32 $6.666666860e-01, v0;
	_ =	sdelay $0x1  }
0x33c: {  	v0 =	vadd.f32 $-1.000000000e+00, v0;
	_ =	sdelay $0x1  }
0x33d: {  	[tilespmem:s15+$0xFFFFFF90] =	vst v0  }
0x33e: {  	v0 =	vld [tilespmem:s16+$0x20];
	_ =	sdelay $0x4  }
0x33f: {  	v0 =	vcvt.s32.f32 v0;
	_ =	sdelay $0x1  }
0x340: {  	v0 =	vmul.f32 $6.666666860e-01, v0;
	_ =	sdelay $0x1  }
0x341: {  	v0 =	vadd.f32 $-1.000000000e+00, v0;
	_ =	sdelay $0x1  }
0x342: {  	[tilespmem:s15+$0xFFFFFFA0] =	vst v0  }
0x343: {  	v0 =	vld [tilespmem:s16+$0x30];
	_ =	sdelay $0x4  }
0x344: {  	v0 =	vcvt.s32.f32 v0;
	_ =	sdelay $0x1  }
0x345: {  	v0 =	vmul.f32 $6.666666860e-01, v0;
	_ =	sdelay $0x1  }
0x346: {  	v0 =	vadd.f32 $-1.000000000e+00, v0;
	_ =	sdelay $0x1  }
0x347: {  	[tilespmem:s15+$0xFFFFFFB0] =	vst v0  }
0x348: {  	v0 =	vld [tilespmem:s16+$0x40];
	_ =	sdelay $0x4  }
0x349: {  	v0 =	vcvt.s32.f32 v0;
	_ =	sdelay $0x1  }
0x34a: {  	v0 =	vmul.f32 $6.666666860e-01, v0;
	_ =	sdelay $0x1  }
0x34b: {  	v0 =	vadd.f32 $-1.000000000e+00, v0;
	_ =	sdelay $0x1  }
0x34c: {  	[tilespmem:s15+$0xFFFFFFC0] =	vst v0  }
0x34d: {  	v0 =	vld [tilespmem:s16+$0x50];
	_ =	sdelay $0x4  }
0x34e: {  	v0 =	vcvt.s32.f32 v0;
	_ =	sdelay $0x1  }
0x34f: {  	v0 =	vmul.f32 $6.666666860e-01, v0;
	_ =	sdelay $0x1  }
0x350: {  	v0 =	vadd.f32 $-1.000000000e+00, v0;
	_ =	sdelay $0x1  }
0x351: {  	[tilespmem:s15+$0xFFFFFFD0] =	vst v0  }
0x352: {  	v0 =	vld [tilespmem:s16+$0x60];
	_ =	sdelay $0x4  }
0x353: {  	v0 =	vcvt.s32.f32 v0;
	_ =	sdelay $0x1  }
0x354: {  	v0 =	vmul.f32 $6.666666860e-01, v0;
	_ =	sdelay $0x1  }
0x355: {  	v0 =	vadd.f32 $-1.000000000e+00, v0;
	_ =	sdelay $0x1  }
0x356: {  	[tilespmem:s15+$0xFFFFFFE0] =	vst v0  }
0x357: {  	v0 =	vld [tilespmem:s16+$0x70];
	_ =	sdelay $0x4  }
0x358: {  	v0 =	vcvt.s32.f32 v0;
	_ =	sdelay $0x1  }
0x359: {  	v0 =	vmul.f32 $6.666666860e-01, v0;
	_ =	sdelay $0x1  }
0x35a: {  	v0 =	vadd.f32 $-1.000000000e+00, v0;
	_ =	sdelay $0x1  }
0x35b: {  	[tilespmem:s15+$0xFFFFFFF0] =	vst v0  }
0x35c: {  	v0 =	vld [tilespmem:s16+$0x4000];
	_ =	sdelay $0x4  }
0x35d: {  	v0 =	vcvt.s32.f32 v0;
	_ =	sdelay $0x1  }
0x35e: {  	v0 =	vmul.f32 $6.666666860e-01, v0;
	_ =	sdelay $0x1  }
0x35f: {  	v0 =	vadd.f32 $-1.000000000e+00, v0;
	_ =	sdelay $0x1  }
0x360: {  	[tilespmem:s15+$0x0] =	vst v0  }
0x361: {  	v0 =	vld [tilespmem:s16+$0x4010];
	_ =	sdelay $0x4  }
0x362: {  	v0 =	vcvt.s32.f32 v0;
	_ =	sdelay $0x1  }
0x363: {  	v0 =	vmul.f32 $6.666666860e-01, v0;
	_ =	sdelay $0x1  }
0x364: {  	v0 =	vadd.f32 $-1.000000000e+00, v0;
	_ =	sdelay $0x1  }
0x365: {  	[tilespmem:s15+$0x10] =	vst v0  }
0x366: {  	v0 =	vld [tilespmem:s16+$0x4020];
	_ =	sdelay $0x4  }
0x367: {  	v0 =	vcvt.s32.f32 v0;
	_ =	sdelay $0x1  }
0x368: {  	v0 =	vmul.f32 $6.666666860e-01, v0;
	_ =	sdelay $0x1  }
0x369: {  	v0 =	vadd.f32 $-1.000000000e+00, v0;
	_ =	sdelay $0x1  }
0x36a: {  	[tilespmem:s15+$0x20] =	vst v0  }
0x36b: {  	v0 =	vld [tilespmem:s16+$0x4030];
	_ =	sdelay $0x4  }
0x36c: {  	v0 =	vcvt.s32.f32 v0;
	_ =	sdelay $0x1  }
0x36d: {  	v0 =	vmul.f32 $6.666666860e-01, v0;
	_ =	sdelay $0x1  }
0x36e: {  	v0 =	vadd.f32 $-1.000000000e+00, v0;
	_ =	sdelay $0x1  }
0x36f: {  	[tilespmem:s15+$0x30] =	vst v0  }
0x370: {  	v0 =	vld [tilespmem:s16+$0x4040];
	_ =	sdelay $0x4  }
0x371: {  	v0 =	vcvt.s32.f32 v0;
	_ =	sdelay $0x1  }
0x372: {  	v0 =	vmul.f32 $6.666666860e-01, v0;
	_ =	sdelay $0x1  }
0x373: {  	v0 =	vadd.f32 $-1.000000000e+00, v0;
	_ =	sdelay $0x1  }
0x374: {  	[tilespmem:s15+$0x40] =	vst v0  }
0x375: {  	v0 =	vld [tilespmem:s16+$0x4050];
	_ =	sdelay $0x4  }
0x376: {  	v0 =	vcvt.s32.f32 v0;
	_ =	sdelay $0x1  }
0x377: {  	v0 =	vmul.f32 $6.666666860e-01, v0;
	_ =	sdelay $0x1  }
0x378: {  	v0 =	vadd.f32 $-1.000000000e+00, v0;
	_ =	sdelay $0x1  }
0x379: {  	[tilespmem:s15+$0x50] =	vst v0  }
0x37a: {  	v0 =	vld [tilespmem:s16+$0x4060];
	_ =	sdelay $0x4  }
0x37b: {  	v0 =	vcvt.s32.f32 v0;
	_ =	sdelay $0x1  }
0x37c: {  	v0 =	vmul.f32 $6.666666860e-01, v0;
	_ =	sdelay $0x1  }
0x37d: {  	v0 =	vadd.f32 $-1.000000000e+00, v0;
	_ =	sdelay $0x1  }
0x37e: {  	[tilespmem:s15+$0x60] =	vst v0  }
0x37f: {  	v0 =	vld [tilespmem:s16+$0x4070];
	_ =	sdelay $0x4  }
0x380: {  	v0 =	vcvt.s32.f32 v0;
	_ =	sdelay $0x1  }
0x381: {  	v0 =	vmul.f32 $6.666666860e-01, v0;
	_ =	sdelay $0x1  }
0x382: {  	v0 =	vadd.f32 $-1.000000000e+00, v0;
	_ =	sdelay $0x1  }
0x383: {  	[tilespmem:s15+$0x70] =	vst v0  }
0x384: {  	[hbm4b:s9+s2] =	stream.linear.scatter [tilespmem:s1], [sflag:$0x3], $0x8000, $0x38;
	[tilespmem:$0x18000] =	vst v63  }
0x385: {  	_ =	swait.ge [sflag:s0], $0x8000  }
0x386: {  	s17 =	simm.s32 @!p0 $0x0;
	[sflag:s0] =	ssyncset.done $0x0  }
0x387: {  	s16 =	simm.s32 @!p0 $0x400;
	s15 =	simm.s32 @!p0 $0x80;
	[sflag:s0] =	ssyncadd.s32 $0xFFFF8000  }
0x388: {  	[tilespmem:s17], [sflag:$0x1] =	stream.strided.gather @!p0 [hbm4b:s10+s15], $0x4000, s16, s15, $0x38;
	[tilespmem:$0x18000] =	vst v63  }
0x389: {  	s17 =	simm.s32 @!p0 $0x4000  }
0x38a: {  	[tilespmem:s17], [sflag:$0x1] =	stream.strided.gather @!p0 [hbm4b:s11+s15], $0x4000, s16, s15, $0x38;
	[tilespmem:$0x18000] =	vst v63  }
0x38b: {  	_ =	swait.ge [sflag:s13], $0x4000  }
0x38c: {  	[sflag:s13] =	ssyncset.done $0x0  }
0x38d: {  	[sflag:s13] =	ssyncadd.s32 $0xFFFFC000  }
0x38e: {  	_ =	swait.ge [sflag:s13], $0x4000  }
0x38f: {  	[sflag:s13] =	ssyncset.done $0x0  }
0x390: {  	s17 =	simm.s32 $0x0;
	[sflag:s13] =	ssyncadd.s32 $0xFFFFC000  }
0x391: {  	v63 =	vld [tilespmem:s17+$0x8000];
	_ =	sdelay $0x4  }
0x392: {  	v0 =	vcvt.s32.f32 v63;
	_ =	sdelay $0x1  }
0x393: {  	v0 =	vmul.f32 $6.666666860e-01, v0;
	_ =	sdelay $0x1  }
0x394: {  	v0 =	vadd.f32 $-1.000000000e+00, v0  }
0x395: {  	s15 =	simm.s32 $0x10080  }
0x396: {  	[tilespmem:s15+$0xFFFFFF80] =	vst v0  }
0x397: {  	v0 =	vld [tilespmem:s17+$0x8010];
	_ =	sdelay $0x4  }
0x398: {  	v0 =	vcvt.s32.f32 v0;
	_ =	sdelay $0x1  }
0x399: {  	v0 =	vmul.f32 $6.666666860e-01, v0;
	_ =	sdelay $0x1  }
0x39a: {  	v0 =	vadd.f32 $-1.000000000e+00, v0;
	_ =	sdelay $0x1  }
0x39b: {  	[tilespmem:s15+$0xFFFFFF90] =	vst v0  }
0x39c: {  	v0 =	vld [tilespmem:s17+$0x8020];
	_ =	sdelay $0x4  }
0x39d: {  	v0 =	vcvt.s32.f32 v0;
	_ =	sdelay $0x1  }
0x39e: {  	v0 =	vmul.f32 $6.666666860e-01, v0;
	_ =	sdelay $0x1  }
0x39f: {  	v0 =	vadd.f32 $-1.000000000e+00, v0;
	_ =	sdelay $0x1  }
0x3a0: {  	[tilespmem:s15+$0xFFFFFFA0] =	vst v0  }
0x3a1: {  	v0 =	vld [tilespmem:s17+$0x8030];
	_ =	sdelay $0x4  }
0x3a2: {  	v0 =	vcvt.s32.f32 v0;
	_ =	sdelay $0x1  }
0x3a3: {  	v0 =	vmul.f32 $6.666666860e-01, v0;
	_ =	sdelay $0x1  }
0x3a4: {  	v0 =	vadd.f32 $-1.000000000e+00, v0;
	_ =	sdelay $0x1  }
0x3a5: {  	[tilespmem:s15+$0xFFFFFFB0] =	vst v0  }
0x3a6: {  	v0 =	vld [tilespmem:s17+$0x8040];
	_ =	sdelay $0x4  }
0x3a7: {  	v0 =	vcvt.s32.f32 v0;
	_ =	sdelay $0x1  }
0x3a8: {  	v0 =	vmul.f32 $6.666666860e-01, v0;
	_ =	sdelay $0x1  }
0x3a9: {  	v0 =	vadd.f32 $-1.000000000e+00, v0;
	_ =	sdelay $0x1  }
0x3aa: {  	[tilespmem:s15+$0xFFFFFFC0] =	vst v0  }
0x3ab: {  	v0 =	vld [tilespmem:s17+$0x8050];
	_ =	sdelay $0x4  }
0x3ac: {  	v0 =	vcvt.s32.f32 v0;
	_ =	sdelay $0x1  }
0x3ad: {  	v0 =	vmul.f32 $6.666666860e-01, v0;
	_ =	sdelay $0x1  }
0x3ae: {  	v0 =	vadd.f32 $-1.000000000e+00, v0;
	_ =	sdelay $0x1  }
0x3af: {  	[tilespmem:s15+$0xFFFFFFD0] =	vst v0  }
0x3b0: {  	v0 =	vld [tilespmem:s17+$0x8060];
	_ =	sdelay $0x4  }
0x3b1: {  	v0 =	vcvt.s32.f32 v0;
	_ =	sdelay $0x1  }
0x3b2: {  	v0 =	vmul.f32 $6.666666860e-01, v0;
	_ =	sdelay $0x1  }
0x3b3: {  	v0 =	vadd.f32 $-1.000000000e+00, v0;
	_ =	sdelay $0x1  }
0x3b4: {  	[tilespmem:s15+$0xFFFFFFE0] =	vst v0  }
0x3b5: {  	v0 =	vld [tilespmem:s17+$0x8070];
	_ =	sdelay $0x4  }
0x3b6: {  	v0 =	vcvt.s32.f32 v0;
	_ =	sdelay $0x1  }
0x3b7: {  	v0 =	vmul.f32 $6.666666860e-01, v0;
	_ =	sdelay $0x1  }
0x3b8: {  	v0 =	vadd.f32 $-1.000000000e+00, v0;
	_ =	sdelay $0x1  }
0x3b9: {  	[tilespmem:s15+$0xFFFFFFF0] =	vst v0  }
0x3ba: {  	v0 =	vld [tilespmem:s17+$0xC000];
	_ =	sdelay $0x4  }
0x3bb: {  	v0 =	vcvt.s32.f32 v0;
	_ =	sdelay $0x1  }
0x3bc: {  	v0 =	vmul.f32 $6.666666860e-01, v0;
	_ =	sdelay $0x1  }
0x3bd: {  	v0 =	vadd.f32 $-1.000000000e+00, v0;
	_ =	sdelay $0x1  }
0x3be: {  	[tilespmem:s15+$0x0] =	vst v0  }
0x3bf: {  	v0 =	vld [tilespmem:s17+$0xC010];
	_ =	sdelay $0x4  }
0x3c0: {  	v0 =	vcvt.s32.f32 v0;
	_ =	sdelay $0x1  }
0x3c1: {  	v0 =	vmul.f32 $6.666666860e-01, v0;
	_ =	sdelay $0x1  }
0x3c2: {  	v0 =	vadd.f32 $-1.000000000e+00, v0;
	_ =	sdelay $0x1  }
0x3c3: {  	[tilespmem:s15+$0x10] =	vst v0  }
0x3c4: {  	v0 =	vld [tilespmem:s17+$0xC020];
	_ =	sdelay $0x4  }
0x3c5: {  	v0 =	vcvt.s32.f32 v0;
	_ =	sdelay $0x1  }
0x3c6: {  	v0 =	vmul.f32 $6.666666860e-01, v0;
	_ =	sdelay $0x1  }
0x3c7: {  	v0 =	vadd.f32 $-1.000000000e+00, v0;
	_ =	sdelay $0x1  }
0x3c8: {  	[tilespmem:s15+$0x20] =	vst v0  }
0x3c9: {  	v0 =	vld [tilespmem:s17+$0xC030];
	_ =	sdelay $0x4  }
0x3ca: {  	v0 =	vcvt.s32.f32 v0;
	_ =	sdelay $0x1  }
0x3cb: {  	v0 =	vmul.f32 $6.666666860e-01, v0;
	_ =	sdelay $0x1  }
0x3cc: {  	v0 =	vadd.f32 $-1.000000000e+00, v0;
	_ =	sdelay $0x1  }
0x3cd: {  	[tilespmem:s15+$0x30] =	vst v0  }
0x3ce: {  	v0 =	vld [tilespmem:s17+$0xC040];
	_ =	sdelay $0x4  }
0x3cf: {  	v0 =	vcvt.s32.f32 v0;
	_ =	sdelay $0x1  }
0x3d0: {  	v0 =	vmul.f32 $6.666666860e-01, v0;
	_ =	sdelay $0x1  }
0x3d1: {  	v0 =	vadd.f32 $-1.000000000e+00, v0;
	_ =	sdelay $0x1  }
0x3d2: {  	[tilespmem:s15+$0x40] =	vst v0  }
0x3d3: {  	v0 =	vld [tilespmem:s17+$0xC050];
	_ =	sdelay $0x4  }
0x3d4: {  	v0 =	vcvt.s32.f32 v0;
	_ =	sdelay $0x1  }
0x3d5: {  	v0 =	vmul.f32 $6.666666860e-01, v0;
	_ =	sdelay $0x1  }
0x3d6: {  	v0 =	vadd.f32 $-1.000000000e+00, v0;
	_ =	sdelay $0x1  }
0x3d7: {  	[tilespmem:s15+$0x50] =	vst v0  }
0x3d8: {  	v0 =	vld [tilespmem:s17+$0xC060];
	_ =	sdelay $0x4  }
0x3d9: {  	v0 =	vcvt.s32.f32 v0;
	_ =	sdelay $0x1  }
0x3da: {  	v0 =	vmul.f32 $6.666666860e-01, v0;
	_ =	sdelay $0x1  }
0x3db: {  	v0 =	vadd.f32 $-1.000000000e+00, v0;
	_ =	sdelay $0x1  }
0x3dc: {  	[tilespmem:s15+$0x60] =	vst v0  }
0x3dd: {  	v0 =	vld [tilespmem:s17+$0xC070];
	_ =	sdelay $0x4  }
0x3de: {  	v0 =	vcvt.s32.f32 v0;
	_ =	sdelay $0x1  }
0x3df: {  	v0 =	vmul.f32 $6.666666860e-01, v0;
	_ =	sdelay $0x1  }
0x3e0: {  	v0 =	vadd.f32 $-1.000000000e+00, v0;
	_ =	sdelay $0x1  }
0x3e1: {  	s16 =	simm.s32 $0x80;
	s17 =	simm.s32 $0x400;
	[tilespmem:s15+$0x70] =	vst v0  }
.LBB2_9:
0x3e2: {  	p1 =	sne.s32 s17, $0xFE00;
	v0 =	vld [tilespmem:s16+$0x8000];
	_ =	sdelay $0x4  }
0x3e3: {  	v0 =	vcvt.s32.f32 v0;
	_ =	sdelay $0x1  }
0x3e4: {  	v0 =	vmul.f32 $6.666666860e-01, v0;
	_ =	sdelay $0x1  }
0x3e5: {  	v0 =	vadd.f32 $-1.000000000e+00, v0  }
0x3e6: {  	s15 =	sadd.s32 $0x100, s15  }
0x3e7: {  	[tilespmem:s15+$0xFFFFFF80] =	vst v0  }
0x3e8: {  	v0 =	vld [tilespmem:s16+$0x8010];
	_ =	sdelay $0x4  }
0x3e9: {  	v0 =	vcvt.s32.f32 v0;
	_ =	sdelay $0x1  }
0x3ea: {  	v0 =	vmul.f32 $6.666666860e-01, v0;
	_ =	sdelay $0x1  }
0x3eb: {  	v0 =	vadd.f32 $-1.000000000e+00, v0;
	_ =	sdelay $0x1  }
0x3ec: {  	[tilespmem:s15+$0xFFFFFF90] =	vst v0  }
0x3ed: {  	v0 =	vld [tilespmem:s16+$0x8020];
	_ =	sdelay $0x4  }
0x3ee: {  	v0 =	vcvt.s32.f32 v0;
	_ =	sdelay $0x1  }
0x3ef: {  	v0 =	vmul.f32 $6.666666860e-01, v0;
	_ =	sdelay $0x1  }
0x3f0: {  	v0 =	vadd.f32 $-1.000000000e+00, v0;
	_ =	sdelay $0x1  }
0x3f1: {  	[tilespmem:s15+$0xFFFFFFA0] =	vst v0  }
0x3f2: {  	v0 =	vld [tilespmem:s16+$0x8030];
	_ =	sdelay $0x4  }
0x3f3: {  	v0 =	vcvt.s32.f32 v0;
	_ =	sdelay $0x1  }
0x3f4: {  	v0 =	vmul.f32 $6.666666860e-01, v0;
	_ =	sdelay $0x1  }
0x3f5: {  	v0 =	vadd.f32 $-1.000000000e+00, v0;
	_ =	sdelay $0x1  }
0x3f6: {  	[tilespmem:s15+$0xFFFFFFB0] =	vst v0  }
0x3f7: {  	v0 =	vld [tilespmem:s16+$0x8040];
	_ =	sdelay $0x4  }
0x3f8: {  	v0 =	vcvt.s32.f32 v0;
	_ =	sdelay $0x1  }
0x3f9: {  	v0 =	vmul.f32 $6.666666860e-01, v0;
	_ =	sdelay $0x1  }
0x3fa: {  	v0 =	vadd.f32 $-1.000000000e+00, v0;
	_ =	sdelay $0x1  }
0x3fb: {  	[tilespmem:s15+$0xFFFFFFC0] =	vst v0  }
0x3fc: {  	v0 =	vld [tilespmem:s16+$0x8050];
	_ =	sdelay $0x4  }
0x3fd: {  	v0 =	vcvt.s32.f32 v0;
	_ =	sdelay $0x1  }
0x3fe: {  	v0 =	vmul.f32 $6.666666860e-01, v0;
	_ =	sdelay $0x1  }
0x3ff: {  	v0 =	vadd.f32 $-1.000000000e+00, v0;
	_ =	sdelay $0x1  }
0x400: {  	[tilespmem:s15+$0xFFFFFFD0] =	vst v0  }
0x401: {  	v0 =	vld [tilespmem:s16+$0x8060];
	_ =	sdelay $0x4  }
0x402: {  	v0 =	vcvt.s32.f32 v0;
	_ =	sdelay $0x1  }
0x403: {  	v0 =	vmul.f32 $6.666666860e-01, v0;
	_ =	sdelay $0x1  }
0x404: {  	v0 =	vadd.f32 $-1.000000000e+00, v0;
	_ =	sdelay $0x1  }
0x405: {  	[tilespmem:s15+$0xFFFFFFE0] =	vst v0  }
0x406: {  	v0 =	vld [tilespmem:s16+$0x8070];
	_ =	sdelay $0x4  }
0x407: {  	v0 =	vcvt.s32.f32 v0;
	_ =	sdelay $0x1  }
0x408: {  	v0 =	vmul.f32 $6.666666860e-01, v0;
	_ =	sdelay $0x1  }
0x409: {  	v0 =	vadd.f32 $-1.000000000e+00, v0;
	_ =	sdelay $0x1  }
0x40a: {  	[tilespmem:s15+$0xFFFFFFF0] =	vst v0  }
0x40b: {  	v0 =	vld [tilespmem:s16+$0xC000];
	_ =	sdelay $0x4  }
0x40c: {  	v0 =	vcvt.s32.f32 v0;
	_ =	sdelay $0x1  }
0x40d: {  	v0 =	vmul.f32 $6.666666860e-01, v0;
	_ =	sdelay $0x1  }
0x40e: {  	v0 =	vadd.f32 $-1.000000000e+00, v0;
	_ =	sdelay $0x1  }
0x40f: {  	[tilespmem:s15+$0x0] =	vst v0  }
0x410: {  	v0 =	vld [tilespmem:s16+$0xC010];
	_ =	sdelay $0x4  }
0x411: {  	v0 =	vcvt.s32.f32 v0;
	_ =	sdelay $0x1  }
0x412: {  	v0 =	vmul.f32 $6.666666860e-01, v0;
	_ =	sdelay $0x1  }
0x413: {  	v0 =	vadd.f32 $-1.000000000e+00, v0;
	_ =	sdelay $0x1  }
0x414: {  	[tilespmem:s15+$0x10] =	vst v0  }
0x415: {  	v0 =	vld [tilespmem:s16+$0xC020];
	_ =	sdelay $0x4  }
0x416: {  	v0 =	vcvt.s32.f32 v0;
	_ =	sdelay $0x1  }
0x417: {  	v0 =	vmul.f32 $6.666666860e-01, v0;
	_ =	sdelay $0x1  }
0x418: {  	v0 =	vadd.f32 $-1.000000000e+00, v0;
	_ =	sdelay $0x1  }
0x419: {  	[tilespmem:s15+$0x20] =	vst v0  }
0x41a: {  	v0 =	vld [tilespmem:s16+$0xC030];
	_ =	sdelay $0x4  }
0x41b: {  	v0 =	vcvt.s32.f32 v0;
	_ =	sdelay $0x1  }
0x41c: {  	v0 =	vmul.f32 $6.666666860e-01, v0;
	_ =	sdelay $0x1  }
0x41d: {  	v0 =	vadd.f32 $-1.000000000e+00, v0;
	_ =	sdelay $0x1  }
0x41e: {  	[tilespmem:s15+$0x30] =	vst v0  }
0x41f: {  	v0 =	vld [tilespmem:s16+$0xC040];
	_ =	sdelay $0x4  }
0x420: {  	v0 =	vcvt.s32.f32 v0;
	_ =	sdelay $0x1  }
0x421: {  	v0 =	vmul.f32 $6.666666860e-01, v0;
	_ =	sdelay $0x1  }
0x422: {  	v0 =	vadd.f32 $-1.000000000e+00, v0;
	_ =	sdelay $0x1  }
0x423: {  	[tilespmem:s15+$0x40] =	vst v0  }
0x424: {  	v0 =	vld [tilespmem:s16+$0xC050];
	_ =	sdelay $0x4  }
0x425: {  	v0 =	vcvt.s32.f32 v0;
	_ =	sdelay $0x1  }
0x426: {  	v0 =	vmul.f32 $6.666666860e-01, v0;
	_ =	sdelay $0x1  }
0x427: {  	v0 =	vadd.f32 $-1.000000000e+00, v0;
	_ =	sdelay $0x1  }
0x428: {  	[tilespmem:s15+$0x50] =	vst v0  }
0x429: {  	v0 =	vld [tilespmem:s16+$0xC060];
	_ =	sdelay $0x4  }
0x42a: {  	v0 =	vcvt.s32.f32 v0;
	_ =	sdelay $0x1  }
0x42b: {  	v0 =	vmul.f32 $6.666666860e-01, v0;
	_ =	sdelay $0x1  }
0x42c: {  	v0 =	vadd.f32 $-1.000000000e+00, v0;
	_ =	sdelay $0x1  }
0x42d: {  	[tilespmem:s15+$0x60] =	vst v0  }
0x42e: {  	v0 =	vld [tilespmem:s16+$0xC070];
	_ =	sdelay $0x4  }
0x42f: {  	v0 =	vcvt.s32.f32 v0;
	_ =	sdelay $0x1  }
.Ltmp6:
0x430: {  	v0 =	vmul.f32 $6.666666860e-01, v0;
	(pc) =	sbr.rel @p1 .LBB2_9-.Ltmp6, $3  }
0x431: {  	_ = 	snop  }
0x432: {  	v0 =	vadd.f32 $-1.000000000e+00, v0;
	_ =	sdelay $0x1  }
0x433: {  	s16 =	sshra.s32 s17, $0x2;
	s17 =	sadd.s32 $0x200, s17;
	[tilespmem:s15+$0x70] =	vst v0  }
0x434: {  	v0 =	vld [tilespmem:s16+$0x8000];
	_ =	sdelay $0x4  }
0x435: {  	v0 =	vcvt.s32.f32 v0;
	_ =	sdelay $0x1  }
0x436: {  	v0 =	vmul.f32 $6.666666860e-01, v0;
	_ =	sdelay $0x1  }
0x437: {  	v0 =	vadd.f32 $-1.000000000e+00, v0  }
0x438: {  	s15 =	sadd.s32 $0x100, s15  }
0x439: {  	[tilespmem:s15+$0xFFFFFF80] =	vst v0  }
0x43a: {  	v0 =	vld [tilespmem:s16+$0x8010];
	_ =	sdelay $0x4  }
0x43b: {  	v0 =	vcvt.s32.f32 v0;
	_ =	sdelay $0x1  }
0x43c: {  	v0 =	vmul.f32 $6.666666860e-01, v0;
	_ =	sdelay $0x1  }
0x43d: {  	v0 =	vadd.f32 $-1.000000000e+00, v0;
	_ =	sdelay $0x1  }
0x43e: {  	[tilespmem:s15+$0xFFFFFF90] =	vst v0  }
0x43f: {  	v0 =	vld [tilespmem:s16+$0x8020];
	_ =	sdelay $0x4  }
0x440: {  	v0 =	vcvt.s32.f32 v0;
	_ =	sdelay $0x1  }
0x441: {  	v0 =	vmul.f32 $6.666666860e-01, v0;
	_ =	sdelay $0x1  }
0x442: {  	v0 =	vadd.f32 $-1.000000000e+00, v0;
	_ =	sdelay $0x1  }
0x443: {  	[tilespmem:s15+$0xFFFFFFA0] =	vst v0  }
0x444: {  	v0 =	vld [tilespmem:s16+$0x8030];
	_ =	sdelay $0x4  }
0x445: {  	v0 =	vcvt.s32.f32 v0;
	_ =	sdelay $0x1  }
0x446: {  	v0 =	vmul.f32 $6.666666860e-01, v0;
	_ =	sdelay $0x1  }
0x447: {  	v0 =	vadd.f32 $-1.000000000e+00, v0;
	_ =	sdelay $0x1  }
0x448: {  	[tilespmem:s15+$0xFFFFFFB0] =	vst v0  }
0x449: {  	v0 =	vld [tilespmem:s16+$0x8040];
	_ =	sdelay $0x4  }
0x44a: {  	v0 =	vcvt.s32.f32 v0;
	_ =	sdelay $0x1  }
0x44b: {  	v0 =	vmul.f32 $6.666666860e-01, v0;
	_ =	sdelay $0x1  }
0x44c: {  	v0 =	vadd.f32 $-1.000000000e+00, v0;
	_ =	sdelay $0x1  }
0x44d: {  	[tilespmem:s15+$0xFFFFFFC0] =	vst v0  }
0x44e: {  	v0 =	vld [tilespmem:s16+$0x8050];
	_ =	sdelay $0x4  }
0x44f: {  	v0 =	vcvt.s32.f32 v0;
	_ =	sdelay $0x1  }
0x450: {  	v0 =	vmul.f32 $6.666666860e-01, v0;
	_ =	sdelay $0x1  }
0x451: {  	v0 =	vadd.f32 $-1.000000000e+00, v0;
	_ =	sdelay $0x1  }
0x452: {  	[tilespmem:s15+$0xFFFFFFD0] =	vst v0  }
0x453: {  	v0 =	vld [tilespmem:s16+$0x8060];
	_ =	sdelay $0x4  }
0x454: {  	v0 =	vcvt.s32.f32 v0;
	_ =	sdelay $0x1  }
0x455: {  	v0 =	vmul.f32 $6.666666860e-01, v0;
	_ =	sdelay $0x1  }
0x456: {  	v0 =	vadd.f32 $-1.000000000e+00, v0;
	_ =	sdelay $0x1  }
0x457: {  	[tilespmem:s15+$0xFFFFFFE0] =	vst v0  }
0x458: {  	v0 =	vld [tilespmem:s16+$0x8070];
	_ =	sdelay $0x4  }
0x459: {  	v0 =	vcvt.s32.f32 v0;
	_ =	sdelay $0x1  }
0x45a: {  	v0 =	vmul.f32 $6.666666860e-01, v0;
	_ =	sdelay $0x1  }
0x45b: {  	v0 =	vadd.f32 $-1.000000000e+00, v0;
	_ =	sdelay $0x1  }
0x45c: {  	[tilespmem:s15+$0xFFFFFFF0] =	vst v0  }
0x45d: {  	v0 =	vld [tilespmem:s16+$0xC000];
	_ =	sdelay $0x4  }
0x45e: {  	v0 =	vcvt.s32.f32 v0;
	_ =	sdelay $0x1  }
0x45f: {  	v0 =	vmul.f32 $6.666666860e-01, v0;
	_ =	sdelay $0x1  }
0x460: {  	v0 =	vadd.f32 $-1.000000000e+00, v0;
	_ =	sdelay $0x1  }
0x461: {  	[tilespmem:s15+$0x0] =	vst v0  }
0x462: {  	v0 =	vld [tilespmem:s16+$0xC010];
	_ =	sdelay $0x4  }
0x463: {  	v0 =	vcvt.s32.f32 v0;
	_ =	sdelay $0x1  }
0x464: {  	v0 =	vmul.f32 $6.666666860e-01, v0;
	_ =	sdelay $0x1  }
0x465: {  	v0 =	vadd.f32 $-1.000000000e+00, v0;
	_ =	sdelay $0x1  }
0x466: {  	[tilespmem:s15+$0x10] =	vst v0  }
0x467: {  	v0 =	vld [tilespmem:s16+$0xC020];
	_ =	sdelay $0x4  }
0x468: {  	v0 =	vcvt.s32.f32 v0;
	_ =	sdelay $0x1  }
0x469: {  	v0 =	vmul.f32 $6.666666860e-01, v0;
	_ =	sdelay $0x1  }
0x46a: {  	v0 =	vadd.f32 $-1.000000000e+00, v0;
	_ =	sdelay $0x1  }
0x46b: {  	[tilespmem:s15+$0x20] =	vst v0  }
0x46c: {  	v0 =	vld [tilespmem:s16+$0xC030];
	_ =	sdelay $0x4  }
0x46d: {  	v0 =	vcvt.s32.f32 v0;
	_ =	sdelay $0x1  }
0x46e: {  	v0 =	vmul.f32 $6.666666860e-01, v0;
	_ =	sdelay $0x1  }
0x46f: {  	v0 =	vadd.f32 $-1.000000000e+00, v0;
	_ =	sdelay $0x1  }
0x470: {  	[tilespmem:s15+$0x30] =	vst v0  }
0x471: {  	v0 =	vld [tilespmem:s16+$0xC040];
	_ =	sdelay $0x4  }
0x472: {  	v0 =	vcvt.s32.f32 v0;
	_ =	sdelay $0x1  }
0x473: {  	v0 =	vmul.f32 $6.666666860e-01, v0;
	_ =	sdelay $0x1  }
0x474: {  	v0 =	vadd.f32 $-1.000000000e+00, v0;
	_ =	sdelay $0x1  }
0x475: {  	[tilespmem:s15+$0x40] =	vst v0  }
0x476: {  	v0 =	vld [tilespmem:s16+$0xC050];
	_ =	sdelay $0x4  }
0x477: {  	v0 =	vcvt.s32.f32 v0;
	_ =	sdelay $0x1  }
0x478: {  	v0 =	vmul.f32 $6.666666860e-01, v0;
	_ =	sdelay $0x1  }
0x479: {  	v0 =	vadd.f32 $-1.000000000e+00, v0;
	_ =	sdelay $0x1  }
0x47a: {  	[tilespmem:s15+$0x50] =	vst v0  }
0x47b: {  	v0 =	vld [tilespmem:s16+$0xC060];
	_ =	sdelay $0x4  }
0x47c: {  	v0 =	vcvt.s32.f32 v0;
	_ =	sdelay $0x1  }
0x47d: {  	v0 =	vmul.f32 $6.666666860e-01, v0;
	_ =	sdelay $0x1  }
0x47e: {  	v0 =	vadd.f32 $-1.000000000e+00, v0;
	_ =	sdelay $0x1  }
0x47f: {  	[tilespmem:s15+$0x60] =	vst v0  }
0x480: {  	v0 =	vld [tilespmem:s16+$0xC070];
	_ =	sdelay $0x4  }
0x481: {  	v0 =	vcvt.s32.f32 v0;
	_ =	sdelay $0x1  }
0x482: {  	v0 =	vmul.f32 $6.666666860e-01, v0;
	_ =	sdelay $0x1  }
0x483: {  	v0 =	vadd.f32 $-1.000000000e+00, v0;
	_ =	sdelay $0x1  }
.Ltmp7:
0x484: {  	[tilespmem:s15+$0x70] =	vst v0;
	(pc) =	sbr.rel @p0 .LBB2_18-.Ltmp7, $4  }
0x485: {  	[hbm4b:s12+s2] =	stream.linear.scatter [tilespmem:s1], [sflag:$0x3], $0x8000, $0x38;
	[tilespmem:$0x18000] =	vst v63  }
0x486: {  	_ =	swait.ge [sflag:s0], $0x8000  }
0x487: {  	[sflag:s0] =	ssyncset.done $0x0  }
0x488: {  	[sflag:s0] =	ssyncadd.s32 $0xFFFF8000  }
0x489: {  	s15 =	rddreg [dreg:$0x4]  }
0x48a: {  	[tilespmem:s29], [sflag:$0x2] =	stream.strided.gather [hbm4b:s15+s25], $0x4000, s26, s25, $0x38;
	[tilespmem:$0x18000] =	vst v63  }
0x48b: {  	s17 =	rddreg [dreg:$0x5]  }
0x48c: {  	[tilespmem:s30], [sflag:$0x2] =	stream.strided.gather [hbm4b:s17+s25], $0x4000, s26, s25, $0x38;
	[tilespmem:$0x18000] =	vst v63  }
0x48d: {  	_ =	swait.ge [sflag:s31], $0x4000  }
0x48e: {  	[sflag:s31] =	ssyncset.done $0x0  }
0x48f: {  	[sflag:s31] =	ssyncadd.s32 $0xFFFFC000  }
0x490: {  	_ =	swait.ge [sflag:s31], $0x4000  }
0x491: {  	[sflag:s31] =	ssyncset.done $0x0  }
0x492: {  	s16 =	simm.s32 $0x0;
	[sflag:s31] =	ssyncadd.s32 $0xFFFFC000  }
0x493: {  	v0 =	vld [tilespmem:s16+$0x0];
	_ =	sdelay $0x4  }
0x494: {  	v0 =	vcvt.s32.f32 v0;
	_ =	sdelay $0x1  }
0x495: {  	v0 =	vmul.f32 $6.666666860e-01, v0;
	_ =	sdelay $0x1  }
0x496: {  	v0 =	vadd.f32 $-1.000000000e+00, v0  }
0x497: {  	s15 =	simm.s32 $0x10080  }
0x498: {  	[tilespmem:s15+$0xFFFFFF80] =	vst v0  }
0x499: {  	v0 =	vld [tilespmem:s16+$0x10];
	_ =	sdelay $0x4  }
0x49a: {  	v0 =	vcvt.s32.f32 v0;
	_ =	sdelay $0x1  }
0x49b: {  	v0 =	vmul.f32 $6.666666860e-01, v0;
	_ =	sdelay $0x1  }
0x49c: {  	v0 =	vadd.f32 $-1.000000000e+00, v0;
	_ =	sdelay $0x1  }
0x49d: {  	[tilespmem:s15+$0xFFFFFF90] =	vst v0  }
0x49e: {  	v0 =	vld [tilespmem:s16+$0x20];
	_ =	sdelay $0x4  }
0x49f: {  	v0 =	vcvt.s32.f32 v0;
	_ =	sdelay $0x1  }
0x4a0: {  	v0 =	vmul.f32 $6.666666860e-01, v0;
	_ =	sdelay $0x1  }
0x4a1: {  	v0 =	vadd.f32 $-1.000000000e+00, v0;
	_ =	sdelay $0x1  }
0x4a2: {  	[tilespmem:s15+$0xFFFFFFA0] =	vst v0  }
0x4a3: {  	v0 =	vld [tilespmem:s16+$0x30];
	_ =	sdelay $0x4  }
0x4a4: {  	v0 =	vcvt.s32.f32 v0;
	_ =	sdelay $0x1  }
0x4a5: {  	v0 =	vmul.f32 $6.666666860e-01, v0;
	_ =	sdelay $0x1  }
0x4a6: {  	v0 =	vadd.f32 $-1.000000000e+00, v0;
	_ =	sdelay $0x1  }
0x4a7: {  	[tilespmem:s15+$0xFFFFFFB0] =	vst v0  }
0x4a8: {  	v0 =	vld [tilespmem:s16+$0x40];
	_ =	sdelay $0x4  }
0x4a9: {  	v0 =	vcvt.s32.f32 v0;
	_ =	sdelay $0x1  }
0x4aa: {  	v0 =	vmul.f32 $6.666666860e-01, v0;
	_ =	sdelay $0x1  }
0x4ab: {  	v0 =	vadd.f32 $-1.000000000e+00, v0;
	_ =	sdelay $0x1  }
0x4ac: {  	[tilespmem:s15+$0xFFFFFFC0] =	vst v0  }
0x4ad: {  	v0 =	vld [tilespmem:s16+$0x50];
	_ =	sdelay $0x4  }
0x4ae: {  	v0 =	vcvt.s32.f32 v0;
	_ =	sdelay $0x1  }
0x4af: {  	v0 =	vmul.f32 $6.666666860e-01, v0;
	_ =	sdelay $0x1  }
0x4b0: {  	v0 =	vadd.f32 $-1.000000000e+00, v0;
	_ =	sdelay $0x1  }
0x4b1: {  	[tilespmem:s15+$0xFFFFFFD0] =	vst v0  }
0x4b2: {  	v0 =	vld [tilespmem:s16+$0x60];
	_ =	sdelay $0x4  }
0x4b3: {  	v0 =	vcvt.s32.f32 v0;
	_ =	sdelay $0x1  }
0x4b4: {  	v0 =	vmul.f32 $6.666666860e-01, v0;
	_ =	sdelay $0x1  }
0x4b5: {  	v0 =	vadd.f32 $-1.000000000e+00, v0;
	_ =	sdelay $0x1  }
0x4b6: {  	[tilespmem:s15+$0xFFFFFFE0] =	vst v0  }
0x4b7: {  	v0 =	vld [tilespmem:s16+$0x70];
	_ =	sdelay $0x4  }
0x4b8: {  	v0 =	vcvt.s32.f32 v0;
	_ =	sdelay $0x1  }
0x4b9: {  	v0 =	vmul.f32 $6.666666860e-01, v0;
	_ =	sdelay $0x1  }
0x4ba: {  	v0 =	vadd.f32 $-1.000000000e+00, v0;
	_ =	sdelay $0x1  }
0x4bb: {  	[tilespmem:s15+$0xFFFFFFF0] =	vst v0  }
0x4bc: {  	v0 =	vld [tilespmem:s16+$0x4000];
	_ =	sdelay $0x4  }
0x4bd: {  	v0 =	vcvt.s32.f32 v0;
	_ =	sdelay $0x1  }
0x4be: {  	v0 =	vmul.f32 $6.666666860e-01, v0;
	_ =	sdelay $0x1  }
0x4bf: {  	v0 =	vadd.f32 $-1.000000000e+00, v0;
	_ =	sdelay $0x1  }
0x4c0: {  	[tilespmem:s15+$0x0] =	vst v0  }
0x4c1: {  	v0 =	vld [tilespmem:s16+$0x4010];
	_ =	sdelay $0x4  }
0x4c2: {  	v0 =	vcvt.s32.f32 v0;
	_ =	sdelay $0x1  }
0x4c3: {  	v0 =	vmul.f32 $6.666666860e-01, v0;
	_ =	sdelay $0x1  }
0x4c4: {  	v0 =	vadd.f32 $-1.000000000e+00, v0;
	_ =	sdelay $0x1  }
0x4c5: {  	[tilespmem:s15+$0x10] =	vst v0  }
0x4c6: {  	v0 =	vld [tilespmem:s16+$0x4020];
	_ =	sdelay $0x4  }
0x4c7: {  	v0 =	vcvt.s32.f32 v0;
	_ =	sdelay $0x1  }
0x4c8: {  	v0 =	vmul.f32 $6.666666860e-01, v0;
	_ =	sdelay $0x1  }
0x4c9: {  	v0 =	vadd.f32 $-1.000000000e+00, v0;
	_ =	sdelay $0x1  }
0x4ca: {  	[tilespmem:s15+$0x20] =	vst v0  }
0x4cb: {  	v0 =	vld [tilespmem:s16+$0x4030];
	_ =	sdelay $0x4  }
0x4cc: {  	v0 =	vcvt.s32.f32 v0;
	_ =	sdelay $0x1  }
0x4cd: {  	v0 =	vmul.f32 $6.666666860e-01, v0;
	_ =	sdelay $0x1  }
0x4ce: {  	v0 =	vadd.f32 $-1.000000000e+00, v0;
	_ =	sdelay $0x1  }
0x4cf: {  	[tilespmem:s15+$0x30] =	vst v0  }
0x4d0: {  	v0 =	vld [tilespmem:s16+$0x4040];
	_ =	sdelay $0x4  }
0x4d1: {  	v0 =	vcvt.s32.f32 v0;
	_ =	sdelay $0x1  }
0x4d2: {  	v0 =	vmul.f32 $6.666666860e-01, v0;
	_ =	sdelay $0x1  }
0x4d3: {  	v0 =	vadd.f32 $-1.000000000e+00, v0;
	_ =	sdelay $0x1  }
0x4d4: {  	[tilespmem:s15+$0x40] =	vst v0  }
0x4d5: {  	v0 =	vld [tilespmem:s16+$0x4050];
	_ =	sdelay $0x4  }
0x4d6: {  	v0 =	vcvt.s32.f32 v0;
	_ =	sdelay $0x1  }
0x4d7: {  	v0 =	vmul.f32 $6.666666860e-01, v0;
	_ =	sdelay $0x1  }
0x4d8: {  	v0 =	vadd.f32 $-1.000000000e+00, v0;
	_ =	sdelay $0x1  }
0x4d9: {  	[tilespmem:s15+$0x50] =	vst v0  }
0x4da: {  	v0 =	vld [tilespmem:s16+$0x4060];
	_ =	sdelay $0x4  }
0x4db: {  	v0 =	vcvt.s32.f32 v0;
	_ =	sdelay $0x1  }
0x4dc: {  	v0 =	vmul.f32 $6.666666860e-01, v0;
	_ =	sdelay $0x1  }
0x4dd: {  	v0 =	vadd.f32 $-1.000000000e+00, v0;
	_ =	sdelay $0x1  }
0x4de: {  	[tilespmem:s15+$0x60] =	vst v0  }
0x4df: {  	v0 =	vld [tilespmem:s16+$0x4070];
	_ =	sdelay $0x4  }
0x4e0: {  	v0 =	vcvt.s32.f32 v0;
	_ =	sdelay $0x1  }
0x4e1: {  	v0 =	vmul.f32 $6.666666860e-01, v0;
	_ =	sdelay $0x1  }
0x4e2: {  	v0 =	vadd.f32 $-1.000000000e+00, v0;
	_ =	sdelay $0x1  }
0x4e3: {  	s17 =	simm.s32 $0x400;
	s16 =	simm.s32 $0x80;
	[tilespmem:s15+$0x70] =	vst v0  }
.LBB2_12:
0x4e4: {  	p1 =	sne.s32 s17, $0xFE00;
	v0 =	vld [tilespmem:s16+$0x0];
	_ =	sdelay $0x4  }
0x4e5: {  	v0 =	vcvt.s32.f32 v0;
	_ =	sdelay $0x1  }
0x4e6: {  	v0 =	vmul.f32 $6.666666860e-01, v0;
	_ =	sdelay $0x1  }
0x4e7: {  	v0 =	vadd.f32 $-1.000000000e+00, v0  }
0x4e8: {  	s15 =	sadd.s32 $0x100, s15  }
0x4e9: {  	[tilespmem:s15+$0xFFFFFF80] =	vst v0  }
0x4ea: {  	v0 =	vld [tilespmem:s16+$0x10];
	_ =	sdelay $0x4  }
0x4eb: {  	v0 =	vcvt.s32.f32 v0;
	_ =	sdelay $0x1  }
0x4ec: {  	v0 =	vmul.f32 $6.666666860e-01, v0;
	_ =	sdelay $0x1  }
0x4ed: {  	v0 =	vadd.f32 $-1.000000000e+00, v0;
	_ =	sdelay $0x1  }
0x4ee: {  	[tilespmem:s15+$0xFFFFFF90] =	vst v0  }
0x4ef: {  	v0 =	vld [tilespmem:s16+$0x20];
	_ =	sdelay $0x4  }
0x4f0: {  	v0 =	vcvt.s32.f32 v0;
	_ =	sdelay $0x1  }
0x4f1: {  	v0 =	vmul.f32 $6.666666860e-01, v0;
	_ =	sdelay $0x1  }
0x4f2: {  	v0 =	vadd.f32 $-1.000000000e+00, v0;
	_ =	sdelay $0x1  }
0x4f3: {  	[tilespmem:s15+$0xFFFFFFA0] =	vst v0  }
0x4f4: {  	v0 =	vld [tilespmem:s16+$0x30];
	_ =	sdelay $0x4  }
0x4f5: {  	v0 =	vcvt.s32.f32 v0;
	_ =	sdelay $0x1  }
0x4f6: {  	v0 =	vmul.f32 $6.666666860e-01, v0;
	_ =	sdelay $0x1  }
0x4f7: {  	v0 =	vadd.f32 $-1.000000000e+00, v0;
	_ =	sdelay $0x1  }
0x4f8: {  	[tilespmem:s15+$0xFFFFFFB0] =	vst v0  }
0x4f9: {  	v0 =	vld [tilespmem:s16+$0x40];
	_ =	sdelay $0x4  }
0x4fa: {  	v0 =	vcvt.s32.f32 v0;
	_ =	sdelay $0x1  }
0x4fb: {  	v0 =	vmul.f32 $6.666666860e-01, v0;
	_ =	sdelay $0x1  }
0x4fc: {  	v0 =	vadd.f32 $-1.000000000e+00, v0;
	_ =	sdelay $0x1  }
0x4fd: {  	[tilespmem:s15+$0xFFFFFFC0] =	vst v0  }
0x4fe: {  	v0 =	vld [tilespmem:s16+$0x50];
	_ =	sdelay $0x4  }
0x4ff: {  	v0 =	vcvt.s32.f32 v0;
	_ =	sdelay $0x1  }
0x500: {  	v0 =	vmul.f32 $6.666666860e-01, v0;
	_ =	sdelay $0x1  }
0x501: {  	v0 =	vadd.f32 $-1.000000000e+00, v0;
	_ =	sdelay $0x1  }
0x502: {  	[tilespmem:s15+$0xFFFFFFD0] =	vst v0  }
0x503: {  	v0 =	vld [tilespmem:s16+$0x60];
	_ =	sdelay $0x4  }
0x504: {  	v0 =	vcvt.s32.f32 v0;
	_ =	sdelay $0x1  }
0x505: {  	v0 =	vmul.f32 $6.666666860e-01, v0;
	_ =	sdelay $0x1  }
0x506: {  	v0 =	vadd.f32 $-1.000000000e+00, v0;
	_ =	sdelay $0x1  }
0x507: {  	[tilespmem:s15+$0xFFFFFFE0] =	vst v0  }
0x508: {  	v0 =	vld [tilespmem:s16+$0x70];
	_ =	sdelay $0x4  }
0x509: {  	v0 =	vcvt.s32.f32 v0;
	_ =	sdelay $0x1  }
0x50a: {  	v0 =	vmul.f32 $6.666666860e-01, v0;
	_ =	sdelay $0x1  }
0x50b: {  	v0 =	vadd.f32 $-1.000000000e+00, v0;
	_ =	sdelay $0x1  }
0x50c: {  	[tilespmem:s15+$0xFFFFFFF0] =	vst v0  }
0x50d: {  	v0 =	vld [tilespmem:s16+$0x4000];
	_ =	sdelay $0x4  }
0x50e: {  	v0 =	vcvt.s32.f32 v0;
	_ =	sdelay $0x1  }
0x50f: {  	v0 =	vmul.f32 $6.666666860e-01, v0;
	_ =	sdelay $0x1  }
0x510: {  	v0 =	vadd.f32 $-1.000000000e+00, v0;
	_ =	sdelay $0x1  }
0x511: {  	[tilespmem:s15+$0x0] =	vst v0  }
0x512: {  	v0 =	vld [tilespmem:s16+$0x4010];
	_ =	sdelay $0x4  }
0x513: {  	v0 =	vcvt.s32.f32 v0;
	_ =	sdelay $0x1  }
0x514: {  	v0 =	vmul.f32 $6.666666860e-01, v0;
	_ =	sdelay $0x1  }
0x515: {  	v0 =	vadd.f32 $-1.000000000e+00, v0;
	_ =	sdelay $0x1  }
0x516: {  	[tilespmem:s15+$0x10] =	vst v0  }
0x517: {  	v0 =	vld [tilespmem:s16+$0x4020];
	_ =	sdelay $0x4  }
0x518: {  	v0 =	vcvt.s32.f32 v0;
	_ =	sdelay $0x1  }
0x519: {  	v0 =	vmul.f32 $6.666666860e-01, v0;
	_ =	sdelay $0x1  }
0x51a: {  	v0 =	vadd.f32 $-1.000000000e+00, v0;
	_ =	sdelay $0x1  }
0x51b: {  	[tilespmem:s15+$0x20] =	vst v0  }
0x51c: {  	v0 =	vld [tilespmem:s16+$0x4030];
	_ =	sdelay $0x4  }
0x51d: {  	v0 =	vcvt.s32.f32 v0;
	_ =	sdelay $0x1  }
0x51e: {  	v0 =	vmul.f32 $6.666666860e-01, v0;
	_ =	sdelay $0x1  }
0x51f: {  	v0 =	vadd.f32 $-1.000000000e+00, v0;
	_ =	sdelay $0x1  }
0x520: {  	[tilespmem:s15+$0x30] =	vst v0  }
0x521: {  	v0 =	vld [tilespmem:s16+$0x4040];
	_ =	sdelay $0x4  }
0x522: {  	v0 =	vcvt.s32.f32 v0;
	_ =	sdelay $0x1  }
0x523: {  	v0 =	vmul.f32 $6.666666860e-01, v0;
	_ =	sdelay $0x1  }
0x524: {  	v0 =	vadd.f32 $-1.000000000e+00, v0;
	_ =	sdelay $0x1  }
0x525: {  	[tilespmem:s15+$0x40] =	vst v0  }
0x526: {  	v0 =	vld [tilespmem:s16+$0x4050];
	_ =	sdelay $0x4  }
0x527: {  	v0 =	vcvt.s32.f32 v0;
	_ =	sdelay $0x1  }
0x528: {  	v0 =	vmul.f32 $6.666666860e-01, v0;
	_ =	sdelay $0x1  }
0x529: {  	v0 =	vadd.f32 $-1.000000000e+00, v0;
	_ =	sdelay $0x1  }
0x52a: {  	[tilespmem:s15+$0x50] =	vst v0  }
0x52b: {  	v0 =	vld [tilespmem:s16+$0x4060];
	_ =	sdelay $0x4  }
0x52c: {  	v0 =	vcvt.s32.f32 v0;
	_ =	sdelay $0x1  }
0x52d: {  	v0 =	vmul.f32 $6.666666860e-01, v0;
	_ =	sdelay $0x1  }
0x52e: {  	v0 =	vadd.f32 $-1.000000000e+00, v0;
	_ =	sdelay $0x1  }
0x52f: {  	[tilespmem:s15+$0x60] =	vst v0  }
0x530: {  	v0 =	vld [tilespmem:s16+$0x4070];
	_ =	sdelay $0x4  }
0x531: {  	v0 =	vcvt.s32.f32 v0;
	_ =	sdelay $0x1  }
.Ltmp8:
0x532: {  	v0 =	vmul.f32 $6.666666860e-01, v0;
	(pc) =	sbr.rel @p1 .LBB2_12-.Ltmp8, $3  }
0x533: {  	_ = 	snop  }
0x534: {  	v0 =	vadd.f32 $-1.000000000e+00, v0;
	_ =	sdelay $0x1  }
0x535: {  	s16 =	sshra.s32 s17, $0x2;
	s17 =	sadd.s32 $0x200, s17;
	[tilespmem:s15+$0x70] =	vst v0  }
0x536: {  	v0 =	vld [tilespmem:s16+$0x0];
	_ =	sdelay $0x4  }
0x537: {  	v0 =	vcvt.s32.f32 v0;
	_ =	sdelay $0x1  }
0x538: {  	v0 =	vmul.f32 $6.666666860e-01, v0;
	_ =	sdelay $0x1  }
0x539: {  	v0 =	vadd.f32 $-1.000000000e+00, v0  }
0x53a: {  	s15 =	sadd.s32 $0x100, s15  }
0x53b: {  	[tilespmem:s15+$0xFFFFFF80] =	vst v0  }
0x53c: {  	v0 =	vld [tilespmem:s16+$0x10];
	_ =	sdelay $0x4  }
0x53d: {  	v0 =	vcvt.s32.f32 v0;
	_ =	sdelay $0x1  }
0x53e: {  	v0 =	vmul.f32 $6.666666860e-01, v0;
	_ =	sdelay $0x1  }
0x53f: {  	v0 =	vadd.f32 $-1.000000000e+00, v0;
	_ =	sdelay $0x1  }
0x540: {  	[tilespmem:s15+$0xFFFFFF90] =	vst v0  }
0x541: {  	v0 =	vld [tilespmem:s16+$0x20];
	_ =	sdelay $0x4  }
0x542: {  	v0 =	vcvt.s32.f32 v0;
	_ =	sdelay $0x1  }
0x543: {  	v0 =	vmul.f32 $6.666666860e-01, v0;
	_ =	sdelay $0x1  }
0x544: {  	v0 =	vadd.f32 $-1.000000000e+00, v0;
	_ =	sdelay $0x1  }
0x545: {  	[tilespmem:s15+$0xFFFFFFA0] =	vst v0  }
0x546: {  	v0 =	vld [tilespmem:s16+$0x30];
	_ =	sdelay $0x4  }
0x547: {  	v0 =	vcvt.s32.f32 v0;
	_ =	sdelay $0x1  }
0x548: {  	v0 =	vmul.f32 $6.666666860e-01, v0;
	_ =	sdelay $0x1  }
0x549: {  	v0 =	vadd.f32 $-1.000000000e+00, v0;
	_ =	sdelay $0x1  }
0x54a: {  	[tilespmem:s15+$0xFFFFFFB0] =	vst v0  }
0x54b: {  	v0 =	vld [tilespmem:s16+$0x40];
	_ =	sdelay $0x4  }
0x54c: {  	v0 =	vcvt.s32.f32 v0;
	_ =	sdelay $0x1  }
0x54d: {  	v0 =	vmul.f32 $6.666666860e-01, v0;
	_ =	sdelay $0x1  }
0x54e: {  	v0 =	vadd.f32 $-1.000000000e+00, v0;
	_ =	sdelay $0x1  }
0x54f: {  	[tilespmem:s15+$0xFFFFFFC0] =	vst v0  }
0x550: {  	v0 =	vld [tilespmem:s16+$0x50];
	_ =	sdelay $0x4  }
0x551: {  	v0 =	vcvt.s32.f32 v0;
	_ =	sdelay $0x1  }
0x552: {  	v0 =	vmul.f32 $6.666666860e-01, v0;
	_ =	sdelay $0x1  }
0x553: {  	v0 =	vadd.f32 $-1.000000000e+00, v0;
	_ =	sdelay $0x1  }
0x554: {  	[tilespmem:s15+$0xFFFFFFD0] =	vst v0  }
0x555: {  	v0 =	vld [tilespmem:s16+$0x60];
	_ =	sdelay $0x4  }
0x556: {  	v0 =	vcvt.s32.f32 v0;
	_ =	sdelay $0x1  }
0x557: {  	v0 =	vmul.f32 $6.666666860e-01, v0;
	_ =	sdelay $0x1  }
0x558: {  	v0 =	vadd.f32 $-1.000000000e+00, v0;
	_ =	sdelay $0x1  }
0x559: {  	[tilespmem:s15+$0xFFFFFFE0] =	vst v0  }
0x55a: {  	v0 =	vld [tilespmem:s16+$0x70];
	_ =	sdelay $0x4  }
0x55b: {  	v0 =	vcvt.s32.f32 v0;
	_ =	sdelay $0x1  }
0x55c: {  	v0 =	vmul.f32 $6.666666860e-01, v0;
	_ =	sdelay $0x1  }
0x55d: {  	v0 =	vadd.f32 $-1.000000000e+00, v0;
	_ =	sdelay $0x1  }
0x55e: {  	[tilespmem:s15+$0xFFFFFFF0] =	vst v0  }
0x55f: {  	v0 =	vld [tilespmem:s16+$0x4000];
	_ =	sdelay $0x4  }
0x560: {  	v0 =	vcvt.s32.f32 v0;
	_ =	sdelay $0x1  }
0x561: {  	v0 =	vmul.f32 $6.666666860e-01, v0;
	_ =	sdelay $0x1  }
0x562: {  	v0 =	vadd.f32 $-1.000000000e+00, v0;
	_ =	sdelay $0x1  }
0x563: {  	[tilespmem:s15+$0x0] =	vst v0  }
0x564: {  	v0 =	vld [tilespmem:s16+$0x4010];
	_ =	sdelay $0x4  }
0x565: {  	v0 =	vcvt.s32.f32 v0;
	_ =	sdelay $0x1  }
0x566: {  	v0 =	vmul.f32 $6.666666860e-01, v0;
	_ =	sdelay $0x1  }
0x567: {  	v0 =	vadd.f32 $-1.000000000e+00, v0;
	_ =	sdelay $0x1  }
0x568: {  	[tilespmem:s15+$0x10] =	vst v0  }
0x569: {  	v0 =	vld [tilespmem:s16+$0x4020];
	_ =	sdelay $0x4  }
0x56a: {  	v0 =	vcvt.s32.f32 v0;
	_ =	sdelay $0x1  }
0x56b: {  	v0 =	vmul.f32 $6.666666860e-01, v0;
	_ =	sdelay $0x1  }
0x56c: {  	v0 =	vadd.f32 $-1.000000000e+00, v0;
	_ =	sdelay $0x1  }
0x56d: {  	[tilespmem:s15+$0x20] =	vst v0  }
0x56e: {  	v0 =	vld [tilespmem:s16+$0x4030];
	_ =	sdelay $0x4  }
0x56f: {  	v0 =	vcvt.s32.f32 v0;
	_ =	sdelay $0x1  }
0x570: {  	v0 =	vmul.f32 $6.666666860e-01, v0;
	_ =	sdelay $0x1  }
0x571: {  	v0 =	vadd.f32 $-1.000000000e+00, v0;
	_ =	sdelay $0x1  }
0x572: {  	[tilespmem:s15+$0x30] =	vst v0  }
0x573: {  	v0 =	vld [tilespmem:s16+$0x4040];
	_ =	sdelay $0x4  }
0x574: {  	v0 =	vcvt.s32.f32 v0;
	_ =	sdelay $0x1  }
0x575: {  	v0 =	vmul.f32 $6.666666860e-01, v0;
	_ =	sdelay $0x1  }
0x576: {  	v0 =	vadd.f32 $-1.000000000e+00, v0;
	_ =	sdelay $0x1  }
0x577: {  	[tilespmem:s15+$0x40] =	vst v0  }
0x578: {  	v0 =	vld [tilespmem:s16+$0x4050];
	_ =	sdelay $0x4  }
0x579: {  	v0 =	vcvt.s32.f32 v0;
	_ =	sdelay $0x1  }
0x57a: {  	v0 =	vmul.f32 $6.666666860e-01, v0;
	_ =	sdelay $0x1  }
0x57b: {  	v0 =	vadd.f32 $-1.000000000e+00, v0;
	_ =	sdelay $0x1  }
0x57c: {  	[tilespmem:s15+$0x50] =	vst v0  }
0x57d: {  	v0 =	vld [tilespmem:s16+$0x4060];
	_ =	sdelay $0x4  }
0x57e: {  	v0 =	vcvt.s32.f32 v0;
	_ =	sdelay $0x1  }
0x57f: {  	v0 =	vmul.f32 $6.666666860e-01, v0;
	_ =	sdelay $0x1  }
0x580: {  	v0 =	vadd.f32 $-1.000000000e+00, v0;
	_ =	sdelay $0x1  }
0x581: {  	[tilespmem:s15+$0x60] =	vst v0  }
0x582: {  	v0 =	vld [tilespmem:s16+$0x4070];
	_ =	sdelay $0x4  }
0x583: {  	v0 =	vcvt.s32.f32 v0;
	_ =	sdelay $0x1  }
0x584: {  	v0 =	vmul.f32 $6.666666860e-01, v0;
	_ =	sdelay $0x1  }
0x585: {  	v0 =	vadd.f32 $-1.000000000e+00, v0;
	_ =	sdelay $0x1  }
0x586: {  	s17 =	rddreg [dreg:$0x6];
	[tilespmem:s15+$0x70] =	vst v0;
	s15 =	simm.s32 $0x0  }
0x587: {  	[hbm4b:s17+s15] =	stream.linear.scatter [tilespmem:s1], [sflag:$0x3], $0x8000, $0x38;
	[tilespmem:$0x18000] =	vst v63  }
0x588: {  	_ =	swait.ge [sflag:s0], $0x8000  }
0x589: {  	[sflag:s0] =	ssyncset.done $0x0  }
0x58a: {  	s17 =	rddreg [dreg:$0x7];
	[sflag:s0] =	ssyncadd.s32 $0xFFFF8000  }
0x58b: {  	[tilespmem:s15], [sflag:$0x1] =	stream.strided.gather [hbm4b:s17+s25], $0x4000, s26, s25, $0x38;
	[tilespmem:$0x18000] =	vst v63  }
0x58c: {  	s16 =	rddreg [dreg:$0x8]  }
0x58d: {  	[tilespmem:s28], [sflag:$0x1] =	stream.strided.gather [hbm4b:s16+s25], $0x4000, s26, s25, $0x38;
	[tilespmem:$0x18000] =	vst v63  }
0x58e: {  	_ =	swait.ge [sflag:s13], $0x4000  }
0x58f: {  	[sflag:s13] =	ssyncset.done $0x0  }
0x590: {  	[sflag:s13] =	ssyncadd.s32 $0xFFFFC000  }
0x591: {  	_ =	swait.ge [sflag:s13], $0x4000  }
0x592: {  	[sflag:s13] =	ssyncset.done $0x0  }
0x593: {  	s17 =	simm.s32 $0x0;
	[sflag:s13] =	ssyncadd.s32 $0xFFFFC000  }
0x594: {  	v63 =	vld [tilespmem:s17+$0x8000];
	_ =	sdelay $0x4  }
0x595: {  	v0 =	vcvt.s32.f32 v63;
	_ =	sdelay $0x1  }
0x596: {  	v0 =	vmul.f32 $6.666666860e-01, v0;
	_ =	sdelay $0x1  }
0x597: {  	v0 =	vadd.f32 $-1.000000000e+00, v0  }
0x598: {  	s15 =	simm.s32 $0x10080  }
0x599: {  	[tilespmem:s15+$0xFFFFFF80] =	vst v0  }
0x59a: {  	v0 =	vld [tilespmem:s17+$0x8010];
	_ =	sdelay $0x4  }
0x59b: {  	v0 =	vcvt.s32.f32 v0;
	_ =	sdelay $0x1  }
0x59c: {  	v0 =	vmul.f32 $6.666666860e-01, v0;
	_ =	sdelay $0x1  }
0x59d: {  	v0 =	vadd.f32 $-1.000000000e+00, v0;
	_ =	sdelay $0x1  }
0x59e: {  	[tilespmem:s15+$0xFFFFFF90] =	vst v0  }
0x59f: {  	v0 =	vld [tilespmem:s17+$0x8020];
	_ =	sdelay $0x4  }
0x5a0: {  	v0 =	vcvt.s32.f32 v0;
	_ =	sdelay $0x1  }
0x5a1: {  	v0 =	vmul.f32 $6.666666860e-01, v0;
	_ =	sdelay $0x1  }
0x5a2: {  	v0 =	vadd.f32 $-1.000000000e+00, v0;
	_ =	sdelay $0x1  }
0x5a3: {  	[tilespmem:s15+$0xFFFFFFA0] =	vst v0  }
0x5a4: {  	v0 =	vld [tilespmem:s17+$0x8030];
	_ =	sdelay $0x4  }
0x5a5: {  	v0 =	vcvt.s32.f32 v0;
	_ =	sdelay $0x1  }
0x5a6: {  	v0 =	vmul.f32 $6.666666860e-01, v0;
	_ =	sdelay $0x1  }
0x5a7: {  	v0 =	vadd.f32 $-1.000000000e+00, v0;
	_ =	sdelay $0x1  }
0x5a8: {  	[tilespmem:s15+$0xFFFFFFB0] =	vst v0  }
0x5a9: {  	v0 =	vld [tilespmem:s17+$0x8040];
	_ =	sdelay $0x4  }
0x5aa: {  	v0 =	vcvt.s32.f32 v0;
	_ =	sdelay $0x1  }
0x5ab: {  	v0 =	vmul.f32 $6.666666860e-01, v0;
	_ =	sdelay $0x1  }
0x5ac: {  	v0 =	vadd.f32 $-1.000000000e+00, v0;
	_ =	sdelay $0x1  }
0x5ad: {  	[tilespmem:s15+$0xFFFFFFC0] =	vst v0  }
0x5ae: {  	v0 =	vld [tilespmem:s17+$0x8050];
	_ =	sdelay $0x4  }
0x5af: {  	v0 =	vcvt.s32.f32 v0;
	_ =	sdelay $0x1  }
0x5b0: {  	v0 =	vmul.f32 $6.666666860e-01, v0;
	_ =	sdelay $0x1  }
0x5b1: {  	v0 =	vadd.f32 $-1.000000000e+00, v0;
	_ =	sdelay $0x1  }
0x5b2: {  	[tilespmem:s15+$0xFFFFFFD0] =	vst v0  }
0x5b3: {  	v0 =	vld [tilespmem:s17+$0x8060];
	_ =	sdelay $0x4  }
0x5b4: {  	v0 =	vcvt.s32.f32 v0;
	_ =	sdelay $0x1  }
0x5b5: {  	v0 =	vmul.f32 $6.666666860e-01, v0;
	_ =	sdelay $0x1  }
0x5b6: {  	v0 =	vadd.f32 $-1.000000000e+00, v0;
	_ =	sdelay $0x1  }
0x5b7: {  	[tilespmem:s15+$0xFFFFFFE0] =	vst v0  }
0x5b8: {  	v0 =	vld [tilespmem:s17+$0x8070];
	_ =	sdelay $0x4  }
0x5b9: {  	v0 =	vcvt.s32.f32 v0;
	_ =	sdelay $0x1  }
0x5ba: {  	v0 =	vmul.f32 $6.666666860e-01, v0;
	_ =	sdelay $0x1  }
0x5bb: {  	v0 =	vadd.f32 $-1.000000000e+00, v0;
	_ =	sdelay $0x1  }
0x5bc: {  	[tilespmem:s15+$0xFFFFFFF0] =	vst v0  }
0x5bd: {  	v0 =	vld [tilespmem:s17+$0xC000];
	_ =	sdelay $0x4  }
0x5be: {  	v0 =	vcvt.s32.f32 v0;
	_ =	sdelay $0x1  }
0x5bf: {  	v0 =	vmul.f32 $6.666666860e-01, v0;
	_ =	sdelay $0x1  }
0x5c0: {  	v0 =	vadd.f32 $-1.000000000e+00, v0;
	_ =	sdelay $0x1  }
0x5c1: {  	[tilespmem:s15+$0x0] =	vst v0  }
0x5c2: {  	v0 =	vld [tilespmem:s17+$0xC010];
	_ =	sdelay $0x4  }
0x5c3: {  	v0 =	vcvt.s32.f32 v0;
	_ =	sdelay $0x1  }
0x5c4: {  	v0 =	vmul.f32 $6.666666860e-01, v0;
	_ =	sdelay $0x1  }
0x5c5: {  	v0 =	vadd.f32 $-1.000000000e+00, v0;
	_ =	sdelay $0x1  }
0x5c6: {  	[tilespmem:s15+$0x10] =	vst v0  }
0x5c7: {  	v0 =	vld [tilespmem:s17+$0xC020];
	_ =	sdelay $0x4  }
0x5c8: {  	v0 =	vcvt.s32.f32 v0;
	_ =	sdelay $0x1  }
0x5c9: {  	v0 =	vmul.f32 $6.666666860e-01, v0;
	_ =	sdelay $0x1  }
0x5ca: {  	v0 =	vadd.f32 $-1.000000000e+00, v0;
	_ =	sdelay $0x1  }
0x5cb: {  	[tilespmem:s15+$0x20] =	vst v0  }
0x5cc: {  	v0 =	vld [tilespmem:s17+$0xC030];
	_ =	sdelay $0x4  }
0x5cd: {  	v0 =	vcvt.s32.f32 v0;
	_ =	sdelay $0x1  }
0x5ce: {  	v0 =	vmul.f32 $6.666666860e-01, v0;
	_ =	sdelay $0x1  }
0x5cf: {  	v0 =	vadd.f32 $-1.000000000e+00, v0;
	_ =	sdelay $0x1  }
0x5d0: {  	[tilespmem:s15+$0x30] =	vst v0  }
0x5d1: {  	v0 =	vld [tilespmem:s17+$0xC040];
	_ =	sdelay $0x4  }
0x5d2: {  	v0 =	vcvt.s32.f32 v0;
	_ =	sdelay $0x1  }
0x5d3: {  	v0 =	vmul.f32 $6.666666860e-01, v0;
	_ =	sdelay $0x1  }
0x5d4: {  	v0 =	vadd.f32 $-1.000000000e+00, v0;
	_ =	sdelay $0x1  }
0x5d5: {  	[tilespmem:s15+$0x40] =	vst v0  }
0x5d6: {  	v0 =	vld [tilespmem:s17+$0xC050];
	_ =	sdelay $0x4  }
0x5d7: {  	v0 =	vcvt.s32.f32 v0;
	_ =	sdelay $0x1  }
0x5d8: {  	v0 =	vmul.f32 $6.666666860e-01, v0;
	_ =	sdelay $0x1  }
0x5d9: {  	v0 =	vadd.f32 $-1.000000000e+00, v0;
	_ =	sdelay $0x1  }
0x5da: {  	[tilespmem:s15+$0x50] =	vst v0  }
0x5db: {  	v0 =	vld [tilespmem:s17+$0xC060];
	_ =	sdelay $0x4  }
0x5dc: {  	v0 =	vcvt.s32.f32 v0;
	_ =	sdelay $0x1  }
0x5dd: {  	v0 =	vmul.f32 $6.666666860e-01, v0;
	_ =	sdelay $0x1  }
0x5de: {  	v0 =	vadd.f32 $-1.000000000e+00, v0;
	_ =	sdelay $0x1  }
0x5df: {  	[tilespmem:s15+$0x60] =	vst v0  }
0x5e0: {  	v0 =	vld [tilespmem:s17+$0xC070];
	_ =	sdelay $0x4  }
0x5e1: {  	v0 =	vcvt.s32.f32 v0;
	_ =	sdelay $0x1  }
0x5e2: {  	v0 =	vmul.f32 $6.666666860e-01, v0;
	_ =	sdelay $0x1  }
0x5e3: {  	v0 =	vadd.f32 $-1.000000000e+00, v0;
	_ =	sdelay $0x1  }
0x5e4: {  	s16 =	simm.s32 $0x80;
	s17 =	simm.s32 $0x400;
	[tilespmem:s15+$0x70] =	vst v0  }
.LBB2_14:
0x5e5: {  	p1 =	sne.s32 s17, $0xFE00;
	v0 =	vld [tilespmem:s16+$0x8000];
	_ =	sdelay $0x4  }
0x5e6: {  	v0 =	vcvt.s32.f32 v0;
	_ =	sdelay $0x1  }
0x5e7: {  	v0 =	vmul.f32 $6.666666860e-01, v0;
	_ =	sdelay $0x1  }
0x5e8: {  	v0 =	vadd.f32 $-1.000000000e+00, v0  }
0x5e9: {  	s15 =	sadd.s32 $0x100, s15  }
0x5ea: {  	[tilespmem:s15+$0xFFFFFF80] =	vst v0  }
0x5eb: {  	v0 =	vld [tilespmem:s16+$0x8010];
	_ =	sdelay $0x4  }
0x5ec: {  	v0 =	vcvt.s32.f32 v0;
	_ =	sdelay $0x1  }
0x5ed: {  	v0 =	vmul.f32 $6.666666860e-01, v0;
	_ =	sdelay $0x1  }
0x5ee: {  	v0 =	vadd.f32 $-1.000000000e+00, v0;
	_ =	sdelay $0x1  }
0x5ef: {  	[tilespmem:s15+$0xFFFFFF90] =	vst v0  }
0x5f0: {  	v0 =	vld [tilespmem:s16+$0x8020];
	_ =	sdelay $0x4  }
0x5f1: {  	v0 =	vcvt.s32.f32 v0;
	_ =	sdelay $0x1  }
0x5f2: {  	v0 =	vmul.f32 $6.666666860e-01, v0;
	_ =	sdelay $0x1  }
0x5f3: {  	v0 =	vadd.f32 $-1.000000000e+00, v0;
	_ =	sdelay $0x1  }
0x5f4: {  	[tilespmem:s15+$0xFFFFFFA0] =	vst v0  }
0x5f5: {  	v0 =	vld [tilespmem:s16+$0x8030];
	_ =	sdelay $0x4  }
0x5f6: {  	v0 =	vcvt.s32.f32 v0;
	_ =	sdelay $0x1  }
0x5f7: {  	v0 =	vmul.f32 $6.666666860e-01, v0;
	_ =	sdelay $0x1  }
0x5f8: {  	v0 =	vadd.f32 $-1.000000000e+00, v0;
	_ =	sdelay $0x1  }
0x5f9: {  	[tilespmem:s15+$0xFFFFFFB0] =	vst v0  }
0x5fa: {  	v0 =	vld [tilespmem:s16+$0x8040];
	_ =	sdelay $0x4  }
0x5fb: {  	v0 =	vcvt.s32.f32 v0;
	_ =	sdelay $0x1  }
0x5fc: {  	v0 =	vmul.f32 $6.666666860e-01, v0;
	_ =	sdelay $0x1  }
0x5fd: {  	v0 =	vadd.f32 $-1.000000000e+00, v0;
	_ =	sdelay $0x1  }
0x5fe: {  	[tilespmem:s15+$0xFFFFFFC0] =	vst v0  }
0x5ff: {  	v0 =	vld [tilespmem:s16+$0x8050];
	_ =	sdelay $0x4  }
0x600: {  	v0 =	vcvt.s32.f32 v0;
	_ =	sdelay $0x1  }
0x601: {  	v0 =	vmul.f32 $6.666666860e-01, v0;
	_ =	sdelay $0x1  }
0x602: {  	v0 =	vadd.f32 $-1.000000000e+00, v0;
	_ =	sdelay $0x1  }
0x603: {  	[tilespmem:s15+$0xFFFFFFD0] =	vst v0  }
0x604: {  	v0 =	vld [tilespmem:s16+$0x8060];
	_ =	sdelay $0x4  }
0x605: {  	v0 =	vcvt.s32.f32 v0;
	_ =	sdelay $0x1  }
0x606: {  	v0 =	vmul.f32 $6.666666860e-01, v0;
	_ =	sdelay $0x1  }
0x607: {  	v0 =	vadd.f32 $-1.000000000e+00, v0;
	_ =	sdelay $0x1  }
0x608: {  	[tilespmem:s15+$0xFFFFFFE0] =	vst v0  }
0x609: {  	v0 =	vld [tilespmem:s16+$0x8070];
	_ =	sdelay $0x4  }
0x60a: {  	v0 =	vcvt.s32.f32 v0;
	_ =	sdelay $0x1  }
0x60b: {  	v0 =	vmul.f32 $6.666666860e-01, v0;
	_ =	sdelay $0x1  }
0x60c: {  	v0 =	vadd.f32 $-1.000000000e+00, v0;
	_ =	sdelay $0x1  }
0x60d: {  	[tilespmem:s15+$0xFFFFFFF0] =	vst v0  }
0x60e: {  	v0 =	vld [tilespmem:s16+$0xC000];
	_ =	sdelay $0x4  }
0x60f: {  	v0 =	vcvt.s32.f32 v0;
	_ =	sdelay $0x1  }
0x610: {  	v0 =	vmul.f32 $6.666666860e-01, v0;
	_ =	sdelay $0x1  }
0x611: {  	v0 =	vadd.f32 $-1.000000000e+00, v0;
	_ =	sdelay $0x1  }
0x612: {  	[tilespmem:s15+$0x0] =	vst v0  }
0x613: {  	v0 =	vld [tilespmem:s16+$0xC010];
	_ =	sdelay $0x4  }
0x614: {  	v0 =	vcvt.s32.f32 v0;
	_ =	sdelay $0x1  }
0x615: {  	v0 =	vmul.f32 $6.666666860e-01, v0;
	_ =	sdelay $0x1  }
0x616: {  	v0 =	vadd.f32 $-1.000000000e+00, v0;
	_ =	sdelay $0x1  }
0x617: {  	[tilespmem:s15+$0x10] =	vst v0  }
0x618: {  	v0 =	vld [tilespmem:s16+$0xC020];
	_ =	sdelay $0x4  }
0x619: {  	v0 =	vcvt.s32.f32 v0;
	_ =	sdelay $0x1  }
0x61a: {  	v0 =	vmul.f32 $6.666666860e-01, v0;
	_ =	sdelay $0x1  }
0x61b: {  	v0 =	vadd.f32 $-1.000000000e+00, v0;
	_ =	sdelay $0x1  }
0x61c: {  	[tilespmem:s15+$0x20] =	vst v0  }
0x61d: {  	v0 =	vld [tilespmem:s16+$0xC030];
	_ =	sdelay $0x4  }
0x61e: {  	v0 =	vcvt.s32.f32 v0;
	_ =	sdelay $0x1  }
0x61f: {  	v0 =	vmul.f32 $6.666666860e-01, v0;
	_ =	sdelay $0x1  }
0x620: {  	v0 =	vadd.f32 $-1.000000000e+00, v0;
	_ =	sdelay $0x1  }
0x621: {  	[tilespmem:s15+$0x30] =	vst v0  }
0x622: {  	v0 =	vld [tilespmem:s16+$0xC040];
	_ =	sdelay $0x4  }
0x623: {  	v0 =	vcvt.s32.f32 v0;
	_ =	sdelay $0x1  }
0x624: {  	v0 =	vmul.f32 $6.666666860e-01, v0;
	_ =	sdelay $0x1  }
0x625: {  	v0 =	vadd.f32 $-1.000000000e+00, v0;
	_ =	sdelay $0x1  }
0x626: {  	[tilespmem:s15+$0x40] =	vst v0  }
0x627: {  	v0 =	vld [tilespmem:s16+$0xC050];
	_ =	sdelay $0x4  }
0x628: {  	v0 =	vcvt.s32.f32 v0;
	_ =	sdelay $0x1  }
0x629: {  	v0 =	vmul.f32 $6.666666860e-01, v0;
	_ =	sdelay $0x1  }
0x62a: {  	v0 =	vadd.f32 $-1.000000000e+00, v0;
	_ =	sdelay $0x1  }
0x62b: {  	[tilespmem:s15+$0x50] =	vst v0  }
0x62c: {  	v0 =	vld [tilespmem:s16+$0xC060];
	_ =	sdelay $0x4  }
0x62d: {  	v0 =	vcvt.s32.f32 v0;
	_ =	sdelay $0x1  }
0x62e: {  	v0 =	vmul.f32 $6.666666860e-01, v0;
	_ =	sdelay $0x1  }
0x62f: {  	v0 =	vadd.f32 $-1.000000000e+00, v0;
	_ =	sdelay $0x1  }
0x630: {  	[tilespmem:s15+$0x60] =	vst v0  }
0x631: {  	v0 =	vld [tilespmem:s16+$0xC070];
	_ =	sdelay $0x4  }
0x632: {  	v0 =	vcvt.s32.f32 v0;
	_ =	sdelay $0x1  }
.Ltmp9:
0x633: {  	v0 =	vmul.f32 $6.666666860e-01, v0;
	(pc) =	sbr.rel @p1 .LBB2_14-.Ltmp9, $3  }
0x634: {  	_ = 	snop  }
0x635: {  	v0 =	vadd.f32 $-1.000000000e+00, v0;
	_ =	sdelay $0x1  }
0x636: {  	s16 =	sshra.s32 s17, $0x2;
	s17 =	sadd.s32 $0x200, s17;
	[tilespmem:s15+$0x70] =	vst v0  }
0x637: {  	v0 =	vld [tilespmem:s16+$0x8000];
	_ =	sdelay $0x4  }
0x638: {  	v0 =	vcvt.s32.f32 v0;
	_ =	sdelay $0x1  }
0x639: {  	v0 =	vmul.f32 $6.666666860e-01, v0;
	_ =	sdelay $0x1  }
0x63a: {  	v0 =	vadd.f32 $-1.000000000e+00, v0  }
0x63b: {  	s15 =	sadd.s32 $0x100, s15  }
0x63c: {  	[tilespmem:s15+$0xFFFFFF80] =	vst v0  }
0x63d: {  	v0 =	vld [tilespmem:s16+$0x8010];
	_ =	sdelay $0x4  }
0x63e: {  	v0 =	vcvt.s32.f32 v0;
	_ =	sdelay $0x1  }
0x63f: {  	v0 =	vmul.f32 $6.666666860e-01, v0;
	_ =	sdelay $0x1  }
0x640: {  	v0 =	vadd.f32 $-1.000000000e+00, v0;
	_ =	sdelay $0x1  }
0x641: {  	[tilespmem:s15+$0xFFFFFF90] =	vst v0  }
0x642: {  	v0 =	vld [tilespmem:s16+$0x8020];
	_ =	sdelay $0x4  }
0x643: {  	v0 =	vcvt.s32.f32 v0;
	_ =	sdelay $0x1  }
0x644: {  	v0 =	vmul.f32 $6.666666860e-01, v0;
	_ =	sdelay $0x1  }
0x645: {  	v0 =	vadd.f32 $-1.000000000e+00, v0;
	_ =	sdelay $0x1  }
0x646: {  	[tilespmem:s15+$0xFFFFFFA0] =	vst v0  }
0x647: {  	v0 =	vld [tilespmem:s16+$0x8030];
	_ =	sdelay $0x4  }
0x648: {  	v0 =	vcvt.s32.f32 v0;
	_ =	sdelay $0x1  }
0x649: {  	v0 =	vmul.f32 $6.666666860e-01, v0;
	_ =	sdelay $0x1  }
0x64a: {  	v0 =	vadd.f32 $-1.000000000e+00, v0;
	_ =	sdelay $0x1  }
0x64b: {  	[tilespmem:s15+$0xFFFFFFB0] =	vst v0  }
0x64c: {  	v0 =	vld [tilespmem:s16+$0x8040];
	_ =	sdelay $0x4  }
0x64d: {  	v0 =	vcvt.s32.f32 v0;
	_ =	sdelay $0x1  }
0x64e: {  	v0 =	vmul.f32 $6.666666860e-01, v0;
	_ =	sdelay $0x1  }
0x64f: {  	v0 =	vadd.f32 $-1.000000000e+00, v0;
	_ =	sdelay $0x1  }
0x650: {  	[tilespmem:s15+$0xFFFFFFC0] =	vst v0  }
0x651: {  	v0 =	vld [tilespmem:s16+$0x8050];
	_ =	sdelay $0x4  }
0x652: {  	v0 =	vcvt.s32.f32 v0;
	_ =	sdelay $0x1  }
0x653: {  	v0 =	vmul.f32 $6.666666860e-01, v0;
	_ =	sdelay $0x1  }
0x654: {  	v0 =	vadd.f32 $-1.000000000e+00, v0;
	_ =	sdelay $0x1  }
0x655: {  	[tilespmem:s15+$0xFFFFFFD0] =	vst v0  }
0x656: {  	v0 =	vld [tilespmem:s16+$0x8060];
	_ =	sdelay $0x4  }
0x657: {  	v0 =	vcvt.s32.f32 v0;
	_ =	sdelay $0x1  }
0x658: {  	v0 =	vmul.f32 $6.666666860e-01, v0;
	_ =	sdelay $0x1  }
0x659: {  	v0 =	vadd.f32 $-1.000000000e+00, v0;
	_ =	sdelay $0x1  }
0x65a: {  	[tilespmem:s15+$0xFFFFFFE0] =	vst v0  }
0x65b: {  	v0 =	vld [tilespmem:s16+$0x8070];
	_ =	sdelay $0x4  }
0x65c: {  	v0 =	vcvt.s32.f32 v0;
	_ =	sdelay $0x1  }
0x65d: {  	v0 =	vmul.f32 $6.666666860e-01, v0;
	_ =	sdelay $0x1  }
0x65e: {  	v0 =	vadd.f32 $-1.000000000e+00, v0;
	_ =	sdelay $0x1  }
0x65f: {  	[tilespmem:s15+$0xFFFFFFF0] =	vst v0  }
0x660: {  	v0 =	vld [tilespmem:s16+$0xC000];
	_ =	sdelay $0x4  }
0x661: {  	v0 =	vcvt.s32.f32 v0;
	_ =	sdelay $0x1  }
0x662: {  	v0 =	vmul.f32 $6.666666860e-01, v0;
	_ =	sdelay $0x1  }
0x663: {  	v0 =	vadd.f32 $-1.000000000e+00, v0;
	_ =	sdelay $0x1  }
0x664: {  	[tilespmem:s15+$0x0] =	vst v0  }
0x665: {  	v0 =	vld [tilespmem:s16+$0xC010];
	_ =	sdelay $0x4  }
0x666: {  	v0 =	vcvt.s32.f32 v0;
	_ =	sdelay $0x1  }
0x667: {  	v0 =	vmul.f32 $6.666666860e-01, v0;
	_ =	sdelay $0x1  }
0x668: {  	v0 =	vadd.f32 $-1.000000000e+00, v0;
	_ =	sdelay $0x1  }
0x669: {  	[tilespmem:s15+$0x10] =	vst v0  }
0x66a: {  	v0 =	vld [tilespmem:s16+$0xC020];
	_ =	sdelay $0x4  }
0x66b: {  	v0 =	vcvt.s32.f32 v0;
	_ =	sdelay $0x1  }
0x66c: {  	v0 =	vmul.f32 $6.666666860e-01, v0;
	_ =	sdelay $0x1  }
0x66d: {  	v0 =	vadd.f32 $-1.000000000e+00, v0;
	_ =	sdelay $0x1  }
0x66e: {  	[tilespmem:s15+$0x20] =	vst v0  }
0x66f: {  	v0 =	vld [tilespmem:s16+$0xC030];
	_ =	sdelay $0x4  }
0x670: {  	v0 =	vcvt.s32.f32 v0;
	_ =	sdelay $0x1  }
0x671: {  	v0 =	vmul.f32 $6.666666860e-01, v0;
	_ =	sdelay $0x1  }
0x672: {  	v0 =	vadd.f32 $-1.000000000e+00, v0;
	_ =	sdelay $0x1  }
0x673: {  	[tilespmem:s15+$0x30] =	vst v0  }
0x674: {  	v0 =	vld [tilespmem:s16+$0xC040];
	_ =	sdelay $0x4  }
0x675: {  	v0 =	vcvt.s32.f32 v0;
	_ =	sdelay $0x1  }
0x676: {  	v0 =	vmul.f32 $6.666666860e-01, v0;
	_ =	sdelay $0x1  }
0x677: {  	v0 =	vadd.f32 $-1.000000000e+00, v0;
	_ =	sdelay $0x1  }
0x678: {  	[tilespmem:s15+$0x40] =	vst v0  }
0x679: {  	v0 =	vld [tilespmem:s16+$0xC050];
	_ =	sdelay $0x4  }
0x67a: {  	v0 =	vcvt.s32.f32 v0;
	_ =	sdelay $0x1  }
0x67b: {  	v0 =	vmul.f32 $6.666666860e-01, v0;
	_ =	sdelay $0x1  }
0x67c: {  	v0 =	vadd.f32 $-1.000000000e+00, v0;
	_ =	sdelay $0x1  }
0x67d: {  	[tilespmem:s15+$0x50] =	vst v0  }
0x67e: {  	v0 =	vld [tilespmem:s16+$0xC060];
	_ =	sdelay $0x4  }
0x67f: {  	v0 =	vcvt.s32.f32 v0;
	_ =	sdelay $0x1  }
0x680: {  	v0 =	vmul.f32 $6.666666860e-01, v0;
	_ =	sdelay $0x1  }
0x681: {  	v0 =	vadd.f32 $-1.000000000e+00, v0;
	_ =	sdelay $0x1  }
0x682: {  	[tilespmem:s15+$0x60] =	vst v0  }
0x683: {  	v0 =	vld [tilespmem:s16+$0xC070];
	_ =	sdelay $0x4  }
0x684: {  	v0 =	vcvt.s32.f32 v0;
	_ =	sdelay $0x1  }
0x685: {  	v0 =	vmul.f32 $6.666666860e-01, v0;
	_ =	sdelay $0x1  }
0x686: {  	v0 =	vadd.f32 $-1.000000000e+00, v0;
	_ =	sdelay $0x1  }
0x687: {  	s16 =	simm.s32 $0x0;
	[tilespmem:s15+$0x70] =	vst v0  }
0x688: {  	[hbm4b:s18+s16] =	stream.linear.scatter [tilespmem:s1], [sflag:$0x3], $0x8000, $0x38;
	[tilespmem:$0x18000] =	vst v63  }
0x689: {  	_ =	swait.ge [sflag:s0], $0x8000  }
0x68a: {  	[sflag:s0] =	ssyncset.done $0x0  }
0x68b: {  	[sflag:s0] =	ssyncadd.s32 $0xFFFF8000  }
0x68c: {  	_ =	swait.ge [sflag:s31], $0x4000  }
0x68d: {  	[sflag:s31] =	ssyncset.done $0x0  }
0x68e: {  	[sflag:s31] =	ssyncadd.s32 $0xFFFFC000  }
0x68f: {  	_ =	swait.ge [sflag:s31], $0x4000  }
0x690: {  	[sflag:s31] =	ssyncset.done $0x0  }
0x691: {  	s17 =	simm.s32 $0x0;
	[sflag:s31] =	ssyncadd.s32 $0xFFFFC000  }
0x692: {  	v63 =	vld [tilespmem:s17+$0x0];
	_ =	sdelay $0x4  }
0x693: {  	v0 =	vcvt.s32.f32 v63;
	_ =	sdelay $0x1  }
0x694: {  	v0 =	vmul.f32 $6.666666860e-01, v0;
	_ =	sdelay $0x1  }
0x695: {  	v0 =	vadd.f32 $-1.000000000e+00, v0  }
0x696: {  	s15 =	simm.s32 $0x10080  }
0x697: {  	[tilespmem:s15+$0xFFFFFF80] =	vst v0  }
0x698: {  	v0 =	vld [tilespmem:s17+$0x10];
	_ =	sdelay $0x4  }
0x699: {  	v0 =	vcvt.s32.f32 v0;
	_ =	sdelay $0x1  }
0x69a: {  	v0 =	vmul.f32 $6.666666860e-01, v0;
	_ =	sdelay $0x1  }
0x69b: {  	v0 =	vadd.f32 $-1.000000000e+00, v0;
	_ =	sdelay $0x1  }
0x69c: {  	[tilespmem:s15+$0xFFFFFF90] =	vst v0  }
0x69d: {  	v0 =	vld [tilespmem:s17+$0x20];
	_ =	sdelay $0x4  }
0x69e: {  	v0 =	vcvt.s32.f32 v0;
	_ =	sdelay $0x1  }
0x69f: {  	v0 =	vmul.f32 $6.666666860e-01, v0;
	_ =	sdelay $0x1  }
0x6a0: {  	v0 =	vadd.f32 $-1.000000000e+00, v0;
	_ =	sdelay $0x1  }
0x6a1: {  	[tilespmem:s15+$0xFFFFFFA0] =	vst v0  }
0x6a2: {  	v0 =	vld [tilespmem:s17+$0x30];
	_ =	sdelay $0x4  }
0x6a3: {  	v0 =	vcvt.s32.f32 v0;
	_ =	sdelay $0x1  }
0x6a4: {  	v0 =	vmul.f32 $6.666666860e-01, v0;
	_ =	sdelay $0x1  }
0x6a5: {  	v0 =	vadd.f32 $-1.000000000e+00, v0;
	_ =	sdelay $0x1  }
0x6a6: {  	[tilespmem:s15+$0xFFFFFFB0] =	vst v0  }
0x6a7: {  	v0 =	vld [tilespmem:s17+$0x40];
	_ =	sdelay $0x4  }
0x6a8: {  	v0 =	vcvt.s32.f32 v0;
	_ =	sdelay $0x1  }
0x6a9: {  	v0 =	vmul.f32 $6.666666860e-01, v0;
	_ =	sdelay $0x1  }
0x6aa: {  	v0 =	vadd.f32 $-1.000000000e+00, v0;
	_ =	sdelay $0x1  }
0x6ab: {  	[tilespmem:s15+$0xFFFFFFC0] =	vst v0  }
0x6ac: {  	v0 =	vld [tilespmem:s17+$0x50];
	_ =	sdelay $0x4  }
0x6ad: {  	v0 =	vcvt.s32.f32 v0;
	_ =	sdelay $0x1  }
0x6ae: {  	v0 =	vmul.f32 $6.666666860e-01, v0;
	_ =	sdelay $0x1  }
0x6af: {  	v0 =	vadd.f32 $-1.000000000e+00, v0;
	_ =	sdelay $0x1  }
0x6b0: {  	[tilespmem:s15+$0xFFFFFFD0] =	vst v0  }
0x6b1: {  	v0 =	vld [tilespmem:s17+$0x60];
	_ =	sdelay $0x4  }
0x6b2: {  	v0 =	vcvt.s32.f32 v0;
	_ =	sdelay $0x1  }
0x6b3: {  	v0 =	vmul.f32 $6.666666860e-01, v0;
	_ =	sdelay $0x1  }
0x6b4: {  	v0 =	vadd.f32 $-1.000000000e+00, v0;
	_ =	sdelay $0x1  }
0x6b5: {  	[tilespmem:s15+$0xFFFFFFE0] =	vst v0  }
0x6b6: {  	v0 =	vld [tilespmem:s17+$0x70];
	_ =	sdelay $0x4  }
0x6b7: {  	v0 =	vcvt.s32.f32 v0;
	_ =	sdelay $0x1  }
0x6b8: {  	v0 =	vmul.f32 $6.666666860e-01, v0;
	_ =	sdelay $0x1  }
0x6b9: {  	v0 =	vadd.f32 $-1.000000000e+00, v0;
	_ =	sdelay $0x1  }
0x6ba: {  	[tilespmem:s15+$0xFFFFFFF0] =	vst v0  }
0x6bb: {  	v0 =	vld [tilespmem:s17+$0x4000];
	_ =	sdelay $0x4  }
0x6bc: {  	v0 =	vcvt.s32.f32 v0;
	_ =	sdelay $0x1  }
0x6bd: {  	v0 =	vmul.f32 $6.666666860e-01, v0;
	_ =	sdelay $0x1  }
0x6be: {  	v0 =	vadd.f32 $-1.000000000e+00, v0;
	_ =	sdelay $0x1  }
0x6bf: {  	[tilespmem:s15+$0x0] =	vst v0  }
0x6c0: {  	v0 =	vld [tilespmem:s17+$0x4010];
	_ =	sdelay $0x4  }
0x6c1: {  	v0 =	vcvt.s32.f32 v0;
	_ =	sdelay $0x1  }
0x6c2: {  	v0 =	vmul.f32 $6.666666860e-01, v0;
	_ =	sdelay $0x1  }
0x6c3: {  	v0 =	vadd.f32 $-1.000000000e+00, v0;
	_ =	sdelay $0x1  }
0x6c4: {  	[tilespmem:s15+$0x10] =	vst v0  }
0x6c5: {  	v0 =	vld [tilespmem:s17+$0x4020];
	_ =	sdelay $0x4  }
0x6c6: {  	v0 =	vcvt.s32.f32 v0;
	_ =	sdelay $0x1  }
0x6c7: {  	v0 =	vmul.f32 $6.666666860e-01, v0;
	_ =	sdelay $0x1  }
0x6c8: {  	v0 =	vadd.f32 $-1.000000000e+00, v0;
	_ =	sdelay $0x1  }
0x6c9: {  	[tilespmem:s15+$0x20] =	vst v0  }
0x6ca: {  	v0 =	vld [tilespmem:s17+$0x4030];
	_ =	sdelay $0x4  }
0x6cb: {  	v0 =	vcvt.s32.f32 v0;
	_ =	sdelay $0x1  }
0x6cc: {  	v0 =	vmul.f32 $6.666666860e-01, v0;
	_ =	sdelay $0x1  }
0x6cd: {  	v0 =	vadd.f32 $-1.000000000e+00, v0;
	_ =	sdelay $0x1  }
0x6ce: {  	[tilespmem:s15+$0x30] =	vst v0  }
0x6cf: {  	v0 =	vld [tilespmem:s17+$0x4040];
	_ =	sdelay $0x4  }
0x6d0: {  	v0 =	vcvt.s32.f32 v0;
	_ =	sdelay $0x1  }
0x6d1: {  	v0 =	vmul.f32 $6.666666860e-01, v0;
	_ =	sdelay $0x1  }
0x6d2: {  	v0 =	vadd.f32 $-1.000000000e+00, v0;
	_ =	sdelay $0x1  }
0x6d3: {  	[tilespmem:s15+$0x40] =	vst v0  }
0x6d4: {  	v0 =	vld [tilespmem:s17+$0x4050];
	_ =	sdelay $0x4  }
0x6d5: {  	v0 =	vcvt.s32.f32 v0;
	_ =	sdelay $0x1  }
0x6d6: {  	v0 =	vmul.f32 $6.666666860e-01, v0;
	_ =	sdelay $0x1  }
0x6d7: {  	v0 =	vadd.f32 $-1.000000000e+00, v0;
	_ =	sdelay $0x1  }
0x6d8: {  	[tilespmem:s15+$0x50] =	vst v0  }
0x6d9: {  	v0 =	vld [tilespmem:s17+$0x4060];
	_ =	sdelay $0x4  }
0x6da: {  	v0 =	vcvt.s32.f32 v0;
	_ =	sdelay $0x1  }
0x6db: {  	v0 =	vmul.f32 $6.666666860e-01, v0;
	_ =	sdelay $0x1  }
0x6dc: {  	v0 =	vadd.f32 $-1.000000000e+00, v0;
	_ =	sdelay $0x1  }
0x6dd: {  	[tilespmem:s15+$0x60] =	vst v0  }
0x6de: {  	v0 =	vld [tilespmem:s17+$0x4070];
	_ =	sdelay $0x4  }
0x6df: {  	v0 =	vcvt.s32.f32 v0;
	_ =	sdelay $0x1  }
0x6e0: {  	v0 =	vmul.f32 $6.666666860e-01, v0;
	_ =	sdelay $0x1  }
0x6e1: {  	v0 =	vadd.f32 $-1.000000000e+00, v0;
	_ =	sdelay $0x1  }
0x6e2: {  	s16 =	simm.s32 $0x80;
	s17 =	simm.s32 $0x400;
	[tilespmem:s15+$0x70] =	vst v0  }
.LBB2_16:
0x6e3: {  	p1 =	sne.s32 s17, $0xFE00;
	v0 =	vld [tilespmem:s16+$0x0];
	_ =	sdelay $0x4  }
0x6e4: {  	v0 =	vcvt.s32.f32 v0;
	_ =	sdelay $0x1  }
0x6e5: {  	v0 =	vmul.f32 $6.666666860e-01, v0;
	_ =	sdelay $0x1  }
0x6e6: {  	v0 =	vadd.f32 $-1.000000000e+00, v0  }
0x6e7: {  	s15 =	sadd.s32 $0x100, s15  }
0x6e8: {  	[tilespmem:s15+$0xFFFFFF80] =	vst v0  }
0x6e9: {  	v0 =	vld [tilespmem:s16+$0x10];
	_ =	sdelay $0x4  }
0x6ea: {  	v0 =	vcvt.s32.f32 v0;
	_ =	sdelay $0x1  }
0x6eb: {  	v0 =	vmul.f32 $6.666666860e-01, v0;
	_ =	sdelay $0x1  }
0x6ec: {  	v0 =	vadd.f32 $-1.000000000e+00, v0;
	_ =	sdelay $0x1  }
0x6ed: {  	[tilespmem:s15+$0xFFFFFF90] =	vst v0  }
0x6ee: {  	v0 =	vld [tilespmem:s16+$0x20];
	_ =	sdelay $0x4  }
0x6ef: {  	v0 =	vcvt.s32.f32 v0;
	_ =	sdelay $0x1  }
0x6f0: {  	v0 =	vmul.f32 $6.666666860e-01, v0;
	_ =	sdelay $0x1  }
0x6f1: {  	v0 =	vadd.f32 $-1.000000000e+00, v0;
	_ =	sdelay $0x1  }
0x6f2: {  	[tilespmem:s15+$0xFFFFFFA0] =	vst v0  }
0x6f3: {  	v0 =	vld [tilespmem:s16+$0x30];
	_ =	sdelay $0x4  }
0x6f4: {  	v0 =	vcvt.s32.f32 v0;
	_ =	sdelay $0x1  }
0x6f5: {  	v0 =	vmul.f32 $6.666666860e-01, v0;
	_ =	sdelay $0x1  }
0x6f6: {  	v0 =	vadd.f32 $-1.000000000e+00, v0;
	_ =	sdelay $0x1  }
0x6f7: {  	[tilespmem:s15+$0xFFFFFFB0] =	vst v0  }
0x6f8: {  	v0 =	vld [tilespmem:s16+$0x40];
	_ =	sdelay $0x4  }
0x6f9: {  	v0 =	vcvt.s32.f32 v0;
	_ =	sdelay $0x1  }
0x6fa: {  	v0 =	vmul.f32 $6.666666860e-01, v0;
	_ =	sdelay $0x1  }
0x6fb: {  	v0 =	vadd.f32 $-1.000000000e+00, v0;
	_ =	sdelay $0x1  }
0x6fc: {  	[tilespmem:s15+$0xFFFFFFC0] =	vst v0  }
0x6fd: {  	v0 =	vld [tilespmem:s16+$0x50];
	_ =	sdelay $0x4  }
0x6fe: {  	v0 =	vcvt.s32.f32 v0;
	_ =	sdelay $0x1  }
0x6ff: {  	v0 =	vmul.f32 $6.666666860e-01, v0;
	_ =	sdelay $0x1  }
0x700: {  	v0 =	vadd.f32 $-1.000000000e+00, v0;
	_ =	sdelay $0x1  }
0x701: {  	[tilespmem:s15+$0xFFFFFFD0] =	vst v0  }
0x702: {  	v0 =	vld [tilespmem:s16+$0x60];
	_ =	sdelay $0x4  }
0x703: {  	v0 =	vcvt.s32.f32 v0;
	_ =	sdelay $0x1  }
0x704: {  	v0 =	vmul.f32 $6.666666860e-01, v0;
	_ =	sdelay $0x1  }
0x705: {  	v0 =	vadd.f32 $-1.000000000e+00, v0;
	_ =	sdelay $0x1  }
0x706: {  	[tilespmem:s15+$0xFFFFFFE0] =	vst v0  }
0x707: {  	v0 =	vld [tilespmem:s16+$0x70];
	_ =	sdelay $0x4  }
0x708: {  	v0 =	vcvt.s32.f32 v0;
	_ =	sdelay $0x1  }
0x709: {  	v0 =	vmul.f32 $6.666666860e-01, v0;
	_ =	sdelay $0x1  }
0x70a: {  	v0 =	vadd.f32 $-1.000000000e+00, v0;
	_ =	sdelay $0x1  }
0x70b: {  	[tilespmem:s15+$0xFFFFFFF0] =	vst v0  }
0x70c: {  	v0 =	vld [tilespmem:s16+$0x4000];
	_ =	sdelay $0x4  }
0x70d: {  	v0 =	vcvt.s32.f32 v0;
	_ =	sdelay $0x1  }
0x70e: {  	v0 =	vmul.f32 $6.666666860e-01, v0;
	_ =	sdelay $0x1  }
0x70f: {  	v0 =	vadd.f32 $-1.000000000e+00, v0;
	_ =	sdelay $0x1  }
0x710: {  	[tilespmem:s15+$0x0] =	vst v0  }
0x711: {  	v0 =	vld [tilespmem:s16+$0x4010];
	_ =	sdelay $0x4  }
0x712: {  	v0 =	vcvt.s32.f32 v0;
	_ =	sdelay $0x1  }
0x713: {  	v0 =	vmul.f32 $6.666666860e-01, v0;
	_ =	sdelay $0x1  }
0x714: {  	v0 =	vadd.f32 $-1.000000000e+00, v0;
	_ =	sdelay $0x1  }
0x715: {  	[tilespmem:s15+$0x10] =	vst v0  }
0x716: {  	v0 =	vld [tilespmem:s16+$0x4020];
	_ =	sdelay $0x4  }
0x717: {  	v0 =	vcvt.s32.f32 v0;
	_ =	sdelay $0x1  }
0x718: {  	v0 =	vmul.f32 $6.666666860e-01, v0;
	_ =	sdelay $0x1  }
0x719: {  	v0 =	vadd.f32 $-1.000000000e+00, v0;
	_ =	sdelay $0x1  }
0x71a: {  	[tilespmem:s15+$0x20] =	vst v0  }
0x71b: {  	v0 =	vld [tilespmem:s16+$0x4030];
	_ =	sdelay $0x4  }
0x71c: {  	v0 =	vcvt.s32.f32 v0;
	_ =	sdelay $0x1  }
0x71d: {  	v0 =	vmul.f32 $6.666666860e-01, v0;
	_ =	sdelay $0x1  }
0x71e: {  	v0 =	vadd.f32 $-1.000000000e+00, v0;
	_ =	sdelay $0x1  }
0x71f: {  	[tilespmem:s15+$0x30] =	vst v0  }
0x720: {  	v0 =	vld [tilespmem:s16+$0x4040];
	_ =	sdelay $0x4  }
0x721: {  	v0 =	vcvt.s32.f32 v0;
	_ =	sdelay $0x1  }
0x722: {  	v0 =	vmul.f32 $6.666666860e-01, v0;
	_ =	sdelay $0x1  }
0x723: {  	v0 =	vadd.f32 $-1.000000000e+00, v0;
	_ =	sdelay $0x1  }
0x724: {  	[tilespmem:s15+$0x40] =	vst v0  }
0x725: {  	v0 =	vld [tilespmem:s16+$0x4050];
	_ =	sdelay $0x4  }
0x726: {  	v0 =	vcvt.s32.f32 v0;
	_ =	sdelay $0x1  }
0x727: {  	v0 =	vmul.f32 $6.666666860e-01, v0;
	_ =	sdelay $0x1  }
0x728: {  	v0 =	vadd.f32 $-1.000000000e+00, v0;
	_ =	sdelay $0x1  }
0x729: {  	[tilespmem:s15+$0x50] =	vst v0  }
0x72a: {  	v0 =	vld [tilespmem:s16+$0x4060];
	_ =	sdelay $0x4  }
0x72b: {  	v0 =	vcvt.s32.f32 v0;
	_ =	sdelay $0x1  }
0x72c: {  	v0 =	vmul.f32 $6.666666860e-01, v0;
	_ =	sdelay $0x1  }
0x72d: {  	v0 =	vadd.f32 $-1.000000000e+00, v0;
	_ =	sdelay $0x1  }
0x72e: {  	[tilespmem:s15+$0x60] =	vst v0  }
0x72f: {  	v0 =	vld [tilespmem:s16+$0x4070];
	_ =	sdelay $0x4  }
0x730: {  	v0 =	vcvt.s32.f32 v0;
	_ =	sdelay $0x1  }
.Ltmp10:
0x731: {  	v0 =	vmul.f32 $6.666666860e-01, v0;
	(pc) =	sbr.rel @p1 .LBB2_16-.Ltmp10, $3  }
0x732: {  	_ = 	snop  }
0x733: {  	v0 =	vadd.f32 $-1.000000000e+00, v0;
	_ =	sdelay $0x1  }
0x734: {  	s16 =	sshra.s32 s17, $0x2;
	s17 =	sadd.s32 $0x200, s17;
	[tilespmem:s15+$0x70] =	vst v0  }
.Ltmp11:
0x735: {  	_ = 	snop;
	(pc) =	sbr.rel .LBB2_17-.Ltmp11, $1  }
0x736: {  	_ =	sdelay $0x3  }
.LBB2_19:
0x737: {  	_ =	sfence.sel $0x180000  }
0x738: {  	[bflag:$0x0] =	sbarrier.arrive $0xFFFF  }
0x739: {  	_ =	strace $0x90000047  }
0x73a: {  	s0 =	stileid.u32;
	[bflag:$0x2] =	sbarrier.arrive $0xFFFF  }
0x73b: {  	p0 =	sne.s32 s0, $0x0;
	s0 =	rddreg [dreg:$0x3]  }
0x73c: {  	s0 =	sadd.s32 @!p0 $0x100000, s0  }
0x73d: {  	[sflag:s0] =	ssyncadd.tile.s32 @!p0 $0x1;
	_ =	shalt  }
.Lfunc_end2:
_tile_overlayer_lowered:
.L_overlay_start_2:
0x73e: {  	(tag) =	ssettag $0x2  }
0x73f: {  	s0 =	rddreg [dreg:$0x0];
	s2 =	stileid.u32  }
0x740: {  	s1 =	rddreg [dreg:$0x1];
	p0 =	sne.s32 s2, $0x0  }
0x741: {  	s3 =	rddreg [dreg:$0x2];
	[bflag:$0x3] =	sbarrier.arrive $0xFFFF;
	s2 =	simm.s32 @!p0 $0x1C03  }
0x742: {  	[timem:s3], [sflag:s2] =	dma.local @!p0 [hbm:s0], s1  }
0x743: {  	s0 =	simm.s32 @!p0 $0x3  }
0x744: {  	_ =	swait.ge @!p0 [sflag:s0], s1  }
0x745: {  	s1 =	ssub.s32 @!p0 $0x0, s1;
	[sflag:s0] =	ssyncset.done @!p0 $0x0  }
0x746: {  	[sflag:s0] =	ssyncadd.s32 @!p0 s1  }
0x747: {  	[bflag:$0x3] =	sbarrier.arrive $0xFFFF  }
0x748: {  	_ =	shalt  }

</sc_bundles>
